<compile_context>
chip_gen: v7x
topology: tpu7x:2x2x1
jax: 0.10.2.dev20260603
libtpu: 0.0.44.dev20260713+nightly
codegen_flags: <defaults>
</compile_context>

<pallas_src>
import functools

import jax
import jax.numpy as jnp
from jax import lax
from jax.experimental import pallas as pl
from jax.experimental.pallas import tpu as pltpu
from jax.experimental.pallas import tpu_sc as plsc

B = 4096
L = 20
V = 64
D = 4
NUM_TABLES = 3
NW = 32
ROWS_PER_W = B // NW
GROUPS = ROWS_PER_W // 16

BL = B * L
OFF_PI = 0
OFF_DN = BL
OFF_TU = OFF_DN + B * 2
OFF_TC = OFF_TU + V * D
OFF_TK = OFF_TC + V * D
OFF_PB = OFF_TK + V * D
TOTAL = OFF_PB + 16 * 16


def _f32(x):
    return plsc.bitcast(x, jnp.float32)


def _sc_kernel_body(blob, out,
                    pi_v, dn_v, tu_v, tc_v, tk_v, pb_v,
                    su_v, sc_v, sk_v, out_v, sem, sem2):
    wid = lax.axis_index("s") * 2 + lax.axis_index("c")
    base = wid * ROWS_PER_W

    cps = [
        pltpu.async_copy(blob.at[pl.ds(OFF_PI + base * L, ROWS_PER_W * L)], pi_v, sem),
        pltpu.async_copy(blob.at[pl.ds(OFF_DN + base * 2, ROWS_PER_W * 2)], dn_v, sem),
        pltpu.async_copy(blob.at[pl.ds(OFF_TU, V * D)], tu_v, sem2),
        pltpu.async_copy(blob.at[pl.ds(OFF_TC, V * D)], tc_v, sem2),
        pltpu.async_copy(blob.at[pl.ds(OFF_TK, V * D)], tk_v, sem2),
        pltpu.async_copy(blob.at[pl.ds(OFF_PB, 16 * 16)], pb_v, sem2),
    ]
    for cp in cps[2:]:
        cp.wait()

    iota = lax.iota(jnp.int32, 16)
    iota4 = iota * 4
    iota2 = iota * 2
    iotaL = iota * L

    for t, (tv, sv) in enumerate(((tu_v, su_v), (tc_v, sc_v), (tk_v, sk_v))):
        for c in range(V // 16):
            acc = jnp.zeros((16,), jnp.float32)
            for d in range(D):
                col = _f32(plsc.load_gather(tv, [iota4 + (c * 64 + d)]))
                acc = acc + col * _f32(pb_v[pl.ds((t * D + d) * 16, 16)])
            sv[pl.ds(c * 16, 16)] = acc

    for cp in cps[:2]:
        cp.wait()

    w12 = _f32(pb_v[pl.ds(NUM_TABLES * D * 16, 16)])
    w13 = _f32(pb_v[pl.ds((NUM_TABLES * D + 1) * 16, 16)])
    bias = _f32(pb_v[pl.ds((NUM_TABLES * D + 2) * 16, 16)])

    for g in range(GROUPS):
        off = g * (16 * L)
        d0 = _f32(plsc.load_gather(dn_v, [iota2 + g * 32]))
        d1 = _f32(plsc.load_gather(dn_v, [iota2 + g * 32 + 1]))
        acc = bias + d0 * w12 + d1 * w13
        for l in range(L):
            vi = plsc.load_gather(pi_v, [iotaL + (off + l)])
            acc = acc + plsc.load_gather(su_v, [vi & 255])
            acc = acc + plsc.load_gather(sc_v, [(vi >> 8) & 255])
            acc = acc + plsc.load_gather(sk_v, [vi >> 16])
        out_v[pl.ds(g * 16, 16)] = acc

    pltpu.sync_copy(out_v, out.at[pl.ds(base, ROWS_PER_W)])


def _bits(x):
    return lax.bitcast_convert_type(x.astype(jnp.float32), jnp.int32).reshape(-1)


@jax.jit
def kernel(user_indices, context_indices, candidate_indices, dense_features,
           table_user, table_context, table_candidate, W, b):
    params = jnp.concatenate([W.astype(jnp.float32).reshape(-1),
                              b.astype(jnp.float32).reshape(-1),
                              jnp.zeros((1,), jnp.float32)])
    pb = jnp.broadcast_to(params[:, None], (16, 16))
    packed_idx = (user_indices.astype(jnp.int32)
                  | (context_indices.astype(jnp.int32) << 8)
                  | (candidate_indices.astype(jnp.int32) << 16))
    blob = jnp.concatenate([
        packed_idx.reshape(-1),
        _bits(dense_features),
        _bits(table_user),
        _bits(table_context),
        _bits(table_candidate),
        _bits(pb),
    ])

    run = functools.partial(
        pl.kernel,
        mesh=plsc.VectorSubcoreMesh(core_axis_name="c", subcore_axis_name="s"),
        out_type=jax.ShapeDtypeStruct((B,), jnp.float32),
        compiler_params=pltpu.CompilerParams(needs_layout_passes=False),
        scratch_types=[
            pltpu.VMEM((ROWS_PER_W * L,), jnp.int32),
            pltpu.VMEM((ROWS_PER_W * 2,), jnp.int32),
            pltpu.VMEM((V * D,), jnp.int32),
            pltpu.VMEM((V * D,), jnp.int32),
            pltpu.VMEM((V * D,), jnp.int32),
            pltpu.VMEM((16 * 16,), jnp.int32),
            pltpu.VMEM((V,), jnp.float32),
            pltpu.VMEM((V,), jnp.float32),
            pltpu.VMEM((V,), jnp.float32),
            pltpu.VMEM((ROWS_PER_W,), jnp.float32),
            pltpu.SemaphoreType.DMA,
            pltpu.SemaphoreType.DMA,
        ],
    )(_sc_kernel_body)
    return run(blob)

# --- scband reference (transcript-rebuilt; emitter-appended) ---
"""Pipeline reference for scband-tiny-embedding-collection-model-5248450036155 (READ-ONLY COPY).

The authoritative reference and input builder live on the scoring server;
editing this copy changes nothing except your own understanding.
"""

import jax, jax.numpy as jnp
import numpy as np

B = 4096
L = 20
V = 64
D = 4
DENSE = 2
NUM_TABLES = 3


def setup_inputs(seed: int = 0) -> dict:
    key = jax.random.key(seed)
    ks = jax.random.split(key, 9)
    user_indices = jax.random.randint(ks[0], (B, L), 0, V, dtype=jnp.int64 if jax.config.jax_enable_x64 else jnp.int32)
    context_indices = jax.random.randint(ks[1], (B, L), 0, V, dtype=jnp.int64 if jax.config.jax_enable_x64 else jnp.int32)
    candidate_indices = jax.random.randint(ks[2], (B, L), 0, V, dtype=jnp.int64 if jax.config.jax_enable_x64 else jnp.int32)
    dense_features = jax.random.normal(ks[3], (B, DENSE), dtype=jnp.float32)
    table_user = jax.random.normal(ks[4], (V, D), dtype=jnp.float32) * 0.02
    table_context = jax.random.normal(ks[5], (V, D), dtype=jnp.float32) * 0.02
    table_candidate = jax.random.normal(ks[6], (V, D), dtype=jnp.float32) * 0.02
    out_in = NUM_TABLES * D + DENSE
    W = jax.random.normal(ks[7], (1, out_in), dtype=jnp.float32) * (1.0 / np.sqrt(out_in))
    b = jnp.zeros((1,), dtype=jnp.float32)
    return {
        "user_indices": user_indices,
        "context_indices": context_indices,
        "candidate_indices": candidate_indices,
        "dense_features": dense_features,
        "table_user": table_user,
        "table_context": table_context,
        "table_candidate": table_candidate,
        "W": W,
        "b": b,
    }


def reference(user_indices, context_indices, candidate_indices, dense_features,
              table_user, table_context, table_candidate, W, b):
    # EmbeddingBag-style sum pooling per table (torchrec default PoolingType.SUM)
    pooled_user = jnp.take(table_user, user_indices, axis=0).sum(axis=1)          # [B, D]
    pooled_context = jnp.take(table_context, context_indices, axis=0).sum(axis=1)  # [B, D]
    pooled_candidate = jnp.take(table_candidate, candidate_indices, axis=0).sum(axis=1)  # [B, D]
    pooled = jnp.concatenate([pooled_user, pooled_context, pooled_candidate], axis=-1)  # [B, 3*D]
    fused = jnp.concatenate([pooled, dense_features], axis=-1)                     # [B, 3*D + DENSE]
    out = fused @ W.T + b                                                          # [B, 1]
    return out.squeeze(-1)                                                         # [B]

if __name__ == "__main__":
    import jax
    _d = setup_inputs()
    print(jax.jit(kernel)(*tuple(_d.values())))

</pallas_src>

<mosaic_0001>
#map = affine_map<(d0, d1) -> (0)>
module attributes {stable_mosaic.version = 14 : i64} {
  func.func @_sc_kernel_body(%arg0: i32, %arg1: i32, %arg2: memref<91136xi32, #tpu.memory_space<hbm>>, %arg3: memref<4096xf32, #tpu.memory_space<hbm>>, %arg4: memref<2560xi32, #tpu.memory_space<vmem>>, %arg5: memref<256xi32, #tpu.memory_space<vmem>>, %arg6: memref<256xi32, #tpu.memory_space<vmem>>, %arg7: memref<256xi32, #tpu.memory_space<vmem>>, %arg8: memref<256xi32, #tpu.memory_space<vmem>>, %arg9: memref<256xi32, #tpu.memory_space<vmem>>, %arg10: memref<64xf32, #tpu.memory_space<vmem>>, %arg11: memref<64xf32, #tpu.memory_space<vmem>>, %arg12: memref<64xf32, #tpu.memory_space<vmem>>, %arg13: memref<128xf32, #tpu.memory_space<vmem>>, %arg14: memref<!tpu.dma_semaphore, #tpu.memory_space<semaphore_mem>>, %arg15: memref<!tpu.dma_semaphore, #tpu.memory_space<semaphore_mem>>) attributes {dimension_semantics = [#tpu.dimension_semantics<core_parallel>, #tpu.dimension_semantics<subcore_parallel>], iteration_bounds = array<i64: 2, 16>, scalar_prefetch = 0 : i64, scratch_operands = 12 : i64, tpu.core_type = #tpu.core_type<sc_vector_subcore>, window_params = [{transform_indices = #map}, {transform_indices = #map}]} {
    %mul3A = arith.constant 2 : i32
    %mul3A_0 = arith.muli %arg1, %mul3A : i32
    %add3A = arith.addi %mul3A_0, %arg0 : i32
    %mul3A_1 = arith.constant 128 : i32
    %mul3A_2 = arith.muli %add3A, %mul3A_1 : i32
    %mul3A_3 = arith.constant 20 : i32
    %mul3A_4 = arith.muli %mul3A_2, %mul3A_3 : i32
    %add3A_5 = arith.constant 0 : i32
    %add3A_6 = arith.addi %add3A_5, %mul3A_4 : i32
    %dma_start3A = tpu.memref_slice %arg2[%add3A_6] : memref<91136xi32, #tpu.memory_space<hbm>> -> memref<2560xi32, #tpu.memory_space<hbm>>
    %dma_start3A_7 = tpu.memref_slice %arg2[%add3A_6] : memref<91136xi32, #tpu.memory_space<hbm>> -> memref<2560xi32, #tpu.memory_space<hbm>>
    tpu.enqueue_dma source(%dma_start3A_7 : memref<2560xi32, #tpu.memory_space<hbm>>) target(%arg4 : memref<2560xi32, #tpu.memory_space<vmem>>) target_semaphore(%arg14 : memref<!tpu.dma_semaphore, #tpu.memory_space<semaphore_mem>>)
    %mul3A_8 = arith.constant 2 : i32
    %mul3A_9 = arith.muli %mul3A_2, %mul3A_8 : i32
    %add3A_10 = arith.constant 81920 : i32
    %add3A_11 = arith.addi %add3A_10, %mul3A_9 : i32
    %dma_start3A_12 = tpu.memref_slice %arg2[%add3A_11] : memref<91136xi32, #tpu.memory_space<hbm>> -> memref<256xi32, #tpu.memory_space<hbm>>
    %dma_start3A_13 = tpu.memref_slice %arg2[%add3A_11] : memref<91136xi32, #tpu.memory_space<hbm>> -> memref<256xi32, #tpu.memory_space<hbm>>
    tpu.enqueue_dma source(%dma_start3A_13 : memref<256xi32, #tpu.memory_space<hbm>>) target(%arg5 : memref<256xi32, #tpu.memory_space<vmem>>) target_semaphore(%arg14 : memref<!tpu.dma_semaphore, #tpu.memory_space<semaphore_mem>>)
    %dma_start3A_14 = arith.constant 90112 : i32
    %dma_start3A_15 = tpu.memref_slice %arg2[%dma_start3A_14] : memref<91136xi32, #tpu.memory_space<hbm>> -> memref<256xi32, #tpu.memory_space<hbm>>
    %dma_start3A_16 = arith.constant 90112 : i32
    %dma_start3A_17 = tpu.memref_slice %arg2[%dma_start3A_16] : memref<91136xi32, #tpu.memory_space<hbm>> -> memref<256xi32, #tpu.memory_space<hbm>>
    tpu.enqueue_dma source(%dma_start3A_17 : memref<256xi32, #tpu.memory_space<hbm>>) target(%arg6 : memref<256xi32, #tpu.memory_space<vmem>>) target_semaphore(%arg15 : memref<!tpu.dma_semaphore, #tpu.memory_space<semaphore_mem>>)
    %dma_start3A_18 = arith.constant 90368 : i32
    %dma_start3A_19 = tpu.memref_slice %arg2[%dma_start3A_18] : memref<91136xi32, #tpu.memory_space<hbm>> -> memref<256xi32, #tpu.memory_space<hbm>>
    %dma_start3A_20 = arith.constant 90368 : i32
    %dma_start3A_21 = tpu.memref_slice %arg2[%dma_start3A_20] : memref<91136xi32, #tpu.memory_space<hbm>> -> memref<256xi32, #tpu.memory_space<hbm>>
    tpu.enqueue_dma source(%dma_start3A_21 : memref<256xi32, #tpu.memory_space<hbm>>) target(%arg7 : memref<256xi32, #tpu.memory_space<vmem>>) target_semaphore(%arg15 : memref<!tpu.dma_semaphore, #tpu.memory_space<semaphore_mem>>)
    %dma_start3A_22 = arith.constant 90624 : i32
    %dma_start3A_23 = tpu.memref_slice %arg2[%dma_start3A_22] : memref<91136xi32, #tpu.memory_space<hbm>> -> memref<256xi32, #tpu.memory_space<hbm>>
    %dma_start3A_24 = arith.constant 90624 : i32
    %dma_start3A_25 = tpu.memref_slice %arg2[%dma_start3A_24] : memref<91136xi32, #tpu.memory_space<hbm>> -> memref<256xi32, #tpu.memory_space<hbm>>
    tpu.enqueue_dma source(%dma_start3A_25 : memref<256xi32, #tpu.memory_space<hbm>>) target(%arg8 : memref<256xi32, #tpu.memory_space<vmem>>) target_semaphore(%arg15 : memref<!tpu.dma_semaphore, #tpu.memory_space<semaphore_mem>>)
    %dma_start3A_26 = arith.constant 90880 : i32
    %dma_start3A_27 = tpu.memref_slice %arg2[%dma_start3A_26] : memref<91136xi32, #tpu.memory_space<hbm>> -> memref<256xi32, #tpu.memory_space<hbm>>
    %dma_start3A_28 = arith.constant 90880 : i32
    %dma_start3A_29 = tpu.memref_slice %arg2[%dma_start3A_28] : memref<91136xi32, #tpu.memory_space<hbm>> -> memref<256xi32, #tpu.memory_space<hbm>>
    tpu.enqueue_dma source(%dma_start3A_29 : memref<256xi32, #tpu.memory_space<hbm>>) target(%arg9 : memref<256xi32, #tpu.memory_space<vmem>>) target_semaphore(%arg15 : memref<!tpu.dma_semaphore, #tpu.memory_space<semaphore_mem>>)
    %dma_wait3A = arith.constant 90112 : i32
    %dma_wait3A_30 = tpu.memref_slice %arg2[%dma_wait3A] : memref<91136xi32, #tpu.memory_space<hbm>> -> memref<256xi32, #tpu.memory_space<hbm>>
    %dma_wait3A_31 = arith.constant 90112 : i32
    %dma_wait3A_32 = tpu.memref_slice %arg2[%dma_wait3A_31] : memref<91136xi32, #tpu.memory_space<hbm>> -> memref<256xi32, #tpu.memory_space<hbm>>
    tpu.wait_dma2 semaphore(%arg15 : memref<!tpu.dma_semaphore, #tpu.memory_space<semaphore_mem>>) src(%dma_wait3A_32 : memref<256xi32, #tpu.memory_space<hbm>>) dst(%arg6 : memref<256xi32, #tpu.memory_space<vmem>>)
    %dma_wait3A_33 = arith.constant 90368 : i32
    %dma_wait3A_34 = tpu.memref_slice %arg2[%dma_wait3A_33] : memref<91136xi32, #tpu.memory_space<hbm>> -> memref<256xi32, #tpu.memory_space<hbm>>
    %dma_wait3A_35 = arith.constant 90368 : i32
    %dma_wait3A_36 = tpu.memref_slice %arg2[%dma_wait3A_35] : memref<91136xi32, #tpu.memory_space<hbm>> -> memref<256xi32, #tpu.memory_space<hbm>>
    tpu.wait_dma2 semaphore(%arg15 : memref<!tpu.dma_semaphore, #tpu.memory_space<semaphore_mem>>) src(%dma_wait3A_36 : memref<256xi32, #tpu.memory_space<hbm>>) dst(%arg7 : memref<256xi32, #tpu.memory_space<vmem>>)
    %dma_wait3A_37 = arith.constant 90624 : i32
    %dma_wait3A_38 = tpu.memref_slice %arg2[%dma_wait3A_37] : memref<91136xi32, #tpu.memory_space<hbm>> -> memref<256xi32, #tpu.memory_space<hbm>>
    %dma_wait3A_39 = arith.constant 90624 : i32
    %dma_wait3A_40 = tpu.memref_slice %arg2[%dma_wait3A_39] : memref<91136xi32, #tpu.memory_space<hbm>> -> memref<256xi32, #tpu.memory_space<hbm>>
    tpu.wait_dma2 semaphore(%arg15 : memref<!tpu.dma_semaphore, #tpu.memory_space<semaphore_mem>>) src(%dma_wait3A_40 : memref<256xi32, #tpu.memory_space<hbm>>) dst(%arg8 : memref<256xi32, #tpu.memory_space<vmem>>)
    %dma_wait3A_41 = arith.constant 90880 : i32
    %dma_wait3A_42 = tpu.memref_slice %arg2[%dma_wait3A_41] : memref<91136xi32, #tpu.memory_space<hbm>> -> memref<256xi32, #tpu.memory_space<hbm>>
    %dma_wait3A_43 = arith.constant 90880 : i32
    %dma_wait3A_44 = tpu.memref_slice %arg2[%dma_wait3A_43] : memref<91136xi32, #tpu.memory_space<hbm>> -> memref<256xi32, #tpu.memory_space<hbm>>
    tpu.wait_dma2 semaphore(%arg15 : memref<!tpu.dma_semaphore, #tpu.memory_space<semaphore_mem>>) src(%dma_wait3A_44 : memref<256xi32, #tpu.memory_space<hbm>>) dst(%arg9 : memref<256xi32, #tpu.memory_space<vmem>>)
    %iota3A = tpu.iota {dimensions = array<i32: 0>} : vector<16xi32>
    %mul3A_45 = arith.constant 4 : i32
    %mul3A_46 = vector.broadcast %mul3A_45 : i32 to vector<16xi32>
    %mul3A_47 = arith.muli %iota3A, %mul3A_46 : vector<16xi32>
    %mul3A_48 = arith.constant 2 : i32
    %mul3A_49 = vector.broadcast %mul3A_48 : i32 to vector<16xi32>
    %mul3A_50 = arith.muli %iota3A, %mul3A_49 : vector<16xi32>
    %mul3A_51 = arith.constant 20 : i32
    %mul3A_52 = vector.broadcast %mul3A_51 : i32 to vector<16xi32>
    %mul3A_53 = arith.muli %iota3A, %mul3A_52 : vector<16xi32>
    %broadcast_in_dim3A = arith.constant 0.000000e+00 : f32
    %broadcast_in_dim3A_54 = vector.broadcast %broadcast_in_dim3A : f32 to vector<16xf32>
    %add3A_55 = arith.constant 0 : i32
    %add3A_56 = vector.broadcast %add3A_55 : i32 to vector<16xi32>
    %add3A_57 = arith.addi %mul3A_47, %add3A_56 : vector<16xi32>
    %gather3A = tpu.vector_load_idx %arg6[%add3A_57] : memref<256xi32, #tpu.memory_space<vmem>>[vector<16xi32>], vector<16xi32>,
    %bitcast3A = vector.bitcast %gather3A : vector<16xi32> to vector<16xf32>
    %get3A = arith.constant 0 : index
    %get3A_58 = tpu.vector_load %arg9[%get3A] {strides = array<i32>} : memref<256xi32, #tpu.memory_space<vmem>>, vector<16xi32>,
    %bitcast3A_59 = vector.bitcast %get3A_58 : vector<16xi32> to vector<16xf32>
    %mul3A_60 = arith.mulf %bitcast3A, %bitcast3A_59 : vector<16xf32>
    %add3A_61 = arith.addf %broadcast_in_dim3A_54, %mul3A_60 : vector<16xf32>
    %add3A_62 = arith.constant 1 : i32
    %add3A_63 = vector.broadcast %add3A_62 : i32 to vector<16xi32>
    %add3A_64 = arith.addi %mul3A_47, %add3A_63 : vector<16xi32>
    %gather3A_65 = tpu.vector_load_idx %arg6[%add3A_64] : memref<256xi32, #tpu.memory_space<vmem>>[vector<16xi32>], vector<16xi32>,
    %bitcast3A_66 = vector.bitcast %gather3A_65 : vector<16xi32> to vector<16xf32>
    %get3A_67 = arith.constant 16 : index
    %get3A_68 = tpu.vector_load %arg9[%get3A_67] {strides = array<i32>} : memref<256xi32, #tpu.memory_space<vmem>>, vector<16xi32>,
    %bitcast3A_69 = vector.bitcast %get3A_68 : vector<16xi32> to vector<16xf32>
    %mul3A_70 = arith.mulf %bitcast3A_66, %bitcast3A_69 : vector<16xf32>
    %add3A_71 = arith.addf %add3A_61, %mul3A_70 : vector<16xf32>
    %add3A_72 = arith.constant 2 : i32
    %add3A_73 = vector.broadcast %add3A_72 : i32 to vector<16xi32>
    %add3A_74 = arith.addi %mul3A_47, %add3A_73 : vector<16xi32>
    %gather3A_75 = tpu.vector_load_idx %arg6[%add3A_74] : memref<256xi32, #tpu.memory_space<vmem>>[vector<16xi32>], vector<16xi32>,
    %bitcast3A_76 = vector.bitcast %gather3A_75 : vector<16xi32> to vector<16xf32>
    %get3A_77 = arith.constant 32 : index
    %get3A_78 = tpu.vector_load %arg9[%get3A_77] {strides = array<i32>} : memref<256xi32, #tpu.memory_space<vmem>>, vector<16xi32>,
    %bitcast3A_79 = vector.bitcast %get3A_78 : vector<16xi32> to vector<16xf32>
    %mul3A_80 = arith.mulf %bitcast3A_76, %bitcast3A_79 : vector<16xf32>
    %add3A_81 = arith.addf %add3A_71, %mul3A_80 : vector<16xf32>
    %add3A_82 = arith.constant 3 : i32
    %add3A_83 = vector.broadcast %add3A_82 : i32 to vector<16xi32>
    %add3A_84 = arith.addi %mul3A_47, %add3A_83 : vector<16xi32>
    %gather3A_85 = tpu.vector_load_idx %arg6[%add3A_84] : memref<256xi32, #tpu.memory_space<vmem>>[vector<16xi32>], vector<16xi32>,
    %bitcast3A_86 = vector.bitcast %gather3A_85 : vector<16xi32> to vector<16xf32>
    %get3A_87 = arith.constant 48 : index
    %get3A_88 = tpu.vector_load %arg9[%get3A_87] {strides = array<i32>} : memref<256xi32, #tpu.memory_space<vmem>>, vector<16xi32>,
    %bitcast3A_89 = vector.bitcast %get3A_88 : vector<16xi32> to vector<16xf32>
    %mul3A_90 = arith.mulf %bitcast3A_86, %bitcast3A_89 : vector<16xf32>
    %add3A_91 = arith.addf %add3A_81, %mul3A_90 : vector<16xf32>
    %swap3A = arith.constant 0 : index
    %swap3A_92 = tpu.vector_load %arg10[%swap3A] {strides = array<i32>} : memref<64xf32, #tpu.memory_space<vmem>>, vector<16xf32>,
    tpu.vector_store %arg10[%swap3A], %add3A_91 {strides = array<i32>} : memref<64xf32, #tpu.memory_space<vmem>>, vector<16xf32>,
    %broadcast_in_dim3A_93 = arith.constant 0.000000e+00 : f32
    %broadcast_in_dim3A_94 = vector.broadcast %broadcast_in_dim3A_93 : f32 to vector<16xf32>
    %add3A_95 = arith.constant 64 : i32
    %add3A_96 = vector.broadcast %add3A_95 : i32 to vector<16xi32>
    %add3A_97 = arith.addi %mul3A_47, %add3A_96 : vector<16xi32>
    %gather3A_98 = tpu.vector_load_idx %arg6[%add3A_97] : memref<256xi32, #tpu.memory_space<vmem>>[vector<16xi32>], vector<16xi32>,
    %bitcast3A_99 = vector.bitcast %gather3A_98 : vector<16xi32> to vector<16xf32>
    %get3A_100 = arith.constant 0 : index
    %get3A_101 = tpu.vector_load %arg9[%get3A_100] {strides = array<i32>} : memref<256xi32, #tpu.memory_space<vmem>>, vector<16xi32>,
    %bitcast3A_102 = vector.bitcast %get3A_101 : vector<16xi32> to vector<16xf32>
    %mul3A_103 = arith.mulf %bitcast3A_99, %bitcast3A_102 : vector<16xf32>
    %add3A_104 = arith.addf %broadcast_in_dim3A_94, %mul3A_103 : vector<16xf32>
    %add3A_105 = arith.constant 65 : i32
    %add3A_106 = vector.broadcast %add3A_105 : i32 to vector<16xi32>
    %add3A_107 = arith.addi %mul3A_47, %add3A_106 : vector<16xi32>
    %gather3A_108 = tpu.vector_load_idx %arg6[%add3A_107] : memref<256xi32, #tpu.memory_space<vmem>>[vector<16xi32>], vector<16xi32>,
    %bitcast3A_109 = vector.bitcast %gather3A_108 : vector<16xi32> to vector<16xf32>
    %get3A_110 = arith.constant 16 : index
    %get3A_111 = tpu.vector_load %arg9[%get3A_110] {strides = array<i32>} : memref<256xi32, #tpu.memory_space<vmem>>, vector<16xi32>,
    %bitcast3A_112 = vector.bitcast %get3A_111 : vector<16xi32> to vector<16xf32>
    %mul3A_113 = arith.mulf %bitcast3A_109, %bitcast3A_112 : vector<16xf32>
    %add3A_114 = arith.addf %add3A_104, %mul3A_113 : vector<16xf32>
    %add3A_115 = arith.constant 66 : i32
    %add3A_116 = vector.broadcast %add3A_115 : i32 to vector<16xi32>
    %add3A_117 = arith.addi %mul3A_47, %add3A_116 : vector<16xi32>
    %gather3A_118 = tpu.vector_load_idx %arg6[%add3A_117] : memref<256xi32, #tpu.memory_space<vmem>>[vector<16xi32>], vector<16xi32>,
    %bitcast3A_119 = vector.bitcast %gather3A_118 : vector<16xi32> to vector<16xf32>
    %get3A_120 = arith.constant 32 : index
    %get3A_121 = tpu.vector_load %arg9[%get3A_120] {strides = array<i32>} : memref<256xi32, #tpu.memory_space<vmem>>, vector<16xi32>,
    %bitcast3A_122 = vector.bitcast %get3A_121 : vector<16xi32> to vector<16xf32>
    %mul3A_123 = arith.mulf %bitcast3A_119, %bitcast3A_122 : vector<16xf32>
    %add3A_124 = arith.addf %add3A_114, %mul3A_123 : vector<16xf32>
    %add3A_125 = arith.constant 67 : i32
    %add3A_126 = vector.broadcast %add3A_125 : i32 to vector<16xi32>
    %add3A_127 = arith.addi %mul3A_47, %add3A_126 : vector<16xi32>
    %gather3A_128 = tpu.vector_load_idx %arg6[%add3A_127] : memref<256xi32, #tpu.memory_space<vmem>>[vector<16xi32>], vector<16xi32>,
    %bitcast3A_129 = vector.bitcast %gather3A_128 : vector<16xi32> to vector<16xf32>
    %get3A_130 = arith.constant 48 : index
    %get3A_131 = tpu.vector_load %arg9[%get3A_130] {strides = array<i32>} : memref<256xi32, #tpu.memory_space<vmem>>, vector<16xi32>,
    %bitcast3A_132 = vector.bitcast %get3A_131 : vector<16xi32> to vector<16xf32>
    %mul3A_133 = arith.mulf %bitcast3A_129, %bitcast3A_132 : vector<16xf32>
    %add3A_134 = arith.addf %add3A_124, %mul3A_133 : vector<16xf32>
    %swap3A_135 = arith.constant 16 : index
    %swap3A_136 = tpu.vector_load %arg10[%swap3A_135] {strides = array<i32>} : memref<64xf32, #tpu.memory_space<vmem>>, vector<16xf32>,
    tpu.vector_store %arg10[%swap3A_135], %add3A_134 {strides = array<i32>} : memref<64xf32, #tpu.memory_space<vmem>>, vector<16xf32>,
    %broadcast_in_dim3A_137 = arith.constant 0.000000e+00 : f32
    %broadcast_in_dim3A_138 = vector.broadcast %broadcast_in_dim3A_137 : f32 to vector<16xf32>
    %add3A_139 = arith.constant 128 : i32
    %add3A_140 = vector.broadcast %add3A_139 : i32 to vector<16xi32>
    %add3A_141 = arith.addi %mul3A_47, %add3A_140 : vector<16xi32>
    %gather3A_142 = tpu.vector_load_idx %arg6[%add3A_141] : memref<256xi32, #tpu.memory_space<vmem>>[vector<16xi32>], vector<16xi32>,
    %bitcast3A_143 = vector.bitcast %gather3A_142 : vector<16xi32> to vector<16xf32>
    %get3A_144 = arith.constant 0 : index
    %get3A_145 = tpu.vector_load %arg9[%get3A_144] {strides = array<i32>} : memref<256xi32, #tpu.memory_space<vmem>>, vector<16xi32>,
    %bitcast3A_146 = vector.bitcast %get3A_145 : vector<16xi32> to vector<16xf32>
    %mul3A_147 = arith.mulf %bitcast3A_143, %bitcast3A_146 : vector<16xf32>
    %add3A_148 = arith.addf %broadcast_in_dim3A_138, %mul3A_147 : vector<16xf32>
    %add3A_149 = arith.constant 129 : i32
    %add3A_150 = vector.broadcast %add3A_149 : i32 to vector<16xi32>
    %add3A_151 = arith.addi %mul3A_47, %add3A_150 : vector<16xi32>
    %gather3A_152 = tpu.vector_load_idx %arg6[%add3A_151] : memref<256xi32, #tpu.memory_space<vmem>>[vector<16xi32>], vector<16xi32>,
    %bitcast3A_153 = vector.bitcast %gather3A_152 : vector<16xi32> to vector<16xf32>
    %get3A_154 = arith.constant 16 : index
    %get3A_155 = tpu.vector_load %arg9[%get3A_154] {strides = array<i32>} : memref<256xi32, #tpu.memory_space<vmem>>, vector<16xi32>,
    %bitcast3A_156 = vector.bitcast %get3A_155 : vector<16xi32> to vector<16xf32>
    %mul3A_157 = arith.mulf %bitcast3A_153, %bitcast3A_156 : vector<16xf32>
    %add3A_158 = arith.addf %add3A_148, %mul3A_157 : vector<16xf32>
    %add3A_159 = arith.constant 130 : i32
    %add3A_160 = vector.broadcast %add3A_159 : i32 to vector<16xi32>
    %add3A_161 = arith.addi %mul3A_47, %add3A_160 : vector<16xi32>
    %gather3A_162 = tpu.vector_load_idx %arg6[%add3A_161] : memref<256xi32, #tpu.memory_space<vmem>>[vector<16xi32>], vector<16xi32>,
    %bitcast3A_163 = vector.bitcast %gather3A_162 : vector<16xi32> to vector<16xf32>
    %get3A_164 = arith.constant 32 : index
    %get3A_165 = tpu.vector_load %arg9[%get3A_164] {strides = array<i32>} : memref<256xi32, #tpu.memory_space<vmem>>, vector<16xi32>,
    %bitcast3A_166 = vector.bitcast %get3A_165 : vector<16xi32> to vector<16xf32>
    %mul3A_167 = arith.mulf %bitcast3A_163, %bitcast3A_166 : vector<16xf32>
    %add3A_168 = arith.addf %add3A_158, %mul3A_167 : vector<16xf32>
    %add3A_169 = arith.constant 131 : i32
    %add3A_170 = vector.broadcast %add3A_169 : i32 to vector<16xi32>
    %add3A_171 = arith.addi %mul3A_47, %add3A_170 : vector<16xi32>
    %gather3A_172 = tpu.vector_load_idx %arg6[%add3A_171] : memref<256xi32, #tpu.memory_space<vmem>>[vector<16xi32>], vector<16xi32>,
    %bitcast3A_173 = vector.bitcast %gather3A_172 : vector<16xi32> to vector<16xf32>
    %get3A_174 = arith.constant 48 : index
    %get3A_175 = tpu.vector_load %arg9[%get3A_174] {strides = array<i32>} : memref<256xi32, #tpu.memory_space<vmem>>, vector<16xi32>,
    %bitcast3A_176 = vector.bitcast %get3A_175 : vector<16xi32> to vector<16xf32>
    %mul3A_177 = arith.mulf %bitcast3A_173, %bitcast3A_176 : vector<16xf32>
    %add3A_178 = arith.addf %add3A_168, %mul3A_177 : vector<16xf32>
    %swap3A_179 = arith.constant 32 : index
    %swap3A_180 = tpu.vector_load %arg10[%swap3A_179] {strides = array<i32>} : memref<64xf32, #tpu.memory_space<vmem>>, vector<16xf32>,
    tpu.vector_store %arg10[%swap3A_179], %add3A_178 {strides = array<i32>} : memref<64xf32, #tpu.memory_space<vmem>>, vector<16xf32>,
    %broadcast_in_dim3A_181 = arith.constant 0.000000e+00 : f32
    %broadcast_in_dim3A_182 = vector.broadcast %broadcast_in_dim3A_181 : f32 to vector<16xf32>
    %add3A_183 = arith.constant 192 : i32
    %add3A_184 = vector.broadcast %add3A_183 : i32 to vector<16xi32>
    %add3A_185 = arith.addi %mul3A_47, %add3A_184 : vector<16xi32>
    %gather3A_186 = tpu.vector_load_idx %arg6[%add3A_185] : memref<256xi32, #tpu.memory_space<vmem>>[vector<16xi32>], vector<16xi32>,
    %bitcast3A_187 = vector.bitcast %gather3A_186 : vector<16xi32> to vector<16xf32>
    %get3A_188 = arith.constant 0 : index
    %get3A_189 = tpu.vector_load %arg9[%get3A_188] {strides = array<i32>} : memref<256xi32, #tpu.memory_space<vmem>>, vector<16xi32>,
    %bitcast3A_190 = vector.bitcast %get3A_189 : vector<16xi32> to vector<16xf32>
    %mul3A_191 = arith.mulf %bitcast3A_187, %bitcast3A_190 : vector<16xf32>
    %add3A_192 = arith.addf %broadcast_in_dim3A_182, %mul3A_191 : vector<16xf32>
    %add3A_193 = arith.constant 193 : i32
    %add3A_194 = vector.broadcast %add3A_193 : i32 to vector<16xi32>
    %add3A_195 = arith.addi %mul3A_47, %add3A_194 : vector<16xi32>
    %gather3A_196 = tpu.vector_load_idx %arg6[%add3A_195] : memref<256xi32, #tpu.memory_space<vmem>>[vector<16xi32>], vector<16xi32>,
    %bitcast3A_197 = vector.bitcast %gather3A_196 : vector<16xi32> to vector<16xf32>
    %get3A_198 = arith.constant 16 : index
    %get3A_199 = tpu.vector_load %arg9[%get3A_198] {strides = array<i32>} : memref<256xi32, #tpu.memory_space<vmem>>, vector<16xi32>,
    %bitcast3A_200 = vector.bitcast %get3A_199 : vector<16xi32> to vector<16xf32>
    %mul3A_201 = arith.mulf %bitcast3A_197, %bitcast3A_200 : vector<16xf32>
    %add3A_202 = arith.addf %add3A_192, %mul3A_201 : vector<16xf32>
    %add3A_203 = arith.constant 194 : i32
    %add3A_204 = vector.broadcast %add3A_203 : i32 to vector<16xi32>
    %add3A_205 = arith.addi %mul3A_47, %add3A_204 : vector<16xi32>
    %gather3A_206 = tpu.vector_load_idx %arg6[%add3A_205] : memref<256xi32, #tpu.memory_space<vmem>>[vector<16xi32>], vector<16xi32>,
    %bitcast3A_207 = vector.bitcast %gather3A_206 : vector<16xi32> to vector<16xf32>
    %get3A_208 = arith.constant 32 : index
    %get3A_209 = tpu.vector_load %arg9[%get3A_208] {strides = array<i32>} : memref<256xi32, #tpu.memory_space<vmem>>, vector<16xi32>,
    %bitcast3A_210 = vector.bitcast %get3A_209 : vector<16xi32> to vector<16xf32>
    %mul3A_211 = arith.mulf %bitcast3A_207, %bitcast3A_210 : vector<16xf32>
    %add3A_212 = arith.addf %add3A_202, %mul3A_211 : vector<16xf32>
    %add3A_213 = arith.constant 195 : i32
    %add3A_214 = vector.broadcast %add3A_213 : i32 to vector<16xi32>
    %add3A_215 = arith.addi %mul3A_47, %add3A_214 : vector<16xi32>
    %gather3A_216 = tpu.vector_load_idx %arg6[%add3A_215] : memref<256xi32, #tpu.memory_space<vmem>>[vector<16xi32>], vector<16xi32>,
    %bitcast3A_217 = vector.bitcast %gather3A_216 : vector<16xi32> to vector<16xf32>
    %get3A_218 = arith.constant 48 : index
    %get3A_219 = tpu.vector_load %arg9[%get3A_218] {strides = array<i32>} : memref<256xi32, #tpu.memory_space<vmem>>, vector<16xi32>,
    %bitcast3A_220 = vector.bitcast %get3A_219 : vector<16xi32> to vector<16xf32>
    %mul3A_221 = arith.mulf %bitcast3A_217, %bitcast3A_220 : vector<16xf32>
    %add3A_222 = arith.addf %add3A_212, %mul3A_221 : vector<16xf32>
    %swap3A_223 = arith.constant 48 : index
    %swap3A_224 = tpu.vector_load %arg10[%swap3A_223] {strides = array<i32>} : memref<64xf32, #tpu.memory_space<vmem>>, vector<16xf32>,
    tpu.vector_store %arg10[%swap3A_223], %add3A_222 {strides = array<i32>} : memref<64xf32, #tpu.memory_space<vmem>>, vector<16xf32>,
    %broadcast_in_dim3A_225 = arith.constant 0.000000e+00 : f32
    %broadcast_in_dim3A_226 = vector.broadcast %broadcast_in_dim3A_225 : f32 to vector<16xf32>
    %add3A_227 = arith.constant 0 : i32
    %add3A_228 = vector.broadcast %add3A_227 : i32 to vector<16xi32>
    %add3A_229 = arith.addi %mul3A_47, %add3A_228 : vector<16xi32>
    %gather3A_230 = tpu.vector_load_idx %arg7[%add3A_229] : memref<256xi32, #tpu.memory_space<vmem>>[vector<16xi32>], vector<16xi32>,
    %bitcast3A_231 = vector.bitcast %gather3A_230 : vector<16xi32> to vector<16xf32>
    %get3A_232 = arith.constant 64 : index
    %get3A_233 = tpu.vector_load %arg9[%get3A_232] {strides = array<i32>} : memref<256xi32, #tpu.memory_space<vmem>>, vector<16xi32>,
    %bitcast3A_234 = vector.bitcast %get3A_233 : vector<16xi32> to vector<16xf32>
    %mul3A_235 = arith.mulf %bitcast3A_231, %bitcast3A_234 : vector<16xf32>
    %add3A_236 = arith.addf %broadcast_in_dim3A_226, %mul3A_235 : vector<16xf32>
    %add3A_237 = arith.constant 1 : i32
    %add3A_238 = vector.broadcast %add3A_237 : i32 to vector<16xi32>
    %add3A_239 = arith.addi %mul3A_47, %add3A_238 : vector<16xi32>
    %gather3A_240 = tpu.vector_load_idx %arg7[%add3A_239] : memref<256xi32, #tpu.memory_space<vmem>>[vector<16xi32>], vector<16xi32>,
    %bitcast3A_241 = vector.bitcast %gather3A_240 : vector<16xi32> to vector<16xf32>
    %get3A_242 = arith.constant 80 : index
    %get3A_243 = tpu.vector_load %arg9[%get3A_242] {strides = array<i32>} : memref<256xi32, #tpu.memory_space<vmem>>, vector<16xi32>,
    %bitcast3A_244 = vector.bitcast %get3A_243 : vector<16xi32> to vector<16xf32>
    %mul3A_245 = arith.mulf %bitcast3A_241, %bitcast3A_244 : vector<16xf32>
    %add3A_246 = arith.addf %add3A_236, %mul3A_245 : vector<16xf32>
    %add3A_247 = arith.constant 2 : i32
    %add3A_248 = vector.broadcast %add3A_247 : i32 to vector<16xi32>
    %add3A_249 = arith.addi %mul3A_47, %add3A_248 : vector<16xi32>
    %gather3A_250 = tpu.vector_load_idx %arg7[%add3A_249] : memref<256xi32, #tpu.memory_space<vmem>>[vector<16xi32>], vector<16xi32>,
    %bitcast3A_251 = vector.bitcast %gather3A_250 : vector<16xi32> to vector<16xf32>
    %get3A_252 = arith.constant 96 : index
    %get3A_253 = tpu.vector_load %arg9[%get3A_252] {strides = array<i32>} : memref<256xi32, #tpu.memory_space<vmem>>, vector<16xi32>,
    %bitcast3A_254 = vector.bitcast %get3A_253 : vector<16xi32> to vector<16xf32>
    %mul3A_255 = arith.mulf %bitcast3A_251, %bitcast3A_254 : vector<16xf32>
    %add3A_256 = arith.addf %add3A_246, %mul3A_255 : vector<16xf32>
    %add3A_257 = arith.constant 3 : i32
    %add3A_258 = vector.broadcast %add3A_257 : i32 to vector<16xi32>
    %add3A_259 = arith.addi %mul3A_47, %add3A_258 : vector<16xi32>
    %gather3A_260 = tpu.vector_load_idx %arg7[%add3A_259] : memref<256xi32, #tpu.memory_space<vmem>>[vector<16xi32>], vector<16xi32>,
    %bitcast3A_261 = vector.bitcast %gather3A_260 : vector<16xi32> to vector<16xf32>
    %get3A_262 = arith.constant 112 : index
    %get3A_263 = tpu.vector_load %arg9[%get3A_262] {strides = array<i32>} : memref<256xi32, #tpu.memory_space<vmem>>, vector<16xi32>,
    %bitcast3A_264 = vector.bitcast %get3A_263 : vector<16xi32> to vector<16xf32>
    %mul3A_265 = arith.mulf %bitcast3A_261, %bitcast3A_264 : vector<16xf32>
    %add3A_266 = arith.addf %add3A_256, %mul3A_265 : vector<16xf32>
    %swap3A_267 = arith.constant 0 : index
    %swap3A_268 = tpu.vector_load %arg11[%swap3A_267] {strides = array<i32>} : memref<64xf32, #tpu.memory_space<vmem>>, vector<16xf32>,
    tpu.vector_store %arg11[%swap3A_267], %add3A_266 {strides = array<i32>} : memref<64xf32, #tpu.memory_space<vmem>>, vector<16xf32>,
    %broadcast_in_dim3A_269 = arith.constant 0.000000e+00 : f32
    %broadcast_in_dim3A_270 = vector.broadcast %broadcast_in_dim3A_269 : f32 to vector<16xf32>
    %add3A_271 = arith.constant 64 : i32
    %add3A_272 = vector.broadcast %add3A_271 : i32 to vector<16xi32>
    %add3A_273 = arith.addi %mul3A_47, %add3A_272 : vector<16xi32>
    %gather3A_274 = tpu.vector_load_idx %arg7[%add3A_273] : memref<256xi32, #tpu.memory_space<vmem>>[vector<16xi32>], vector<16xi32>,
    %bitcast3A_275 = vector.bitcast %gather3A_274 : vector<16xi32> to vector<16xf32>
    %get3A_276 = arith.constant 64 : index
    %get3A_277 = tpu.vector_load %arg9[%get3A_276] {strides = array<i32>} : memref<256xi32, #tpu.memory_space<vmem>>, vector<16xi32>,
    %bitcast3A_278 = vector.bitcast %get3A_277 : vector<16xi32> to vector<16xf32>
    %mul3A_279 = arith.mulf %bitcast3A_275, %bitcast3A_278 : vector<16xf32>
    %add3A_280 = arith.addf %broadcast_in_dim3A_270, %mul3A_279 : vector<16xf32>
    %add3A_281 = arith.constant 65 : i32
    %add3A_282 = vector.broadcast %add3A_281 : i32 to vector<16xi32>
    %add3A_283 = arith.addi %mul3A_47, %add3A_282 : vector<16xi32>
    %gather3A_284 = tpu.vector_load_idx %arg7[%add3A_283] : memref<256xi32, #tpu.memory_space<vmem>>[vector<16xi32>], vector<16xi32>,
    %bitcast3A_285 = vector.bitcast %gather3A_284 : vector<16xi32> to vector<16xf32>
    %get3A_286 = arith.constant 80 : index
    %get3A_287 = tpu.vector_load %arg9[%get3A_286] {strides = array<i32>} : memref<256xi32, #tpu.memory_space<vmem>>, vector<16xi32>,
    %bitcast3A_288 = vector.bitcast %get3A_287 : vector<16xi32> to vector<16xf32>
    %mul3A_289 = arith.mulf %bitcast3A_285, %bitcast3A_288 : vector<16xf32>
    %add3A_290 = arith.addf %add3A_280, %mul3A_289 : vector<16xf32>
    %add3A_291 = arith.constant 66 : i32
    %add3A_292 = vector.broadcast %add3A_291 : i32 to vector<16xi32>
    %add3A_293 = arith.addi %mul3A_47, %add3A_292 : vector<16xi32>
    %gather3A_294 = tpu.vector_load_idx %arg7[%add3A_293] : memref<256xi32, #tpu.memory_space<vmem>>[vector<16xi32>], vector<16xi32>,
    %bitcast3A_295 = vector.bitcast %gather3A_294 : vector<16xi32> to vector<16xf32>
    %get3A_296 = arith.constant 96 : index
    %get3A_297 = tpu.vector_load %arg9[%get3A_296] {strides = array<i32>} : memref<256xi32, #tpu.memory_space<vmem>>, vector<16xi32>,
    %bitcast3A_298 = vector.bitcast %get3A_297 : vector<16xi32> to vector<16xf32>
    %mul3A_299 = arith.mulf %bitcast3A_295, %bitcast3A_298 : vector<16xf32>
    %add3A_300 = arith.addf %add3A_290, %mul3A_299 : vector<16xf32>
    %add3A_301 = arith.constant 67 : i32
    %add3A_302 = vector.broadcast %add3A_301 : i32 to vector<16xi32>
    %add3A_303 = arith.addi %mul3A_47, %add3A_302 : vector<16xi32>
    %gather3A_304 = tpu.vector_load_idx %arg7[%add3A_303] : memref<256xi32, #tpu.memory_space<vmem>>[vector<16xi32>], vector<16xi32>,
    %bitcast3A_305 = vector.bitcast %gather3A_304 : vector<16xi32> to vector<16xf32>
    %get3A_306 = arith.constant 112 : index
    %get3A_307 = tpu.vector_load %arg9[%get3A_306] {strides = array<i32>} : memref<256xi32, #tpu.memory_space<vmem>>, vector<16xi32>,
    %bitcast3A_308 = vector.bitcast %get3A_307 : vector<16xi32> to vector<16xf32>
    %mul3A_309 = arith.mulf %bitcast3A_305, %bitcast3A_308 : vector<16xf32>
    %add3A_310 = arith.addf %add3A_300, %mul3A_309 : vector<16xf32>
    %swap3A_311 = arith.constant 16 : index
    %swap3A_312 = tpu.vector_load %arg11[%swap3A_311] {strides = array<i32>} : memref<64xf32, #tpu.memory_space<vmem>>, vector<16xf32>,
    tpu.vector_store %arg11[%swap3A_311], %add3A_310 {strides = array<i32>} : memref<64xf32, #tpu.memory_space<vmem>>, vector<16xf32>,
    %broadcast_in_dim3A_313 = arith.constant 0.000000e+00 : f32
    %broadcast_in_dim3A_314 = vector.broadcast %broadcast_in_dim3A_313 : f32 to vector<16xf32>
    %add3A_315 = arith.constant 128 : i32
    %add3A_316 = vector.broadcast %add3A_315 : i32 to vector<16xi32>
    %add3A_317 = arith.addi %mul3A_47, %add3A_316 : vector<16xi32>
    %gather3A_318 = tpu.vector_load_idx %arg7[%add3A_317] : memref<256xi32, #tpu.memory_space<vmem>>[vector<16xi32>], vector<16xi32>,
    %bitcast3A_319 = vector.bitcast %gather3A_318 : vector<16xi32> to vector<16xf32>
    %get3A_320 = arith.constant 64 : index
    %get3A_321 = tpu.vector_load %arg9[%get3A_320] {strides = array<i32>} : memref<256xi32, #tpu.memory_space<vmem>>, vector<16xi32>,
    %bitcast3A_322 = vector.bitcast %get3A_321 : vector<16xi32> to vector<16xf32>
    %mul3A_323 = arith.mulf %bitcast3A_319, %bitcast3A_322 : vector<16xf32>
    %add3A_324 = arith.addf %broadcast_in_dim3A_314, %mul3A_323 : vector<16xf32>
    %add3A_325 = arith.constant 129 : i32
    %add3A_326 = vector.broadcast %add3A_325 : i32 to vector<16xi32>
    %add3A_327 = arith.addi %mul3A_47, %add3A_326 : vector<16xi32>
    %gather3A_328 = tpu.vector_load_idx %arg7[%add3A_327] : memref<256xi32, #tpu.memory_space<vmem>>[vector<16xi32>], vector<16xi32>,
    %bitcast3A_329 = vector.bitcast %gather3A_328 : vector<16xi32> to vector<16xf32>
    %get3A_330 = arith.constant 80 : index
    %get3A_331 = tpu.vector_load %arg9[%get3A_330] {strides = array<i32>} : memref<256xi32, #tpu.memory_space<vmem>>, vector<16xi32>,
    %bitcast3A_332 = vector.bitcast %get3A_331 : vector<16xi32> to vector<16xf32>
    %mul3A_333 = arith.mulf %bitcast3A_329, %bitcast3A_332 : vector<16xf32>
    %add3A_334 = arith.addf %add3A_324, %mul3A_333 : vector<16xf32>
    %add3A_335 = arith.constant 130 : i32
    %add3A_336 = vector.broadcast %add3A_335 : i32 to vector<16xi32>
    %add3A_337 = arith.addi %mul3A_47, %add3A_336 : vector<16xi32>
    %gather3A_338 = tpu.vector_load_idx %arg7[%add3A_337] : memref<256xi32, #tpu.memory_space<vmem>>[vector<16xi32>], vector<16xi32>,
    %bitcast3A_339 = vector.bitcast %gather3A_338 : vector<16xi32> to vector<16xf32>
    %get3A_340 = arith.constant 96 : index
    %get3A_341 = tpu.vector_load %arg9[%get3A_340] {strides = array<i32>} : memref<256xi32, #tpu.memory_space<vmem>>, vector<16xi32>,
    %bitcast3A_342 = vector.bitcast %get3A_341 : vector<16xi32> to vector<16xf32>
    %mul3A_343 = arith.mulf %bitcast3A_339, %bitcast3A_342 : vector<16xf32>
    %add3A_344 = arith.addf %add3A_334, %mul3A_343 : vector<16xf32>
    %add3A_345 = arith.constant 131 : i32
    %add3A_346 = vector.broadcast %add3A_345 : i32 to vector<16xi32>
    %add3A_347 = arith.addi %mul3A_47, %add3A_346 : vector<16xi32>
    %gather3A_348 = tpu.vector_load_idx %arg7[%add3A_347] : memref<256xi32, #tpu.memory_space<vmem>>[vector<16xi32>], vector<16xi32>,
    %bitcast3A_349 = vector.bitcast %gather3A_348 : vector<16xi32> to vector<16xf32>
    %get3A_350 = arith.constant 112 : index
    %get3A_351 = tpu.vector_load %arg9[%get3A_350] {strides = array<i32>} : memref<256xi32, #tpu.memory_space<vmem>>, vector<16xi32>,
    %bitcast3A_352 = vector.bitcast %get3A_351 : vector<16xi32> to vector<16xf32>
    %mul3A_353 = arith.mulf %bitcast3A_349, %bitcast3A_352 : vector<16xf32>
    %add3A_354 = arith.addf %add3A_344, %mul3A_353 : vector<16xf32>
    %swap3A_355 = arith.constant 32 : index
    %swap3A_356 = tpu.vector_load %arg11[%swap3A_355] {strides = array<i32>} : memref<64xf32, #tpu.memory_space<vmem>>, vector<16xf32>,
    tpu.vector_store %arg11[%swap3A_355], %add3A_354 {strides = array<i32>} : memref<64xf32, #tpu.memory_space<vmem>>, vector<16xf32>,
    %broadcast_in_dim3A_357 = arith.constant 0.000000e+00 : f32
    %broadcast_in_dim3A_358 = vector.broadcast %broadcast_in_dim3A_357 : f32 to vector<16xf32>
    %add3A_359 = arith.constant 192 : i32
    %add3A_360 = vector.broadcast %add3A_359 : i32 to vector<16xi32>
    %add3A_361 = arith.addi %mul3A_47, %add3A_360 : vector<16xi32>
    %gather3A_362 = tpu.vector_load_idx %arg7[%add3A_361] : memref<256xi32, #tpu.memory_space<vmem>>[vector<16xi32>], vector<16xi32>,
    %bitcast3A_363 = vector.bitcast %gather3A_362 : vector<16xi32> to vector<16xf32>
    %get3A_364 = arith.constant 64 : index
    %get3A_365 = tpu.vector_load %arg9[%get3A_364] {strides = array<i32>} : memref<256xi32, #tpu.memory_space<vmem>>, vector<16xi32>,
    %bitcast3A_366 = vector.bitcast %get3A_365 : vector<16xi32> to vector<16xf32>
    %mul3A_367 = arith.mulf %bitcast3A_363, %bitcast3A_366 : vector<16xf32>
    %add3A_368 = arith.addf %broadcast_in_dim3A_358, %mul3A_367 : vector<16xf32>
    %add3A_369 = arith.constant 193 : i32
    %add3A_370 = vector.broadcast %add3A_369 : i32 to vector<16xi32>
    %add3A_371 = arith.addi %mul3A_47, %add3A_370 : vector<16xi32>
    %gather3A_372 = tpu.vector_load_idx %arg7[%add3A_371] : memref<256xi32, #tpu.memory_space<vmem>>[vector<16xi32>], vector<16xi32>,
    %bitcast3A_373 = vector.bitcast %gather3A_372 : vector<16xi32> to vector<16xf32>
    %get3A_374 = arith.constant 80 : index
    %get3A_375 = tpu.vector_load %arg9[%get3A_374] {strides = array<i32>} : memref<256xi32, #tpu.memory_space<vmem>>, vector<16xi32>,
    %bitcast3A_376 = vector.bitcast %get3A_375 : vector<16xi32> to vector<16xf32>
    %mul3A_377 = arith.mulf %bitcast3A_373, %bitcast3A_376 : vector<16xf32>
    %add3A_378 = arith.addf %add3A_368, %mul3A_377 : vector<16xf32>
    %add3A_379 = arith.constant 194 : i32
    %add3A_380 = vector.broadcast %add3A_379 : i32 to vector<16xi32>
    %add3A_381 = arith.addi %mul3A_47, %add3A_380 : vector<16xi32>
    %gather3A_382 = tpu.vector_load_idx %arg7[%add3A_381] : memref<256xi32, #tpu.memory_space<vmem>>[vector<16xi32>], vector<16xi32>,
    %bitcast3A_383 = vector.bitcast %gather3A_382 : vector<16xi32> to vector<16xf32>
    %get3A_384 = arith.constant 96 : index
    %get3A_385 = tpu.vector_load %arg9[%get3A_384] {strides = array<i32>} : memref<256xi32, #tpu.memory_space<vmem>>, vector<16xi32>,
    %bitcast3A_386 = vector.bitcast %get3A_385 : vector<16xi32> to vector<16xf32>
    %mul3A_387 = arith.mulf %bitcast3A_383, %bitcast3A_386 : vector<16xf32>
    %add3A_388 = arith.addf %add3A_378, %mul3A_387 : vector<16xf32>
    %add3A_389 = arith.constant 195 : i32
    %add3A_390 = vector.broadcast %add3A_389 : i32 to vector<16xi32>
    %add3A_391 = arith.addi %mul3A_47, %add3A_390 : vector<16xi32>
    %gather3A_392 = tpu.vector_load_idx %arg7[%add3A_391] : memref<256xi32, #tpu.memory_space<vmem>>[vector<16xi32>], vector<16xi32>,
    %bitcast3A_393 = vector.bitcast %gather3A_392 : vector<16xi32> to vector<16xf32>
    %get3A_394 = arith.constant 112 : index
    %get3A_395 = tpu.vector_load %arg9[%get3A_394] {strides = array<i32>} : memref<256xi32, #tpu.memory_space<vmem>>, vector<16xi32>,
    %bitcast3A_396 = vector.bitcast %get3A_395 : vector<16xi32> to vector<16xf32>
    %mul3A_397 = arith.mulf %bitcast3A_393, %bitcast3A_396 : vector<16xf32>
    %add3A_398 = arith.addf %add3A_388, %mul3A_397 : vector<16xf32>
    %swap3A_399 = arith.constant 48 : index
    %swap3A_400 = tpu.vector_load %arg11[%swap3A_399] {strides = array<i32>} : memref<64xf32, #tpu.memory_space<vmem>>, vector<16xf32>,
    tpu.vector_store %arg11[%swap3A_399], %add3A_398 {strides = array<i32>} : memref<64xf32, #tpu.memory_space<vmem>>, vector<16xf32>,
    %broadcast_in_dim3A_401 = arith.constant 0.000000e+00 : f32
    %broadcast_in_dim3A_402 = vector.broadcast %broadcast_in_dim3A_401 : f32 to vector<16xf32>
    %add3A_403 = arith.constant 0 : i32
    %add3A_404 = vector.broadcast %add3A_403 : i32 to vector<16xi32>
    %add3A_405 = arith.addi %mul3A_47, %add3A_404 : vector<16xi32>
    %gather3A_406 = tpu.vector_load_idx %arg8[%add3A_405] : memref<256xi32, #tpu.memory_space<vmem>>[vector<16xi32>], vector<16xi32>,
    %bitcast3A_407 = vector.bitcast %gather3A_406 : vector<16xi32> to vector<16xf32>
    %get3A_408 = arith.constant 128 : index
    %get3A_409 = tpu.vector_load %arg9[%get3A_408] {strides = array<i32>} : memref<256xi32, #tpu.memory_space<vmem>>, vector<16xi32>,
    %bitcast3A_410 = vector.bitcast %get3A_409 : vector<16xi32> to vector<16xf32>
    %mul3A_411 = arith.mulf %bitcast3A_407, %bitcast3A_410 : vector<16xf32>
    %add3A_412 = arith.addf %broadcast_in_dim3A_402, %mul3A_411 : vector<16xf32>
    %add3A_413 = arith.constant 1 : i32
    %add3A_414 = vector.broadcast %add3A_413 : i32 to vector<16xi32>
    %add3A_415 = arith.addi %mul3A_47, %add3A_414 : vector<16xi32>
    %gather3A_416 = tpu.vector_load_idx %arg8[%add3A_415] : memref<256xi32, #tpu.memory_space<vmem>>[vector<16xi32>], vector<16xi32>,
    %bitcast3A_417 = vector.bitcast %gather3A_416 : vector<16xi32> to vector<16xf32>
    %get3A_418 = arith.constant 144 : index
    %get3A_419 = tpu.vector_load %arg9[%get3A_418] {strides = array<i32>} : memref<256xi32, #tpu.memory_space<vmem>>, vector<16xi32>,
    %bitcast3A_420 = vector.bitcast %get3A_419 : vector<16xi32> to vector<16xf32>
    %mul3A_421 = arith.mulf %bitcast3A_417, %bitcast3A_420 : vector<16xf32>
    %add3A_422 = arith.addf %add3A_412, %mul3A_421 : vector<16xf32>
    %add3A_423 = arith.constant 2 : i32
    %add3A_424 = vector.broadcast %add3A_423 : i32 to vector<16xi32>
    %add3A_425 = arith.addi %mul3A_47, %add3A_424 : vector<16xi32>
    %gather3A_426 = tpu.vector_load_idx %arg8[%add3A_425] : memref<256xi32, #tpu.memory_space<vmem>>[vector<16xi32>], vector<16xi32>,
    %bitcast3A_427 = vector.bitcast %gather3A_426 : vector<16xi32> to vector<16xf32>
    %get3A_428 = arith.constant 160 : index
    %get3A_429 = tpu.vector_load %arg9[%get3A_428] {strides = array<i32>} : memref<256xi32, #tpu.memory_space<vmem>>, vector<16xi32>,
    %bitcast3A_430 = vector.bitcast %get3A_429 : vector<16xi32> to vector<16xf32>
    %mul3A_431 = arith.mulf %bitcast3A_427, %bitcast3A_430 : vector<16xf32>
    %add3A_432 = arith.addf %add3A_422, %mul3A_431 : vector<16xf32>
    %add3A_433 = arith.constant 3 : i32
    %add3A_434 = vector.broadcast %add3A_433 : i32 to vector<16xi32>
    %add3A_435 = arith.addi %mul3A_47, %add3A_434 : vector<16xi32>
    %gather3A_436 = tpu.vector_load_idx %arg8[%add3A_435] : memref<256xi32, #tpu.memory_space<vmem>>[vector<16xi32>], vector<16xi32>,
    %bitcast3A_437 = vector.bitcast %gather3A_436 : vector<16xi32> to vector<16xf32>
    %get3A_438 = arith.constant 176 : index
    %get3A_439 = tpu.vector_load %arg9[%get3A_438] {strides = array<i32>} : memref<256xi32, #tpu.memory_space<vmem>>, vector<16xi32>,
    %bitcast3A_440 = vector.bitcast %get3A_439 : vector<16xi32> to vector<16xf32>
    %mul3A_441 = arith.mulf %bitcast3A_437, %bitcast3A_440 : vector<16xf32>
    %add3A_442 = arith.addf %add3A_432, %mul3A_441 : vector<16xf32>
    %swap3A_443 = arith.constant 0 : index
    %swap3A_444 = tpu.vector_load %arg12[%swap3A_443] {strides = array<i32>} : memref<64xf32, #tpu.memory_space<vmem>>, vector<16xf32>,
    tpu.vector_store %arg12[%swap3A_443], %add3A_442 {strides = array<i32>} : memref<64xf32, #tpu.memory_space<vmem>>, vector<16xf32>,
    %broadcast_in_dim3A_445 = arith.constant 0.000000e+00 : f32
    %broadcast_in_dim3A_446 = vector.broadcast %broadcast_in_dim3A_445 : f32 to vector<16xf32>
    %add3A_447 = arith.constant 64 : i32
    %add3A_448 = vector.broadcast %add3A_447 : i32 to vector<16xi32>
    %add3A_449 = arith.addi %mul3A_47, %add3A_448 : vector<16xi32>
    %gather3A_450 = tpu.vector_load_idx %arg8[%add3A_449] : memref<256xi32, #tpu.memory_space<vmem>>[vector<16xi32>], vector<16xi32>,
    %bitcast3A_451 = vector.bitcast %gather3A_450 : vector<16xi32> to vector<16xf32>
    %get3A_452 = arith.constant 128 : index
    %get3A_453 = tpu.vector_load %arg9[%get3A_452] {strides = array<i32>} : memref<256xi32, #tpu.memory_space<vmem>>, vector<16xi32>,
    %bitcast3A_454 = vector.bitcast %get3A_453 : vector<16xi32> to vector<16xf32>
    %mul3A_455 = arith.mulf %bitcast3A_451, %bitcast3A_454 : vector<16xf32>
    %add3A_456 = arith.addf %broadcast_in_dim3A_446, %mul3A_455 : vector<16xf32>
    %add3A_457 = arith.constant 65 : i32
    %add3A_458 = vector.broadcast %add3A_457 : i32 to vector<16xi32>
    %add3A_459 = arith.addi %mul3A_47, %add3A_458 : vector<16xi32>
    %gather3A_460 = tpu.vector_load_idx %arg8[%add3A_459] : memref<256xi32, #tpu.memory_space<vmem>>[vector<16xi32>], vector<16xi32>,
    %bitcast3A_461 = vector.bitcast %gather3A_460 : vector<16xi32> to vector<16xf32>
    %get3A_462 = arith.constant 144 : index
    %get3A_463 = tpu.vector_load %arg9[%get3A_462] {strides = array<i32>} : memref<256xi32, #tpu.memory_space<vmem>>, vector<16xi32>,
    %bitcast3A_464 = vector.bitcast %get3A_463 : vector<16xi32> to vector<16xf32>
    %mul3A_465 = arith.mulf %bitcast3A_461, %bitcast3A_464 : vector<16xf32>
    %add3A_466 = arith.addf %add3A_456, %mul3A_465 : vector<16xf32>
    %add3A_467 = arith.constant 66 : i32
    %add3A_468 = vector.broadcast %add3A_467 : i32 to vector<16xi32>
    %add3A_469 = arith.addi %mul3A_47, %add3A_468 : vector<16xi32>
    %gather3A_470 = tpu.vector_load_idx %arg8[%add3A_469] : memref<256xi32, #tpu.memory_space<vmem>>[vector<16xi32>], vector<16xi32>,
    %bitcast3A_471 = vector.bitcast %gather3A_470 : vector<16xi32> to vector<16xf32>
    %get3A_472 = arith.constant 160 : index
    %get3A_473 = tpu.vector_load %arg9[%get3A_472] {strides = array<i32>} : memref<256xi32, #tpu.memory_space<vmem>>, vector<16xi32>,
    %bitcast3A_474 = vector.bitcast %get3A_473 : vector<16xi32> to vector<16xf32>
    %mul3A_475 = arith.mulf %bitcast3A_471, %bitcast3A_474 : vector<16xf32>
    %add3A_476 = arith.addf %add3A_466, %mul3A_475 : vector<16xf32>
    %add3A_477 = arith.constant 67 : i32
    %add3A_478 = vector.broadcast %add3A_477 : i32 to vector<16xi32>
    %add3A_479 = arith.addi %mul3A_47, %add3A_478 : vector<16xi32>
    %gather3A_480 = tpu.vector_load_idx %arg8[%add3A_479] : memref<256xi32, #tpu.memory_space<vmem>>[vector<16xi32>], vector<16xi32>,
    %bitcast3A_481 = vector.bitcast %gather3A_480 : vector<16xi32> to vector<16xf32>
    %get3A_482 = arith.constant 176 : index
    %get3A_483 = tpu.vector_load %arg9[%get3A_482] {strides = array<i32>} : memref<256xi32, #tpu.memory_space<vmem>>, vector<16xi32>,
    %bitcast3A_484 = vector.bitcast %get3A_483 : vector<16xi32> to vector<16xf32>
    %mul3A_485 = arith.mulf %bitcast3A_481, %bitcast3A_484 : vector<16xf32>
    %add3A_486 = arith.addf %add3A_476, %mul3A_485 : vector<16xf32>
    %swap3A_487 = arith.constant 16 : index
    %swap3A_488 = tpu.vector_load %arg12[%swap3A_487] {strides = array<i32>} : memref<64xf32, #tpu.memory_space<vmem>>, vector<16xf32>,
    tpu.vector_store %arg12[%swap3A_487], %add3A_486 {strides = array<i32>} : memref<64xf32, #tpu.memory_space<vmem>>, vector<16xf32>,
    %broadcast_in_dim3A_489 = arith.constant 0.000000e+00 : f32
    %broadcast_in_dim3A_490 = vector.broadcast %broadcast_in_dim3A_489 : f32 to vector<16xf32>
    %add3A_491 = arith.constant 128 : i32
    %add3A_492 = vector.broadcast %add3A_491 : i32 to vector<16xi32>
    %add3A_493 = arith.addi %mul3A_47, %add3A_492 : vector<16xi32>
    %gather3A_494 = tpu.vector_load_idx %arg8[%add3A_493] : memref<256xi32, #tpu.memory_space<vmem>>[vector<16xi32>], vector<16xi32>,
    %bitcast3A_495 = vector.bitcast %gather3A_494 : vector<16xi32> to vector<16xf32>
    %get3A_496 = arith.constant 128 : index
    %get3A_497 = tpu.vector_load %arg9[%get3A_496] {strides = array<i32>} : memref<256xi32, #tpu.memory_space<vmem>>, vector<16xi32>,
    %bitcast3A_498 = vector.bitcast %get3A_497 : vector<16xi32> to vector<16xf32>
    %mul3A_499 = arith.mulf %bitcast3A_495, %bitcast3A_498 : vector<16xf32>
    %add3A_500 = arith.addf %broadcast_in_dim3A_490, %mul3A_499 : vector<16xf32>
    %add3A_501 = arith.constant 129 : i32
    %add3A_502 = vector.broadcast %add3A_501 : i32 to vector<16xi32>
    %add3A_503 = arith.addi %mul3A_47, %add3A_502 : vector<16xi32>
    %gather3A_504 = tpu.vector_load_idx %arg8[%add3A_503] : memref<256xi32, #tpu.memory_space<vmem>>[vector<16xi32>], vector<16xi32>,
    %bitcast3A_505 = vector.bitcast %gather3A_504 : vector<16xi32> to vector<16xf32>
    %get3A_506 = arith.constant 144 : index
    %get3A_507 = tpu.vector_load %arg9[%get3A_506] {strides = array<i32>} : memref<256xi32, #tpu.memory_space<vmem>>, vector<16xi32>,
    %bitcast3A_508 = vector.bitcast %get3A_507 : vector<16xi32> to vector<16xf32>
    %mul3A_509 = arith.mulf %bitcast3A_505, %bitcast3A_508 : vector<16xf32>
    %add3A_510 = arith.addf %add3A_500, %mul3A_509 : vector<16xf32>
    %add3A_511 = arith.constant 130 : i32
    %add3A_512 = vector.broadcast %add3A_511 : i32 to vector<16xi32>
    %add3A_513 = arith.addi %mul3A_47, %add3A_512 : vector<16xi32>
    %gather3A_514 = tpu.vector_load_idx %arg8[%add3A_513] : memref<256xi32, #tpu.memory_space<vmem>>[vector<16xi32>], vector<16xi32>,
    %bitcast3A_515 = vector.bitcast %gather3A_514 : vector<16xi32> to vector<16xf32>
    %get3A_516 = arith.constant 160 : index
    %get3A_517 = tpu.vector_load %arg9[%get3A_516] {strides = array<i32>} : memref<256xi32, #tpu.memory_space<vmem>>, vector<16xi32>,
    %bitcast3A_518 = vector.bitcast %get3A_517 : vector<16xi32> to vector<16xf32>
    %mul3A_519 = arith.mulf %bitcast3A_515, %bitcast3A_518 : vector<16xf32>
    %add3A_520 = arith.addf %add3A_510, %mul3A_519 : vector<16xf32>
    %add3A_521 = arith.constant 131 : i32
    %add3A_522 = vector.broadcast %add3A_521 : i32 to vector<16xi32>
    %add3A_523 = arith.addi %mul3A_47, %add3A_522 : vector<16xi32>
    %gather3A_524 = tpu.vector_load_idx %arg8[%add3A_523] : memref<256xi32, #tpu.memory_space<vmem>>[vector<16xi32>], vector<16xi32>,
    %bitcast3A_525 = vector.bitcast %gather3A_524 : vector<16xi32> to vector<16xf32>
    %get3A_526 = arith.constant 176 : index
    %get3A_527 = tpu.vector_load %arg9[%get3A_526] {strides = array<i32>} : memref<256xi32, #tpu.memory_space<vmem>>, vector<16xi32>,
    %bitcast3A_528 = vector.bitcast %get3A_527 : vector<16xi32> to vector<16xf32>
    %mul3A_529 = arith.mulf %bitcast3A_525, %bitcast3A_528 : vector<16xf32>
    %add3A_530 = arith.addf %add3A_520, %mul3A_529 : vector<16xf32>
    %swap3A_531 = arith.constant 32 : index
    %swap3A_532 = tpu.vector_load %arg12[%swap3A_531] {strides = array<i32>} : memref<64xf32, #tpu.memory_space<vmem>>, vector<16xf32>,
    tpu.vector_store %arg12[%swap3A_531], %add3A_530 {strides = array<i32>} : memref<64xf32, #tpu.memory_space<vmem>>, vector<16xf32>,
    %broadcast_in_dim3A_533 = arith.constant 0.000000e+00 : f32
    %broadcast_in_dim3A_534 = vector.broadcast %broadcast_in_dim3A_533 : f32 to vector<16xf32>
    %add3A_535 = arith.constant 192 : i32
    %add3A_536 = vector.broadcast %add3A_535 : i32 to vector<16xi32>
    %add3A_537 = arith.addi %mul3A_47, %add3A_536 : vector<16xi32>
    %gather3A_538 = tpu.vector_load_idx %arg8[%add3A_537] : memref<256xi32, #tpu.memory_space<vmem>>[vector<16xi32>], vector<16xi32>,
    %bitcast3A_539 = vector.bitcast %gather3A_538 : vector<16xi32> to vector<16xf32>
    %get3A_540 = arith.constant 128 : index
    %get3A_541 = tpu.vector_load %arg9[%get3A_540] {strides = array<i32>} : memref<256xi32, #tpu.memory_space<vmem>>, vector<16xi32>,
    %bitcast3A_542 = vector.bitcast %get3A_541 : vector<16xi32> to vector<16xf32>
    %mul3A_543 = arith.mulf %bitcast3A_539, %bitcast3A_542 : vector<16xf32>
    %add3A_544 = arith.addf %broadcast_in_dim3A_534, %mul3A_543 : vector<16xf32>
    %add3A_545 = arith.constant 193 : i32
    %add3A_546 = vector.broadcast %add3A_545 : i32 to vector<16xi32>
    %add3A_547 = arith.addi %mul3A_47, %add3A_546 : vector<16xi32>
    %gather3A_548 = tpu.vector_load_idx %arg8[%add3A_547] : memref<256xi32, #tpu.memory_space<vmem>>[vector<16xi32>], vector<16xi32>,
    %bitcast3A_549 = vector.bitcast %gather3A_548 : vector<16xi32> to vector<16xf32>
    %get3A_550 = arith.constant 144 : index
    %get3A_551 = tpu.vector_load %arg9[%get3A_550] {strides = array<i32>} : memref<256xi32, #tpu.memory_space<vmem>>, vector<16xi32>,
    %bitcast3A_552 = vector.bitcast %get3A_551 : vector<16xi32> to vector<16xf32>
    %mul3A_553 = arith.mulf %bitcast3A_549, %bitcast3A_552 : vector<16xf32>
    %add3A_554 = arith.addf %add3A_544, %mul3A_553 : vector<16xf32>
    %add3A_555 = arith.constant 194 : i32
    %add3A_556 = vector.broadcast %add3A_555 : i32 to vector<16xi32>
    %add3A_557 = arith.addi %mul3A_47, %add3A_556 : vector<16xi32>
    %gather3A_558 = tpu.vector_load_idx %arg8[%add3A_557] : memref<256xi32, #tpu.memory_space<vmem>>[vector<16xi32>], vector<16xi32>,
    %bitcast3A_559 = vector.bitcast %gather3A_558 : vector<16xi32> to vector<16xf32>
    %get3A_560 = arith.constant 160 : index
    %get3A_561 = tpu.vector_load %arg9[%get3A_560] {strides = array<i32>} : memref<256xi32, #tpu.memory_space<vmem>>, vector<16xi32>,
    %bitcast3A_562 = vector.bitcast %get3A_561 : vector<16xi32> to vector<16xf32>
    %mul3A_563 = arith.mulf %bitcast3A_559, %bitcast3A_562 : vector<16xf32>
    %add3A_564 = arith.addf %add3A_554, %mul3A_563 : vector<16xf32>
    %add3A_565 = arith.constant 195 : i32
    %add3A_566 = vector.broadcast %add3A_565 : i32 to vector<16xi32>
    %add3A_567 = arith.addi %mul3A_47, %add3A_566 : vector<16xi32>
    %gather3A_568 = tpu.vector_load_idx %arg8[%add3A_567] : memref<256xi32, #tpu.memory_space<vmem>>[vector<16xi32>], vector<16xi32>,
    %bitcast3A_569 = vector.bitcast %gather3A_568 : vector<16xi32> to vector<16xf32>
    %get3A_570 = arith.constant 176 : index
    %get3A_571 = tpu.vector_load %arg9[%get3A_570] {strides = array<i32>} : memref<256xi32, #tpu.memory_space<vmem>>, vector<16xi32>,
    %bitcast3A_572 = vector.bitcast %get3A_571 : vector<16xi32> to vector<16xf32>
    %mul3A_573 = arith.mulf %bitcast3A_569, %bitcast3A_572 : vector<16xf32>
    %add3A_574 = arith.addf %add3A_564, %mul3A_573 : vector<16xf32>
    %swap3A_575 = arith.constant 48 : index
    %swap3A_576 = tpu.vector_load %arg12[%swap3A_575] {strides = array<i32>} : memref<64xf32, #tpu.memory_space<vmem>>, vector<16xf32>,
    tpu.vector_store %arg12[%swap3A_575], %add3A_574 {strides = array<i32>} : memref<64xf32, #tpu.memory_space<vmem>>, vector<16xf32>,
    %dma_wait3A_577 = tpu.memref_slice %arg2[%add3A_6] : memref<91136xi32, #tpu.memory_space<hbm>> -> memref<2560xi32, #tpu.memory_space<hbm>>
    %dma_wait3A_578 = tpu.memref_slice %arg2[%add3A_6] : memref<91136xi32, #tpu.memory_space<hbm>> -> memref<2560xi32, #tpu.memory_space<hbm>>
    tpu.wait_dma2 semaphore(%arg14 : memref<!tpu.dma_semaphore, #tpu.memory_space<semaphore_mem>>) src(%dma_wait3A_578 : memref<2560xi32, #tpu.memory_space<hbm>>) dst(%arg4 : memref<2560xi32, #tpu.memory_space<vmem>>)
    %dma_wait3A_579 = tpu.memref_slice %arg2[%add3A_11] : memref<91136xi32, #tpu.memory_space<hbm>> -> memref<256xi32, #tpu.memory_space<hbm>>
    %dma_wait3A_580 = tpu.memref_slice %arg2[%add3A_11] : memref<91136xi32, #tpu.memory_space<hbm>> -> memref<256xi32, #tpu.memory_space<hbm>>
    tpu.wait_dma2 semaphore(%arg14 : memref<!tpu.dma_semaphore, #tpu.memory_space<semaphore_mem>>) src(%dma_wait3A_580 : memref<256xi32, #tpu.memory_space<hbm>>) dst(%arg5 : memref<256xi32, #tpu.memory_space<vmem>>)
    %get3A_581 = arith.constant 192 : index
    %get3A_582 = tpu.vector_load %arg9[%get3A_581] {strides = array<i32>} : memref<256xi32, #tpu.memory_space<vmem>>, vector<16xi32>,
    %bitcast3A_583 = vector.bitcast %get3A_582 : vector<16xi32> to vector<16xf32>
    %get3A_584 = arith.constant 208 : index
    %get3A_585 = tpu.vector_load %arg9[%get3A_584] {strides = array<i32>} : memref<256xi32, #tpu.memory_space<vmem>>, vector<16xi32>,
    %bitcast3A_586 = vector.bitcast %get3A_585 : vector<16xi32> to vector<16xf32>
    %get3A_587 = arith.constant 224 : index
    %get3A_588 = tpu.vector_load %arg9[%get3A_587] {strides = array<i32>} : memref<256xi32, #tpu.memory_space<vmem>>, vector<16xi32>,
    %bitcast3A_589 = vector.bitcast %get3A_588 : vector<16xi32> to vector<16xf32>
    %add3A_590 = arith.constant 0 : i32
    %add3A_591 = vector.broadcast %add3A_590 : i32 to vector<16xi32>
    %add3A_592 = arith.addi %mul3A_50, %add3A_591 : vector<16xi32>
    %gather3A_593 = tpu.vector_load_idx %arg5[%add3A_592] : memref<256xi32, #tpu.memory_space<vmem>>[vector<16xi32>], vector<16xi32>,
    %bitcast3A_594 = vector.bitcast %gather3A_593 : vector<16xi32> to vector<16xf32>
    %add3A_595 = arith.constant 0 : i32
    %add3A_596 = vector.broadcast %add3A_595 : i32 to vector<16xi32>
    %add3A_597 = arith.addi %mul3A_50, %add3A_596 : vector<16xi32>
    %add3A_598 = arith.constant 1 : i32
    %add3A_599 = vector.broadcast %add3A_598 : i32 to vector<16xi32>
    %add3A_600 = arith.addi %add3A_597, %add3A_599 : vector<16xi32>
    %gather3A_601 = tpu.vector_load_idx %arg5[%add3A_600] : memref<256xi32, #tpu.memory_space<vmem>>[vector<16xi32>], vector<16xi32>,
    %bitcast3A_602 = vector.bitcast %gather3A_601 : vector<16xi32> to vector<16xf32>
    %mul3A_603 = arith.mulf %bitcast3A_594, %bitcast3A_583 : vector<16xf32>
    %add3A_604 = arith.addf %bitcast3A_589, %mul3A_603 : vector<16xf32>
    %mul3A_605 = arith.mulf %bitcast3A_602, %bitcast3A_586 : vector<16xf32>
    %add3A_606 = arith.addf %add3A_604, %mul3A_605 : vector<16xf32>
    %add3A_607 = arith.constant 0 : i32
    %add3A_608 = vector.broadcast %add3A_607 : i32 to vector<16xi32>
    %add3A_609 = arith.addi %mul3A_53, %add3A_608 : vector<16xi32>
    %gather3A_610 = tpu.vector_load_idx %arg4[%add3A_609] : memref<2560xi32, #tpu.memory_space<vmem>>[vector<16xi32>], vector<16xi32>,
    %and3A = arith.constant 255 : i32
    %and3A_611 = vector.broadcast %and3A : i32 to vector<16xi32>
    %and3A_612 = arith.andi %gather3A_610, %and3A_611 : vector<16xi32>
    %gather3A_613 = tpu.vector_load_idx %arg10[%and3A_612] : memref<64xf32, #tpu.memory_space<vmem>>[vector<16xi32>], vector<16xf32>,
    %add3A_614 = arith.addf %add3A_606, %gather3A_613 : vector<16xf32>
    %shift_right_arithmetic3A = arith.constant 8 : i32
    %shift_right_arithmetic3A_615 = vector.broadcast %shift_right_arithmetic3A : i32 to vector<16xi32>
    %shift_right_arithmetic3A_616 = arith.shrsi %gather3A_610, %shift_right_arithmetic3A_615 : vector<16xi32>
    %and3A_617 = arith.constant 255 : i32
    %and3A_618 = vector.broadcast %and3A_617 : i32 to vector<16xi32>
    %and3A_619 = arith.andi %shift_right_arithmetic3A_616, %and3A_618 : vector<16xi32>
    %gather3A_620 = tpu.vector_load_idx %arg11[%and3A_619] : memref<64xf32, #tpu.memory_space<vmem>>[vector<16xi32>], vector<16xf32>,
    %add3A_621 = arith.addf %add3A_614, %gather3A_620 : vector<16xf32>
    %shift_right_arithmetic3A_622 = arith.constant 16 : i32
    %shift_right_arithmetic3A_623 = vector.broadcast %shift_right_arithmetic3A_622 : i32 to vector<16xi32>
    %shift_right_arithmetic3A_624 = arith.shrsi %gather3A_610, %shift_right_arithmetic3A_623 : vector<16xi32>
    %gather3A_625 = tpu.vector_load_idx %arg12[%shift_right_arithmetic3A_624] : memref<64xf32, #tpu.memory_space<vmem>>[vector<16xi32>], vector<16xf32>,
    %add3A_626 = arith.addf %add3A_621, %gather3A_625 : vector<16xf32>
    %add3A_627 = arith.constant 1 : i32
    %add3A_628 = vector.broadcast %add3A_627 : i32 to vector<16xi32>
    %add3A_629 = arith.addi %mul3A_53, %add3A_628 : vector<16xi32>
    %gather3A_630 = tpu.vector_load_idx %arg4[%add3A_629] : memref<2560xi32, #tpu.memory_space<vmem>>[vector<16xi32>], vector<16xi32>,
    %and3A_631 = arith.constant 255 : i32
    %and3A_632 = vector.broadcast %and3A_631 : i32 to vector<16xi32>
    %and3A_633 = arith.andi %gather3A_630, %and3A_632 : vector<16xi32>
    %gather3A_634 = tpu.vector_load_idx %arg10[%and3A_633] : memref<64xf32, #tpu.memory_space<vmem>>[vector<16xi32>], vector<16xf32>,
    %add3A_635 = arith.addf %add3A_626, %gather3A_634 : vector<16xf32>
    %shift_right_arithmetic3A_636 = arith.constant 8 : i32
    %shift_right_arithmetic3A_637 = vector.broadcast %shift_right_arithmetic3A_636 : i32 to vector<16xi32>
    %shift_right_arithmetic3A_638 = arith.shrsi %gather3A_630, %shift_right_arithmetic3A_637 : vector<16xi32>
    %and3A_639 = arith.constant 255 : i32
    %and3A_640 = vector.broadcast %and3A_639 : i32 to vector<16xi32>
    %and3A_641 = arith.andi %shift_right_arithmetic3A_638, %and3A_640 : vector<16xi32>
    %gather3A_642 = tpu.vector_load_idx %arg11[%and3A_641] : memref<64xf32, #tpu.memory_space<vmem>>[vector<16xi32>], vector<16xf32>,
    %add3A_643 = arith.addf %add3A_635, %gather3A_642 : vector<16xf32>
    %shift_right_arithmetic3A_644 = arith.constant 16 : i32
    %shift_right_arithmetic3A_645 = vector.broadcast %shift_right_arithmetic3A_644 : i32 to vector<16xi32>
    %shift_right_arithmetic3A_646 = arith.shrsi %gather3A_630, %shift_right_arithmetic3A_645 : vector<16xi32>
    %gather3A_647 = tpu.vector_load_idx %arg12[%shift_right_arithmetic3A_646] : memref<64xf32, #tpu.memory_space<vmem>>[vector<16xi32>], vector<16xf32>,
    %add3A_648 = arith.addf %add3A_643, %gather3A_647 : vector<16xf32>
    %add3A_649 = arith.constant 2 : i32
    %add3A_650 = vector.broadcast %add3A_649 : i32 to vector<16xi32>
    %add3A_651 = arith.addi %mul3A_53, %add3A_650 : vector<16xi32>
    %gather3A_652 = tpu.vector_load_idx %arg4[%add3A_651] : memref<2560xi32, #tpu.memory_space<vmem>>[vector<16xi32>], vector<16xi32>,
    %and3A_653 = arith.constant 255 : i32
    %and3A_654 = vector.broadcast %and3A_653 : i32 to vector<16xi32>
    %and3A_655 = arith.andi %gather3A_652, %and3A_654 : vector<16xi32>
    %gather3A_656 = tpu.vector_load_idx %arg10[%and3A_655] : memref<64xf32, #tpu.memory_space<vmem>>[vector<16xi32>], vector<16xf32>,
    %add3A_657 = arith.addf %add3A_648, %gather3A_656 : vector<16xf32>
    %shift_right_arithmetic3A_658 = arith.constant 8 : i32
    %shift_right_arithmetic3A_659 = vector.broadcast %shift_right_arithmetic3A_658 : i32 to vector<16xi32>
    %shift_right_arithmetic3A_660 = arith.shrsi %gather3A_652, %shift_right_arithmetic3A_659 : vector<16xi32>
    %and3A_661 = arith.constant 255 : i32
    %and3A_662 = vector.broadcast %and3A_661 : i32 to vector<16xi32>
    %and3A_663 = arith.andi %shift_right_arithmetic3A_660, %and3A_662 : vector<16xi32>
    %gather3A_664 = tpu.vector_load_idx %arg11[%and3A_663] : memref<64xf32, #tpu.memory_space<vmem>>[vector<16xi32>], vector<16xf32>,
    %add3A_665 = arith.addf %add3A_657, %gather3A_664 : vector<16xf32>
    %shift_right_arithmetic3A_666 = arith.constant 16 : i32
    %shift_right_arithmetic3A_667 = vector.broadcast %shift_right_arithmetic3A_666 : i32 to vector<16xi32>
    %shift_right_arithmetic3A_668 = arith.shrsi %gather3A_652, %shift_right_arithmetic3A_667 : vector<16xi32>
    %gather3A_669 = tpu.vector_load_idx %arg12[%shift_right_arithmetic3A_668] : memref<64xf32, #tpu.memory_space<vmem>>[vector<16xi32>], vector<16xf32>,
    %add3A_670 = arith.addf %add3A_665, %gather3A_669 : vector<16xf32>
    %add3A_671 = arith.constant 3 : i32
    %add3A_672 = vector.broadcast %add3A_671 : i32 to vector<16xi32>
    %add3A_673 = arith.addi %mul3A_53, %add3A_672 : vector<16xi32>
    %gather3A_674 = tpu.vector_load_idx %arg4[%add3A_673] : memref<2560xi32, #tpu.memory_space<vmem>>[vector<16xi32>], vector<16xi32>,
    %and3A_675 = arith.constant 255 : i32
    %and3A_676 = vector.broadcast %and3A_675 : i32 to vector<16xi32>
    %and3A_677 = arith.andi %gather3A_674, %and3A_676 : vector<16xi32>
    %gather3A_678 = tpu.vector_load_idx %arg10[%and3A_677] : memref<64xf32, #tpu.memory_space<vmem>>[vector<16xi32>], vector<16xf32>,
    %add3A_679 = arith.addf %add3A_670, %gather3A_678 : vector<16xf32>
    %shift_right_arithmetic3A_680 = arith.constant 8 : i32
    %shift_right_arithmetic3A_681 = vector.broadcast %shift_right_arithmetic3A_680 : i32 to vector<16xi32>
    %shift_right_arithmetic3A_682 = arith.shrsi %gather3A_674, %shift_right_arithmetic3A_681 : vector<16xi32>
    %and3A_683 = arith.constant 255 : i32
    %and3A_684 = vector.broadcast %and3A_683 : i32 to vector<16xi32>
    %and3A_685 = arith.andi %shift_right_arithmetic3A_682, %and3A_684 : vector<16xi32>
    %gather3A_686 = tpu.vector_load_idx %arg11[%and3A_685] : memref<64xf32, #tpu.memory_space<vmem>>[vector<16xi32>], vector<16xf32>,
    %add3A_687 = arith.addf %add3A_679, %gather3A_686 : vector<16xf32>
    %shift_right_arithmetic3A_688 = arith.constant 16 : i32
    %shift_right_arithmetic3A_689 = vector.broadcast %shift_right_arithmetic3A_688 : i32 to vector<16xi32>
    %shift_right_arithmetic3A_690 = arith.shrsi %gather3A_674, %shift_right_arithmetic3A_689 : vector<16xi32>
    %gather3A_691 = tpu.vector_load_idx %arg12[%shift_right_arithmetic3A_690] : memref<64xf32, #tpu.memory_space<vmem>>[vector<16xi32>], vector<16xf32>,
    %add3A_692 = arith.addf %add3A_687, %gather3A_691 : vector<16xf32>
    %add3A_693 = arith.constant 4 : i32
    %add3A_694 = vector.broadcast %add3A_693 : i32 to vector<16xi32>
    %add3A_695 = arith.addi %mul3A_53, %add3A_694 : vector<16xi32>
    %gather3A_696 = tpu.vector_load_idx %arg4[%add3A_695] : memref<2560xi32, #tpu.memory_space<vmem>>[vector<16xi32>], vector<16xi32>,
    %and3A_697 = arith.constant 255 : i32
    %and3A_698 = vector.broadcast %and3A_697 : i32 to vector<16xi32>
    %and3A_699 = arith.andi %gather3A_696, %and3A_698 : vector<16xi32>
    %gather3A_700 = tpu.vector_load_idx %arg10[%and3A_699] : memref<64xf32, #tpu.memory_space<vmem>>[vector<16xi32>], vector<16xf32>,
    %add3A_701 = arith.addf %add3A_692, %gather3A_700 : vector<16xf32>
    %shift_right_arithmetic3A_702 = arith.constant 8 : i32
    %shift_right_arithmetic3A_703 = vector.broadcast %shift_right_arithmetic3A_702 : i32 to vector<16xi32>
    %shift_right_arithmetic3A_704 = arith.shrsi %gather3A_696, %shift_right_arithmetic3A_703 : vector<16xi32>
    %and3A_705 = arith.constant 255 : i32
    %and3A_706 = vector.broadcast %and3A_705 : i32 to vector<16xi32>
    %and3A_707 = arith.andi %shift_right_arithmetic3A_704, %and3A_706 : vector<16xi32>
    %gather3A_708 = tpu.vector_load_idx %arg11[%and3A_707] : memref<64xf32, #tpu.memory_space<vmem>>[vector<16xi32>], vector<16xf32>,
    %add3A_709 = arith.addf %add3A_701, %gather3A_708 : vector<16xf32>
    %shift_right_arithmetic3A_710 = arith.constant 16 : i32
    %shift_right_arithmetic3A_711 = vector.broadcast %shift_right_arithmetic3A_710 : i32 to vector<16xi32>
    %shift_right_arithmetic3A_712 = arith.shrsi %gather3A_696, %shift_right_arithmetic3A_711 : vector<16xi32>
    %gather3A_713 = tpu.vector_load_idx %arg12[%shift_right_arithmetic3A_712] : memref<64xf32, #tpu.memory_space<vmem>>[vector<16xi32>], vector<16xf32>,
    %add3A_714 = arith.addf %add3A_709, %gather3A_713 : vector<16xf32>
    %add3A_715 = arith.constant 5 : i32
    %add3A_716 = vector.broadcast %add3A_715 : i32 to vector<16xi32>
    %add3A_717 = arith.addi %mul3A_53, %add3A_716 : vector<16xi32>
    %gather3A_718 = tpu.vector_load_idx %arg4[%add3A_717] : memref<2560xi32, #tpu.memory_space<vmem>>[vector<16xi32>], vector<16xi32>,
    %and3A_719 = arith.constant 255 : i32
    %and3A_720 = vector.broadcast %and3A_719 : i32 to vector<16xi32>
    %and3A_721 = arith.andi %gather3A_718, %and3A_720 : vector<16xi32>
    %gather3A_722 = tpu.vector_load_idx %arg10[%and3A_721] : memref<64xf32, #tpu.memory_space<vmem>>[vector<16xi32>], vector<16xf32>,
    %add3A_723 = arith.addf %add3A_714, %gather3A_722 : vector<16xf32>
    %shift_right_arithmetic3A_724 = arith.constant 8 : i32
    %shift_right_arithmetic3A_725 = vector.broadcast %shift_right_arithmetic3A_724 : i32 to vector<16xi32>
    %shift_right_arithmetic3A_726 = arith.shrsi %gather3A_718, %shift_right_arithmetic3A_725 : vector<16xi32>
    %and3A_727 = arith.constant 255 : i32
    %and3A_728 = vector.broadcast %and3A_727 : i32 to vector<16xi32>
    %and3A_729 = arith.andi %shift_right_arithmetic3A_726, %and3A_728 : vector<16xi32>
    %gather3A_730 = tpu.vector_load_idx %arg11[%and3A_729] : memref<64xf32, #tpu.memory_space<vmem>>[vector<16xi32>], vector<16xf32>,
    %add3A_731 = arith.addf %add3A_723, %gather3A_730 : vector<16xf32>
    %shift_right_arithmetic3A_732 = arith.constant 16 : i32
    %shift_right_arithmetic3A_733 = vector.broadcast %shift_right_arithmetic3A_732 : i32 to vector<16xi32>
    %shift_right_arithmetic3A_734 = arith.shrsi %gather3A_718, %shift_right_arithmetic3A_733 : vector<16xi32>
    %gather3A_735 = tpu.vector_load_idx %arg12[%shift_right_arithmetic3A_734] : memref<64xf32, #tpu.memory_space<vmem>>[vector<16xi32>], vector<16xf32>,
    %add3A_736 = arith.addf %add3A_731, %gather3A_735 : vector<16xf32>
    %add3A_737 = arith.constant 6 : i32
    %add3A_738 = vector.broadcast %add3A_737 : i32 to vector<16xi32>
    %add3A_739 = arith.addi %mul3A_53, %add3A_738 : vector<16xi32>
    %gather3A_740 = tpu.vector_load_idx %arg4[%add3A_739] : memref<2560xi32, #tpu.memory_space<vmem>>[vector<16xi32>], vector<16xi32>,
    %and3A_741 = arith.constant 255 : i32
    %and3A_742 = vector.broadcast %and3A_741 : i32 to vector<16xi32>
    %and3A_743 = arith.andi %gather3A_740, %and3A_742 : vector<16xi32>
    %gather3A_744 = tpu.vector_load_idx %arg10[%and3A_743] : memref<64xf32, #tpu.memory_space<vmem>>[vector<16xi32>], vector<16xf32>,
    %add3A_745 = arith.addf %add3A_736, %gather3A_744 : vector<16xf32>
    %shift_right_arithmetic3A_746 = arith.constant 8 : i32
    %shift_right_arithmetic3A_747 = vector.broadcast %shift_right_arithmetic3A_746 : i32 to vector<16xi32>
    %shift_right_arithmetic3A_748 = arith.shrsi %gather3A_740, %shift_right_arithmetic3A_747 : vector<16xi32>
    %and3A_749 = arith.constant 255 : i32
    %and3A_750 = vector.broadcast %and3A_749 : i32 to vector<16xi32>
    %and3A_751 = arith.andi %shift_right_arithmetic3A_748, %and3A_750 : vector<16xi32>
    %gather3A_752 = tpu.vector_load_idx %arg11[%and3A_751] : memref<64xf32, #tpu.memory_space<vmem>>[vector<16xi32>], vector<16xf32>,
    %add3A_753 = arith.addf %add3A_745, %gather3A_752 : vector<16xf32>
    %shift_right_arithmetic3A_754 = arith.constant 16 : i32
    %shift_right_arithmetic3A_755 = vector.broadcast %shift_right_arithmetic3A_754 : i32 to vector<16xi32>
    %shift_right_arithmetic3A_756 = arith.shrsi %gather3A_740, %shift_right_arithmetic3A_755 : vector<16xi32>
    %gather3A_757 = tpu.vector_load_idx %arg12[%shift_right_arithmetic3A_756] : memref<64xf32, #tpu.memory_space<vmem>>[vector<16xi32>], vector<16xf32>,
    %add3A_758 = arith.addf %add3A_753, %gather3A_757 : vector<16xf32>
    %add3A_759 = arith.constant 7 : i32
    %add3A_760 = vector.broadcast %add3A_759 : i32 to vector<16xi32>
    %add3A_761 = arith.addi %mul3A_53, %add3A_760 : vector<16xi32>
    %gather3A_762 = tpu.vector_load_idx %arg4[%add3A_761] : memref<2560xi32, #tpu.memory_space<vmem>>[vector<16xi32>], vector<16xi32>,
    %and3A_763 = arith.constant 255 : i32
    %and3A_764 = vector.broadcast %and3A_763 : i32 to vector<16xi32>
    %and3A_765 = arith.andi %gather3A_762, %and3A_764 : vector<16xi32>
    %gather3A_766 = tpu.vector_load_idx %arg10[%and3A_765] : memref<64xf32, #tpu.memory_space<vmem>>[vector<16xi32>], vector<16xf32>,
    %add3A_767 = arith.addf %add3A_758, %gather3A_766 : vector<16xf32>
    %shift_right_arithmetic3A_768 = arith.constant 8 : i32
    %shift_right_arithmetic3A_769 = vector.broadcast %shift_right_arithmetic3A_768 : i32 to vector<16xi32>
    %shift_right_arithmetic3A_770 = arith.shrsi %gather3A_762, %shift_right_arithmetic3A_769 : vector<16xi32>
    %and3A_771 = arith.constant 255 : i32
    %and3A_772 = vector.broadcast %and3A_771 : i32 to vector<16xi32>
    %and3A_773 = arith.andi %shift_right_arithmetic3A_770, %and3A_772 : vector<16xi32>
    %gather3A_774 = tpu.vector_load_idx %arg11[%and3A_773] : memref<64xf32, #tpu.memory_space<vmem>>[vector<16xi32>], vector<16xf32>,
    %add3A_775 = arith.addf %add3A_767, %gather3A_774 : vector<16xf32>
    %shift_right_arithmetic3A_776 = arith.constant 16 : i32
    %shift_right_arithmetic3A_777 = vector.broadcast %shift_right_arithmetic3A_776 : i32 to vector<16xi32>
    %shift_right_arithmetic3A_778 = arith.shrsi %gather3A_762, %shift_right_arithmetic3A_777 : vector<16xi32>
    %gather3A_779 = tpu.vector_load_idx %arg12[%shift_right_arithmetic3A_778] : memref<64xf32, #tpu.memory_space<vmem>>[vector<16xi32>], vector<16xf32>,
    %add3A_780 = arith.addf %add3A_775, %gather3A_779 : vector<16xf32>
    %add3A_781 = arith.constant 8 : i32
    %add3A_782 = vector.broadcast %add3A_781 : i32 to vector<16xi32>
    %add3A_783 = arith.addi %mul3A_53, %add3A_782 : vector<16xi32>
    %gather3A_784 = tpu.vector_load_idx %arg4[%add3A_783] : memref<2560xi32, #tpu.memory_space<vmem>>[vector<16xi32>], vector<16xi32>,
    %and3A_785 = arith.constant 255 : i32
    %and3A_786 = vector.broadcast %and3A_785 : i32 to vector<16xi32>
    %and3A_787 = arith.andi %gather3A_784, %and3A_786 : vector<16xi32>
    %gather3A_788 = tpu.vector_load_idx %arg10[%and3A_787] : memref<64xf32, #tpu.memory_space<vmem>>[vector<16xi32>], vector<16xf32>,
    %add3A_789 = arith.addf %add3A_780, %gather3A_788 : vector<16xf32>
    %shift_right_arithmetic3A_790 = arith.constant 8 : i32
    %shift_right_arithmetic3A_791 = vector.broadcast %shift_right_arithmetic3A_790 : i32 to vector<16xi32>
    %shift_right_arithmetic3A_792 = arith.shrsi %gather3A_784, %shift_right_arithmetic3A_791 : vector<16xi32>
    %and3A_793 = arith.constant 255 : i32
    %and3A_794 = vector.broadcast %and3A_793 : i32 to vector<16xi32>
    %and3A_795 = arith.andi %shift_right_arithmetic3A_792, %and3A_794 : vector<16xi32>
    %gather3A_796 = tpu.vector_load_idx %arg11[%and3A_795] : memref<64xf32, #tpu.memory_space<vmem>>[vector<16xi32>], vector<16xf32>,
    %add3A_797 = arith.addf %add3A_789, %gather3A_796 : vector<16xf32>
    %shift_right_arithmetic3A_798 = arith.constant 16 : i32
    %shift_right_arithmetic3A_799 = vector.broadcast %shift_right_arithmetic3A_798 : i32 to vector<16xi32>
    %shift_right_arithmetic3A_800 = arith.shrsi %gather3A_784, %shift_right_arithmetic3A_799 : vector<16xi32>
    %gather3A_801 = tpu.vector_load_idx %arg12[%shift_right_arithmetic3A_800] : memref<64xf32, #tpu.memory_space<vmem>>[vector<16xi32>], vector<16xf32>,
    %add3A_802 = arith.addf %add3A_797, %gather3A_801 : vector<16xf32>
    %add3A_803 = arith.constant 9 : i32
    %add3A_804 = vector.broadcast %add3A_803 : i32 to vector<16xi32>
    %add3A_805 = arith.addi %mul3A_53, %add3A_804 : vector<16xi32>
    %gather3A_806 = tpu.vector_load_idx %arg4[%add3A_805] : memref<2560xi32, #tpu.memory_space<vmem>>[vector<16xi32>], vector<16xi32>,
    %and3A_807 = arith.constant 255 : i32
    %and3A_808 = vector.broadcast %and3A_807 : i32 to vector<16xi32>
    %and3A_809 = arith.andi %gather3A_806, %and3A_808 : vector<16xi32>
    %gather3A_810 = tpu.vector_load_idx %arg10[%and3A_809] : memref<64xf32, #tpu.memory_space<vmem>>[vector<16xi32>], vector<16xf32>,
    %add3A_811 = arith.addf %add3A_802, %gather3A_810 : vector<16xf32>
    %shift_right_arithmetic3A_812 = arith.constant 8 : i32
    %shift_right_arithmetic3A_813 = vector.broadcast %shift_right_arithmetic3A_812 : i32 to vector<16xi32>
    %shift_right_arithmetic3A_814 = arith.shrsi %gather3A_806, %shift_right_arithmetic3A_813 : vector<16xi32>
    %and3A_815 = arith.constant 255 : i32
    %and3A_816 = vector.broadcast %and3A_815 : i32 to vector<16xi32>
    %and3A_817 = arith.andi %shift_right_arithmetic3A_814, %and3A_816 : vector<16xi32>
    %gather3A_818 = tpu.vector_load_idx %arg11[%and3A_817] : memref<64xf32, #tpu.memory_space<vmem>>[vector<16xi32>], vector<16xf32>,
    %add3A_819 = arith.addf %add3A_811, %gather3A_818 : vector<16xf32>
    %shift_right_arithmetic3A_820 = arith.constant 16 : i32
    %shift_right_arithmetic3A_821 = vector.broadcast %shift_right_arithmetic3A_820 : i32 to vector<16xi32>
    %shift_right_arithmetic3A_822 = arith.shrsi %gather3A_806, %shift_right_arithmetic3A_821 : vector<16xi32>
    %gather3A_823 = tpu.vector_load_idx %arg12[%shift_right_arithmetic3A_822] : memref<64xf32, #tpu.memory_space<vmem>>[vector<16xi32>], vector<16xf32>,
    %add3A_824 = arith.addf %add3A_819, %gather3A_823 : vector<16xf32>
    %add3A_825 = arith.constant 10 : i32
    %add3A_826 = vector.broadcast %add3A_825 : i32 to vector<16xi32>
    %add3A_827 = arith.addi %mul3A_53, %add3A_826 : vector<16xi32>
    %gather3A_828 = tpu.vector_load_idx %arg4[%add3A_827] : memref<2560xi32, #tpu.memory_space<vmem>>[vector<16xi32>], vector<16xi32>,
    %and3A_829 = arith.constant 255 : i32
    %and3A_830 = vector.broadcast %and3A_829 : i32 to vector<16xi32>
    %and3A_831 = arith.andi %gather3A_828, %and3A_830 : vector<16xi32>
    %gather3A_832 = tpu.vector_load_idx %arg10[%and3A_831] : memref<64xf32, #tpu.memory_space<vmem>>[vector<16xi32>], vector<16xf32>,
    %add3A_833 = arith.addf %add3A_824, %gather3A_832 : vector<16xf32>
    %shift_right_arithmetic3A_834 = arith.constant 8 : i32
    %shift_right_arithmetic3A_835 = vector.broadcast %shift_right_arithmetic3A_834 : i32 to vector<16xi32>
    %shift_right_arithmetic3A_836 = arith.shrsi %gather3A_828, %shift_right_arithmetic3A_835 : vector<16xi32>
    %and3A_837 = arith.constant 255 : i32
    %and3A_838 = vector.broadcast %and3A_837 : i32 to vector<16xi32>
    %and3A_839 = arith.andi %shift_right_arithmetic3A_836, %and3A_838 : vector<16xi32>
    %gather3A_840 = tpu.vector_load_idx %arg11[%and3A_839] : memref<64xf32, #tpu.memory_space<vmem>>[vector<16xi32>], vector<16xf32>,
    %add3A_841 = arith.addf %add3A_833, %gather3A_840 : vector<16xf32>
    %shift_right_arithmetic3A_842 = arith.constant 16 : i32
    %shift_right_arithmetic3A_843 = vector.broadcast %shift_right_arithmetic3A_842 : i32 to vector<16xi32>
    %shift_right_arithmetic3A_844 = arith.shrsi %gather3A_828, %shift_right_arithmetic3A_843 : vector<16xi32>
    %gather3A_845 = tpu.vector_load_idx %arg12[%shift_right_arithmetic3A_844] : memref<64xf32, #tpu.memory_space<vmem>>[vector<16xi32>], vector<16xf32>,
    %add3A_846 = arith.addf %add3A_841, %gather3A_845 : vector<16xf32>
    %add3A_847 = arith.constant 11 : i32
    %add3A_848 = vector.broadcast %add3A_847 : i32 to vector<16xi32>
    %add3A_849 = arith.addi %mul3A_53, %add3A_848 : vector<16xi32>
    %gather3A_850 = tpu.vector_load_idx %arg4[%add3A_849] : memref<2560xi32, #tpu.memory_space<vmem>>[vector<16xi32>], vector<16xi32>,
    %and3A_851 = arith.constant 255 : i32
    %and3A_852 = vector.broadcast %and3A_851 : i32 to vector<16xi32>
    %and3A_853 = arith.andi %gather3A_850, %and3A_852 : vector<16xi32>
    %gather3A_854 = tpu.vector_load_idx %arg10[%and3A_853] : memref<64xf32, #tpu.memory_space<vmem>>[vector<16xi32>], vector<16xf32>,
    %add3A_855 = arith.addf %add3A_846, %gather3A_854 : vector<16xf32>
    %shift_right_arithmetic3A_856 = arith.constant 8 : i32
    %shift_right_arithmetic3A_857 = vector.broadcast %shift_right_arithmetic3A_856 : i32 to vector<16xi32>
    %shift_right_arithmetic3A_858 = arith.shrsi %gather3A_850, %shift_right_arithmetic3A_857 : vector<16xi32>
    %and3A_859 = arith.constant 255 : i32
    %and3A_860 = vector.broadcast %and3A_859 : i32 to vector<16xi32>
    %and3A_861 = arith.andi %shift_right_arithmetic3A_858, %and3A_860 : vector<16xi32>
    %gather3A_862 = tpu.vector_load_idx %arg11[%and3A_861] : memref<64xf32, #tpu.memory_space<vmem>>[vector<16xi32>], vector<16xf32>,
    %add3A_863 = arith.addf %add3A_855, %gather3A_862 : vector<16xf32>
    %shift_right_arithmetic3A_864 = arith.constant 16 : i32
    %shift_right_arithmetic3A_865 = vector.broadcast %shift_right_arithmetic3A_864 : i32 to vector<16xi32>
    %shift_right_arithmetic3A_866 = arith.shrsi %gather3A_850, %shift_right_arithmetic3A_865 : vector<16xi32>
    %gather3A_867 = tpu.vector_load_idx %arg12[%shift_right_arithmetic3A_866] : memref<64xf32, #tpu.memory_space<vmem>>[vector<16xi32>], vector<16xf32>,
    %add3A_868 = arith.addf %add3A_863, %gather3A_867 : vector<16xf32>
    %add3A_869 = arith.constant 12 : i32
    %add3A_870 = vector.broadcast %add3A_869 : i32 to vector<16xi32>
    %add3A_871 = arith.addi %mul3A_53, %add3A_870 : vector<16xi32>
    %gather3A_872 = tpu.vector_load_idx %arg4[%add3A_871] : memref<2560xi32, #tpu.memory_space<vmem>>[vector<16xi32>], vector<16xi32>,
    %and3A_873 = arith.constant 255 : i32
    %and3A_874 = vector.broadcast %and3A_873 : i32 to vector<16xi32>
    %and3A_875 = arith.andi %gather3A_872, %and3A_874 : vector<16xi32>
    %gather3A_876 = tpu.vector_load_idx %arg10[%and3A_875] : memref<64xf32, #tpu.memory_space<vmem>>[vector<16xi32>], vector<16xf32>,
    %add3A_877 = arith.addf %add3A_868, %gather3A_876 : vector<16xf32>
    %shift_right_arithmetic3A_878 = arith.constant 8 : i32
    %shift_right_arithmetic3A_879 = vector.broadcast %shift_right_arithmetic3A_878 : i32 to vector<16xi32>
    %shift_right_arithmetic3A_880 = arith.shrsi %gather3A_872, %shift_right_arithmetic3A_879 : vector<16xi32>
    %and3A_881 = arith.constant 255 : i32
    %and3A_882 = vector.broadcast %and3A_881 : i32 to vector<16xi32>
    %and3A_883 = arith.andi %shift_right_arithmetic3A_880, %and3A_882 : vector<16xi32>
    %gather3A_884 = tpu.vector_load_idx %arg11[%and3A_883] : memref<64xf32, #tpu.memory_space<vmem>>[vector<16xi32>], vector<16xf32>,
    %add3A_885 = arith.addf %add3A_877, %gather3A_884 : vector<16xf32>
    %shift_right_arithmetic3A_886 = arith.constant 16 : i32
    %shift_right_arithmetic3A_887 = vector.broadcast %shift_right_arithmetic3A_886 : i32 to vector<16xi32>
    %shift_right_arithmetic3A_888 = arith.shrsi %gather3A_872, %shift_right_arithmetic3A_887 : vector<16xi32>
    %gather3A_889 = tpu.vector_load_idx %arg12[%shift_right_arithmetic3A_888] : memref<64xf32, #tpu.memory_space<vmem>>[vector<16xi32>], vector<16xf32>,
    %add3A_890 = arith.addf %add3A_885, %gather3A_889 : vector<16xf32>
    %add3A_891 = arith.constant 13 : i32
    %add3A_892 = vector.broadcast %add3A_891 : i32 to vector<16xi32>
    %add3A_893 = arith.addi %mul3A_53, %add3A_892 : vector<16xi32>
    %gather3A_894 = tpu.vector_load_idx %arg4[%add3A_893] : memref<2560xi32, #tpu.memory_space<vmem>>[vector<16xi32>], vector<16xi32>,
    %and3A_895 = arith.constant 255 : i32
    %and3A_896 = vector.broadcast %and3A_895 : i32 to vector<16xi32>
    %and3A_897 = arith.andi %gather3A_894, %and3A_896 : vector<16xi32>
    %gather3A_898 = tpu.vector_load_idx %arg10[%and3A_897] : memref<64xf32, #tpu.memory_space<vmem>>[vector<16xi32>], vector<16xf32>,
    %add3A_899 = arith.addf %add3A_890, %gather3A_898 : vector<16xf32>
    %shift_right_arithmetic3A_900 = arith.constant 8 : i32
    %shift_right_arithmetic3A_901 = vector.broadcast %shift_right_arithmetic3A_900 : i32 to vector<16xi32>
    %shift_right_arithmetic3A_902 = arith.shrsi %gather3A_894, %shift_right_arithmetic3A_901 : vector<16xi32>
    %and3A_903 = arith.constant 255 : i32
    %and3A_904 = vector.broadcast %and3A_903 : i32 to vector<16xi32>
    %and3A_905 = arith.andi %shift_right_arithmetic3A_902, %and3A_904 : vector<16xi32>
    %gather3A_906 = tpu.vector_load_idx %arg11[%and3A_905] : memref<64xf32, #tpu.memory_space<vmem>>[vector<16xi32>], vector<16xf32>,
    %add3A_907 = arith.addf %add3A_899, %gather3A_906 : vector<16xf32>
    %shift_right_arithmetic3A_908 = arith.constant 16 : i32
    %shift_right_arithmetic3A_909 = vector.broadcast %shift_right_arithmetic3A_908 : i32 to vector<16xi32>
    %shift_right_arithmetic3A_910 = arith.shrsi %gather3A_894, %shift_right_arithmetic3A_909 : vector<16xi32>
    %gather3A_911 = tpu.vector_load_idx %arg12[%shift_right_arithmetic3A_910] : memref<64xf32, #tpu.memory_space<vmem>>[vector<16xi32>], vector<16xf32>,
    %add3A_912 = arith.addf %add3A_907, %gather3A_911 : vector<16xf32>
    %add3A_913 = arith.constant 14 : i32
    %add3A_914 = vector.broadcast %add3A_913 : i32 to vector<16xi32>
    %add3A_915 = arith.addi %mul3A_53, %add3A_914 : vector<16xi32>
    %gather3A_916 = tpu.vector_load_idx %arg4[%add3A_915] : memref<2560xi32, #tpu.memory_space<vmem>>[vector<16xi32>], vector<16xi32>,
    %and3A_917 = arith.constant 255 : i32
    %and3A_918 = vector.broadcast %and3A_917 : i32 to vector<16xi32>
    %and3A_919 = arith.andi %gather3A_916, %and3A_918 : vector<16xi32>
    %gather3A_920 = tpu.vector_load_idx %arg10[%and3A_919] : memref<64xf32, #tpu.memory_space<vmem>>[vector<16xi32>], vector<16xf32>,
    %add3A_921 = arith.addf %add3A_912, %gather3A_920 : vector<16xf32>
    %shift_right_arithmetic3A_922 = arith.constant 8 : i32
    %shift_right_arithmetic3A_923 = vector.broadcast %shift_right_arithmetic3A_922 : i32 to vector<16xi32>
    %shift_right_arithmetic3A_924 = arith.shrsi %gather3A_916, %shift_right_arithmetic3A_923 : vector<16xi32>
    %and3A_925 = arith.constant 255 : i32
    %and3A_926 = vector.broadcast %and3A_925 : i32 to vector<16xi32>
    %and3A_927 = arith.andi %shift_right_arithmetic3A_924, %and3A_926 : vector<16xi32>
    %gather3A_928 = tpu.vector_load_idx %arg11[%and3A_927] : memref<64xf32, #tpu.memory_space<vmem>>[vector<16xi32>], vector<16xf32>,
    %add3A_929 = arith.addf %add3A_921, %gather3A_928 : vector<16xf32>
    %shift_right_arithmetic3A_930 = arith.constant 16 : i32
    %shift_right_arithmetic3A_931 = vector.broadcast %shift_right_arithmetic3A_930 : i32 to vector<16xi32>
    %shift_right_arithmetic3A_932 = arith.shrsi %gather3A_916, %shift_right_arithmetic3A_931 : vector<16xi32>
    %gather3A_933 = tpu.vector_load_idx %arg12[%shift_right_arithmetic3A_932] : memref<64xf32, #tpu.memory_space<vmem>>[vector<16xi32>], vector<16xf32>,
    %add3A_934 = arith.addf %add3A_929, %gather3A_933 : vector<16xf32>
    %add3A_935 = arith.constant 15 : i32
    %add3A_936 = vector.broadcast %add3A_935 : i32 to vector<16xi32>
    %add3A_937 = arith.addi %mul3A_53, %add3A_936 : vector<16xi32>
    %gather3A_938 = tpu.vector_load_idx %arg4[%add3A_937] : memref<2560xi32, #tpu.memory_space<vmem>>[vector<16xi32>], vector<16xi32>,
    %and3A_939 = arith.constant 255 : i32
    %and3A_940 = vector.broadcast %and3A_939 : i32 to vector<16xi32>
    %and3A_941 = arith.andi %gather3A_938, %and3A_940 : vector<16xi32>
    %gather3A_942 = tpu.vector_load_idx %arg10[%and3A_941] : memref<64xf32, #tpu.memory_space<vmem>>[vector<16xi32>], vector<16xf32>,
    %add3A_943 = arith.addf %add3A_934, %gather3A_942 : vector<16xf32>
    %shift_right_arithmetic3A_944 = arith.constant 8 : i32
    %shift_right_arithmetic3A_945 = vector.broadcast %shift_right_arithmetic3A_944 : i32 to vector<16xi32>
    %shift_right_arithmetic3A_946 = arith.shrsi %gather3A_938, %shift_right_arithmetic3A_945 : vector<16xi32>
    %and3A_947 = arith.constant 255 : i32
    %and3A_948 = vector.broadcast %and3A_947 : i32 to vector<16xi32>
    %and3A_949 = arith.andi %shift_right_arithmetic3A_946, %and3A_948 : vector<16xi32>
    %gather3A_950 = tpu.vector_load_idx %arg11[%and3A_949] : memref<64xf32, #tpu.memory_space<vmem>>[vector<16xi32>], vector<16xf32>,
    %add3A_951 = arith.addf %add3A_943, %gather3A_950 : vector<16xf32>
    %shift_right_arithmetic3A_952 = arith.constant 16 : i32
    %shift_right_arithmetic3A_953 = vector.broadcast %shift_right_arithmetic3A_952 : i32 to vector<16xi32>
    %shift_right_arithmetic3A_954 = arith.shrsi %gather3A_938, %shift_right_arithmetic3A_953 : vector<16xi32>
    %gather3A_955 = tpu.vector_load_idx %arg12[%shift_right_arithmetic3A_954] : memref<64xf32, #tpu.memory_space<vmem>>[vector<16xi32>], vector<16xf32>,
    %add3A_956 = arith.addf %add3A_951, %gather3A_955 : vector<16xf32>
    %add3A_957 = arith.constant 16 : i32
    %add3A_958 = vector.broadcast %add3A_957 : i32 to vector<16xi32>
    %add3A_959 = arith.addi %mul3A_53, %add3A_958 : vector<16xi32>
    %gather3A_960 = tpu.vector_load_idx %arg4[%add3A_959] : memref<2560xi32, #tpu.memory_space<vmem>>[vector<16xi32>], vector<16xi32>,
    %and3A_961 = arith.constant 255 : i32
    %and3A_962 = vector.broadcast %and3A_961 : i32 to vector<16xi32>
    %and3A_963 = arith.andi %gather3A_960, %and3A_962 : vector<16xi32>
    %gather3A_964 = tpu.vector_load_idx %arg10[%and3A_963] : memref<64xf32, #tpu.memory_space<vmem>>[vector<16xi32>], vector<16xf32>,
    %add3A_965 = arith.addf %add3A_956, %gather3A_964 : vector<16xf32>
    %shift_right_arithmetic3A_966 = arith.constant 8 : i32
    %shift_right_arithmetic3A_967 = vector.broadcast %shift_right_arithmetic3A_966 : i32 to vector<16xi32>
    %shift_right_arithmetic3A_968 = arith.shrsi %gather3A_960, %shift_right_arithmetic3A_967 : vector<16xi32>
    %and3A_969 = arith.constant 255 : i32
    %and3A_970 = vector.broadcast %and3A_969 : i32 to vector<16xi32>
    %and3A_971 = arith.andi %shift_right_arithmetic3A_968, %and3A_970 : vector<16xi32>
    %gather3A_972 = tpu.vector_load_idx %arg11[%and3A_971] : memref<64xf32, #tpu.memory_space<vmem>>[vector<16xi32>], vector<16xf32>,
    %add3A_973 = arith.addf %add3A_965, %gather3A_972 : vector<16xf32>
    %shift_right_arithmetic3A_974 = arith.constant 16 : i32
    %shift_right_arithmetic3A_975 = vector.broadcast %shift_right_arithmetic3A_974 : i32 to vector<16xi32>
    %shift_right_arithmetic3A_976 = arith.shrsi %gather3A_960, %shift_right_arithmetic3A_975 : vector<16xi32>
    %gather3A_977 = tpu.vector_load_idx %arg12[%shift_right_arithmetic3A_976] : memref<64xf32, #tpu.memory_space<vmem>>[vector<16xi32>], vector<16xf32>,
    %add3A_978 = arith.addf %add3A_973, %gather3A_977 : vector<16xf32>
    %add3A_979 = arith.constant 17 : i32
    %add3A_980 = vector.broadcast %add3A_979 : i32 to vector<16xi32>
    %add3A_981 = arith.addi %mul3A_53, %add3A_980 : vector<16xi32>
    %gather3A_982 = tpu.vector_load_idx %arg4[%add3A_981] : memref<2560xi32, #tpu.memory_space<vmem>>[vector<16xi32>], vector<16xi32>,
    %and3A_983 = arith.constant 255 : i32
    %and3A_984 = vector.broadcast %and3A_983 : i32 to vector<16xi32>
    %and3A_985 = arith.andi %gather3A_982, %and3A_984 : vector<16xi32>
    %gather3A_986 = tpu.vector_load_idx %arg10[%and3A_985] : memref<64xf32, #tpu.memory_space<vmem>>[vector<16xi32>], vector<16xf32>,
    %add3A_987 = arith.addf %add3A_978, %gather3A_986 : vector<16xf32>
    %shift_right_arithmetic3A_988 = arith.constant 8 : i32
    %shift_right_arithmetic3A_989 = vector.broadcast %shift_right_arithmetic3A_988 : i32 to vector<16xi32>
    %shift_right_arithmetic3A_990 = arith.shrsi %gather3A_982, %shift_right_arithmetic3A_989 : vector<16xi32>
    %and3A_991 = arith.constant 255 : i32
    %and3A_992 = vector.broadcast %and3A_991 : i32 to vector<16xi32>
    %and3A_993 = arith.andi %shift_right_arithmetic3A_990, %and3A_992 : vector<16xi32>
    %gather3A_994 = tpu.vector_load_idx %arg11[%and3A_993] : memref<64xf32, #tpu.memory_space<vmem>>[vector<16xi32>], vector<16xf32>,
    %add3A_995 = arith.addf %add3A_987, %gather3A_994 : vector<16xf32>
    %shift_right_arithmetic3A_996 = arith.constant 16 : i32
    %shift_right_arithmetic3A_997 = vector.broadcast %shift_right_arithmetic3A_996 : i32 to vector<16xi32>
    %shift_right_arithmetic3A_998 = arith.shrsi %gather3A_982, %shift_right_arithmetic3A_997 : vector<16xi32>
    %gather3A_999 = tpu.vector_load_idx %arg12[%shift_right_arithmetic3A_998] : memref<64xf32, #tpu.memory_space<vmem>>[vector<16xi32>], vector<16xf32>,
    %add3A_1000 = arith.addf %add3A_995, %gather3A_999 : vector<16xf32>
    %add3A_1001 = arith.constant 18 : i32
    %add3A_1002 = vector.broadcast %add3A_1001 : i32 to vector<16xi32>
    %add3A_1003 = arith.addi %mul3A_53, %add3A_1002 : vector<16xi32>
    %gather3A_1004 = tpu.vector_load_idx %arg4[%add3A_1003] : memref<2560xi32, #tpu.memory_space<vmem>>[vector<16xi32>], vector<16xi32>,
    %and3A_1005 = arith.constant 255 : i32
    %and3A_1006 = vector.broadcast %and3A_1005 : i32 to vector<16xi32>
    %and3A_1007 = arith.andi %gather3A_1004, %and3A_1006 : vector<16xi32>
    %gather3A_1008 = tpu.vector_load_idx %arg10[%and3A_1007] : memref<64xf32, #tpu.memory_space<vmem>>[vector<16xi32>], vector<16xf32>,
    %add3A_1009 = arith.addf %add3A_1000, %gather3A_1008 : vector<16xf32>
    %shift_right_arithmetic3A_1010 = arith.constant 8 : i32
    %shift_right_arithmetic3A_1011 = vector.broadcast %shift_right_arithmetic3A_1010 : i32 to vector<16xi32>
    %shift_right_arithmetic3A_1012 = arith.shrsi %gather3A_1004, %shift_right_arithmetic3A_1011 : vector<16xi32>
    %and3A_1013 = arith.constant 255 : i32
    %and3A_1014 = vector.broadcast %and3A_1013 : i32 to vector<16xi32>
    %and3A_1015 = arith.andi %shift_right_arithmetic3A_1012, %and3A_1014 : vector<16xi32>
    %gather3A_1016 = tpu.vector_load_idx %arg11[%and3A_1015] : memref<64xf32, #tpu.memory_space<vmem>>[vector<16xi32>], vector<16xf32>,
    %add3A_1017 = arith.addf %add3A_1009, %gather3A_1016 : vector<16xf32>
    %shift_right_arithmetic3A_1018 = arith.constant 16 : i32
    %shift_right_arithmetic3A_1019 = vector.broadcast %shift_right_arithmetic3A_1018 : i32 to vector<16xi32>
    %shift_right_arithmetic3A_1020 = arith.shrsi %gather3A_1004, %shift_right_arithmetic3A_1019 : vector<16xi32>
    %gather3A_1021 = tpu.vector_load_idx %arg12[%shift_right_arithmetic3A_1020] : memref<64xf32, #tpu.memory_space<vmem>>[vector<16xi32>], vector<16xf32>,
    %add3A_1022 = arith.addf %add3A_1017, %gather3A_1021 : vector<16xf32>
    %add3A_1023 = arith.constant 19 : i32
    %add3A_1024 = vector.broadcast %add3A_1023 : i32 to vector<16xi32>
    %add3A_1025 = arith.addi %mul3A_53, %add3A_1024 : vector<16xi32>
    %gather3A_1026 = tpu.vector_load_idx %arg4[%add3A_1025] : memref<2560xi32, #tpu.memory_space<vmem>>[vector<16xi32>], vector<16xi32>,
    %and3A_1027 = arith.constant 255 : i32
    %and3A_1028 = vector.broadcast %and3A_1027 : i32 to vector<16xi32>
    %and3A_1029 = arith.andi %gather3A_1026, %and3A_1028 : vector<16xi32>
    %gather3A_1030 = tpu.vector_load_idx %arg10[%and3A_1029] : memref<64xf32, #tpu.memory_space<vmem>>[vector<16xi32>], vector<16xf32>,
    %add3A_1031 = arith.addf %add3A_1022, %gather3A_1030 : vector<16xf32>
    %shift_right_arithmetic3A_1032 = arith.constant 8 : i32
    %shift_right_arithmetic3A_1033 = vector.broadcast %shift_right_arithmetic3A_1032 : i32 to vector<16xi32>
    %shift_right_arithmetic3A_1034 = arith.shrsi %gather3A_1026, %shift_right_arithmetic3A_1033 : vector<16xi32>
    %and3A_1035 = arith.constant 255 : i32
    %and3A_1036 = vector.broadcast %and3A_1035 : i32 to vector<16xi32>
    %and3A_1037 = arith.andi %shift_right_arithmetic3A_1034, %and3A_1036 : vector<16xi32>
    %gather3A_1038 = tpu.vector_load_idx %arg11[%and3A_1037] : memref<64xf32, #tpu.memory_space<vmem>>[vector<16xi32>], vector<16xf32>,
    %add3A_1039 = arith.addf %add3A_1031, %gather3A_1038 : vector<16xf32>
    %shift_right_arithmetic3A_1040 = arith.constant 16 : i32
    %shift_right_arithmetic3A_1041 = vector.broadcast %shift_right_arithmetic3A_1040 : i32 to vector<16xi32>
    %shift_right_arithmetic3A_1042 = arith.shrsi %gather3A_1026, %shift_right_arithmetic3A_1041 : vector<16xi32>
    %gather3A_1043 = tpu.vector_load_idx %arg12[%shift_right_arithmetic3A_1042] : memref<64xf32, #tpu.memory_space<vmem>>[vector<16xi32>], vector<16xf32>,
    %add3A_1044 = arith.addf %add3A_1039, %gather3A_1043 : vector<16xf32>
    %swap3A_1045 = arith.constant 0 : index
    %swap3A_1046 = tpu.vector_load %arg13[%swap3A_1045] {strides = array<i32>} : memref<128xf32, #tpu.memory_space<vmem>>, vector<16xf32>,
    tpu.vector_store %arg13[%swap3A_1045], %add3A_1044 {strides = array<i32>} : memref<128xf32, #tpu.memory_space<vmem>>, vector<16xf32>,
    %add3A_1047 = arith.constant 32 : i32
    %add3A_1048 = vector.broadcast %add3A_1047 : i32 to vector<16xi32>
    %add3A_1049 = arith.addi %mul3A_50, %add3A_1048 : vector<16xi32>
    %gather3A_1050 = tpu.vector_load_idx %arg5[%add3A_1049] : memref<256xi32, #tpu.memory_space<vmem>>[vector<16xi32>], vector<16xi32>,
    %bitcast3A_1051 = vector.bitcast %gather3A_1050 : vector<16xi32> to vector<16xf32>
    %add3A_1052 = arith.constant 32 : i32
    %add3A_1053 = vector.broadcast %add3A_1052 : i32 to vector<16xi32>
    %add3A_1054 = arith.addi %mul3A_50, %add3A_1053 : vector<16xi32>
    %add3A_1055 = arith.constant 1 : i32
    %add3A_1056 = vector.broadcast %add3A_1055 : i32 to vector<16xi32>
    %add3A_1057 = arith.addi %add3A_1054, %add3A_1056 : vector<16xi32>
    %gather3A_1058 = tpu.vector_load_idx %arg5[%add3A_1057] : memref<256xi32, #tpu.memory_space<vmem>>[vector<16xi32>], vector<16xi32>,
    %bitcast3A_1059 = vector.bitcast %gather3A_1058 : vector<16xi32> to vector<16xf32>
    %mul3A_1060 = arith.mulf %bitcast3A_1051, %bitcast3A_583 : vector<16xf32>
    %add3A_1061 = arith.addf %bitcast3A_589, %mul3A_1060 : vector<16xf32>
    %mul3A_1062 = arith.mulf %bitcast3A_1059, %bitcast3A_586 : vector<16xf32>
    %add3A_1063 = arith.addf %add3A_1061, %mul3A_1062 : vector<16xf32>
    %add3A_1064 = arith.constant 320 : i32
    %add3A_1065 = vector.broadcast %add3A_1064 : i32 to vector<16xi32>
    %add3A_1066 = arith.addi %mul3A_53, %add3A_1065 : vector<16xi32>
    %gather3A_1067 = tpu.vector_load_idx %arg4[%add3A_1066] : memref<2560xi32, #tpu.memory_space<vmem>>[vector<16xi32>], vector<16xi32>,
    %and3A_1068 = arith.constant 255 : i32
    %and3A_1069 = vector.broadcast %and3A_1068 : i32 to vector<16xi32>
    %and3A_1070 = arith.andi %gather3A_1067, %and3A_1069 : vector<16xi32>
    %gather3A_1071 = tpu.vector_load_idx %arg10[%and3A_1070] : memref<64xf32, #tpu.memory_space<vmem>>[vector<16xi32>], vector<16xf32>,
    %add3A_1072 = arith.addf %add3A_1063, %gather3A_1071 : vector<16xf32>
    %shift_right_arithmetic3A_1073 = arith.constant 8 : i32
    %shift_right_arithmetic3A_1074 = vector.broadcast %shift_right_arithmetic3A_1073 : i32 to vector<16xi32>
    %shift_right_arithmetic3A_1075 = arith.shrsi %gather3A_1067, %shift_right_arithmetic3A_1074 : vector<16xi32>
    %and3A_1076 = arith.constant 255 : i32
    %and3A_1077 = vector.broadcast %and3A_1076 : i32 to vector<16xi32>
    %and3A_1078 = arith.andi %shift_right_arithmetic3A_1075, %and3A_1077 : vector<16xi32>
    %gather3A_1079 = tpu.vector_load_idx %arg11[%and3A_1078] : memref<64xf32, #tpu.memory_space<vmem>>[vector<16xi32>], vector<16xf32>,
    %add3A_1080 = arith.addf %add3A_1072, %gather3A_1079 : vector<16xf32>
    %shift_right_arithmetic3A_1081 = arith.constant 16 : i32
    %shift_right_arithmetic3A_1082 = vector.broadcast %shift_right_arithmetic3A_1081 : i32 to vector<16xi32>
    %shift_right_arithmetic3A_1083 = arith.shrsi %gather3A_1067, %shift_right_arithmetic3A_1082 : vector<16xi32>
    %gather3A_1084 = tpu.vector_load_idx %arg12[%shift_right_arithmetic3A_1083] : memref<64xf32, #tpu.memory_space<vmem>>[vector<16xi32>], vector<16xf32>,
    %add3A_1085 = arith.addf %add3A_1080, %gather3A_1084 : vector<16xf32>
    %add3A_1086 = arith.constant 321 : i32
    %add3A_1087 = vector.broadcast %add3A_1086 : i32 to vector<16xi32>
    %add3A_1088 = arith.addi %mul3A_53, %add3A_1087 : vector<16xi32>
    %gather3A_1089 = tpu.vector_load_idx %arg4[%add3A_1088] : memref<2560xi32, #tpu.memory_space<vmem>>[vector<16xi32>], vector<16xi32>,
    %and3A_1090 = arith.constant 255 : i32
    %and3A_1091 = vector.broadcast %and3A_1090 : i32 to vector<16xi32>
    %and3A_1092 = arith.andi %gather3A_1089, %and3A_1091 : vector<16xi32>
    %gather3A_1093 = tpu.vector_load_idx %arg10[%and3A_1092] : memref<64xf32, #tpu.memory_space<vmem>>[vector<16xi32>], vector<16xf32>,
    %add3A_1094 = arith.addf %add3A_1085, %gather3A_1093 : vector<16xf32>
    %shift_right_arithmetic3A_1095 = arith.constant 8 : i32
    %shift_right_arithmetic3A_1096 = vector.broadcast %shift_right_arithmetic3A_1095 : i32 to vector<16xi32>
    %shift_right_arithmetic3A_1097 = arith.shrsi %gather3A_1089, %shift_right_arithmetic3A_1096 : vector<16xi32>
    %and3A_1098 = arith.constant 255 : i32
    %and3A_1099 = vector.broadcast %and3A_1098 : i32 to vector<16xi32>
    %and3A_1100 = arith.andi %shift_right_arithmetic3A_1097, %and3A_1099 : vector<16xi32>
    %gather3A_1101 = tpu.vector_load_idx %arg11[%and3A_1100] : memref<64xf32, #tpu.memory_space<vmem>>[vector<16xi32>], vector<16xf32>,
    %add3A_1102 = arith.addf %add3A_1094, %gather3A_1101 : vector<16xf32>
    %shift_right_arithmetic3A_1103 = arith.constant 16 : i32
    %shift_right_arithmetic3A_1104 = vector.broadcast %shift_right_arithmetic3A_1103 : i32 to vector<16xi32>
    %shift_right_arithmetic3A_1105 = arith.shrsi %gather3A_1089, %shift_right_arithmetic3A_1104 : vector<16xi32>
    %gather3A_1106 = tpu.vector_load_idx %arg12[%shift_right_arithmetic3A_1105] : memref<64xf32, #tpu.memory_space<vmem>>[vector<16xi32>], vector<16xf32>,
    %add3A_1107 = arith.addf %add3A_1102, %gather3A_1106 : vector<16xf32>
    %add3A_1108 = arith.constant 322 : i32
    %add3A_1109 = vector.broadcast %add3A_1108 : i32 to vector<16xi32>
    %add3A_1110 = arith.addi %mul3A_53, %add3A_1109 : vector<16xi32>
    %gather3A_1111 = tpu.vector_load_idx %arg4[%add3A_1110] : memref<2560xi32, #tpu.memory_space<vmem>>[vector<16xi32>], vector<16xi32>,
    %and3A_1112 = arith.constant 255 : i32
    %and3A_1113 = vector.broadcast %and3A_1112 : i32 to vector<16xi32>
    %and3A_1114 = arith.andi %gather3A_1111, %and3A_1113 : vector<16xi32>
    %gather3A_1115 = tpu.vector_load_idx %arg10[%and3A_1114] : memref<64xf32, #tpu.memory_space<vmem>>[vector<16xi32>], vector<16xf32>,
    %add3A_1116 = arith.addf %add3A_1107, %gather3A_1115 : vector<16xf32>
    %shift_right_arithmetic3A_1117 = arith.constant 8 : i32
    %shift_right_arithmetic3A_1118 = vector.broadcast %shift_right_arithmetic3A_1117 : i32 to vector<16xi32>
    %shift_right_arithmetic3A_1119 = arith.shrsi %gather3A_1111, %shift_right_arithmetic3A_1118 : vector<16xi32>
    %and3A_1120 = arith.constant 255 : i32
    %and3A_1121 = vector.broadcast %and3A_1120 : i32 to vector<16xi32>
    %and3A_1122 = arith.andi %shift_right_arithmetic3A_1119, %and3A_1121 : vector<16xi32>
    %gather3A_1123 = tpu.vector_load_idx %arg11[%and3A_1122] : memref<64xf32, #tpu.memory_space<vmem>>[vector<16xi32>], vector<16xf32>,
    %add3A_1124 = arith.addf %add3A_1116, %gather3A_1123 : vector<16xf32>
    %shift_right_arithmetic3A_1125 = arith.constant 16 : i32
    %shift_right_arithmetic3A_1126 = vector.broadcast %shift_right_arithmetic3A_1125 : i32 to vector<16xi32>
    %shift_right_arithmetic3A_1127 = arith.shrsi %gather3A_1111, %shift_right_arithmetic3A_1126 : vector<16xi32>
    %gather3A_1128 = tpu.vector_load_idx %arg12[%shift_right_arithmetic3A_1127] : memref<64xf32, #tpu.memory_space<vmem>>[vector<16xi32>], vector<16xf32>,
    %add3A_1129 = arith.addf %add3A_1124, %gather3A_1128 : vector<16xf32>
    %add3A_1130 = arith.constant 323 : i32
    %add3A_1131 = vector.broadcast %add3A_1130 : i32 to vector<16xi32>
    %add3A_1132 = arith.addi %mul3A_53, %add3A_1131 : vector<16xi32>
    %gather3A_1133 = tpu.vector_load_idx %arg4[%add3A_1132] : memref<2560xi32, #tpu.memory_space<vmem>>[vector<16xi32>], vector<16xi32>,
    %and3A_1134 = arith.constant 255 : i32
    %and3A_1135 = vector.broadcast %and3A_1134 : i32 to vector<16xi32>
    %and3A_1136 = arith.andi %gather3A_1133, %and3A_1135 : vector<16xi32>
    %gather3A_1137 = tpu.vector_load_idx %arg10[%and3A_1136] : memref<64xf32, #tpu.memory_space<vmem>>[vector<16xi32>], vector<16xf32>,
    %add3A_1138 = arith.addf %add3A_1129, %gather3A_1137 : vector<16xf32>
    %shift_right_arithmetic3A_1139 = arith.constant 8 : i32
    %shift_right_arithmetic3A_1140 = vector.broadcast %shift_right_arithmetic3A_1139 : i32 to vector<16xi32>
    %shift_right_arithmetic3A_1141 = arith.shrsi %gather3A_1133, %shift_right_arithmetic3A_1140 : vector<16xi32>
    %and3A_1142 = arith.constant 255 : i32
    %and3A_1143 = vector.broadcast %and3A_1142 : i32 to vector<16xi32>
    %and3A_1144 = arith.andi %shift_right_arithmetic3A_1141, %and3A_1143 : vector<16xi32>
    %gather3A_1145 = tpu.vector_load_idx %arg11[%and3A_1144] : memref<64xf32, #tpu.memory_space<vmem>>[vector<16xi32>], vector<16xf32>,
    %add3A_1146 = arith.addf %add3A_1138, %gather3A_1145 : vector<16xf32>
    %shift_right_arithmetic3A_1147 = arith.constant 16 : i32
    %shift_right_arithmetic3A_1148 = vector.broadcast %shift_right_arithmetic3A_1147 : i32 to vector<16xi32>
    %shift_right_arithmetic3A_1149 = arith.shrsi %gather3A_1133, %shift_right_arithmetic3A_1148 : vector<16xi32>
    %gather3A_1150 = tpu.vector_load_idx %arg12[%shift_right_arithmetic3A_1149] : memref<64xf32, #tpu.memory_space<vmem>>[vector<16xi32>], vector<16xf32>,
    %add3A_1151 = arith.addf %add3A_1146, %gather3A_1150 : vector<16xf32>
    %add3A_1152 = arith.constant 324 : i32
    %add3A_1153 = vector.broadcast %add3A_1152 : i32 to vector<16xi32>
    %add3A_1154 = arith.addi %mul3A_53, %add3A_1153 : vector<16xi32>
    %gather3A_1155 = tpu.vector_load_idx %arg4[%add3A_1154] : memref<2560xi32, #tpu.memory_space<vmem>>[vector<16xi32>], vector<16xi32>,
    %and3A_1156 = arith.constant 255 : i32
    %and3A_1157 = vector.broadcast %and3A_1156 : i32 to vector<16xi32>
    %and3A_1158 = arith.andi %gather3A_1155, %and3A_1157 : vector<16xi32>
    %gather3A_1159 = tpu.vector_load_idx %arg10[%and3A_1158] : memref<64xf32, #tpu.memory_space<vmem>>[vector<16xi32>], vector<16xf32>,
    %add3A_1160 = arith.addf %add3A_1151, %gather3A_1159 : vector<16xf32>
    %shift_right_arithmetic3A_1161 = arith.constant 8 : i32
    %shift_right_arithmetic3A_1162 = vector.broadcast %shift_right_arithmetic3A_1161 : i32 to vector<16xi32>
    %shift_right_arithmetic3A_1163 = arith.shrsi %gather3A_1155, %shift_right_arithmetic3A_1162 : vector<16xi32>
    %and3A_1164 = arith.constant 255 : i32
    %and3A_1165 = vector.broadcast %and3A_1164 : i32 to vector<16xi32>
    %and3A_1166 = arith.andi %shift_right_arithmetic3A_1163, %and3A_1165 : vector<16xi32>
    %gather3A_1167 = tpu.vector_load_idx %arg11[%and3A_1166] : memref<64xf32, #tpu.memory_space<vmem>>[vector<16xi32>], vector<16xf32>,
    %add3A_1168 = arith.addf %add3A_1160, %gather3A_1167 : vector<16xf32>
    %shift_right_arithmetic3A_1169 = arith.constant 16 : i32
    %shift_right_arithmetic3A_1170 = vector.broadcast %shift_right_arithmetic3A_1169 : i32 to vector<16xi32>
    %shift_right_arithmetic3A_1171 = arith.shrsi %gather3A_1155, %shift_right_arithmetic3A_1170 : vector<16xi32>
    %gather3A_1172 = tpu.vector_load_idx %arg12[%shift_right_arithmetic3A_1171] : memref<64xf32, #tpu.memory_space<vmem>>[vector<16xi32>], vector<16xf32>,
    %add3A_1173 = arith.addf %add3A_1168, %gather3A_1172 : vector<16xf32>
    %add3A_1174 = arith.constant 325 : i32
    %add3A_1175 = vector.broadcast %add3A_1174 : i32 to vector<16xi32>
    %add3A_1176 = arith.addi %mul3A_53, %add3A_1175 : vector<16xi32>
    %gather3A_1177 = tpu.vector_load_idx %arg4[%add3A_1176] : memref<2560xi32, #tpu.memory_space<vmem>>[vector<16xi32>], vector<16xi32>,
    %and3A_1178 = arith.constant 255 : i32
    %and3A_1179 = vector.broadcast %and3A_1178 : i32 to vector<16xi32>
    %and3A_1180 = arith.andi %gather3A_1177, %and3A_1179 : vector<16xi32>
    %gather3A_1181 = tpu.vector_load_idx %arg10[%and3A_1180] : memref<64xf32, #tpu.memory_space<vmem>>[vector<16xi32>], vector<16xf32>,
    %add3A_1182 = arith.addf %add3A_1173, %gather3A_1181 : vector<16xf32>
    %shift_right_arithmetic3A_1183 = arith.constant 8 : i32
    %shift_right_arithmetic3A_1184 = vector.broadcast %shift_right_arithmetic3A_1183 : i32 to vector<16xi32>
    %shift_right_arithmetic3A_1185 = arith.shrsi %gather3A_1177, %shift_right_arithmetic3A_1184 : vector<16xi32>
    %and3A_1186 = arith.constant 255 : i32
    %and3A_1187 = vector.broadcast %and3A_1186 : i32 to vector<16xi32>
    %and3A_1188 = arith.andi %shift_right_arithmetic3A_1185, %and3A_1187 : vector<16xi32>
    %gather3A_1189 = tpu.vector_load_idx %arg11[%and3A_1188] : memref<64xf32, #tpu.memory_space<vmem>>[vector<16xi32>], vector<16xf32>,
    %add3A_1190 = arith.addf %add3A_1182, %gather3A_1189 : vector<16xf32>
    %shift_right_arithmetic3A_1191 = arith.constant 16 : i32
    %shift_right_arithmetic3A_1192 = vector.broadcast %shift_right_arithmetic3A_1191 : i32 to vector<16xi32>
    %shift_right_arithmetic3A_1193 = arith.shrsi %gather3A_1177, %shift_right_arithmetic3A_1192 : vector<16xi32>
    %gather3A_1194 = tpu.vector_load_idx %arg12[%shift_right_arithmetic3A_1193] : memref<64xf32, #tpu.memory_space<vmem>>[vector<16xi32>], vector<16xf32>,
    %add3A_1195 = arith.addf %add3A_1190, %gather3A_1194 : vector<16xf32>
    %add3A_1196 = arith.constant 326 : i32
    %add3A_1197 = vector.broadcast %add3A_1196 : i32 to vector<16xi32>
    %add3A_1198 = arith.addi %mul3A_53, %add3A_1197 : vector<16xi32>
    %gather3A_1199 = tpu.vector_load_idx %arg4[%add3A_1198] : memref<2560xi32, #tpu.memory_space<vmem>>[vector<16xi32>], vector<16xi32>,
    %and3A_1200 = arith.constant 255 : i32
    %and3A_1201 = vector.broadcast %and3A_1200 : i32 to vector<16xi32>
    %and3A_1202 = arith.andi %gather3A_1199, %and3A_1201 : vector<16xi32>
    %gather3A_1203 = tpu.vector_load_idx %arg10[%and3A_1202] : memref<64xf32, #tpu.memory_space<vmem>>[vector<16xi32>], vector<16xf32>,
    %add3A_1204 = arith.addf %add3A_1195, %gather3A_1203 : vector<16xf32>
    %shift_right_arithmetic3A_1205 = arith.constant 8 : i32
    %shift_right_arithmetic3A_1206 = vector.broadcast %shift_right_arithmetic3A_1205 : i32 to vector<16xi32>
    %shift_right_arithmetic3A_1207 = arith.shrsi %gather3A_1199, %shift_right_arithmetic3A_1206 : vector<16xi32>
    %and3A_1208 = arith.constant 255 : i32
    %and3A_1209 = vector.broadcast %and3A_1208 : i32 to vector<16xi32>
    %and3A_1210 = arith.andi %shift_right_arithmetic3A_1207, %and3A_1209 : vector<16xi32>
    %gather3A_1211 = tpu.vector_load_idx %arg11[%and3A_1210] : memref<64xf32, #tpu.memory_space<vmem>>[vector<16xi32>], vector<16xf32>,
    %add3A_1212 = arith.addf %add3A_1204, %gather3A_1211 : vector<16xf32>
    %shift_right_arithmetic3A_1213 = arith.constant 16 : i32
    %shift_right_arithmetic3A_1214 = vector.broadcast %shift_right_arithmetic3A_1213 : i32 to vector<16xi32>
    %shift_right_arithmetic3A_1215 = arith.shrsi %gather3A_1199, %shift_right_arithmetic3A_1214 : vector<16xi32>
    %gather3A_1216 = tpu.vector_load_idx %arg12[%shift_right_arithmetic3A_1215] : memref<64xf32, #tpu.memory_space<vmem>>[vector<16xi32>], vector<16xf32>,
    %add3A_1217 = arith.addf %add3A_1212, %gather3A_1216 : vector<16xf32>
    %add3A_1218 = arith.constant 327 : i32
    %add3A_1219 = vector.broadcast %add3A_1218 : i32 to vector<16xi32>
    %add3A_1220 = arith.addi %mul3A_53, %add3A_1219 : vector<16xi32>
    %gather3A_1221 = tpu.vector_load_idx %arg4[%add3A_1220] : memref<2560xi32, #tpu.memory_space<vmem>>[vector<16xi32>], vector<16xi32>,
    %and3A_1222 = arith.constant 255 : i32
    %and3A_1223 = vector.broadcast %and3A_1222 : i32 to vector<16xi32>
    %and3A_1224 = arith.andi %gather3A_1221, %and3A_1223 : vector<16xi32>
    %gather3A_1225 = tpu.vector_load_idx %arg10[%and3A_1224] : memref<64xf32, #tpu.memory_space<vmem>>[vector<16xi32>], vector<16xf32>,
    %add3A_1226 = arith.addf %add3A_1217, %gather3A_1225 : vector<16xf32>
    %shift_right_arithmetic3A_1227 = arith.constant 8 : i32
    %shift_right_arithmetic3A_1228 = vector.broadcast %shift_right_arithmetic3A_1227 : i32 to vector<16xi32>
    %shift_right_arithmetic3A_1229 = arith.shrsi %gather3A_1221, %shift_right_arithmetic3A_1228 : vector<16xi32>
    %and3A_1230 = arith.constant 255 : i32
    %and3A_1231 = vector.broadcast %and3A_1230 : i32 to vector<16xi32>
    %and3A_1232 = arith.andi %shift_right_arithmetic3A_1229, %and3A_1231 : vector<16xi32>
    %gather3A_1233 = tpu.vector_load_idx %arg11[%and3A_1232] : memref<64xf32, #tpu.memory_space<vmem>>[vector<16xi32>], vector<16xf32>,
    %add3A_1234 = arith.addf %add3A_1226, %gather3A_1233 : vector<16xf32>
    %shift_right_arithmetic3A_1235 = arith.constant 16 : i32
    %shift_right_arithmetic3A_1236 = vector.broadcast %shift_right_arithmetic3A_1235 : i32 to vector<16xi32>
    %shift_right_arithmetic3A_1237 = arith.shrsi %gather3A_1221, %shift_right_arithmetic3A_1236 : vector<16xi32>
    %gather3A_1238 = tpu.vector_load_idx %arg12[%shift_right_arithmetic3A_1237] : memref<64xf32, #tpu.memory_space<vmem>>[vector<16xi32>], vector<16xf32>,
    %add3A_1239 = arith.addf %add3A_1234, %gather3A_1238 : vector<16xf32>
    %add3A_1240 = arith.constant 328 : i32
    %add3A_1241 = vector.broadcast %add3A_1240 : i32 to vector<16xi32>
    %add3A_1242 = arith.addi %mul3A_53, %add3A_1241 : vector<16xi32>
    %gather3A_1243 = tpu.vector_load_idx %arg4[%add3A_1242] : memref<2560xi32, #tpu.memory_space<vmem>>[vector<16xi32>], vector<16xi32>,
    %and3A_1244 = arith.constant 255 : i32
    %and3A_1245 = vector.broadcast %and3A_1244 : i32 to vector<16xi32>
    %and3A_1246 = arith.andi %gather3A_1243, %and3A_1245 : vector<16xi32>
    %gather3A_1247 = tpu.vector_load_idx %arg10[%and3A_1246] : memref<64xf32, #tpu.memory_space<vmem>>[vector<16xi32>], vector<16xf32>,
    %add3A_1248 = arith.addf %add3A_1239, %gather3A_1247 : vector<16xf32>
    %shift_right_arithmetic3A_1249 = arith.constant 8 : i32
    %shift_right_arithmetic3A_1250 = vector.broadcast %shift_right_arithmetic3A_1249 : i32 to vector<16xi32>
    %shift_right_arithmetic3A_1251 = arith.shrsi %gather3A_1243, %shift_right_arithmetic3A_1250 : vector<16xi32>
    %and3A_1252 = arith.constant 255 : i32
    %and3A_1253 = vector.broadcast %and3A_1252 : i32 to vector<16xi32>
    %and3A_1254 = arith.andi %shift_right_arithmetic3A_1251, %and3A_1253 : vector<16xi32>
    %gather3A_1255 = tpu.vector_load_idx %arg11[%and3A_1254] : memref<64xf32, #tpu.memory_space<vmem>>[vector<16xi32>], vector<16xf32>,
    %add3A_1256 = arith.addf %add3A_1248, %gather3A_1255 : vector<16xf32>
    %shift_right_arithmetic3A_1257 = arith.constant 16 : i32
    %shift_right_arithmetic3A_1258 = vector.broadcast %shift_right_arithmetic3A_1257 : i32 to vector<16xi32>
    %shift_right_arithmetic3A_1259 = arith.shrsi %gather3A_1243, %shift_right_arithmetic3A_1258 : vector<16xi32>
    %gather3A_1260 = tpu.vector_load_idx %arg12[%shift_right_arithmetic3A_1259] : memref<64xf32, #tpu.memory_space<vmem>>[vector<16xi32>], vector<16xf32>,
    %add3A_1261 = arith.addf %add3A_1256, %gather3A_1260 : vector<16xf32>
    %add3A_1262 = arith.constant 329 : i32
    %add3A_1263 = vector.broadcast %add3A_1262 : i32 to vector<16xi32>
    %add3A_1264 = arith.addi %mul3A_53, %add3A_1263 : vector<16xi32>
    %gather3A_1265 = tpu.vector_load_idx %arg4[%add3A_1264] : memref<2560xi32, #tpu.memory_space<vmem>>[vector<16xi32>], vector<16xi32>,
    %and3A_1266 = arith.constant 255 : i32
    %and3A_1267 = vector.broadcast %and3A_1266 : i32 to vector<16xi32>
    %and3A_1268 = arith.andi %gather3A_1265, %and3A_1267 : vector<16xi32>
    %gather3A_1269 = tpu.vector_load_idx %arg10[%and3A_1268] : memref<64xf32, #tpu.memory_space<vmem>>[vector<16xi32>], vector<16xf32>,
    %add3A_1270 = arith.addf %add3A_1261, %gather3A_1269 : vector<16xf32>
    %shift_right_arithmetic3A_1271 = arith.constant 8 : i32
    %shift_right_arithmetic3A_1272 = vector.broadcast %shift_right_arithmetic3A_1271 : i32 to vector<16xi32>
    %shift_right_arithmetic3A_1273 = arith.shrsi %gather3A_1265, %shift_right_arithmetic3A_1272 : vector<16xi32>
    %and3A_1274 = arith.constant 255 : i32
    %and3A_1275 = vector.broadcast %and3A_1274 : i32 to vector<16xi32>
    %and3A_1276 = arith.andi %shift_right_arithmetic3A_1273, %and3A_1275 : vector<16xi32>
    %gather3A_1277 = tpu.vector_load_idx %arg11[%and3A_1276] : memref<64xf32, #tpu.memory_space<vmem>>[vector<16xi32>], vector<16xf32>,
    %add3A_1278 = arith.addf %add3A_1270, %gather3A_1277 : vector<16xf32>
    %shift_right_arithmetic3A_1279 = arith.constant 16 : i32
    %shift_right_arithmetic3A_1280 = vector.broadcast %shift_right_arithmetic3A_1279 : i32 to vector<16xi32>
    %shift_right_arithmetic3A_1281 = arith.shrsi %gather3A_1265, %shift_right_arithmetic3A_1280 : vector<16xi32>
    %gather3A_1282 = tpu.vector_load_idx %arg12[%shift_right_arithmetic3A_1281] : memref<64xf32, #tpu.memory_space<vmem>>[vector<16xi32>], vector<16xf32>,
    %add3A_1283 = arith.addf %add3A_1278, %gather3A_1282 : vector<16xf32>
    %add3A_1284 = arith.constant 330 : i32
    %add3A_1285 = vector.broadcast %add3A_1284 : i32 to vector<16xi32>
    %add3A_1286 = arith.addi %mul3A_53, %add3A_1285 : vector<16xi32>
    %gather3A_1287 = tpu.vector_load_idx %arg4[%add3A_1286] : memref<2560xi32, #tpu.memory_space<vmem>>[vector<16xi32>], vector<16xi32>,
    %and3A_1288 = arith.constant 255 : i32
    %and3A_1289 = vector.broadcast %and3A_1288 : i32 to vector<16xi32>
    %and3A_1290 = arith.andi %gather3A_1287, %and3A_1289 : vector<16xi32>
    %gather3A_1291 = tpu.vector_load_idx %arg10[%and3A_1290] : memref<64xf32, #tpu.memory_space<vmem>>[vector<16xi32>], vector<16xf32>,
    %add3A_1292 = arith.addf %add3A_1283, %gather3A_1291 : vector<16xf32>
    %shift_right_arithmetic3A_1293 = arith.constant 8 : i32
    %shift_right_arithmetic3A_1294 = vector.broadcast %shift_right_arithmetic3A_1293 : i32 to vector<16xi32>
    %shift_right_arithmetic3A_1295 = arith.shrsi %gather3A_1287, %shift_right_arithmetic3A_1294 : vector<16xi32>
    %and3A_1296 = arith.constant 255 : i32
    %and3A_1297 = vector.broadcast %and3A_1296 : i32 to vector<16xi32>
    %and3A_1298 = arith.andi %shift_right_arithmetic3A_1295, %and3A_1297 : vector<16xi32>
    %gather3A_1299 = tpu.vector_load_idx %arg11[%and3A_1298] : memref<64xf32, #tpu.memory_space<vmem>>[vector<16xi32>], vector<16xf32>,
    %add3A_1300 = arith.addf %add3A_1292, %gather3A_1299 : vector<16xf32>
    %shift_right_arithmetic3A_1301 = arith.constant 16 : i32
    %shift_right_arithmetic3A_1302 = vector.broadcast %shift_right_arithmetic3A_1301 : i32 to vector<16xi32>
    %shift_right_arithmetic3A_1303 = arith.shrsi %gather3A_1287, %shift_right_arithmetic3A_1302 : vector<16xi32>
    %gather3A_1304 = tpu.vector_load_idx %arg12[%shift_right_arithmetic3A_1303] : memref<64xf32, #tpu.memory_space<vmem>>[vector<16xi32>], vector<16xf32>,
    %add3A_1305 = arith.addf %add3A_1300, %gather3A_1304 : vector<16xf32>
    %add3A_1306 = arith.constant 331 : i32
    %add3A_1307 = vector.broadcast %add3A_1306 : i32 to vector<16xi32>
    %add3A_1308 = arith.addi %mul3A_53, %add3A_1307 : vector<16xi32>
    %gather3A_1309 = tpu.vector_load_idx %arg4[%add3A_1308] : memref<2560xi32, #tpu.memory_space<vmem>>[vector<16xi32>], vector<16xi32>,
    %and3A_1310 = arith.constant 255 : i32
    %and3A_1311 = vector.broadcast %and3A_1310 : i32 to vector<16xi32>
    %and3A_1312 = arith.andi %gather3A_1309, %and3A_1311 : vector<16xi32>
    %gather3A_1313 = tpu.vector_load_idx %arg10[%and3A_1312] : memref<64xf32, #tpu.memory_space<vmem>>[vector<16xi32>], vector<16xf32>,
    %add3A_1314 = arith.addf %add3A_1305, %gather3A_1313 : vector<16xf32>
    %shift_right_arithmetic3A_1315 = arith.constant 8 : i32
    %shift_right_arithmetic3A_1316 = vector.broadcast %shift_right_arithmetic3A_1315 : i32 to vector<16xi32>
    %shift_right_arithmetic3A_1317 = arith.shrsi %gather3A_1309, %shift_right_arithmetic3A_1316 : vector<16xi32>
    %and3A_1318 = arith.constant 255 : i32
    %and3A_1319 = vector.broadcast %and3A_1318 : i32 to vector<16xi32>
    %and3A_1320 = arith.andi %shift_right_arithmetic3A_1317, %and3A_1319 : vector<16xi32>
    %gather3A_1321 = tpu.vector_load_idx %arg11[%and3A_1320] : memref<64xf32, #tpu.memory_space<vmem>>[vector<16xi32>], vector<16xf32>,
    %add3A_1322 = arith.addf %add3A_1314, %gather3A_1321 : vector<16xf32>
    %shift_right_arithmetic3A_1323 = arith.constant 16 : i32
    %shift_right_arithmetic3A_1324 = vector.broadcast %shift_right_arithmetic3A_1323 : i32 to vector<16xi32>
    %shift_right_arithmetic3A_1325 = arith.shrsi %gather3A_1309, %shift_right_arithmetic3A_1324 : vector<16xi32>
    %gather3A_1326 = tpu.vector_load_idx %arg12[%shift_right_arithmetic3A_1325] : memref<64xf32, #tpu.memory_space<vmem>>[vector<16xi32>], vector<16xf32>,
    %add3A_1327 = arith.addf %add3A_1322, %gather3A_1326 : vector<16xf32>
    %add3A_1328 = arith.constant 332 : i32
    %add3A_1329 = vector.broadcast %add3A_1328 : i32 to vector<16xi32>
    %add3A_1330 = arith.addi %mul3A_53, %add3A_1329 : vector<16xi32>
    %gather3A_1331 = tpu.vector_load_idx %arg4[%add3A_1330] : memref<2560xi32, #tpu.memory_space<vmem>>[vector<16xi32>], vector<16xi32>,
    %and3A_1332 = arith.constant 255 : i32
    %and3A_1333 = vector.broadcast %and3A_1332 : i32 to vector<16xi32>
    %and3A_1334 = arith.andi %gather3A_1331, %and3A_1333 : vector<16xi32>
    %gather3A_1335 = tpu.vector_load_idx %arg10[%and3A_1334] : memref<64xf32, #tpu.memory_space<vmem>>[vector<16xi32>], vector<16xf32>,
    %add3A_1336 = arith.addf %add3A_1327, %gather3A_1335 : vector<16xf32>
    %shift_right_arithmetic3A_1337 = arith.constant 8 : i32
    %shift_right_arithmetic3A_1338 = vector.broadcast %shift_right_arithmetic3A_1337 : i32 to vector<16xi32>
    %shift_right_arithmetic3A_1339 = arith.shrsi %gather3A_1331, %shift_right_arithmetic3A_1338 : vector<16xi32>
    %and3A_1340 = arith.constant 255 : i32
    %and3A_1341 = vector.broadcast %and3A_1340 : i32 to vector<16xi32>
    %and3A_1342 = arith.andi %shift_right_arithmetic3A_1339, %and3A_1341 : vector<16xi32>
    %gather3A_1343 = tpu.vector_load_idx %arg11[%and3A_1342] : memref<64xf32, #tpu.memory_space<vmem>>[vector<16xi32>], vector<16xf32>,
    %add3A_1344 = arith.addf %add3A_1336, %gather3A_1343 : vector<16xf32>
    %shift_right_arithmetic3A_1345 = arith.constant 16 : i32
    %shift_right_arithmetic3A_1346 = vector.broadcast %shift_right_arithmetic3A_1345 : i32 to vector<16xi32>
    %shift_right_arithmetic3A_1347 = arith.shrsi %gather3A_1331, %shift_right_arithmetic3A_1346 : vector<16xi32>
    %gather3A_1348 = tpu.vector_load_idx %arg12[%shift_right_arithmetic3A_1347] : memref<64xf32, #tpu.memory_space<vmem>>[vector<16xi32>], vector<16xf32>,
    %add3A_1349 = arith.addf %add3A_1344, %gather3A_1348 : vector<16xf32>
    %add3A_1350 = arith.constant 333 : i32
    %add3A_1351 = vector.broadcast %add3A_1350 : i32 to vector<16xi32>
    %add3A_1352 = arith.addi %mul3A_53, %add3A_1351 : vector<16xi32>
    %gather3A_1353 = tpu.vector_load_idx %arg4[%add3A_1352] : memref<2560xi32, #tpu.memory_space<vmem>>[vector<16xi32>], vector<16xi32>,
    %and3A_1354 = arith.constant 255 : i32
    %and3A_1355 = vector.broadcast %and3A_1354 : i32 to vector<16xi32>
    %and3A_1356 = arith.andi %gather3A_1353, %and3A_1355 : vector<16xi32>
    %gather3A_1357 = tpu.vector_load_idx %arg10[%and3A_1356] : memref<64xf32, #tpu.memory_space<vmem>>[vector<16xi32>], vector<16xf32>,
    %add3A_1358 = arith.addf %add3A_1349, %gather3A_1357 : vector<16xf32>
    %shift_right_arithmetic3A_1359 = arith.constant 8 : i32
    %shift_right_arithmetic3A_1360 = vector.broadcast %shift_right_arithmetic3A_1359 : i32 to vector<16xi32>
    %shift_right_arithmetic3A_1361 = arith.shrsi %gather3A_1353, %shift_right_arithmetic3A_1360 : vector<16xi32>
    %and3A_1362 = arith.constant 255 : i32
    %and3A_1363 = vector.broadcast %and3A_1362 : i32 to vector<16xi32>
    %and3A_1364 = arith.andi %shift_right_arithmetic3A_1361, %and3A_1363 : vector<16xi32>
    %gather3A_1365 = tpu.vector_load_idx %arg11[%and3A_1364] : memref<64xf32, #tpu.memory_space<vmem>>[vector<16xi32>], vector<16xf32>,
    %add3A_1366 = arith.addf %add3A_1358, %gather3A_1365 : vector<16xf32>
    %shift_right_arithmetic3A_1367 = arith.constant 16 : i32
    %shift_right_arithmetic3A_1368 = vector.broadcast %shift_right_arithmetic3A_1367 : i32 to vector<16xi32>
    %shift_right_arithmetic3A_1369 = arith.shrsi %gather3A_1353, %shift_right_arithmetic3A_1368 : vector<16xi32>
    %gather3A_1370 = tpu.vector_load_idx %arg12[%shift_right_arithmetic3A_1369] : memref<64xf32, #tpu.memory_space<vmem>>[vector<16xi32>], vector<16xf32>,
    %add3A_1371 = arith.addf %add3A_1366, %gather3A_1370 : vector<16xf32>
    %add3A_1372 = arith.constant 334 : i32
    %add3A_1373 = vector.broadcast %add3A_1372 : i32 to vector<16xi32>
    %add3A_1374 = arith.addi %mul3A_53, %add3A_1373 : vector<16xi32>
    %gather3A_1375 = tpu.vector_load_idx %arg4[%add3A_1374] : memref<2560xi32, #tpu.memory_space<vmem>>[vector<16xi32>], vector<16xi32>,
    %and3A_1376 = arith.constant 255 : i32
    %and3A_1377 = vector.broadcast %and3A_1376 : i32 to vector<16xi32>
    %and3A_1378 = arith.andi %gather3A_1375, %and3A_1377 : vector<16xi32>
    %gather3A_1379 = tpu.vector_load_idx %arg10[%and3A_1378] : memref<64xf32, #tpu.memory_space<vmem>>[vector<16xi32>], vector<16xf32>,
    %add3A_1380 = arith.addf %add3A_1371, %gather3A_1379 : vector<16xf32>
    %shift_right_arithmetic3A_1381 = arith.constant 8 : i32
    %shift_right_arithmetic3A_1382 = vector.broadcast %shift_right_arithmetic3A_1381 : i32 to vector<16xi32>
    %shift_right_arithmetic3A_1383 = arith.shrsi %gather3A_1375, %shift_right_arithmetic3A_1382 : vector<16xi32>
    %and3A_1384 = arith.constant 255 : i32
    %and3A_1385 = vector.broadcast %and3A_1384 : i32 to vector<16xi32>
    %and3A_1386 = arith.andi %shift_right_arithmetic3A_1383, %and3A_1385 : vector<16xi32>
    %gather3A_1387 = tpu.vector_load_idx %arg11[%and3A_1386] : memref<64xf32, #tpu.memory_space<vmem>>[vector<16xi32>], vector<16xf32>,
    %add3A_1388 = arith.addf %add3A_1380, %gather3A_1387 : vector<16xf32>
    %shift_right_arithmetic3A_1389 = arith.constant 16 : i32
    %shift_right_arithmetic3A_1390 = vector.broadcast %shift_right_arithmetic3A_1389 : i32 to vector<16xi32>
    %shift_right_arithmetic3A_1391 = arith.shrsi %gather3A_1375, %shift_right_arithmetic3A_1390 : vector<16xi32>
    %gather3A_1392 = tpu.vector_load_idx %arg12[%shift_right_arithmetic3A_1391] : memref<64xf32, #tpu.memory_space<vmem>>[vector<16xi32>], vector<16xf32>,
    %add3A_1393 = arith.addf %add3A_1388, %gather3A_1392 : vector<16xf32>
    %add3A_1394 = arith.constant 335 : i32
    %add3A_1395 = vector.broadcast %add3A_1394 : i32 to vector<16xi32>
    %add3A_1396 = arith.addi %mul3A_53, %add3A_1395 : vector<16xi32>
    %gather3A_1397 = tpu.vector_load_idx %arg4[%add3A_1396] : memref<2560xi32, #tpu.memory_space<vmem>>[vector<16xi32>], vector<16xi32>,
    %and3A_1398 = arith.constant 255 : i32
    %and3A_1399 = vector.broadcast %and3A_1398 : i32 to vector<16xi32>
    %and3A_1400 = arith.andi %gather3A_1397, %and3A_1399 : vector<16xi32>
    %gather3A_1401 = tpu.vector_load_idx %arg10[%and3A_1400] : memref<64xf32, #tpu.memory_space<vmem>>[vector<16xi32>], vector<16xf32>,
    %add3A_1402 = arith.addf %add3A_1393, %gather3A_1401 : vector<16xf32>
    %shift_right_arithmetic3A_1403 = arith.constant 8 : i32
    %shift_right_arithmetic3A_1404 = vector.broadcast %shift_right_arithmetic3A_1403 : i32 to vector<16xi32>
    %shift_right_arithmetic3A_1405 = arith.shrsi %gather3A_1397, %shift_right_arithmetic3A_1404 : vector<16xi32>
    %and3A_1406 = arith.constant 255 : i32
    %and3A_1407 = vector.broadcast %and3A_1406 : i32 to vector<16xi32>
    %and3A_1408 = arith.andi %shift_right_arithmetic3A_1405, %and3A_1407 : vector<16xi32>
    %gather3A_1409 = tpu.vector_load_idx %arg11[%and3A_1408] : memref<64xf32, #tpu.memory_space<vmem>>[vector<16xi32>], vector<16xf32>,
    %add3A_1410 = arith.addf %add3A_1402, %gather3A_1409 : vector<16xf32>
    %shift_right_arithmetic3A_1411 = arith.constant 16 : i32
    %shift_right_arithmetic3A_1412 = vector.broadcast %shift_right_arithmetic3A_1411 : i32 to vector<16xi32>
    %shift_right_arithmetic3A_1413 = arith.shrsi %gather3A_1397, %shift_right_arithmetic3A_1412 : vector<16xi32>
    %gather3A_1414 = tpu.vector_load_idx %arg12[%shift_right_arithmetic3A_1413] : memref<64xf32, #tpu.memory_space<vmem>>[vector<16xi32>], vector<16xf32>,
    %add3A_1415 = arith.addf %add3A_1410, %gather3A_1414 : vector<16xf32>
    %add3A_1416 = arith.constant 336 : i32
    %add3A_1417 = vector.broadcast %add3A_1416 : i32 to vector<16xi32>
    %add3A_1418 = arith.addi %mul3A_53, %add3A_1417 : vector<16xi32>
    %gather3A_1419 = tpu.vector_load_idx %arg4[%add3A_1418] : memref<2560xi32, #tpu.memory_space<vmem>>[vector<16xi32>], vector<16xi32>,
    %and3A_1420 = arith.constant 255 : i32
    %and3A_1421 = vector.broadcast %and3A_1420 : i32 to vector<16xi32>
    %and3A_1422 = arith.andi %gather3A_1419, %and3A_1421 : vector<16xi32>
    %gather3A_1423 = tpu.vector_load_idx %arg10[%and3A_1422] : memref<64xf32, #tpu.memory_space<vmem>>[vector<16xi32>], vector<16xf32>,
    %add3A_1424 = arith.addf %add3A_1415, %gather3A_1423 : vector<16xf32>
    %shift_right_arithmetic3A_1425 = arith.constant 8 : i32
    %shift_right_arithmetic3A_1426 = vector.broadcast %shift_right_arithmetic3A_1425 : i32 to vector<16xi32>
    %shift_right_arithmetic3A_1427 = arith.shrsi %gather3A_1419, %shift_right_arithmetic3A_1426 : vector<16xi32>
    %and3A_1428 = arith.constant 255 : i32
    %and3A_1429 = vector.broadcast %and3A_1428 : i32 to vector<16xi32>
    %and3A_1430 = arith.andi %shift_right_arithmetic3A_1427, %and3A_1429 : vector<16xi32>
    %gather3A_1431 = tpu.vector_load_idx %arg11[%and3A_1430] : memref<64xf32, #tpu.memory_space<vmem>>[vector<16xi32>], vector<16xf32>,
    %add3A_1432 = arith.addf %add3A_1424, %gather3A_1431 : vector<16xf32>
    %shift_right_arithmetic3A_1433 = arith.constant 16 : i32
    %shift_right_arithmetic3A_1434 = vector.broadcast %shift_right_arithmetic3A_1433 : i32 to vector<16xi32>
    %shift_right_arithmetic3A_1435 = arith.shrsi %gather3A_1419, %shift_right_arithmetic3A_1434 : vector<16xi32>
    %gather3A_1436 = tpu.vector_load_idx %arg12[%shift_right_arithmetic3A_1435] : memref<64xf32, #tpu.memory_space<vmem>>[vector<16xi32>], vector<16xf32>,
    %add3A_1437 = arith.addf %add3A_1432, %gather3A_1436 : vector<16xf32>
    %add3A_1438 = arith.constant 337 : i32
    %add3A_1439 = vector.broadcast %add3A_1438 : i32 to vector<16xi32>
    %add3A_1440 = arith.addi %mul3A_53, %add3A_1439 : vector<16xi32>
    %gather3A_1441 = tpu.vector_load_idx %arg4[%add3A_1440] : memref<2560xi32, #tpu.memory_space<vmem>>[vector<16xi32>], vector<16xi32>,
    %and3A_1442 = arith.constant 255 : i32
    %and3A_1443 = vector.broadcast %and3A_1442 : i32 to vector<16xi32>
    %and3A_1444 = arith.andi %gather3A_1441, %and3A_1443 : vector<16xi32>
    %gather3A_1445 = tpu.vector_load_idx %arg10[%and3A_1444] : memref<64xf32, #tpu.memory_space<vmem>>[vector<16xi32>], vector<16xf32>,
    %add3A_1446 = arith.addf %add3A_1437, %gather3A_1445 : vector<16xf32>
    %shift_right_arithmetic3A_1447 = arith.constant 8 : i32
    %shift_right_arithmetic3A_1448 = vector.broadcast %shift_right_arithmetic3A_1447 : i32 to vector<16xi32>
    %shift_right_arithmetic3A_1449 = arith.shrsi %gather3A_1441, %shift_right_arithmetic3A_1448 : vector<16xi32>
    %and3A_1450 = arith.constant 255 : i32
    %and3A_1451 = vector.broadcast %and3A_1450 : i32 to vector<16xi32>
    %and3A_1452 = arith.andi %shift_right_arithmetic3A_1449, %and3A_1451 : vector<16xi32>
    %gather3A_1453 = tpu.vector_load_idx %arg11[%and3A_1452] : memref<64xf32, #tpu.memory_space<vmem>>[vector<16xi32>], vector<16xf32>,
    %add3A_1454 = arith.addf %add3A_1446, %gather3A_1453 : vector<16xf32>
    %shift_right_arithmetic3A_1455 = arith.constant 16 : i32
    %shift_right_arithmetic3A_1456 = vector.broadcast %shift_right_arithmetic3A_1455 : i32 to vector<16xi32>
    %shift_right_arithmetic3A_1457 = arith.shrsi %gather3A_1441, %shift_right_arithmetic3A_1456 : vector<16xi32>
    %gather3A_1458 = tpu.vector_load_idx %arg12[%shift_right_arithmetic3A_1457] : memref<64xf32, #tpu.memory_space<vmem>>[vector<16xi32>], vector<16xf32>,
    %add3A_1459 = arith.addf %add3A_1454, %gather3A_1458 : vector<16xf32>
    %add3A_1460 = arith.constant 338 : i32
    %add3A_1461 = vector.broadcast %add3A_1460 : i32 to vector<16xi32>
    %add3A_1462 = arith.addi %mul3A_53, %add3A_1461 : vector<16xi32>
    %gather3A_1463 = tpu.vector_load_idx %arg4[%add3A_1462] : memref<2560xi32, #tpu.memory_space<vmem>>[vector<16xi32>], vector<16xi32>,
    %and3A_1464 = arith.constant 255 : i32
    %and3A_1465 = vector.broadcast %and3A_1464 : i32 to vector<16xi32>
    %and3A_1466 = arith.andi %gather3A_1463, %and3A_1465 : vector<16xi32>
    %gather3A_1467 = tpu.vector_load_idx %arg10[%and3A_1466] : memref<64xf32, #tpu.memory_space<vmem>>[vector<16xi32>], vector<16xf32>,
    %add3A_1468 = arith.addf %add3A_1459, %gather3A_1467 : vector<16xf32>
    %shift_right_arithmetic3A_1469 = arith.constant 8 : i32
    %shift_right_arithmetic3A_1470 = vector.broadcast %shift_right_arithmetic3A_1469 : i32 to vector<16xi32>
    %shift_right_arithmetic3A_1471 = arith.shrsi %gather3A_1463, %shift_right_arithmetic3A_1470 : vector<16xi32>
    %and3A_1472 = arith.constant 255 : i32
    %and3A_1473 = vector.broadcast %and3A_1472 : i32 to vector<16xi32>
    %and3A_1474 = arith.andi %shift_right_arithmetic3A_1471, %and3A_1473 : vector<16xi32>
    %gather3A_1475 = tpu.vector_load_idx %arg11[%and3A_1474] : memref<64xf32, #tpu.memory_space<vmem>>[vector<16xi32>], vector<16xf32>,
    %add3A_1476 = arith.addf %add3A_1468, %gather3A_1475 : vector<16xf32>
    %shift_right_arithmetic3A_1477 = arith.constant 16 : i32
    %shift_right_arithmetic3A_1478 = vector.broadcast %shift_right_arithmetic3A_1477 : i32 to vector<16xi32>
    %shift_right_arithmetic3A_1479 = arith.shrsi %gather3A_1463, %shift_right_arithmetic3A_1478 : vector<16xi32>
    %gather3A_1480 = tpu.vector_load_idx %arg12[%shift_right_arithmetic3A_1479] : memref<64xf32, #tpu.memory_space<vmem>>[vector<16xi32>], vector<16xf32>,
    %add3A_1481 = arith.addf %add3A_1476, %gather3A_1480 : vector<16xf32>
    %add3A_1482 = arith.constant 339 : i32
    %add3A_1483 = vector.broadcast %add3A_1482 : i32 to vector<16xi32>
    %add3A_1484 = arith.addi %mul3A_53, %add3A_1483 : vector<16xi32>
    %gather3A_1485 = tpu.vector_load_idx %arg4[%add3A_1484] : memref<2560xi32, #tpu.memory_space<vmem>>[vector<16xi32>], vector<16xi32>,
    %and3A_1486 = arith.constant 255 : i32
    %and3A_1487 = vector.broadcast %and3A_1486 : i32 to vector<16xi32>
    %and3A_1488 = arith.andi %gather3A_1485, %and3A_1487 : vector<16xi32>
    %gather3A_1489 = tpu.vector_load_idx %arg10[%and3A_1488] : memref<64xf32, #tpu.memory_space<vmem>>[vector<16xi32>], vector<16xf32>,
    %add3A_1490 = arith.addf %add3A_1481, %gather3A_1489 : vector<16xf32>
    %shift_right_arithmetic3A_1491 = arith.constant 8 : i32
    %shift_right_arithmetic3A_1492 = vector.broadcast %shift_right_arithmetic3A_1491 : i32 to vector<16xi32>
    %shift_right_arithmetic3A_1493 = arith.shrsi %gather3A_1485, %shift_right_arithmetic3A_1492 : vector<16xi32>
    %and3A_1494 = arith.constant 255 : i32
    %and3A_1495 = vector.broadcast %and3A_1494 : i32 to vector<16xi32>
    %and3A_1496 = arith.andi %shift_right_arithmetic3A_1493, %and3A_1495 : vector<16xi32>
    %gather3A_1497 = tpu.vector_load_idx %arg11[%and3A_1496] : memref<64xf32, #tpu.memory_space<vmem>>[vector<16xi32>], vector<16xf32>,
    %add3A_1498 = arith.addf %add3A_1490, %gather3A_1497 : vector<16xf32>
    %shift_right_arithmetic3A_1499 = arith.constant 16 : i32
    %shift_right_arithmetic3A_1500 = vector.broadcast %shift_right_arithmetic3A_1499 : i32 to vector<16xi32>
    %shift_right_arithmetic3A_1501 = arith.shrsi %gather3A_1485, %shift_right_arithmetic3A_1500 : vector<16xi32>
    %gather3A_1502 = tpu.vector_load_idx %arg12[%shift_right_arithmetic3A_1501] : memref<64xf32, #tpu.memory_space<vmem>>[vector<16xi32>], vector<16xf32>,
    %add3A_1503 = arith.addf %add3A_1498, %gather3A_1502 : vector<16xf32>
    %swap3A_1504 = arith.constant 16 : index
    %swap3A_1505 = tpu.vector_load %arg13[%swap3A_1504] {strides = array<i32>} : memref<128xf32, #tpu.memory_space<vmem>>, vector<16xf32>,
    tpu.vector_store %arg13[%swap3A_1504], %add3A_1503 {strides = array<i32>} : memref<128xf32, #tpu.memory_space<vmem>>, vector<16xf32>,
    %add3A_1506 = arith.constant 64 : i32
    %add3A_1507 = vector.broadcast %add3A_1506 : i32 to vector<16xi32>
    %add3A_1508 = arith.addi %mul3A_50, %add3A_1507 : vector<16xi32>
    %gather3A_1509 = tpu.vector_load_idx %arg5[%add3A_1508] : memref<256xi32, #tpu.memory_space<vmem>>[vector<16xi32>], vector<16xi32>,
    %bitcast3A_1510 = vector.bitcast %gather3A_1509 : vector<16xi32> to vector<16xf32>
    %add3A_1511 = arith.constant 64 : i32
    %add3A_1512 = vector.broadcast %add3A_1511 : i32 to vector<16xi32>
    %add3A_1513 = arith.addi %mul3A_50, %add3A_1512 : vector<16xi32>
    %add3A_1514 = arith.constant 1 : i32
    %add3A_1515 = vector.broadcast %add3A_1514 : i32 to vector<16xi32>
    %add3A_1516 = arith.addi %add3A_1513, %add3A_1515 : vector<16xi32>
    %gather3A_1517 = tpu.vector_load_idx %arg5[%add3A_1516] : memref<256xi32, #tpu.memory_space<vmem>>[vector<16xi32>], vector<16xi32>,
    %bitcast3A_1518 = vector.bitcast %gather3A_1517 : vector<16xi32> to vector<16xf32>
    %mul3A_1519 = arith.mulf %bitcast3A_1510, %bitcast3A_583 : vector<16xf32>
    %add3A_1520 = arith.addf %bitcast3A_589, %mul3A_1519 : vector<16xf32>
    %mul3A_1521 = arith.mulf %bitcast3A_1518, %bitcast3A_586 : vector<16xf32>
    %add3A_1522 = arith.addf %add3A_1520, %mul3A_1521 : vector<16xf32>
    %add3A_1523 = arith.constant 640 : i32
    %add3A_1524 = vector.broadcast %add3A_1523 : i32 to vector<16xi32>
    %add3A_1525 = arith.addi %mul3A_53, %add3A_1524 : vector<16xi32>
    %gather3A_1526 = tpu.vector_load_idx %arg4[%add3A_1525] : memref<2560xi32, #tpu.memory_space<vmem>>[vector<16xi32>], vector<16xi32>,
    %and3A_1527 = arith.constant 255 : i32
    %and3A_1528 = vector.broadcast %and3A_1527 : i32 to vector<16xi32>
    %and3A_1529 = arith.andi %gather3A_1526, %and3A_1528 : vector<16xi32>
    %gather3A_1530 = tpu.vector_load_idx %arg10[%and3A_1529] : memref<64xf32, #tpu.memory_space<vmem>>[vector<16xi32>], vector<16xf32>,
    %add3A_1531 = arith.addf %add3A_1522, %gather3A_1530 : vector<16xf32>
    %shift_right_arithmetic3A_1532 = arith.constant 8 : i32
    %shift_right_arithmetic3A_1533 = vector.broadcast %shift_right_arithmetic3A_1532 : i32 to vector<16xi32>
    %shift_right_arithmetic3A_1534 = arith.shrsi %gather3A_1526, %shift_right_arithmetic3A_1533 : vector<16xi32>
    %and3A_1535 = arith.constant 255 : i32
    %and3A_1536 = vector.broadcast %and3A_1535 : i32 to vector<16xi32>
    %and3A_1537 = arith.andi %shift_right_arithmetic3A_1534, %and3A_1536 : vector<16xi32>
    %gather3A_1538 = tpu.vector_load_idx %arg11[%and3A_1537] : memref<64xf32, #tpu.memory_space<vmem>>[vector<16xi32>], vector<16xf32>,
    %add3A_1539 = arith.addf %add3A_1531, %gather3A_1538 : vector<16xf32>
    %shift_right_arithmetic3A_1540 = arith.constant 16 : i32
    %shift_right_arithmetic3A_1541 = vector.broadcast %shift_right_arithmetic3A_1540 : i32 to vector<16xi32>
    %shift_right_arithmetic3A_1542 = arith.shrsi %gather3A_1526, %shift_right_arithmetic3A_1541 : vector<16xi32>
    %gather3A_1543 = tpu.vector_load_idx %arg12[%shift_right_arithmetic3A_1542] : memref<64xf32, #tpu.memory_space<vmem>>[vector<16xi32>], vector<16xf32>,
    %add3A_1544 = arith.addf %add3A_1539, %gather3A_1543 : vector<16xf32>
    %add3A_1545 = arith.constant 641 : i32
    %add3A_1546 = vector.broadcast %add3A_1545 : i32 to vector<16xi32>
    %add3A_1547 = arith.addi %mul3A_53, %add3A_1546 : vector<16xi32>
    %gather3A_1548 = tpu.vector_load_idx %arg4[%add3A_1547] : memref<2560xi32, #tpu.memory_space<vmem>>[vector<16xi32>], vector<16xi32>,
    %and3A_1549 = arith.constant 255 : i32
    %and3A_1550 = vector.broadcast %and3A_1549 : i32 to vector<16xi32>
    %and3A_1551 = arith.andi %gather3A_1548, %and3A_1550 : vector<16xi32>
    %gather3A_1552 = tpu.vector_load_idx %arg10[%and3A_1551] : memref<64xf32, #tpu.memory_space<vmem>>[vector<16xi32>], vector<16xf32>,
    %add3A_1553 = arith.addf %add3A_1544, %gather3A_1552 : vector<16xf32>
    %shift_right_arithmetic3A_1554 = arith.constant 8 : i32
    %shift_right_arithmetic3A_1555 = vector.broadcast %shift_right_arithmetic3A_1554 : i32 to vector<16xi32>
    %shift_right_arithmetic3A_1556 = arith.shrsi %gather3A_1548, %shift_right_arithmetic3A_1555 : vector<16xi32>
    %and3A_1557 = arith.constant 255 : i32
    %and3A_1558 = vector.broadcast %and3A_1557 : i32 to vector<16xi32>
    %and3A_1559 = arith.andi %shift_right_arithmetic3A_1556, %and3A_1558 : vector<16xi32>
    %gather3A_1560 = tpu.vector_load_idx %arg11[%and3A_1559] : memref<64xf32, #tpu.memory_space<vmem>>[vector<16xi32>], vector<16xf32>,
    %add3A_1561 = arith.addf %add3A_1553, %gather3A_1560 : vector<16xf32>
    %shift_right_arithmetic3A_1562 = arith.constant 16 : i32
    %shift_right_arithmetic3A_1563 = vector.broadcast %shift_right_arithmetic3A_1562 : i32 to vector<16xi32>
    %shift_right_arithmetic3A_1564 = arith.shrsi %gather3A_1548, %shift_right_arithmetic3A_1563 : vector<16xi32>
    %gather3A_1565 = tpu.vector_load_idx %arg12[%shift_right_arithmetic3A_1564] : memref<64xf32, #tpu.memory_space<vmem>>[vector<16xi32>], vector<16xf32>,
    %add3A_1566 = arith.addf %add3A_1561, %gather3A_1565 : vector<16xf32>
    %add3A_1567 = arith.constant 642 : i32
    %add3A_1568 = vector.broadcast %add3A_1567 : i32 to vector<16xi32>
    %add3A_1569 = arith.addi %mul3A_53, %add3A_1568 : vector<16xi32>
    %gather3A_1570 = tpu.vector_load_idx %arg4[%add3A_1569] : memref<2560xi32, #tpu.memory_space<vmem>>[vector<16xi32>], vector<16xi32>,
    %and3A_1571 = arith.constant 255 : i32
    %and3A_1572 = vector.broadcast %and3A_1571 : i32 to vector<16xi32>
    %and3A_1573 = arith.andi %gather3A_1570, %and3A_1572 : vector<16xi32>
    %gather3A_1574 = tpu.vector_load_idx %arg10[%and3A_1573] : memref<64xf32, #tpu.memory_space<vmem>>[vector<16xi32>], vector<16xf32>,
    %add3A_1575 = arith.addf %add3A_1566, %gather3A_1574 : vector<16xf32>
    %shift_right_arithmetic3A_1576 = arith.constant 8 : i32
    %shift_right_arithmetic3A_1577 = vector.broadcast %shift_right_arithmetic3A_1576 : i32 to vector<16xi32>
    %shift_right_arithmetic3A_1578 = arith.shrsi %gather3A_1570, %shift_right_arithmetic3A_1577 : vector<16xi32>
    %and3A_1579 = arith.constant 255 : i32
    %and3A_1580 = vector.broadcast %and3A_1579 : i32 to vector<16xi32>
    %and3A_1581 = arith.andi %shift_right_arithmetic3A_1578, %and3A_1580 : vector<16xi32>
    %gather3A_1582 = tpu.vector_load_idx %arg11[%and3A_1581] : memref<64xf32, #tpu.memory_space<vmem>>[vector<16xi32>], vector<16xf32>,
    %add3A_1583 = arith.addf %add3A_1575, %gather3A_1582 : vector<16xf32>
    %shift_right_arithmetic3A_1584 = arith.constant 16 : i32
    %shift_right_arithmetic3A_1585 = vector.broadcast %shift_right_arithmetic3A_1584 : i32 to vector<16xi32>
    %shift_right_arithmetic3A_1586 = arith.shrsi %gather3A_1570, %shift_right_arithmetic3A_1585 : vector<16xi32>
    %gather3A_1587 = tpu.vector_load_idx %arg12[%shift_right_arithmetic3A_1586] : memref<64xf32, #tpu.memory_space<vmem>>[vector<16xi32>], vector<16xf32>,
    %add3A_1588 = arith.addf %add3A_1583, %gather3A_1587 : vector<16xf32>
    %add3A_1589 = arith.constant 643 : i32
    %add3A_1590 = vector.broadcast %add3A_1589 : i32 to vector<16xi32>
    %add3A_1591 = arith.addi %mul3A_53, %add3A_1590 : vector<16xi32>
    %gather3A_1592 = tpu.vector_load_idx %arg4[%add3A_1591] : memref<2560xi32, #tpu.memory_space<vmem>>[vector<16xi32>], vector<16xi32>,
    %and3A_1593 = arith.constant 255 : i32
    %and3A_1594 = vector.broadcast %and3A_1593 : i32 to vector<16xi32>
    %and3A_1595 = arith.andi %gather3A_1592, %and3A_1594 : vector<16xi32>
    %gather3A_1596 = tpu.vector_load_idx %arg10[%and3A_1595] : memref<64xf32, #tpu.memory_space<vmem>>[vector<16xi32>], vector<16xf32>,
    %add3A_1597 = arith.addf %add3A_1588, %gather3A_1596 : vector<16xf32>
    %shift_right_arithmetic3A_1598 = arith.constant 8 : i32
    %shift_right_arithmetic3A_1599 = vector.broadcast %shift_right_arithmetic3A_1598 : i32 to vector<16xi32>
    %shift_right_arithmetic3A_1600 = arith.shrsi %gather3A_1592, %shift_right_arithmetic3A_1599 : vector<16xi32>
    %and3A_1601 = arith.constant 255 : i32
    %and3A_1602 = vector.broadcast %and3A_1601 : i32 to vector<16xi32>
    %and3A_1603 = arith.andi %shift_right_arithmetic3A_1600, %and3A_1602 : vector<16xi32>
    %gather3A_1604 = tpu.vector_load_idx %arg11[%and3A_1603] : memref<64xf32, #tpu.memory_space<vmem>>[vector<16xi32>], vector<16xf32>,
    %add3A_1605 = arith.addf %add3A_1597, %gather3A_1604 : vector<16xf32>
    %shift_right_arithmetic3A_1606 = arith.constant 16 : i32
    %shift_right_arithmetic3A_1607 = vector.broadcast %shift_right_arithmetic3A_1606 : i32 to vector<16xi32>
    %shift_right_arithmetic3A_1608 = arith.shrsi %gather3A_1592, %shift_right_arithmetic3A_1607 : vector<16xi32>
    %gather3A_1609 = tpu.vector_load_idx %arg12[%shift_right_arithmetic3A_1608] : memref<64xf32, #tpu.memory_space<vmem>>[vector<16xi32>], vector<16xf32>,
    %add3A_1610 = arith.addf %add3A_1605, %gather3A_1609 : vector<16xf32>
    %add3A_1611 = arith.constant 644 : i32
    %add3A_1612 = vector.broadcast %add3A_1611 : i32 to vector<16xi32>
    %add3A_1613 = arith.addi %mul3A_53, %add3A_1612 : vector<16xi32>
    %gather3A_1614 = tpu.vector_load_idx %arg4[%add3A_1613] : memref<2560xi32, #tpu.memory_space<vmem>>[vector<16xi32>], vector<16xi32>,
    %and3A_1615 = arith.constant 255 : i32
    %and3A_1616 = vector.broadcast %and3A_1615 : i32 to vector<16xi32>
    %and3A_1617 = arith.andi %gather3A_1614, %and3A_1616 : vector<16xi32>
    %gather3A_1618 = tpu.vector_load_idx %arg10[%and3A_1617] : memref<64xf32, #tpu.memory_space<vmem>>[vector<16xi32>], vector<16xf32>,
    %add3A_1619 = arith.addf %add3A_1610, %gather3A_1618 : vector<16xf32>
    %shift_right_arithmetic3A_1620 = arith.constant 8 : i32
    %shift_right_arithmetic3A_1621 = vector.broadcast %shift_right_arithmetic3A_1620 : i32 to vector<16xi32>
    %shift_right_arithmetic3A_1622 = arith.shrsi %gather3A_1614, %shift_right_arithmetic3A_1621 : vector<16xi32>
    %and3A_1623 = arith.constant 255 : i32
    %and3A_1624 = vector.broadcast %and3A_1623 : i32 to vector<16xi32>
    %and3A_1625 = arith.andi %shift_right_arithmetic3A_1622, %and3A_1624 : vector<16xi32>
    %gather3A_1626 = tpu.vector_load_idx %arg11[%and3A_1625] : memref<64xf32, #tpu.memory_space<vmem>>[vector<16xi32>], vector<16xf32>,
    %add3A_1627 = arith.addf %add3A_1619, %gather3A_1626 : vector<16xf32>
    %shift_right_arithmetic3A_1628 = arith.constant 16 : i32
    %shift_right_arithmetic3A_1629 = vector.broadcast %shift_right_arithmetic3A_1628 : i32 to vector<16xi32>
    %shift_right_arithmetic3A_1630 = arith.shrsi %gather3A_1614, %shift_right_arithmetic3A_1629 : vector<16xi32>
    %gather3A_1631 = tpu.vector_load_idx %arg12[%shift_right_arithmetic3A_1630] : memref<64xf32, #tpu.memory_space<vmem>>[vector<16xi32>], vector<16xf32>,
    %add3A_1632 = arith.addf %add3A_1627, %gather3A_1631 : vector<16xf32>
    %add3A_1633 = arith.constant 645 : i32
    %add3A_1634 = vector.broadcast %add3A_1633 : i32 to vector<16xi32>
    %add3A_1635 = arith.addi %mul3A_53, %add3A_1634 : vector<16xi32>
    %gather3A_1636 = tpu.vector_load_idx %arg4[%add3A_1635] : memref<2560xi32, #tpu.memory_space<vmem>>[vector<16xi32>], vector<16xi32>,
    %and3A_1637 = arith.constant 255 : i32
    %and3A_1638 = vector.broadcast %and3A_1637 : i32 to vector<16xi32>
    %and3A_1639 = arith.andi %gather3A_1636, %and3A_1638 : vector<16xi32>
    %gather3A_1640 = tpu.vector_load_idx %arg10[%and3A_1639] : memref<64xf32, #tpu.memory_space<vmem>>[vector<16xi32>], vector<16xf32>,
    %add3A_1641 = arith.addf %add3A_1632, %gather3A_1640 : vector<16xf32>
    %shift_right_arithmetic3A_1642 = arith.constant 8 : i32
    %shift_right_arithmetic3A_1643 = vector.broadcast %shift_right_arithmetic3A_1642 : i32 to vector<16xi32>
    %shift_right_arithmetic3A_1644 = arith.shrsi %gather3A_1636, %shift_right_arithmetic3A_1643 : vector<16xi32>
    %and3A_1645 = arith.constant 255 : i32
    %and3A_1646 = vector.broadcast %and3A_1645 : i32 to vector<16xi32>
    %and3A_1647 = arith.andi %shift_right_arithmetic3A_1644, %and3A_1646 : vector<16xi32>
    %gather3A_1648 = tpu.vector_load_idx %arg11[%and3A_1647] : memref<64xf32, #tpu.memory_space<vmem>>[vector<16xi32>], vector<16xf32>,
    %add3A_1649 = arith.addf %add3A_1641, %gather3A_1648 : vector<16xf32>
    %shift_right_arithmetic3A_1650 = arith.constant 16 : i32
    %shift_right_arithmetic3A_1651 = vector.broadcast %shift_right_arithmetic3A_1650 : i32 to vector<16xi32>
    %shift_right_arithmetic3A_1652 = arith.shrsi %gather3A_1636, %shift_right_arithmetic3A_1651 : vector<16xi32>
    %gather3A_1653 = tpu.vector_load_idx %arg12[%shift_right_arithmetic3A_1652] : memref<64xf32, #tpu.memory_space<vmem>>[vector<16xi32>], vector<16xf32>,
    %add3A_1654 = arith.addf %add3A_1649, %gather3A_1653 : vector<16xf32>
    %add3A_1655 = arith.constant 646 : i32
    %add3A_1656 = vector.broadcast %add3A_1655 : i32 to vector<16xi32>
    %add3A_1657 = arith.addi %mul3A_53, %add3A_1656 : vector<16xi32>
    %gather3A_1658 = tpu.vector_load_idx %arg4[%add3A_1657] : memref<2560xi32, #tpu.memory_space<vmem>>[vector<16xi32>], vector<16xi32>,
    %and3A_1659 = arith.constant 255 : i32
    %and3A_1660 = vector.broadcast %and3A_1659 : i32 to vector<16xi32>
    %and3A_1661 = arith.andi %gather3A_1658, %and3A_1660 : vector<16xi32>
    %gather3A_1662 = tpu.vector_load_idx %arg10[%and3A_1661] : memref<64xf32, #tpu.memory_space<vmem>>[vector<16xi32>], vector<16xf32>,
    %add3A_1663 = arith.addf %add3A_1654, %gather3A_1662 : vector<16xf32>
    %shift_right_arithmetic3A_1664 = arith.constant 8 : i32
    %shift_right_arithmetic3A_1665 = vector.broadcast %shift_right_arithmetic3A_1664 : i32 to vector<16xi32>
    %shift_right_arithmetic3A_1666 = arith.shrsi %gather3A_1658, %shift_right_arithmetic3A_1665 : vector<16xi32>
    %and3A_1667 = arith.constant 255 : i32
    %and3A_1668 = vector.broadcast %and3A_1667 : i32 to vector<16xi32>
    %and3A_1669 = arith.andi %shift_right_arithmetic3A_1666, %and3A_1668 : vector<16xi32>
    %gather3A_1670 = tpu.vector_load_idx %arg11[%and3A_1669] : memref<64xf32, #tpu.memory_space<vmem>>[vector<16xi32>], vector<16xf32>,
    %add3A_1671 = arith.addf %add3A_1663, %gather3A_1670 : vector<16xf32>
    %shift_right_arithmetic3A_1672 = arith.constant 16 : i32
    %shift_right_arithmetic3A_1673 = vector.broadcast %shift_right_arithmetic3A_1672 : i32 to vector<16xi32>
    %shift_right_arithmetic3A_1674 = arith.shrsi %gather3A_1658, %shift_right_arithmetic3A_1673 : vector<16xi32>
    %gather3A_1675 = tpu.vector_load_idx %arg12[%shift_right_arithmetic3A_1674] : memref<64xf32, #tpu.memory_space<vmem>>[vector<16xi32>], vector<16xf32>,
    %add3A_1676 = arith.addf %add3A_1671, %gather3A_1675 : vector<16xf32>
    %add3A_1677 = arith.constant 647 : i32
    %add3A_1678 = vector.broadcast %add3A_1677 : i32 to vector<16xi32>
    %add3A_1679 = arith.addi %mul3A_53, %add3A_1678 : vector<16xi32>
    %gather3A_1680 = tpu.vector_load_idx %arg4[%add3A_1679] : memref<2560xi32, #tpu.memory_space<vmem>>[vector<16xi32>], vector<16xi32>,
    %and3A_1681 = arith.constant 255 : i32
    %and3A_1682 = vector.broadcast %and3A_1681 : i32 to vector<16xi32>
    %and3A_1683 = arith.andi %gather3A_1680, %and3A_1682 : vector<16xi32>
    %gather3A_1684 = tpu.vector_load_idx %arg10[%and3A_1683] : memref<64xf32, #tpu.memory_space<vmem>>[vector<16xi32>], vector<16xf32>,
    %add3A_1685 = arith.addf %add3A_1676, %gather3A_1684 : vector<16xf32>
    %shift_right_arithmetic3A_1686 = arith.constant 8 : i32
    %shift_right_arithmetic3A_1687 = vector.broadcast %shift_right_arithmetic3A_1686 : i32 to vector<16xi32>
    %shift_right_arithmetic3A_1688 = arith.shrsi %gather3A_1680, %shift_right_arithmetic3A_1687 : vector<16xi32>
    %and3A_1689 = arith.constant 255 : i32
    %and3A_1690 = vector.broadcast %and3A_1689 : i32 to vector<16xi32>
    %and3A_1691 = arith.andi %shift_right_arithmetic3A_1688, %and3A_1690 : vector<16xi32>
    %gather3A_1692 = tpu.vector_load_idx %arg11[%and3A_1691] : memref<64xf32, #tpu.memory_space<vmem>>[vector<16xi32>], vector<16xf32>,
    %add3A_1693 = arith.addf %add3A_1685, %gather3A_1692 : vector<16xf32>
    %shift_right_arithmetic3A_1694 = arith.constant 16 : i32
    %shift_right_arithmetic3A_1695 = vector.broadcast %shift_right_arithmetic3A_1694 : i32 to vector<16xi32>
    %shift_right_arithmetic3A_1696 = arith.shrsi %gather3A_1680, %shift_right_arithmetic3A_1695 : vector<16xi32>
    %gather3A_1697 = tpu.vector_load_idx %arg12[%shift_right_arithmetic3A_1696] : memref<64xf32, #tpu.memory_space<vmem>>[vector<16xi32>], vector<16xf32>,
    %add3A_1698 = arith.addf %add3A_1693, %gather3A_1697 : vector<16xf32>
    %add3A_1699 = arith.constant 648 : i32
    %add3A_1700 = vector.broadcast %add3A_1699 : i32 to vector<16xi32>
    %add3A_1701 = arith.addi %mul3A_53, %add3A_1700 : vector<16xi32>
    %gather3A_1702 = tpu.vector_load_idx %arg4[%add3A_1701] : memref<2560xi32, #tpu.memory_space<vmem>>[vector<16xi32>], vector<16xi32>,
    %and3A_1703 = arith.constant 255 : i32
    %and3A_1704 = vector.broadcast %and3A_1703 : i32 to vector<16xi32>
    %and3A_1705 = arith.andi %gather3A_1702, %and3A_1704 : vector<16xi32>
    %gather3A_1706 = tpu.vector_load_idx %arg10[%and3A_1705] : memref<64xf32, #tpu.memory_space<vmem>>[vector<16xi32>], vector<16xf32>,
    %add3A_1707 = arith.addf %add3A_1698, %gather3A_1706 : vector<16xf32>
    %shift_right_arithmetic3A_1708 = arith.constant 8 : i32
    %shift_right_arithmetic3A_1709 = vector.broadcast %shift_right_arithmetic3A_1708 : i32 to vector<16xi32>
    %shift_right_arithmetic3A_1710 = arith.shrsi %gather3A_1702, %shift_right_arithmetic3A_1709 : vector<16xi32>
    %and3A_1711 = arith.constant 255 : i32
    %and3A_1712 = vector.broadcast %and3A_1711 : i32 to vector<16xi32>
    %and3A_1713 = arith.andi %shift_right_arithmetic3A_1710, %and3A_1712 : vector<16xi32>
    %gather3A_1714 = tpu.vector_load_idx %arg11[%and3A_1713] : memref<64xf32, #tpu.memory_space<vmem>>[vector<16xi32>], vector<16xf32>,
    %add3A_1715 = arith.addf %add3A_1707, %gather3A_1714 : vector<16xf32>
    %shift_right_arithmetic3A_1716 = arith.constant 16 : i32
    %shift_right_arithmetic3A_1717 = vector.broadcast %shift_right_arithmetic3A_1716 : i32 to vector<16xi32>
    %shift_right_arithmetic3A_1718 = arith.shrsi %gather3A_1702, %shift_right_arithmetic3A_1717 : vector<16xi32>
    %gather3A_1719 = tpu.vector_load_idx %arg12[%shift_right_arithmetic3A_1718] : memref<64xf32, #tpu.memory_space<vmem>>[vector<16xi32>], vector<16xf32>,
    %add3A_1720 = arith.addf %add3A_1715, %gather3A_1719 : vector<16xf32>
    %add3A_1721 = arith.constant 649 : i32
    %add3A_1722 = vector.broadcast %add3A_1721 : i32 to vector<16xi32>
    %add3A_1723 = arith.addi %mul3A_53, %add3A_1722 : vector<16xi32>
    %gather3A_1724 = tpu.vector_load_idx %arg4[%add3A_1723] : memref<2560xi32, #tpu.memory_space<vmem>>[vector<16xi32>], vector<16xi32>,
    %and3A_1725 = arith.constant 255 : i32
    %and3A_1726 = vector.broadcast %and3A_1725 : i32 to vector<16xi32>
    %and3A_1727 = arith.andi %gather3A_1724, %and3A_1726 : vector<16xi32>
    %gather3A_1728 = tpu.vector_load_idx %arg10[%and3A_1727] : memref<64xf32, #tpu.memory_space<vmem>>[vector<16xi32>], vector<16xf32>,
    %add3A_1729 = arith.addf %add3A_1720, %gather3A_1728 : vector<16xf32>
    %shift_right_arithmetic3A_1730 = arith.constant 8 : i32
    %shift_right_arithmetic3A_1731 = vector.broadcast %shift_right_arithmetic3A_1730 : i32 to vector<16xi32>
    %shift_right_arithmetic3A_1732 = arith.shrsi %gather3A_1724, %shift_right_arithmetic3A_1731 : vector<16xi32>
    %and3A_1733 = arith.constant 255 : i32
    %and3A_1734 = vector.broadcast %and3A_1733 : i32 to vector<16xi32>
    %and3A_1735 = arith.andi %shift_right_arithmetic3A_1732, %and3A_1734 : vector<16xi32>
    %gather3A_1736 = tpu.vector_load_idx %arg11[%and3A_1735] : memref<64xf32, #tpu.memory_space<vmem>>[vector<16xi32>], vector<16xf32>,
    %add3A_1737 = arith.addf %add3A_1729, %gather3A_1736 : vector<16xf32>
    %shift_right_arithmetic3A_1738 = arith.constant 16 : i32
    %shift_right_arithmetic3A_1739 = vector.broadcast %shift_right_arithmetic3A_1738 : i32 to vector<16xi32>
    %shift_right_arithmetic3A_1740 = arith.shrsi %gather3A_1724, %shift_right_arithmetic3A_1739 : vector<16xi32>
    %gather3A_1741 = tpu.vector_load_idx %arg12[%shift_right_arithmetic3A_1740] : memref<64xf32, #tpu.memory_space<vmem>>[vector<16xi32>], vector<16xf32>,
    %add3A_1742 = arith.addf %add3A_1737, %gather3A_1741 : vector<16xf32>
    %add3A_1743 = arith.constant 650 : i32
    %add3A_1744 = vector.broadcast %add3A_1743 : i32 to vector<16xi32>
    %add3A_1745 = arith.addi %mul3A_53, %add3A_1744 : vector<16xi32>
    %gather3A_1746 = tpu.vector_load_idx %arg4[%add3A_1745] : memref<2560xi32, #tpu.memory_space<vmem>>[vector<16xi32>], vector<16xi32>,
    %and3A_1747 = arith.constant 255 : i32
    %and3A_1748 = vector.broadcast %and3A_1747 : i32 to vector<16xi32>
    %and3A_1749 = arith.andi %gather3A_1746, %and3A_1748 : vector<16xi32>
    %gather3A_1750 = tpu.vector_load_idx %arg10[%and3A_1749] : memref<64xf32, #tpu.memory_space<vmem>>[vector<16xi32>], vector<16xf32>,
    %add3A_1751 = arith.addf %add3A_1742, %gather3A_1750 : vector<16xf32>
    %shift_right_arithmetic3A_1752 = arith.constant 8 : i32
    %shift_right_arithmetic3A_1753 = vector.broadcast %shift_right_arithmetic3A_1752 : i32 to vector<16xi32>
    %shift_right_arithmetic3A_1754 = arith.shrsi %gather3A_1746, %shift_right_arithmetic3A_1753 : vector<16xi32>
    %and3A_1755 = arith.constant 255 : i32
    %and3A_1756 = vector.broadcast %and3A_1755 : i32 to vector<16xi32>
    %and3A_1757 = arith.andi %shift_right_arithmetic3A_1754, %and3A_1756 : vector<16xi32>
    %gather3A_1758 = tpu.vector_load_idx %arg11[%and3A_1757] : memref<64xf32, #tpu.memory_space<vmem>>[vector<16xi32>], vector<16xf32>,
    %add3A_1759 = arith.addf %add3A_1751, %gather3A_1758 : vector<16xf32>
    %shift_right_arithmetic3A_1760 = arith.constant 16 : i32
    %shift_right_arithmetic3A_1761 = vector.broadcast %shift_right_arithmetic3A_1760 : i32 to vector<16xi32>
    %shift_right_arithmetic3A_1762 = arith.shrsi %gather3A_1746, %shift_right_arithmetic3A_1761 : vector<16xi32>
    %gather3A_1763 = tpu.vector_load_idx %arg12[%shift_right_arithmetic3A_1762] : memref<64xf32, #tpu.memory_space<vmem>>[vector<16xi32>], vector<16xf32>,
    %add3A_1764 = arith.addf %add3A_1759, %gather3A_1763 : vector<16xf32>
    %add3A_1765 = arith.constant 651 : i32
    %add3A_1766 = vector.broadcast %add3A_1765 : i32 to vector<16xi32>
    %add3A_1767 = arith.addi %mul3A_53, %add3A_1766 : vector<16xi32>
    %gather3A_1768 = tpu.vector_load_idx %arg4[%add3A_1767] : memref<2560xi32, #tpu.memory_space<vmem>>[vector<16xi32>], vector<16xi32>,
    %and3A_1769 = arith.constant 255 : i32
    %and3A_1770 = vector.broadcast %and3A_1769 : i32 to vector<16xi32>
    %and3A_1771 = arith.andi %gather3A_1768, %and3A_1770 : vector<16xi32>
    %gather3A_1772 = tpu.vector_load_idx %arg10[%and3A_1771] : memref<64xf32, #tpu.memory_space<vmem>>[vector<16xi32>], vector<16xf32>,
    %add3A_1773 = arith.addf %add3A_1764, %gather3A_1772 : vector<16xf32>
    %shift_right_arithmetic3A_1774 = arith.constant 8 : i32
    %shift_right_arithmetic3A_1775 = vector.broadcast %shift_right_arithmetic3A_1774 : i32 to vector<16xi32>
    %shift_right_arithmetic3A_1776 = arith.shrsi %gather3A_1768, %shift_right_arithmetic3A_1775 : vector<16xi32>
    %and3A_1777 = arith.constant 255 : i32
    %and3A_1778 = vector.broadcast %and3A_1777 : i32 to vector<16xi32>
    %and3A_1779 = arith.andi %shift_right_arithmetic3A_1776, %and3A_1778 : vector<16xi32>
    %gather3A_1780 = tpu.vector_load_idx %arg11[%and3A_1779] : memref<64xf32, #tpu.memory_space<vmem>>[vector<16xi32>], vector<16xf32>,
    %add3A_1781 = arith.addf %add3A_1773, %gather3A_1780 : vector<16xf32>
    %shift_right_arithmetic3A_1782 = arith.constant 16 : i32
    %shift_right_arithmetic3A_1783 = vector.broadcast %shift_right_arithmetic3A_1782 : i32 to vector<16xi32>
    %shift_right_arithmetic3A_1784 = arith.shrsi %gather3A_1768, %shift_right_arithmetic3A_1783 : vector<16xi32>
    %gather3A_1785 = tpu.vector_load_idx %arg12[%shift_right_arithmetic3A_1784] : memref<64xf32, #tpu.memory_space<vmem>>[vector<16xi32>], vector<16xf32>,
    %add3A_1786 = arith.addf %add3A_1781, %gather3A_1785 : vector<16xf32>
    %add3A_1787 = arith.constant 652 : i32
    %add3A_1788 = vector.broadcast %add3A_1787 : i32 to vector<16xi32>
    %add3A_1789 = arith.addi %mul3A_53, %add3A_1788 : vector<16xi32>
    %gather3A_1790 = tpu.vector_load_idx %arg4[%add3A_1789] : memref<2560xi32, #tpu.memory_space<vmem>>[vector<16xi32>], vector<16xi32>,
    %and3A_1791 = arith.constant 255 : i32
    %and3A_1792 = vector.broadcast %and3A_1791 : i32 to vector<16xi32>
    %and3A_1793 = arith.andi %gather3A_1790, %and3A_1792 : vector<16xi32>
    %gather3A_1794 = tpu.vector_load_idx %arg10[%and3A_1793] : memref<64xf32, #tpu.memory_space<vmem>>[vector<16xi32>], vector<16xf32>,
    %add3A_1795 = arith.addf %add3A_1786, %gather3A_1794 : vector<16xf32>
    %shift_right_arithmetic3A_1796 = arith.constant 8 : i32
    %shift_right_arithmetic3A_1797 = vector.broadcast %shift_right_arithmetic3A_1796 : i32 to vector<16xi32>
    %shift_right_arithmetic3A_1798 = arith.shrsi %gather3A_1790, %shift_right_arithmetic3A_1797 : vector<16xi32>
    %and3A_1799 = arith.constant 255 : i32
    %and3A_1800 = vector.broadcast %and3A_1799 : i32 to vector<16xi32>
    %and3A_1801 = arith.andi %shift_right_arithmetic3A_1798, %and3A_1800 : vector<16xi32>
    %gather3A_1802 = tpu.vector_load_idx %arg11[%and3A_1801] : memref<64xf32, #tpu.memory_space<vmem>>[vector<16xi32>], vector<16xf32>,
    %add3A_1803 = arith.addf %add3A_1795, %gather3A_1802 : vector<16xf32>
    %shift_right_arithmetic3A_1804 = arith.constant 16 : i32
    %shift_right_arithmetic3A_1805 = vector.broadcast %shift_right_arithmetic3A_1804 : i32 to vector<16xi32>
    %shift_right_arithmetic3A_1806 = arith.shrsi %gather3A_1790, %shift_right_arithmetic3A_1805 : vector<16xi32>
    %gather3A_1807 = tpu.vector_load_idx %arg12[%shift_right_arithmetic3A_1806] : memref<64xf32, #tpu.memory_space<vmem>>[vector<16xi32>], vector<16xf32>,
    %add3A_1808 = arith.addf %add3A_1803, %gather3A_1807 : vector<16xf32>
    %add3A_1809 = arith.constant 653 : i32
    %add3A_1810 = vector.broadcast %add3A_1809 : i32 to vector<16xi32>
    %add3A_1811 = arith.addi %mul3A_53, %add3A_1810 : vector<16xi32>
    %gather3A_1812 = tpu.vector_load_idx %arg4[%add3A_1811] : memref<2560xi32, #tpu.memory_space<vmem>>[vector<16xi32>], vector<16xi32>,
    %and3A_1813 = arith.constant 255 : i32
    %and3A_1814 = vector.broadcast %and3A_1813 : i32 to vector<16xi32>
    %and3A_1815 = arith.andi %gather3A_1812, %and3A_1814 : vector<16xi32>
    %gather3A_1816 = tpu.vector_load_idx %arg10[%and3A_1815] : memref<64xf32, #tpu.memory_space<vmem>>[vector<16xi32>], vector<16xf32>,
    %add3A_1817 = arith.addf %add3A_1808, %gather3A_1816 : vector<16xf32>
    %shift_right_arithmetic3A_1818 = arith.constant 8 : i32
    %shift_right_arithmetic3A_1819 = vector.broadcast %shift_right_arithmetic3A_1818 : i32 to vector<16xi32>
    %shift_right_arithmetic3A_1820 = arith.shrsi %gather3A_1812, %shift_right_arithmetic3A_1819 : vector<16xi32>
    %and3A_1821 = arith.constant 255 : i32
    %and3A_1822 = vector.broadcast %and3A_1821 : i32 to vector<16xi32>
    %and3A_1823 = arith.andi %shift_right_arithmetic3A_1820, %and3A_1822 : vector<16xi32>
    %gather3A_1824 = tpu.vector_load_idx %arg11[%and3A_1823] : memref<64xf32, #tpu.memory_space<vmem>>[vector<16xi32>], vector<16xf32>,
    %add3A_1825 = arith.addf %add3A_1817, %gather3A_1824 : vector<16xf32>
    %shift_right_arithmetic3A_1826 = arith.constant 16 : i32
    %shift_right_arithmetic3A_1827 = vector.broadcast %shift_right_arithmetic3A_1826 : i32 to vector<16xi32>
    %shift_right_arithmetic3A_1828 = arith.shrsi %gather3A_1812, %shift_right_arithmetic3A_1827 : vector<16xi32>
    %gather3A_1829 = tpu.vector_load_idx %arg12[%shift_right_arithmetic3A_1828] : memref<64xf32, #tpu.memory_space<vmem>>[vector<16xi32>], vector<16xf32>,
    %add3A_1830 = arith.addf %add3A_1825, %gather3A_1829 : vector<16xf32>
    %add3A_1831 = arith.constant 654 : i32
    %add3A_1832 = vector.broadcast %add3A_1831 : i32 to vector<16xi32>
    %add3A_1833 = arith.addi %mul3A_53, %add3A_1832 : vector<16xi32>
    %gather3A_1834 = tpu.vector_load_idx %arg4[%add3A_1833] : memref<2560xi32, #tpu.memory_space<vmem>>[vector<16xi32>], vector<16xi32>,
    %and3A_1835 = arith.constant 255 : i32
    %and3A_1836 = vector.broadcast %and3A_1835 : i32 to vector<16xi32>
    %and3A_1837 = arith.andi %gather3A_1834, %and3A_1836 : vector<16xi32>
    %gather3A_1838 = tpu.vector_load_idx %arg10[%and3A_1837] : memref<64xf32, #tpu.memory_space<vmem>>[vector<16xi32>], vector<16xf32>,
    %add3A_1839 = arith.addf %add3A_1830, %gather3A_1838 : vector<16xf32>
    %shift_right_arithmetic3A_1840 = arith.constant 8 : i32
    %shift_right_arithmetic3A_1841 = vector.broadcast %shift_right_arithmetic3A_1840 : i32 to vector<16xi32>
    %shift_right_arithmetic3A_1842 = arith.shrsi %gather3A_1834, %shift_right_arithmetic3A_1841 : vector<16xi32>
    %and3A_1843 = arith.constant 255 : i32
    %and3A_1844 = vector.broadcast %and3A_1843 : i32 to vector<16xi32>
    %and3A_1845 = arith.andi %shift_right_arithmetic3A_1842, %and3A_1844 : vector<16xi32>
    %gather3A_1846 = tpu.vector_load_idx %arg11[%and3A_1845] : memref<64xf32, #tpu.memory_space<vmem>>[vector<16xi32>], vector<16xf32>,
    %add3A_1847 = arith.addf %add3A_1839, %gather3A_1846 : vector<16xf32>
    %shift_right_arithmetic3A_1848 = arith.constant 16 : i32
    %shift_right_arithmetic3A_1849 = vector.broadcast %shift_right_arithmetic3A_1848 : i32 to vector<16xi32>
    %shift_right_arithmetic3A_1850 = arith.shrsi %gather3A_1834, %shift_right_arithmetic3A_1849 : vector<16xi32>
    %gather3A_1851 = tpu.vector_load_idx %arg12[%shift_right_arithmetic3A_1850] : memref<64xf32, #tpu.memory_space<vmem>>[vector<16xi32>], vector<16xf32>,
    %add3A_1852 = arith.addf %add3A_1847, %gather3A_1851 : vector<16xf32>
    %add3A_1853 = arith.constant 655 : i32
    %add3A_1854 = vector.broadcast %add3A_1853 : i32 to vector<16xi32>
    %add3A_1855 = arith.addi %mul3A_53, %add3A_1854 : vector<16xi32>
    %gather3A_1856 = tpu.vector_load_idx %arg4[%add3A_1855] : memref<2560xi32, #tpu.memory_space<vmem>>[vector<16xi32>], vector<16xi32>,
    %and3A_1857 = arith.constant 255 : i32
    %and3A_1858 = vector.broadcast %and3A_1857 : i32 to vector<16xi32>
    %and3A_1859 = arith.andi %gather3A_1856, %and3A_1858 : vector<16xi32>
    %gather3A_1860 = tpu.vector_load_idx %arg10[%and3A_1859] : memref<64xf32, #tpu.memory_space<vmem>>[vector<16xi32>], vector<16xf32>,
    %add3A_1861 = arith.addf %add3A_1852, %gather3A_1860 : vector<16xf32>
    %shift_right_arithmetic3A_1862 = arith.constant 8 : i32
    %shift_right_arithmetic3A_1863 = vector.broadcast %shift_right_arithmetic3A_1862 : i32 to vector<16xi32>
    %shift_right_arithmetic3A_1864 = arith.shrsi %gather3A_1856, %shift_right_arithmetic3A_1863 : vector<16xi32>
    %and3A_1865 = arith.constant 255 : i32
    %and3A_1866 = vector.broadcast %and3A_1865 : i32 to vector<16xi32>
    %and3A_1867 = arith.andi %shift_right_arithmetic3A_1864, %and3A_1866 : vector<16xi32>
    %gather3A_1868 = tpu.vector_load_idx %arg11[%and3A_1867] : memref<64xf32, #tpu.memory_space<vmem>>[vector<16xi32>], vector<16xf32>,
    %add3A_1869 = arith.addf %add3A_1861, %gather3A_1868 : vector<16xf32>
    %shift_right_arithmetic3A_1870 = arith.constant 16 : i32
    %shift_right_arithmetic3A_1871 = vector.broadcast %shift_right_arithmetic3A_1870 : i32 to vector<16xi32>
    %shift_right_arithmetic3A_1872 = arith.shrsi %gather3A_1856, %shift_right_arithmetic3A_1871 : vector<16xi32>
    %gather3A_1873 = tpu.vector_load_idx %arg12[%shift_right_arithmetic3A_1872] : memref<64xf32, #tpu.memory_space<vmem>>[vector<16xi32>], vector<16xf32>,
    %add3A_1874 = arith.addf %add3A_1869, %gather3A_1873 : vector<16xf32>
    %add3A_1875 = arith.constant 656 : i32
    %add3A_1876 = vector.broadcast %add3A_1875 : i32 to vector<16xi32>
    %add3A_1877 = arith.addi %mul3A_53, %add3A_1876 : vector<16xi32>
    %gather3A_1878 = tpu.vector_load_idx %arg4[%add3A_1877] : memref<2560xi32, #tpu.memory_space<vmem>>[vector<16xi32>], vector<16xi32>,
    %and3A_1879 = arith.constant 255 : i32
    %and3A_1880 = vector.broadcast %and3A_1879 : i32 to vector<16xi32>
    %and3A_1881 = arith.andi %gather3A_1878, %and3A_1880 : vector<16xi32>
    %gather3A_1882 = tpu.vector_load_idx %arg10[%and3A_1881] : memref<64xf32, #tpu.memory_space<vmem>>[vector<16xi32>], vector<16xf32>,
    %add3A_1883 = arith.addf %add3A_1874, %gather3A_1882 : vector<16xf32>
    %shift_right_arithmetic3A_1884 = arith.constant 8 : i32
    %shift_right_arithmetic3A_1885 = vector.broadcast %shift_right_arithmetic3A_1884 : i32 to vector<16xi32>
    %shift_right_arithmetic3A_1886 = arith.shrsi %gather3A_1878, %shift_right_arithmetic3A_1885 : vector<16xi32>
    %and3A_1887 = arith.constant 255 : i32
    %and3A_1888 = vector.broadcast %and3A_1887 : i32 to vector<16xi32>
    %and3A_1889 = arith.andi %shift_right_arithmetic3A_1886, %and3A_1888 : vector<16xi32>
    %gather3A_1890 = tpu.vector_load_idx %arg11[%and3A_1889] : memref<64xf32, #tpu.memory_space<vmem>>[vector<16xi32>], vector<16xf32>,
    %add3A_1891 = arith.addf %add3A_1883, %gather3A_1890 : vector<16xf32>
    %shift_right_arithmetic3A_1892 = arith.constant 16 : i32
    %shift_right_arithmetic3A_1893 = vector.broadcast %shift_right_arithmetic3A_1892 : i32 to vector<16xi32>
    %shift_right_arithmetic3A_1894 = arith.shrsi %gather3A_1878, %shift_right_arithmetic3A_1893 : vector<16xi32>
    %gather3A_1895 = tpu.vector_load_idx %arg12[%shift_right_arithmetic3A_1894] : memref<64xf32, #tpu.memory_space<vmem>>[vector<16xi32>], vector<16xf32>,
    %add3A_1896 = arith.addf %add3A_1891, %gather3A_1895 : vector<16xf32>
    %add3A_1897 = arith.constant 657 : i32
    %add3A_1898 = vector.broadcast %add3A_1897 : i32 to vector<16xi32>
    %add3A_1899 = arith.addi %mul3A_53, %add3A_1898 : vector<16xi32>
    %gather3A_1900 = tpu.vector_load_idx %arg4[%add3A_1899] : memref<2560xi32, #tpu.memory_space<vmem>>[vector<16xi32>], vector<16xi32>,
    %and3A_1901 = arith.constant 255 : i32
    %and3A_1902 = vector.broadcast %and3A_1901 : i32 to vector<16xi32>
    %and3A_1903 = arith.andi %gather3A_1900, %and3A_1902 : vector<16xi32>
    %gather3A_1904 = tpu.vector_load_idx %arg10[%and3A_1903] : memref<64xf32, #tpu.memory_space<vmem>>[vector<16xi32>], vector<16xf32>,
    %add3A_1905 = arith.addf %add3A_1896, %gather3A_1904 : vector<16xf32>
    %shift_right_arithmetic3A_1906 = arith.constant 8 : i32
    %shift_right_arithmetic3A_1907 = vector.broadcast %shift_right_arithmetic3A_1906 : i32 to vector<16xi32>
    %shift_right_arithmetic3A_1908 = arith.shrsi %gather3A_1900, %shift_right_arithmetic3A_1907 : vector<16xi32>
    %and3A_1909 = arith.constant 255 : i32
    %and3A_1910 = vector.broadcast %and3A_1909 : i32 to vector<16xi32>
    %and3A_1911 = arith.andi %shift_right_arithmetic3A_1908, %and3A_1910 : vector<16xi32>
    %gather3A_1912 = tpu.vector_load_idx %arg11[%and3A_1911] : memref<64xf32, #tpu.memory_space<vmem>>[vector<16xi32>], vector<16xf32>,
    %add3A_1913 = arith.addf %add3A_1905, %gather3A_1912 : vector<16xf32>
    %shift_right_arithmetic3A_1914 = arith.constant 16 : i32
    %shift_right_arithmetic3A_1915 = vector.broadcast %shift_right_arithmetic3A_1914 : i32 to vector<16xi32>
    %shift_right_arithmetic3A_1916 = arith.shrsi %gather3A_1900, %shift_right_arithmetic3A_1915 : vector<16xi32>
    %gather3A_1917 = tpu.vector_load_idx %arg12[%shift_right_arithmetic3A_1916] : memref<64xf32, #tpu.memory_space<vmem>>[vector<16xi32>], vector<16xf32>,
    %add3A_1918 = arith.addf %add3A_1913, %gather3A_1917 : vector<16xf32>
    %add3A_1919 = arith.constant 658 : i32
    %add3A_1920 = vector.broadcast %add3A_1919 : i32 to vector<16xi32>
    %add3A_1921 = arith.addi %mul3A_53, %add3A_1920 : vector<16xi32>
    %gather3A_1922 = tpu.vector_load_idx %arg4[%add3A_1921] : memref<2560xi32, #tpu.memory_space<vmem>>[vector<16xi32>], vector<16xi32>,
    %and3A_1923 = arith.constant 255 : i32
    %and3A_1924 = vector.broadcast %and3A_1923 : i32 to vector<16xi32>
    %and3A_1925 = arith.andi %gather3A_1922, %and3A_1924 : vector<16xi32>
    %gather3A_1926 = tpu.vector_load_idx %arg10[%and3A_1925] : memref<64xf32, #tpu.memory_space<vmem>>[vector<16xi32>], vector<16xf32>,
    %add3A_1927 = arith.addf %add3A_1918, %gather3A_1926 : vector<16xf32>
    %shift_right_arithmetic3A_1928 = arith.constant 8 : i32
    %shift_right_arithmetic3A_1929 = vector.broadcast %shift_right_arithmetic3A_1928 : i32 to vector<16xi32>
    %shift_right_arithmetic3A_1930 = arith.shrsi %gather3A_1922, %shift_right_arithmetic3A_1929 : vector<16xi32>
    %and3A_1931 = arith.constant 255 : i32
    %and3A_1932 = vector.broadcast %and3A_1931 : i32 to vector<16xi32>
    %and3A_1933 = arith.andi %shift_right_arithmetic3A_1930, %and3A_1932 : vector<16xi32>
    %gather3A_1934 = tpu.vector_load_idx %arg11[%and3A_1933] : memref<64xf32, #tpu.memory_space<vmem>>[vector<16xi32>], vector<16xf32>,
    %add3A_1935 = arith.addf %add3A_1927, %gather3A_1934 : vector<16xf32>
    %shift_right_arithmetic3A_1936 = arith.constant 16 : i32
    %shift_right_arithmetic3A_1937 = vector.broadcast %shift_right_arithmetic3A_1936 : i32 to vector<16xi32>
    %shift_right_arithmetic3A_1938 = arith.shrsi %gather3A_1922, %shift_right_arithmetic3A_1937 : vector<16xi32>
    %gather3A_1939 = tpu.vector_load_idx %arg12[%shift_right_arithmetic3A_1938] : memref<64xf32, #tpu.memory_space<vmem>>[vector<16xi32>], vector<16xf32>,
    %add3A_1940 = arith.addf %add3A_1935, %gather3A_1939 : vector<16xf32>
    %add3A_1941 = arith.constant 659 : i32
    %add3A_1942 = vector.broadcast %add3A_1941 : i32 to vector<16xi32>
    %add3A_1943 = arith.addi %mul3A_53, %add3A_1942 : vector<16xi32>
    %gather3A_1944 = tpu.vector_load_idx %arg4[%add3A_1943] : memref<2560xi32, #tpu.memory_space<vmem>>[vector<16xi32>], vector<16xi32>,
    %and3A_1945 = arith.constant 255 : i32
    %and3A_1946 = vector.broadcast %and3A_1945 : i32 to vector<16xi32>
    %and3A_1947 = arith.andi %gather3A_1944, %and3A_1946 : vector<16xi32>
    %gather3A_1948 = tpu.vector_load_idx %arg10[%and3A_1947] : memref<64xf32, #tpu.memory_space<vmem>>[vector<16xi32>], vector<16xf32>,
    %add3A_1949 = arith.addf %add3A_1940, %gather3A_1948 : vector<16xf32>
    %shift_right_arithmetic3A_1950 = arith.constant 8 : i32
    %shift_right_arithmetic3A_1951 = vector.broadcast %shift_right_arithmetic3A_1950 : i32 to vector<16xi32>
    %shift_right_arithmetic3A_1952 = arith.shrsi %gather3A_1944, %shift_right_arithmetic3A_1951 : vector<16xi32>
    %and3A_1953 = arith.constant 255 : i32
    %and3A_1954 = vector.broadcast %and3A_1953 : i32 to vector<16xi32>
    %and3A_1955 = arith.andi %shift_right_arithmetic3A_1952, %and3A_1954 : vector<16xi32>
    %gather3A_1956 = tpu.vector_load_idx %arg11[%and3A_1955] : memref<64xf32, #tpu.memory_space<vmem>>[vector<16xi32>], vector<16xf32>,
    %add3A_1957 = arith.addf %add3A_1949, %gather3A_1956 : vector<16xf32>
    %shift_right_arithmetic3A_1958 = arith.constant 16 : i32
    %shift_right_arithmetic3A_1959 = vector.broadcast %shift_right_arithmetic3A_1958 : i32 to vector<16xi32>
    %shift_right_arithmetic3A_1960 = arith.shrsi %gather3A_1944, %shift_right_arithmetic3A_1959 : vector<16xi32>
    %gather3A_1961 = tpu.vector_load_idx %arg12[%shift_right_arithmetic3A_1960] : memref<64xf32, #tpu.memory_space<vmem>>[vector<16xi32>], vector<16xf32>,
    %add3A_1962 = arith.addf %add3A_1957, %gather3A_1961 : vector<16xf32>
    %swap3A_1963 = arith.constant 32 : index
    %swap3A_1964 = tpu.vector_load %arg13[%swap3A_1963] {strides = array<i32>} : memref<128xf32, #tpu.memory_space<vmem>>, vector<16xf32>,
    tpu.vector_store %arg13[%swap3A_1963], %add3A_1962 {strides = array<i32>} : memref<128xf32, #tpu.memory_space<vmem>>, vector<16xf32>,
    %add3A_1965 = arith.constant 96 : i32
    %add3A_1966 = vector.broadcast %add3A_1965 : i32 to vector<16xi32>
    %add3A_1967 = arith.addi %mul3A_50, %add3A_1966 : vector<16xi32>
    %gather3A_1968 = tpu.vector_load_idx %arg5[%add3A_1967] : memref<256xi32, #tpu.memory_space<vmem>>[vector<16xi32>], vector<16xi32>,
    %bitcast3A_1969 = vector.bitcast %gather3A_1968 : vector<16xi32> to vector<16xf32>
    %add3A_1970 = arith.constant 96 : i32
    %add3A_1971 = vector.broadcast %add3A_1970 : i32 to vector<16xi32>
    %add3A_1972 = arith.addi %mul3A_50, %add3A_1971 : vector<16xi32>
    %add3A_1973 = arith.constant 1 : i32
    %add3A_1974 = vector.broadcast %add3A_1973 : i32 to vector<16xi32>
    %add3A_1975 = arith.addi %add3A_1972, %add3A_1974 : vector<16xi32>
    %gather3A_1976 = tpu.vector_load_idx %arg5[%add3A_1975] : memref<256xi32, #tpu.memory_space<vmem>>[vector<16xi32>], vector<16xi32>,
    %bitcast3A_1977 = vector.bitcast %gather3A_1976 : vector<16xi32> to vector<16xf32>
    %mul3A_1978 = arith.mulf %bitcast3A_1969, %bitcast3A_583 : vector<16xf32>
    %add3A_1979 = arith.addf %bitcast3A_589, %mul3A_1978 : vector<16xf32>
    %mul3A_1980 = arith.mulf %bitcast3A_1977, %bitcast3A_586 : vector<16xf32>
    %add3A_1981 = arith.addf %add3A_1979, %mul3A_1980 : vector<16xf32>
    %add3A_1982 = arith.constant 960 : i32
    %add3A_1983 = vector.broadcast %add3A_1982 : i32 to vector<16xi32>
    %add3A_1984 = arith.addi %mul3A_53, %add3A_1983 : vector<16xi32>
    %gather3A_1985 = tpu.vector_load_idx %arg4[%add3A_1984] : memref<2560xi32, #tpu.memory_space<vmem>>[vector<16xi32>], vector<16xi32>,
    %and3A_1986 = arith.constant 255 : i32
    %and3A_1987 = vector.broadcast %and3A_1986 : i32 to vector<16xi32>
    %and3A_1988 = arith.andi %gather3A_1985, %and3A_1987 : vector<16xi32>
    %gather3A_1989 = tpu.vector_load_idx %arg10[%and3A_1988] : memref<64xf32, #tpu.memory_space<vmem>>[vector<16xi32>], vector<16xf32>,
    %add3A_1990 = arith.addf %add3A_1981, %gather3A_1989 : vector<16xf32>
    %shift_right_arithmetic3A_1991 = arith.constant 8 : i32
    %shift_right_arithmetic3A_1992 = vector.broadcast %shift_right_arithmetic3A_1991 : i32 to vector<16xi32>
    %shift_right_arithmetic3A_1993 = arith.shrsi %gather3A_1985, %shift_right_arithmetic3A_1992 : vector<16xi32>
    %and3A_1994 = arith.constant 255 : i32
    %and3A_1995 = vector.broadcast %and3A_1994 : i32 to vector<16xi32>
    %and3A_1996 = arith.andi %shift_right_arithmetic3A_1993, %and3A_1995 : vector<16xi32>
    %gather3A_1997 = tpu.vector_load_idx %arg11[%and3A_1996] : memref<64xf32, #tpu.memory_space<vmem>>[vector<16xi32>], vector<16xf32>,
    %add3A_1998 = arith.addf %add3A_1990, %gather3A_1997 : vector<16xf32>
    %shift_right_arithmetic3A_1999 = arith.constant 16 : i32
    %shift_right_arithmetic3A_2000 = vector.broadcast %shift_right_arithmetic3A_1999 : i32 to vector<16xi32>
    %shift_right_arithmetic3A_2001 = arith.shrsi %gather3A_1985, %shift_right_arithmetic3A_2000 : vector<16xi32>
    %gather3A_2002 = tpu.vector_load_idx %arg12[%shift_right_arithmetic3A_2001] : memref<64xf32, #tpu.memory_space<vmem>>[vector<16xi32>], vector<16xf32>,
    %add3A_2003 = arith.addf %add3A_1998, %gather3A_2002 : vector<16xf32>
    %add3A_2004 = arith.constant 961 : i32
    %add3A_2005 = vector.broadcast %add3A_2004 : i32 to vector<16xi32>
    %add3A_2006 = arith.addi %mul3A_53, %add3A_2005 : vector<16xi32>
    %gather3A_2007 = tpu.vector_load_idx %arg4[%add3A_2006] : memref<2560xi32, #tpu.memory_space<vmem>>[vector<16xi32>], vector<16xi32>,
    %and3A_2008 = arith.constant 255 : i32
    %and3A_2009 = vector.broadcast %and3A_2008 : i32 to vector<16xi32>
    %and3A_2010 = arith.andi %gather3A_2007, %and3A_2009 : vector<16xi32>
    %gather3A_2011 = tpu.vector_load_idx %arg10[%and3A_2010] : memref<64xf32, #tpu.memory_space<vmem>>[vector<16xi32>], vector<16xf32>,
    %add3A_2012 = arith.addf %add3A_2003, %gather3A_2011 : vector<16xf32>
    %shift_right_arithmetic3A_2013 = arith.constant 8 : i32
    %shift_right_arithmetic3A_2014 = vector.broadcast %shift_right_arithmetic3A_2013 : i32 to vector<16xi32>
    %shift_right_arithmetic3A_2015 = arith.shrsi %gather3A_2007, %shift_right_arithmetic3A_2014 : vector<16xi32>
    %and3A_2016 = arith.constant 255 : i32
    %and3A_2017 = vector.broadcast %and3A_2016 : i32 to vector<16xi32>
    %and3A_2018 = arith.andi %shift_right_arithmetic3A_2015, %and3A_2017 : vector<16xi32>
    %gather3A_2019 = tpu.vector_load_idx %arg11[%and3A_2018] : memref<64xf32, #tpu.memory_space<vmem>>[vector<16xi32>], vector<16xf32>,
    %add3A_2020 = arith.addf %add3A_2012, %gather3A_2019 : vector<16xf32>
    %shift_right_arithmetic3A_2021 = arith.constant 16 : i32
    %shift_right_arithmetic3A_2022 = vector.broadcast %shift_right_arithmetic3A_2021 : i32 to vector<16xi32>
    %shift_right_arithmetic3A_2023 = arith.shrsi %gather3A_2007, %shift_right_arithmetic3A_2022 : vector<16xi32>
    %gather3A_2024 = tpu.vector_load_idx %arg12[%shift_right_arithmetic3A_2023] : memref<64xf32, #tpu.memory_space<vmem>>[vector<16xi32>], vector<16xf32>,
    %add3A_2025 = arith.addf %add3A_2020, %gather3A_2024 : vector<16xf32>
    %add3A_2026 = arith.constant 962 : i32
    %add3A_2027 = vector.broadcast %add3A_2026 : i32 to vector<16xi32>
    %add3A_2028 = arith.addi %mul3A_53, %add3A_2027 : vector<16xi32>
    %gather3A_2029 = tpu.vector_load_idx %arg4[%add3A_2028] : memref<2560xi32, #tpu.memory_space<vmem>>[vector<16xi32>], vector<16xi32>,
    %and3A_2030 = arith.constant 255 : i32
    %and3A_2031 = vector.broadcast %and3A_2030 : i32 to vector<16xi32>
    %and3A_2032 = arith.andi %gather3A_2029, %and3A_2031 : vector<16xi32>
    %gather3A_2033 = tpu.vector_load_idx %arg10[%and3A_2032] : memref<64xf32, #tpu.memory_space<vmem>>[vector<16xi32>], vector<16xf32>,
    %add3A_2034 = arith.addf %add3A_2025, %gather3A_2033 : vector<16xf32>
    %shift_right_arithmetic3A_2035 = arith.constant 8 : i32
    %shift_right_arithmetic3A_2036 = vector.broadcast %shift_right_arithmetic3A_2035 : i32 to vector<16xi32>
    %shift_right_arithmetic3A_2037 = arith.shrsi %gather3A_2029, %shift_right_arithmetic3A_2036 : vector<16xi32>
    %and3A_2038 = arith.constant 255 : i32
    %and3A_2039 = vector.broadcast %and3A_2038 : i32 to vector<16xi32>
    %and3A_2040 = arith.andi %shift_right_arithmetic3A_2037, %and3A_2039 : vector<16xi32>
    %gather3A_2041 = tpu.vector_load_idx %arg11[%and3A_2040] : memref<64xf32, #tpu.memory_space<vmem>>[vector<16xi32>], vector<16xf32>,
    %add3A_2042 = arith.addf %add3A_2034, %gather3A_2041 : vector<16xf32>
    %shift_right_arithmetic3A_2043 = arith.constant 16 : i32
    %shift_right_arithmetic3A_2044 = vector.broadcast %shift_right_arithmetic3A_2043 : i32 to vector<16xi32>
    %shift_right_arithmetic3A_2045 = arith.shrsi %gather3A_2029, %shift_right_arithmetic3A_2044 : vector<16xi32>
    %gather3A_2046 = tpu.vector_load_idx %arg12[%shift_right_arithmetic3A_2045] : memref<64xf32, #tpu.memory_space<vmem>>[vector<16xi32>], vector<16xf32>,
    %add3A_2047 = arith.addf %add3A_2042, %gather3A_2046 : vector<16xf32>
    %add3A_2048 = arith.constant 963 : i32
    %add3A_2049 = vector.broadcast %add3A_2048 : i32 to vector<16xi32>
    %add3A_2050 = arith.addi %mul3A_53, %add3A_2049 : vector<16xi32>
    %gather3A_2051 = tpu.vector_load_idx %arg4[%add3A_2050] : memref<2560xi32, #tpu.memory_space<vmem>>[vector<16xi32>], vector<16xi32>,
    %and3A_2052 = arith.constant 255 : i32
    %and3A_2053 = vector.broadcast %and3A_2052 : i32 to vector<16xi32>
    %and3A_2054 = arith.andi %gather3A_2051, %and3A_2053 : vector<16xi32>
    %gather3A_2055 = tpu.vector_load_idx %arg10[%and3A_2054] : memref<64xf32, #tpu.memory_space<vmem>>[vector<16xi32>], vector<16xf32>,
    %add3A_2056 = arith.addf %add3A_2047, %gather3A_2055 : vector<16xf32>
    %shift_right_arithmetic3A_2057 = arith.constant 8 : i32
    %shift_right_arithmetic3A_2058 = vector.broadcast %shift_right_arithmetic3A_2057 : i32 to vector<16xi32>
    %shift_right_arithmetic3A_2059 = arith.shrsi %gather3A_2051, %shift_right_arithmetic3A_2058 : vector<16xi32>
    %and3A_2060 = arith.constant 255 : i32
    %and3A_2061 = vector.broadcast %and3A_2060 : i32 to vector<16xi32>
    %and3A_2062 = arith.andi %shift_right_arithmetic3A_2059, %and3A_2061 : vector<16xi32>
    %gather3A_2063 = tpu.vector_load_idx %arg11[%and3A_2062] : memref<64xf32, #tpu.memory_space<vmem>>[vector<16xi32>], vector<16xf32>,
    %add3A_2064 = arith.addf %add3A_2056, %gather3A_2063 : vector<16xf32>
    %shift_right_arithmetic3A_2065 = arith.constant 16 : i32
    %shift_right_arithmetic3A_2066 = vector.broadcast %shift_right_arithmetic3A_2065 : i32 to vector<16xi32>
    %shift_right_arithmetic3A_2067 = arith.shrsi %gather3A_2051, %shift_right_arithmetic3A_2066 : vector<16xi32>
    %gather3A_2068 = tpu.vector_load_idx %arg12[%shift_right_arithmetic3A_2067] : memref<64xf32, #tpu.memory_space<vmem>>[vector<16xi32>], vector<16xf32>,
    %add3A_2069 = arith.addf %add3A_2064, %gather3A_2068 : vector<16xf32>
    %add3A_2070 = arith.constant 964 : i32
    %add3A_2071 = vector.broadcast %add3A_2070 : i32 to vector<16xi32>
    %add3A_2072 = arith.addi %mul3A_53, %add3A_2071 : vector<16xi32>
    %gather3A_2073 = tpu.vector_load_idx %arg4[%add3A_2072] : memref<2560xi32, #tpu.memory_space<vmem>>[vector<16xi32>], vector<16xi32>,
    %and3A_2074 = arith.constant 255 : i32
    %and3A_2075 = vector.broadcast %and3A_2074 : i32 to vector<16xi32>
    %and3A_2076 = arith.andi %gather3A_2073, %and3A_2075 : vector<16xi32>
    %gather3A_2077 = tpu.vector_load_idx %arg10[%and3A_2076] : memref<64xf32, #tpu.memory_space<vmem>>[vector<16xi32>], vector<16xf32>,
    %add3A_2078 = arith.addf %add3A_2069, %gather3A_2077 : vector<16xf32>
    %shift_right_arithmetic3A_2079 = arith.constant 8 : i32
    %shift_right_arithmetic3A_2080 = vector.broadcast %shift_right_arithmetic3A_2079 : i32 to vector<16xi32>
    %shift_right_arithmetic3A_2081 = arith.shrsi %gather3A_2073, %shift_right_arithmetic3A_2080 : vector<16xi32>
    %and3A_2082 = arith.constant 255 : i32
    %and3A_2083 = vector.broadcast %and3A_2082 : i32 to vector<16xi32>
    %and3A_2084 = arith.andi %shift_right_arithmetic3A_2081, %and3A_2083 : vector<16xi32>
    %gather3A_2085 = tpu.vector_load_idx %arg11[%and3A_2084] : memref<64xf32, #tpu.memory_space<vmem>>[vector<16xi32>], vector<16xf32>,
    %add3A_2086 = arith.addf %add3A_2078, %gather3A_2085 : vector<16xf32>
    %shift_right_arithmetic3A_2087 = arith.constant 16 : i32
    %shift_right_arithmetic3A_2088 = vector.broadcast %shift_right_arithmetic3A_2087 : i32 to vector<16xi32>
    %shift_right_arithmetic3A_2089 = arith.shrsi %gather3A_2073, %shift_right_arithmetic3A_2088 : vector<16xi32>
    %gather3A_2090 = tpu.vector_load_idx %arg12[%shift_right_arithmetic3A_2089] : memref<64xf32, #tpu.memory_space<vmem>>[vector<16xi32>], vector<16xf32>,
    %add3A_2091 = arith.addf %add3A_2086, %gather3A_2090 : vector<16xf32>
    %add3A_2092 = arith.constant 965 : i32
    %add3A_2093 = vector.broadcast %add3A_2092 : i32 to vector<16xi32>
    %add3A_2094 = arith.addi %mul3A_53, %add3A_2093 : vector<16xi32>
    %gather3A_2095 = tpu.vector_load_idx %arg4[%add3A_2094] : memref<2560xi32, #tpu.memory_space<vmem>>[vector<16xi32>], vector<16xi32>,
    %and3A_2096 = arith.constant 255 : i32
    %and3A_2097 = vector.broadcast %and3A_2096 : i32 to vector<16xi32>
    %and3A_2098 = arith.andi %gather3A_2095, %and3A_2097 : vector<16xi32>
    %gather3A_2099 = tpu.vector_load_idx %arg10[%and3A_2098] : memref<64xf32, #tpu.memory_space<vmem>>[vector<16xi32>], vector<16xf32>,
    %add3A_2100 = arith.addf %add3A_2091, %gather3A_2099 : vector<16xf32>
    %shift_right_arithmetic3A_2101 = arith.constant 8 : i32
    %shift_right_arithmetic3A_2102 = vector.broadcast %shift_right_arithmetic3A_2101 : i32 to vector<16xi32>
    %shift_right_arithmetic3A_2103 = arith.shrsi %gather3A_2095, %shift_right_arithmetic3A_2102 : vector<16xi32>
    %and3A_2104 = arith.constant 255 : i32
    %and3A_2105 = vector.broadcast %and3A_2104 : i32 to vector<16xi32>
    %and3A_2106 = arith.andi %shift_right_arithmetic3A_2103, %and3A_2105 : vector<16xi32>
    %gather3A_2107 = tpu.vector_load_idx %arg11[%and3A_2106] : memref<64xf32, #tpu.memory_space<vmem>>[vector<16xi32>], vector<16xf32>,
    %add3A_2108 = arith.addf %add3A_2100, %gather3A_2107 : vector<16xf32>
    %shift_right_arithmetic3A_2109 = arith.constant 16 : i32
    %shift_right_arithmetic3A_2110 = vector.broadcast %shift_right_arithmetic3A_2109 : i32 to vector<16xi32>
    %shift_right_arithmetic3A_2111 = arith.shrsi %gather3A_2095, %shift_right_arithmetic3A_2110 : vector<16xi32>
    %gather3A_2112 = tpu.vector_load_idx %arg12[%shift_right_arithmetic3A_2111] : memref<64xf32, #tpu.memory_space<vmem>>[vector<16xi32>], vector<16xf32>,
    %add3A_2113 = arith.addf %add3A_2108, %gather3A_2112 : vector<16xf32>
    %add3A_2114 = arith.constant 966 : i32
    %add3A_2115 = vector.broadcast %add3A_2114 : i32 to vector<16xi32>
    %add3A_2116 = arith.addi %mul3A_53, %add3A_2115 : vector<16xi32>
    %gather3A_2117 = tpu.vector_load_idx %arg4[%add3A_2116] : memref<2560xi32, #tpu.memory_space<vmem>>[vector<16xi32>], vector<16xi32>,
    %and3A_2118 = arith.constant 255 : i32
    %and3A_2119 = vector.broadcast %and3A_2118 : i32 to vector<16xi32>
    %and3A_2120 = arith.andi %gather3A_2117, %and3A_2119 : vector<16xi32>
    %gather3A_2121 = tpu.vector_load_idx %arg10[%and3A_2120] : memref<64xf32, #tpu.memory_space<vmem>>[vector<16xi32>], vector<16xf32>,
    %add3A_2122 = arith.addf %add3A_2113, %gather3A_2121 : vector<16xf32>
    %shift_right_arithmetic3A_2123 = arith.constant 8 : i32
    %shift_right_arithmetic3A_2124 = vector.broadcast %shift_right_arithmetic3A_2123 : i32 to vector<16xi32>
    %shift_right_arithmetic3A_2125 = arith.shrsi %gather3A_2117, %shift_right_arithmetic3A_2124 : vector<16xi32>
    %and3A_2126 = arith.constant 255 : i32
    %and3A_2127 = vector.broadcast %and3A_2126 : i32 to vector<16xi32>
    %and3A_2128 = arith.andi %shift_right_arithmetic3A_2125, %and3A_2127 : vector<16xi32>
    %gather3A_2129 = tpu.vector_load_idx %arg11[%and3A_2128] : memref<64xf32, #tpu.memory_space<vmem>>[vector<16xi32>], vector<16xf32>,
    %add3A_2130 = arith.addf %add3A_2122, %gather3A_2129 : vector<16xf32>
    %shift_right_arithmetic3A_2131 = arith.constant 16 : i32
    %shift_right_arithmetic3A_2132 = vector.broadcast %shift_right_arithmetic3A_2131 : i32 to vector<16xi32>
    %shift_right_arithmetic3A_2133 = arith.shrsi %gather3A_2117, %shift_right_arithmetic3A_2132 : vector<16xi32>
    %gather3A_2134 = tpu.vector_load_idx %arg12[%shift_right_arithmetic3A_2133] : memref<64xf32, #tpu.memory_space<vmem>>[vector<16xi32>], vector<16xf32>,
    %add3A_2135 = arith.addf %add3A_2130, %gather3A_2134 : vector<16xf32>
    %add3A_2136 = arith.constant 967 : i32
    %add3A_2137 = vector.broadcast %add3A_2136 : i32 to vector<16xi32>
    %add3A_2138 = arith.addi %mul3A_53, %add3A_2137 : vector<16xi32>
    %gather3A_2139 = tpu.vector_load_idx %arg4[%add3A_2138] : memref<2560xi32, #tpu.memory_space<vmem>>[vector<16xi32>], vector<16xi32>,
    %and3A_2140 = arith.constant 255 : i32
    %and3A_2141 = vector.broadcast %and3A_2140 : i32 to vector<16xi32>
    %and3A_2142 = arith.andi %gather3A_2139, %and3A_2141 : vector<16xi32>
    %gather3A_2143 = tpu.vector_load_idx %arg10[%and3A_2142] : memref<64xf32, #tpu.memory_space<vmem>>[vector<16xi32>], vector<16xf32>,
    %add3A_2144 = arith.addf %add3A_2135, %gather3A_2143 : vector<16xf32>
    %shift_right_arithmetic3A_2145 = arith.constant 8 : i32
    %shift_right_arithmetic3A_2146 = vector.broadcast %shift_right_arithmetic3A_2145 : i32 to vector<16xi32>
    %shift_right_arithmetic3A_2147 = arith.shrsi %gather3A_2139, %shift_right_arithmetic3A_2146 : vector<16xi32>
    %and3A_2148 = arith.constant 255 : i32
    %and3A_2149 = vector.broadcast %and3A_2148 : i32 to vector<16xi32>
    %and3A_2150 = arith.andi %shift_right_arithmetic3A_2147, %and3A_2149 : vector<16xi32>
    %gather3A_2151 = tpu.vector_load_idx %arg11[%and3A_2150] : memref<64xf32, #tpu.memory_space<vmem>>[vector<16xi32>], vector<16xf32>,
    %add3A_2152 = arith.addf %add3A_2144, %gather3A_2151 : vector<16xf32>
    %shift_right_arithmetic3A_2153 = arith.constant 16 : i32
    %shift_right_arithmetic3A_2154 = vector.broadcast %shift_right_arithmetic3A_2153 : i32 to vector<16xi32>
    %shift_right_arithmetic3A_2155 = arith.shrsi %gather3A_2139, %shift_right_arithmetic3A_2154 : vector<16xi32>
    %gather3A_2156 = tpu.vector_load_idx %arg12[%shift_right_arithmetic3A_2155] : memref<64xf32, #tpu.memory_space<vmem>>[vector<16xi32>], vector<16xf32>,
    %add3A_2157 = arith.addf %add3A_2152, %gather3A_2156 : vector<16xf32>
    %add3A_2158 = arith.constant 968 : i32
    %add3A_2159 = vector.broadcast %add3A_2158 : i32 to vector<16xi32>
    %add3A_2160 = arith.addi %mul3A_53, %add3A_2159 : vector<16xi32>
    %gather3A_2161 = tpu.vector_load_idx %arg4[%add3A_2160] : memref<2560xi32, #tpu.memory_space<vmem>>[vector<16xi32>], vector<16xi32>,
    %and3A_2162 = arith.constant 255 : i32
    %and3A_2163 = vector.broadcast %and3A_2162 : i32 to vector<16xi32>
    %and3A_2164 = arith.andi %gather3A_2161, %and3A_2163 : vector<16xi32>
    %gather3A_2165 = tpu.vector_load_idx %arg10[%and3A_2164] : memref<64xf32, #tpu.memory_space<vmem>>[vector<16xi32>], vector<16xf32>,
    %add3A_2166 = arith.addf %add3A_2157, %gather3A_2165 : vector<16xf32>
    %shift_right_arithmetic3A_2167 = arith.constant 8 : i32
    %shift_right_arithmetic3A_2168 = vector.broadcast %shift_right_arithmetic3A_2167 : i32 to vector<16xi32>
    %shift_right_arithmetic3A_2169 = arith.shrsi %gather3A_2161, %shift_right_arithmetic3A_2168 : vector<16xi32>
    %and3A_2170 = arith.constant 255 : i32
    %and3A_2171 = vector.broadcast %and3A_2170 : i32 to vector<16xi32>
    %and3A_2172 = arith.andi %shift_right_arithmetic3A_2169, %and3A_2171 : vector<16xi32>
    %gather3A_2173 = tpu.vector_load_idx %arg11[%and3A_2172] : memref<64xf32, #tpu.memory_space<vmem>>[vector<16xi32>], vector<16xf32>,
    %add3A_2174 = arith.addf %add3A_2166, %gather3A_2173 : vector<16xf32>
    %shift_right_arithmetic3A_2175 = arith.constant 16 : i32
    %shift_right_arithmetic3A_2176 = vector.broadcast %shift_right_arithmetic3A_2175 : i32 to vector<16xi32>
    %shift_right_arithmetic3A_2177 = arith.shrsi %gather3A_2161, %shift_right_arithmetic3A_2176 : vector<16xi32>
    %gather3A_2178 = tpu.vector_load_idx %arg12[%shift_right_arithmetic3A_2177] : memref<64xf32, #tpu.memory_space<vmem>>[vector<16xi32>], vector<16xf32>,
    %add3A_2179 = arith.addf %add3A_2174, %gather3A_2178 : vector<16xf32>
    %add3A_2180 = arith.constant 969 : i32
    %add3A_2181 = vector.broadcast %add3A_2180 : i32 to vector<16xi32>
    %add3A_2182 = arith.addi %mul3A_53, %add3A_2181 : vector<16xi32>
    %gather3A_2183 = tpu.vector_load_idx %arg4[%add3A_2182] : memref<2560xi32, #tpu.memory_space<vmem>>[vector<16xi32>], vector<16xi32>,
    %and3A_2184 = arith.constant 255 : i32
    %and3A_2185 = vector.broadcast %and3A_2184 : i32 to vector<16xi32>
    %and3A_2186 = arith.andi %gather3A_2183, %and3A_2185 : vector<16xi32>
    %gather3A_2187 = tpu.vector_load_idx %arg10[%and3A_2186] : memref<64xf32, #tpu.memory_space<vmem>>[vector<16xi32>], vector<16xf32>,
    %add3A_2188 = arith.addf %add3A_2179, %gather3A_2187 : vector<16xf32>
    %shift_right_arithmetic3A_2189 = arith.constant 8 : i32
    %shift_right_arithmetic3A_2190 = vector.broadcast %shift_right_arithmetic3A_2189 : i32 to vector<16xi32>
    %shift_right_arithmetic3A_2191 = arith.shrsi %gather3A_2183, %shift_right_arithmetic3A_2190 : vector<16xi32>
    %and3A_2192 = arith.constant 255 : i32
    %and3A_2193 = vector.broadcast %and3A_2192 : i32 to vector<16xi32>
    %and3A_2194 = arith.andi %shift_right_arithmetic3A_2191, %and3A_2193 : vector<16xi32>
    %gather3A_2195 = tpu.vector_load_idx %arg11[%and3A_2194] : memref<64xf32, #tpu.memory_space<vmem>>[vector<16xi32>], vector<16xf32>,
    %add3A_2196 = arith.addf %add3A_2188, %gather3A_2195 : vector<16xf32>
    %shift_right_arithmetic3A_2197 = arith.constant 16 : i32
    %shift_right_arithmetic3A_2198 = vector.broadcast %shift_right_arithmetic3A_2197 : i32 to vector<16xi32>
    %shift_right_arithmetic3A_2199 = arith.shrsi %gather3A_2183, %shift_right_arithmetic3A_2198 : vector<16xi32>
    %gather3A_2200 = tpu.vector_load_idx %arg12[%shift_right_arithmetic3A_2199] : memref<64xf32, #tpu.memory_space<vmem>>[vector<16xi32>], vector<16xf32>,
    %add3A_2201 = arith.addf %add3A_2196, %gather3A_2200 : vector<16xf32>
    %add3A_2202 = arith.constant 970 : i32
    %add3A_2203 = vector.broadcast %add3A_2202 : i32 to vector<16xi32>
    %add3A_2204 = arith.addi %mul3A_53, %add3A_2203 : vector<16xi32>
    %gather3A_2205 = tpu.vector_load_idx %arg4[%add3A_2204] : memref<2560xi32, #tpu.memory_space<vmem>>[vector<16xi32>], vector<16xi32>,
    %and3A_2206 = arith.constant 255 : i32
    %and3A_2207 = vector.broadcast %and3A_2206 : i32 to vector<16xi32>
    %and3A_2208 = arith.andi %gather3A_2205, %and3A_2207 : vector<16xi32>
    %gather3A_2209 = tpu.vector_load_idx %arg10[%and3A_2208] : memref<64xf32, #tpu.memory_space<vmem>>[vector<16xi32>], vector<16xf32>,
    %add3A_2210 = arith.addf %add3A_2201, %gather3A_2209 : vector<16xf32>
    %shift_right_arithmetic3A_2211 = arith.constant 8 : i32
    %shift_right_arithmetic3A_2212 = vector.broadcast %shift_right_arithmetic3A_2211 : i32 to vector<16xi32>
    %shift_right_arithmetic3A_2213 = arith.shrsi %gather3A_2205, %shift_right_arithmetic3A_2212 : vector<16xi32>
    %and3A_2214 = arith.constant 255 : i32
    %and3A_2215 = vector.broadcast %and3A_2214 : i32 to vector<16xi32>
    %and3A_2216 = arith.andi %shift_right_arithmetic3A_2213, %and3A_2215 : vector<16xi32>
    %gather3A_2217 = tpu.vector_load_idx %arg11[%and3A_2216] : memref<64xf32, #tpu.memory_space<vmem>>[vector<16xi32>], vector<16xf32>,
    %add3A_2218 = arith.addf %add3A_2210, %gather3A_2217 : vector<16xf32>
    %shift_right_arithmetic3A_2219 = arith.constant 16 : i32
    %shift_right_arithmetic3A_2220 = vector.broadcast %shift_right_arithmetic3A_2219 : i32 to vector<16xi32>
    %shift_right_arithmetic3A_2221 = arith.shrsi %gather3A_2205, %shift_right_arithmetic3A_2220 : vector<16xi32>
    %gather3A_2222 = tpu.vector_load_idx %arg12[%shift_right_arithmetic3A_2221] : memref<64xf32, #tpu.memory_space<vmem>>[vector<16xi32>], vector<16xf32>,
    %add3A_2223 = arith.addf %add3A_2218, %gather3A_2222 : vector<16xf32>
    %add3A_2224 = arith.constant 971 : i32
    %add3A_2225 = vector.broadcast %add3A_2224 : i32 to vector<16xi32>
    %add3A_2226 = arith.addi %mul3A_53, %add3A_2225 : vector<16xi32>
    %gather3A_2227 = tpu.vector_load_idx %arg4[%add3A_2226] : memref<2560xi32, #tpu.memory_space<vmem>>[vector<16xi32>], vector<16xi32>,
    %and3A_2228 = arith.constant 255 : i32
    %and3A_2229 = vector.broadcast %and3A_2228 : i32 to vector<16xi32>
    %and3A_2230 = arith.andi %gather3A_2227, %and3A_2229 : vector<16xi32>
    %gather3A_2231 = tpu.vector_load_idx %arg10[%and3A_2230] : memref<64xf32, #tpu.memory_space<vmem>>[vector<16xi32>], vector<16xf32>,
    %add3A_2232 = arith.addf %add3A_2223, %gather3A_2231 : vector<16xf32>
    %shift_right_arithmetic3A_2233 = arith.constant 8 : i32
    %shift_right_arithmetic3A_2234 = vector.broadcast %shift_right_arithmetic3A_2233 : i32 to vector<16xi32>
    %shift_right_arithmetic3A_2235 = arith.shrsi %gather3A_2227, %shift_right_arithmetic3A_2234 : vector<16xi32>
    %and3A_2236 = arith.constant 255 : i32
    %and3A_2237 = vector.broadcast %and3A_2236 : i32 to vector<16xi32>
    %and3A_2238 = arith.andi %shift_right_arithmetic3A_2235, %and3A_2237 : vector<16xi32>
    %gather3A_2239 = tpu.vector_load_idx %arg11[%and3A_2238] : memref<64xf32, #tpu.memory_space<vmem>>[vector<16xi32>], vector<16xf32>,
    %add3A_2240 = arith.addf %add3A_2232, %gather3A_2239 : vector<16xf32>
    %shift_right_arithmetic3A_2241 = arith.constant 16 : i32
    %shift_right_arithmetic3A_2242 = vector.broadcast %shift_right_arithmetic3A_2241 : i32 to vector<16xi32>
    %shift_right_arithmetic3A_2243 = arith.shrsi %gather3A_2227, %shift_right_arithmetic3A_2242 : vector<16xi32>
    %gather3A_2244 = tpu.vector_load_idx %arg12[%shift_right_arithmetic3A_2243] : memref<64xf32, #tpu.memory_space<vmem>>[vector<16xi32>], vector<16xf32>,
    %add3A_2245 = arith.addf %add3A_2240, %gather3A_2244 : vector<16xf32>
    %add3A_2246 = arith.constant 972 : i32
    %add3A_2247 = vector.broadcast %add3A_2246 : i32 to vector<16xi32>
    %add3A_2248 = arith.addi %mul3A_53, %add3A_2247 : vector<16xi32>
    %gather3A_2249 = tpu.vector_load_idx %arg4[%add3A_2248] : memref<2560xi32, #tpu.memory_space<vmem>>[vector<16xi32>], vector<16xi32>,
    %and3A_2250 = arith.constant 255 : i32
    %and3A_2251 = vector.broadcast %and3A_2250 : i32 to vector<16xi32>
    %and3A_2252 = arith.andi %gather3A_2249, %and3A_2251 : vector<16xi32>
    %gather3A_2253 = tpu.vector_load_idx %arg10[%and3A_2252] : memref<64xf32, #tpu.memory_space<vmem>>[vector<16xi32>], vector<16xf32>,
    %add3A_2254 = arith.addf %add3A_2245, %gather3A_2253 : vector<16xf32>
    %shift_right_arithmetic3A_2255 = arith.constant 8 : i32
    %shift_right_arithmetic3A_2256 = vector.broadcast %shift_right_arithmetic3A_2255 : i32 to vector<16xi32>
    %shift_right_arithmetic3A_2257 = arith.shrsi %gather3A_2249, %shift_right_arithmetic3A_2256 : vector<16xi32>
    %and3A_2258 = arith.constant 255 : i32
    %and3A_2259 = vector.broadcast %and3A_2258 : i32 to vector<16xi32>
    %and3A_2260 = arith.andi %shift_right_arithmetic3A_2257, %and3A_2259 : vector<16xi32>
    %gather3A_2261 = tpu.vector_load_idx %arg11[%and3A_2260] : memref<64xf32, #tpu.memory_space<vmem>>[vector<16xi32>], vector<16xf32>,
    %add3A_2262 = arith.addf %add3A_2254, %gather3A_2261 : vector<16xf32>
    %shift_right_arithmetic3A_2263 = arith.constant 16 : i32
    %shift_right_arithmetic3A_2264 = vector.broadcast %shift_right_arithmetic3A_2263 : i32 to vector<16xi32>
    %shift_right_arithmetic3A_2265 = arith.shrsi %gather3A_2249, %shift_right_arithmetic3A_2264 : vector<16xi32>
    %gather3A_2266 = tpu.vector_load_idx %arg12[%shift_right_arithmetic3A_2265] : memref<64xf32, #tpu.memory_space<vmem>>[vector<16xi32>], vector<16xf32>,
    %add3A_2267 = arith.addf %add3A_2262, %gather3A_2266 : vector<16xf32>
    %add3A_2268 = arith.constant 973 : i32
    %add3A_2269 = vector.broadcast %add3A_2268 : i32 to vector<16xi32>
    %add3A_2270 = arith.addi %mul3A_53, %add3A_2269 : vector<16xi32>
    %gather3A_2271 = tpu.vector_load_idx %arg4[%add3A_2270] : memref<2560xi32, #tpu.memory_space<vmem>>[vector<16xi32>], vector<16xi32>,
    %and3A_2272 = arith.constant 255 : i32
    %and3A_2273 = vector.broadcast %and3A_2272 : i32 to vector<16xi32>
    %and3A_2274 = arith.andi %gather3A_2271, %and3A_2273 : vector<16xi32>
    %gather3A_2275 = tpu.vector_load_idx %arg10[%and3A_2274] : memref<64xf32, #tpu.memory_space<vmem>>[vector<16xi32>], vector<16xf32>,
    %add3A_2276 = arith.addf %add3A_2267, %gather3A_2275 : vector<16xf32>
    %shift_right_arithmetic3A_2277 = arith.constant 8 : i32
    %shift_right_arithmetic3A_2278 = vector.broadcast %shift_right_arithmetic3A_2277 : i32 to vector<16xi32>
    %shift_right_arithmetic3A_2279 = arith.shrsi %gather3A_2271, %shift_right_arithmetic3A_2278 : vector<16xi32>
    %and3A_2280 = arith.constant 255 : i32
    %and3A_2281 = vector.broadcast %and3A_2280 : i32 to vector<16xi32>
    %and3A_2282 = arith.andi %shift_right_arithmetic3A_2279, %and3A_2281 : vector<16xi32>
    %gather3A_2283 = tpu.vector_load_idx %arg11[%and3A_2282] : memref<64xf32, #tpu.memory_space<vmem>>[vector<16xi32>], vector<16xf32>,
    %add3A_2284 = arith.addf %add3A_2276, %gather3A_2283 : vector<16xf32>
    %shift_right_arithmetic3A_2285 = arith.constant 16 : i32
    %shift_right_arithmetic3A_2286 = vector.broadcast %shift_right_arithmetic3A_2285 : i32 to vector<16xi32>
    %shift_right_arithmetic3A_2287 = arith.shrsi %gather3A_2271, %shift_right_arithmetic3A_2286 : vector<16xi32>
    %gather3A_2288 = tpu.vector_load_idx %arg12[%shift_right_arithmetic3A_2287] : memref<64xf32, #tpu.memory_space<vmem>>[vector<16xi32>], vector<16xf32>,
    %add3A_2289 = arith.addf %add3A_2284, %gather3A_2288 : vector<16xf32>
    %add3A_2290 = arith.constant 974 : i32
    %add3A_2291 = vector.broadcast %add3A_2290 : i32 to vector<16xi32>
    %add3A_2292 = arith.addi %mul3A_53, %add3A_2291 : vector<16xi32>
    %gather3A_2293 = tpu.vector_load_idx %arg4[%add3A_2292] : memref<2560xi32, #tpu.memory_space<vmem>>[vector<16xi32>], vector<16xi32>,
    %and3A_2294 = arith.constant 255 : i32
    %and3A_2295 = vector.broadcast %and3A_2294 : i32 to vector<16xi32>
    %and3A_2296 = arith.andi %gather3A_2293, %and3A_2295 : vector<16xi32>
    %gather3A_2297 = tpu.vector_load_idx %arg10[%and3A_2296] : memref<64xf32, #tpu.memory_space<vmem>>[vector<16xi32>], vector<16xf32>,
    %add3A_2298 = arith.addf %add3A_2289, %gather3A_2297 : vector<16xf32>
    %shift_right_arithmetic3A_2299 = arith.constant 8 : i32
    %shift_right_arithmetic3A_2300 = vector.broadcast %shift_right_arithmetic3A_2299 : i32 to vector<16xi32>
    %shift_right_arithmetic3A_2301 = arith.shrsi %gather3A_2293, %shift_right_arithmetic3A_2300 : vector<16xi32>
    %and3A_2302 = arith.constant 255 : i32
    %and3A_2303 = vector.broadcast %and3A_2302 : i32 to vector<16xi32>
    %and3A_2304 = arith.andi %shift_right_arithmetic3A_2301, %and3A_2303 : vector<16xi32>
    %gather3A_2305 = tpu.vector_load_idx %arg11[%and3A_2304] : memref<64xf32, #tpu.memory_space<vmem>>[vector<16xi32>], vector<16xf32>,
    %add3A_2306 = arith.addf %add3A_2298, %gather3A_2305 : vector<16xf32>
    %shift_right_arithmetic3A_2307 = arith.constant 16 : i32
    %shift_right_arithmetic3A_2308 = vector.broadcast %shift_right_arithmetic3A_2307 : i32 to vector<16xi32>
    %shift_right_arithmetic3A_2309 = arith.shrsi %gather3A_2293, %shift_right_arithmetic3A_2308 : vector<16xi32>
    %gather3A_2310 = tpu.vector_load_idx %arg12[%shift_right_arithmetic3A_2309] : memref<64xf32, #tpu.memory_space<vmem>>[vector<16xi32>], vector<16xf32>,
    %add3A_2311 = arith.addf %add3A_2306, %gather3A_2310 : vector<16xf32>
    %add3A_2312 = arith.constant 975 : i32
    %add3A_2313 = vector.broadcast %add3A_2312 : i32 to vector<16xi32>
    %add3A_2314 = arith.addi %mul3A_53, %add3A_2313 : vector<16xi32>
    %gather3A_2315 = tpu.vector_load_idx %arg4[%add3A_2314] : memref<2560xi32, #tpu.memory_space<vmem>>[vector<16xi32>], vector<16xi32>,
    %and3A_2316 = arith.constant 255 : i32
    %and3A_2317 = vector.broadcast %and3A_2316 : i32 to vector<16xi32>
    %and3A_2318 = arith.andi %gather3A_2315, %and3A_2317 : vector<16xi32>
    %gather3A_2319 = tpu.vector_load_idx %arg10[%and3A_2318] : memref<64xf32, #tpu.memory_space<vmem>>[vector<16xi32>], vector<16xf32>,
    %add3A_2320 = arith.addf %add3A_2311, %gather3A_2319 : vector<16xf32>
    %shift_right_arithmetic3A_2321 = arith.constant 8 : i32
    %shift_right_arithmetic3A_2322 = vector.broadcast %shift_right_arithmetic3A_2321 : i32 to vector<16xi32>
    %shift_right_arithmetic3A_2323 = arith.shrsi %gather3A_2315, %shift_right_arithmetic3A_2322 : vector<16xi32>
    %and3A_2324 = arith.constant 255 : i32
    %and3A_2325 = vector.broadcast %and3A_2324 : i32 to vector<16xi32>
    %and3A_2326 = arith.andi %shift_right_arithmetic3A_2323, %and3A_2325 : vector<16xi32>
    %gather3A_2327 = tpu.vector_load_idx %arg11[%and3A_2326] : memref<64xf32, #tpu.memory_space<vmem>>[vector<16xi32>], vector<16xf32>,
    %add3A_2328 = arith.addf %add3A_2320, %gather3A_2327 : vector<16xf32>
    %shift_right_arithmetic3A_2329 = arith.constant 16 : i32
    %shift_right_arithmetic3A_2330 = vector.broadcast %shift_right_arithmetic3A_2329 : i32 to vector<16xi32>
    %shift_right_arithmetic3A_2331 = arith.shrsi %gather3A_2315, %shift_right_arithmetic3A_2330 : vector<16xi32>
    %gather3A_2332 = tpu.vector_load_idx %arg12[%shift_right_arithmetic3A_2331] : memref<64xf32, #tpu.memory_space<vmem>>[vector<16xi32>], vector<16xf32>,
    %add3A_2333 = arith.addf %add3A_2328, %gather3A_2332 : vector<16xf32>
    %add3A_2334 = arith.constant 976 : i32
    %add3A_2335 = vector.broadcast %add3A_2334 : i32 to vector<16xi32>
    %add3A_2336 = arith.addi %mul3A_53, %add3A_2335 : vector<16xi32>
    %gather3A_2337 = tpu.vector_load_idx %arg4[%add3A_2336] : memref<2560xi32, #tpu.memory_space<vmem>>[vector<16xi32>], vector<16xi32>,
    %and3A_2338 = arith.constant 255 : i32
    %and3A_2339 = vector.broadcast %and3A_2338 : i32 to vector<16xi32>
    %and3A_2340 = arith.andi %gather3A_2337, %and3A_2339 : vector<16xi32>
    %gather3A_2341 = tpu.vector_load_idx %arg10[%and3A_2340] : memref<64xf32, #tpu.memory_space<vmem>>[vector<16xi32>], vector<16xf32>,
    %add3A_2342 = arith.addf %add3A_2333, %gather3A_2341 : vector<16xf32>
    %shift_right_arithmetic3A_2343 = arith.constant 8 : i32
    %shift_right_arithmetic3A_2344 = vector.broadcast %shift_right_arithmetic3A_2343 : i32 to vector<16xi32>
    %shift_right_arithmetic3A_2345 = arith.shrsi %gather3A_2337, %shift_right_arithmetic3A_2344 : vector<16xi32>
    %and3A_2346 = arith.constant 255 : i32
    %and3A_2347 = vector.broadcast %and3A_2346 : i32 to vector<16xi32>
    %and3A_2348 = arith.andi %shift_right_arithmetic3A_2345, %and3A_2347 : vector<16xi32>
    %gather3A_2349 = tpu.vector_load_idx %arg11[%and3A_2348] : memref<64xf32, #tpu.memory_space<vmem>>[vector<16xi32>], vector<16xf32>,
    %add3A_2350 = arith.addf %add3A_2342, %gather3A_2349 : vector<16xf32>
    %shift_right_arithmetic3A_2351 = arith.constant 16 : i32
    %shift_right_arithmetic3A_2352 = vector.broadcast %shift_right_arithmetic3A_2351 : i32 to vector<16xi32>
    %shift_right_arithmetic3A_2353 = arith.shrsi %gather3A_2337, %shift_right_arithmetic3A_2352 : vector<16xi32>
    %gather3A_2354 = tpu.vector_load_idx %arg12[%shift_right_arithmetic3A_2353] : memref<64xf32, #tpu.memory_space<vmem>>[vector<16xi32>], vector<16xf32>,
    %add3A_2355 = arith.addf %add3A_2350, %gather3A_2354 : vector<16xf32>
    %add3A_2356 = arith.constant 977 : i32
    %add3A_2357 = vector.broadcast %add3A_2356 : i32 to vector<16xi32>
    %add3A_2358 = arith.addi %mul3A_53, %add3A_2357 : vector<16xi32>
    %gather3A_2359 = tpu.vector_load_idx %arg4[%add3A_2358] : memref<2560xi32, #tpu.memory_space<vmem>>[vector<16xi32>], vector<16xi32>,
    %and3A_2360 = arith.constant 255 : i32
    %and3A_2361 = vector.broadcast %and3A_2360 : i32 to vector<16xi32>
    %and3A_2362 = arith.andi %gather3A_2359, %and3A_2361 : vector<16xi32>
    %gather3A_2363 = tpu.vector_load_idx %arg10[%and3A_2362] : memref<64xf32, #tpu.memory_space<vmem>>[vector<16xi32>], vector<16xf32>,
    %add3A_2364 = arith.addf %add3A_2355, %gather3A_2363 : vector<16xf32>
    %shift_right_arithmetic3A_2365 = arith.constant 8 : i32
    %shift_right_arithmetic3A_2366 = vector.broadcast %shift_right_arithmetic3A_2365 : i32 to vector<16xi32>
    %shift_right_arithmetic3A_2367 = arith.shrsi %gather3A_2359, %shift_right_arithmetic3A_2366 : vector<16xi32>
    %and3A_2368 = arith.constant 255 : i32
    %and3A_2369 = vector.broadcast %and3A_2368 : i32 to vector<16xi32>
    %and3A_2370 = arith.andi %shift_right_arithmetic3A_2367, %and3A_2369 : vector<16xi32>
    %gather3A_2371 = tpu.vector_load_idx %arg11[%and3A_2370] : memref<64xf32, #tpu.memory_space<vmem>>[vector<16xi32>], vector<16xf32>,
    %add3A_2372 = arith.addf %add3A_2364, %gather3A_2371 : vector<16xf32>
    %shift_right_arithmetic3A_2373 = arith.constant 16 : i32
    %shift_right_arithmetic3A_2374 = vector.broadcast %shift_right_arithmetic3A_2373 : i32 to vector<16xi32>
    %shift_right_arithmetic3A_2375 = arith.shrsi %gather3A_2359, %shift_right_arithmetic3A_2374 : vector<16xi32>
    %gather3A_2376 = tpu.vector_load_idx %arg12[%shift_right_arithmetic3A_2375] : memref<64xf32, #tpu.memory_space<vmem>>[vector<16xi32>], vector<16xf32>,
    %add3A_2377 = arith.addf %add3A_2372, %gather3A_2376 : vector<16xf32>
    %add3A_2378 = arith.constant 978 : i32
    %add3A_2379 = vector.broadcast %add3A_2378 : i32 to vector<16xi32>
    %add3A_2380 = arith.addi %mul3A_53, %add3A_2379 : vector<16xi32>
    %gather3A_2381 = tpu.vector_load_idx %arg4[%add3A_2380] : memref<2560xi32, #tpu.memory_space<vmem>>[vector<16xi32>], vector<16xi32>,
    %and3A_2382 = arith.constant 255 : i32
    %and3A_2383 = vector.broadcast %and3A_2382 : i32 to vector<16xi32>
    %and3A_2384 = arith.andi %gather3A_2381, %and3A_2383 : vector<16xi32>
    %gather3A_2385 = tpu.vector_load_idx %arg10[%and3A_2384] : memref<64xf32, #tpu.memory_space<vmem>>[vector<16xi32>], vector<16xf32>,
    %add3A_2386 = arith.addf %add3A_2377, %gather3A_2385 : vector<16xf32>
    %shift_right_arithmetic3A_2387 = arith.constant 8 : i32
    %shift_right_arithmetic3A_2388 = vector.broadcast %shift_right_arithmetic3A_2387 : i32 to vector<16xi32>
    %shift_right_arithmetic3A_2389 = arith.shrsi %gather3A_2381, %shift_right_arithmetic3A_2388 : vector<16xi32>
    %and3A_2390 = arith.constant 255 : i32
    %and3A_2391 = vector.broadcast %and3A_2390 : i32 to vector<16xi32>
    %and3A_2392 = arith.andi %shift_right_arithmetic3A_2389, %and3A_2391 : vector<16xi32>
    %gather3A_2393 = tpu.vector_load_idx %arg11[%and3A_2392] : memref<64xf32, #tpu.memory_space<vmem>>[vector<16xi32>], vector<16xf32>,
    %add3A_2394 = arith.addf %add3A_2386, %gather3A_2393 : vector<16xf32>
    %shift_right_arithmetic3A_2395 = arith.constant 16 : i32
    %shift_right_arithmetic3A_2396 = vector.broadcast %shift_right_arithmetic3A_2395 : i32 to vector<16xi32>
    %shift_right_arithmetic3A_2397 = arith.shrsi %gather3A_2381, %shift_right_arithmetic3A_2396 : vector<16xi32>
    %gather3A_2398 = tpu.vector_load_idx %arg12[%shift_right_arithmetic3A_2397] : memref<64xf32, #tpu.memory_space<vmem>>[vector<16xi32>], vector<16xf32>,
    %add3A_2399 = arith.addf %add3A_2394, %gather3A_2398 : vector<16xf32>
    %add3A_2400 = arith.constant 979 : i32
    %add3A_2401 = vector.broadcast %add3A_2400 : i32 to vector<16xi32>
    %add3A_2402 = arith.addi %mul3A_53, %add3A_2401 : vector<16xi32>
    %gather3A_2403 = tpu.vector_load_idx %arg4[%add3A_2402] : memref<2560xi32, #tpu.memory_space<vmem>>[vector<16xi32>], vector<16xi32>,
    %and3A_2404 = arith.constant 255 : i32
    %and3A_2405 = vector.broadcast %and3A_2404 : i32 to vector<16xi32>
    %and3A_2406 = arith.andi %gather3A_2403, %and3A_2405 : vector<16xi32>
    %gather3A_2407 = tpu.vector_load_idx %arg10[%and3A_2406] : memref<64xf32, #tpu.memory_space<vmem>>[vector<16xi32>], vector<16xf32>,
    %add3A_2408 = arith.addf %add3A_2399, %gather3A_2407 : vector<16xf32>
    %shift_right_arithmetic3A_2409 = arith.constant 8 : i32
    %shift_right_arithmetic3A_2410 = vector.broadcast %shift_right_arithmetic3A_2409 : i32 to vector<16xi32>
    %shift_right_arithmetic3A_2411 = arith.shrsi %gather3A_2403, %shift_right_arithmetic3A_2410 : vector<16xi32>
    %and3A_2412 = arith.constant 255 : i32
    %and3A_2413 = vector.broadcast %and3A_2412 : i32 to vector<16xi32>
    %and3A_2414 = arith.andi %shift_right_arithmetic3A_2411, %and3A_2413 : vector<16xi32>
    %gather3A_2415 = tpu.vector_load_idx %arg11[%and3A_2414] : memref<64xf32, #tpu.memory_space<vmem>>[vector<16xi32>], vector<16xf32>,
    %add3A_2416 = arith.addf %add3A_2408, %gather3A_2415 : vector<16xf32>
    %shift_right_arithmetic3A_2417 = arith.constant 16 : i32
    %shift_right_arithmetic3A_2418 = vector.broadcast %shift_right_arithmetic3A_2417 : i32 to vector<16xi32>
    %shift_right_arithmetic3A_2419 = arith.shrsi %gather3A_2403, %shift_right_arithmetic3A_2418 : vector<16xi32>
    %gather3A_2420 = tpu.vector_load_idx %arg12[%shift_right_arithmetic3A_2419] : memref<64xf32, #tpu.memory_space<vmem>>[vector<16xi32>], vector<16xf32>,
    %add3A_2421 = arith.addf %add3A_2416, %gather3A_2420 : vector<16xf32>
    %swap3A_2422 = arith.constant 48 : index
    %swap3A_2423 = tpu.vector_load %arg13[%swap3A_2422] {strides = array<i32>} : memref<128xf32, #tpu.memory_space<vmem>>, vector<16xf32>,
    tpu.vector_store %arg13[%swap3A_2422], %add3A_2421 {strides = array<i32>} : memref<128xf32, #tpu.memory_space<vmem>>, vector<16xf32>,
    %add3A_2424 = arith.constant 128 : i32
    %add3A_2425 = vector.broadcast %add3A_2424 : i32 to vector<16xi32>
    %add3A_2426 = arith.addi %mul3A_50, %add3A_2425 : vector<16xi32>
    %gather3A_2427 = tpu.vector_load_idx %arg5[%add3A_2426] : memref<256xi32, #tpu.memory_space<vmem>>[vector<16xi32>], vector<16xi32>,
    %bitcast3A_2428 = vector.bitcast %gather3A_2427 : vector<16xi32> to vector<16xf32>
    %add3A_2429 = arith.constant 128 : i32
    %add3A_2430 = vector.broadcast %add3A_2429 : i32 to vector<16xi32>
    %add3A_2431 = arith.addi %mul3A_50, %add3A_2430 : vector<16xi32>
    %add3A_2432 = arith.constant 1 : i32
    %add3A_2433 = vector.broadcast %add3A_2432 : i32 to vector<16xi32>
    %add3A_2434 = arith.addi %add3A_2431, %add3A_2433 : vector<16xi32>
    %gather3A_2435 = tpu.vector_load_idx %arg5[%add3A_2434] : memref<256xi32, #tpu.memory_space<vmem>>[vector<16xi32>], vector<16xi32>,
    %bitcast3A_2436 = vector.bitcast %gather3A_2435 : vector<16xi32> to vector<16xf32>
    %mul3A_2437 = arith.mulf %bitcast3A_2428, %bitcast3A_583 : vector<16xf32>
    %add3A_2438 = arith.addf %bitcast3A_589, %mul3A_2437 : vector<16xf32>
    %mul3A_2439 = arith.mulf %bitcast3A_2436, %bitcast3A_586 : vector<16xf32>
    %add3A_2440 = arith.addf %add3A_2438, %mul3A_2439 : vector<16xf32>
    %add3A_2441 = arith.constant 1280 : i32
    %add3A_2442 = vector.broadcast %add3A_2441 : i32 to vector<16xi32>
    %add3A_2443 = arith.addi %mul3A_53, %add3A_2442 : vector<16xi32>
    %gather3A_2444 = tpu.vector_load_idx %arg4[%add3A_2443] : memref<2560xi32, #tpu.memory_space<vmem>>[vector<16xi32>], vector<16xi32>,
    %and3A_2445 = arith.constant 255 : i32
    %and3A_2446 = vector.broadcast %and3A_2445 : i32 to vector<16xi32>
    %and3A_2447 = arith.andi %gather3A_2444, %and3A_2446 : vector<16xi32>
    %gather3A_2448 = tpu.vector_load_idx %arg10[%and3A_2447] : memref<64xf32, #tpu.memory_space<vmem>>[vector<16xi32>], vector<16xf32>,
    %add3A_2449 = arith.addf %add3A_2440, %gather3A_2448 : vector<16xf32>
    %shift_right_arithmetic3A_2450 = arith.constant 8 : i32
    %shift_right_arithmetic3A_2451 = vector.broadcast %shift_right_arithmetic3A_2450 : i32 to vector<16xi32>
    %shift_right_arithmetic3A_2452 = arith.shrsi %gather3A_2444, %shift_right_arithmetic3A_2451 : vector<16xi32>
    %and3A_2453 = arith.constant 255 : i32
    %and3A_2454 = vector.broadcast %and3A_2453 : i32 to vector<16xi32>
    %and3A_2455 = arith.andi %shift_right_arithmetic3A_2452, %and3A_2454 : vector<16xi32>
    %gather3A_2456 = tpu.vector_load_idx %arg11[%and3A_2455] : memref<64xf32, #tpu.memory_space<vmem>>[vector<16xi32>], vector<16xf32>,
    %add3A_2457 = arith.addf %add3A_2449, %gather3A_2456 : vector<16xf32>
    %shift_right_arithmetic3A_2458 = arith.constant 16 : i32
    %shift_right_arithmetic3A_2459 = vector.broadcast %shift_right_arithmetic3A_2458 : i32 to vector<16xi32>
    %shift_right_arithmetic3A_2460 = arith.shrsi %gather3A_2444, %shift_right_arithmetic3A_2459 : vector<16xi32>
    %gather3A_2461 = tpu.vector_load_idx %arg12[%shift_right_arithmetic3A_2460] : memref<64xf32, #tpu.memory_space<vmem>>[vector<16xi32>], vector<16xf32>,
    %add3A_2462 = arith.addf %add3A_2457, %gather3A_2461 : vector<16xf32>
    %add3A_2463 = arith.constant 1281 : i32
    %add3A_2464 = vector.broadcast %add3A_2463 : i32 to vector<16xi32>
    %add3A_2465 = arith.addi %mul3A_53, %add3A_2464 : vector<16xi32>
    %gather3A_2466 = tpu.vector_load_idx %arg4[%add3A_2465] : memref<2560xi32, #tpu.memory_space<vmem>>[vector<16xi32>], vector<16xi32>,
    %and3A_2467 = arith.constant 255 : i32
    %and3A_2468 = vector.broadcast %and3A_2467 : i32 to vector<16xi32>
    %and3A_2469 = arith.andi %gather3A_2466, %and3A_2468 : vector<16xi32>
    %gather3A_2470 = tpu.vector_load_idx %arg10[%and3A_2469] : memref<64xf32, #tpu.memory_space<vmem>>[vector<16xi32>], vector<16xf32>,
    %add3A_2471 = arith.addf %add3A_2462, %gather3A_2470 : vector<16xf32>
    %shift_right_arithmetic3A_2472 = arith.constant 8 : i32
    %shift_right_arithmetic3A_2473 = vector.broadcast %shift_right_arithmetic3A_2472 : i32 to vector<16xi32>
    %shift_right_arithmetic3A_2474 = arith.shrsi %gather3A_2466, %shift_right_arithmetic3A_2473 : vector<16xi32>
    %and3A_2475 = arith.constant 255 : i32
    %and3A_2476 = vector.broadcast %and3A_2475 : i32 to vector<16xi32>
    %and3A_2477 = arith.andi %shift_right_arithmetic3A_2474, %and3A_2476 : vector<16xi32>
    %gather3A_2478 = tpu.vector_load_idx %arg11[%and3A_2477] : memref<64xf32, #tpu.memory_space<vmem>>[vector<16xi32>], vector<16xf32>,
    %add3A_2479 = arith.addf %add3A_2471, %gather3A_2478 : vector<16xf32>
    %shift_right_arithmetic3A_2480 = arith.constant 16 : i32
    %shift_right_arithmetic3A_2481 = vector.broadcast %shift_right_arithmetic3A_2480 : i32 to vector<16xi32>
    %shift_right_arithmetic3A_2482 = arith.shrsi %gather3A_2466, %shift_right_arithmetic3A_2481 : vector<16xi32>
    %gather3A_2483 = tpu.vector_load_idx %arg12[%shift_right_arithmetic3A_2482] : memref<64xf32, #tpu.memory_space<vmem>>[vector<16xi32>], vector<16xf32>,
    %add3A_2484 = arith.addf %add3A_2479, %gather3A_2483 : vector<16xf32>
    %add3A_2485 = arith.constant 1282 : i32
    %add3A_2486 = vector.broadcast %add3A_2485 : i32 to vector<16xi32>
    %add3A_2487 = arith.addi %mul3A_53, %add3A_2486 : vector<16xi32>
    %gather3A_2488 = tpu.vector_load_idx %arg4[%add3A_2487] : memref<2560xi32, #tpu.memory_space<vmem>>[vector<16xi32>], vector<16xi32>,
    %and3A_2489 = arith.constant 255 : i32
    %and3A_2490 = vector.broadcast %and3A_2489 : i32 to vector<16xi32>
    %and3A_2491 = arith.andi %gather3A_2488, %and3A_2490 : vector<16xi32>
    %gather3A_2492 = tpu.vector_load_idx %arg10[%and3A_2491] : memref<64xf32, #tpu.memory_space<vmem>>[vector<16xi32>], vector<16xf32>,
    %add3A_2493 = arith.addf %add3A_2484, %gather3A_2492 : vector<16xf32>
    %shift_right_arithmetic3A_2494 = arith.constant 8 : i32
    %shift_right_arithmetic3A_2495 = vector.broadcast %shift_right_arithmetic3A_2494 : i32 to vector<16xi32>
    %shift_right_arithmetic3A_2496 = arith.shrsi %gather3A_2488, %shift_right_arithmetic3A_2495 : vector<16xi32>
    %and3A_2497 = arith.constant 255 : i32
    %and3A_2498 = vector.broadcast %and3A_2497 : i32 to vector<16xi32>
    %and3A_2499 = arith.andi %shift_right_arithmetic3A_2496, %and3A_2498 : vector<16xi32>
    %gather3A_2500 = tpu.vector_load_idx %arg11[%and3A_2499] : memref<64xf32, #tpu.memory_space<vmem>>[vector<16xi32>], vector<16xf32>,
    %add3A_2501 = arith.addf %add3A_2493, %gather3A_2500 : vector<16xf32>
    %shift_right_arithmetic3A_2502 = arith.constant 16 : i32
    %shift_right_arithmetic3A_2503 = vector.broadcast %shift_right_arithmetic3A_2502 : i32 to vector<16xi32>
    %shift_right_arithmetic3A_2504 = arith.shrsi %gather3A_2488, %shift_right_arithmetic3A_2503 : vector<16xi32>
    %gather3A_2505 = tpu.vector_load_idx %arg12[%shift_right_arithmetic3A_2504] : memref<64xf32, #tpu.memory_space<vmem>>[vector<16xi32>], vector<16xf32>,
    %add3A_2506 = arith.addf %add3A_2501, %gather3A_2505 : vector<16xf32>
    %add3A_2507 = arith.constant 1283 : i32
    %add3A_2508 = vector.broadcast %add3A_2507 : i32 to vector<16xi32>
    %add3A_2509 = arith.addi %mul3A_53, %add3A_2508 : vector<16xi32>
    %gather3A_2510 = tpu.vector_load_idx %arg4[%add3A_2509] : memref<2560xi32, #tpu.memory_space<vmem>>[vector<16xi32>], vector<16xi32>,
    %and3A_2511 = arith.constant 255 : i32
    %and3A_2512 = vector.broadcast %and3A_2511 : i32 to vector<16xi32>
    %and3A_2513 = arith.andi %gather3A_2510, %and3A_2512 : vector<16xi32>
    %gather3A_2514 = tpu.vector_load_idx %arg10[%and3A_2513] : memref<64xf32, #tpu.memory_space<vmem>>[vector<16xi32>], vector<16xf32>,
    %add3A_2515 = arith.addf %add3A_2506, %gather3A_2514 : vector<16xf32>
    %shift_right_arithmetic3A_2516 = arith.constant 8 : i32
    %shift_right_arithmetic3A_2517 = vector.broadcast %shift_right_arithmetic3A_2516 : i32 to vector<16xi32>
    %shift_right_arithmetic3A_2518 = arith.shrsi %gather3A_2510, %shift_right_arithmetic3A_2517 : vector<16xi32>
    %and3A_2519 = arith.constant 255 : i32
    %and3A_2520 = vector.broadcast %and3A_2519 : i32 to vector<16xi32>
    %and3A_2521 = arith.andi %shift_right_arithmetic3A_2518, %and3A_2520 : vector<16xi32>
    %gather3A_2522 = tpu.vector_load_idx %arg11[%and3A_2521] : memref<64xf32, #tpu.memory_space<vmem>>[vector<16xi32>], vector<16xf32>,
    %add3A_2523 = arith.addf %add3A_2515, %gather3A_2522 : vector<16xf32>
    %shift_right_arithmetic3A_2524 = arith.constant 16 : i32
    %shift_right_arithmetic3A_2525 = vector.broadcast %shift_right_arithmetic3A_2524 : i32 to vector<16xi32>
    %shift_right_arithmetic3A_2526 = arith.shrsi %gather3A_2510, %shift_right_arithmetic3A_2525 : vector<16xi32>
    %gather3A_2527 = tpu.vector_load_idx %arg12[%shift_right_arithmetic3A_2526] : memref<64xf32, #tpu.memory_space<vmem>>[vector<16xi32>], vector<16xf32>,
    %add3A_2528 = arith.addf %add3A_2523, %gather3A_2527 : vector<16xf32>
    %add3A_2529 = arith.constant 1284 : i32
    %add3A_2530 = vector.broadcast %add3A_2529 : i32 to vector<16xi32>
    %add3A_2531 = arith.addi %mul3A_53, %add3A_2530 : vector<16xi32>
    %gather3A_2532 = tpu.vector_load_idx %arg4[%add3A_2531] : memref<2560xi32, #tpu.memory_space<vmem>>[vector<16xi32>], vector<16xi32>,
    %and3A_2533 = arith.constant 255 : i32
    %and3A_2534 = vector.broadcast %and3A_2533 : i32 to vector<16xi32>
    %and3A_2535 = arith.andi %gather3A_2532, %and3A_2534 : vector<16xi32>
    %gather3A_2536 = tpu.vector_load_idx %arg10[%and3A_2535] : memref<64xf32, #tpu.memory_space<vmem>>[vector<16xi32>], vector<16xf32>,
    %add3A_2537 = arith.addf %add3A_2528, %gather3A_2536 : vector<16xf32>
    %shift_right_arithmetic3A_2538 = arith.constant 8 : i32
    %shift_right_arithmetic3A_2539 = vector.broadcast %shift_right_arithmetic3A_2538 : i32 to vector<16xi32>
    %shift_right_arithmetic3A_2540 = arith.shrsi %gather3A_2532, %shift_right_arithmetic3A_2539 : vector<16xi32>
    %and3A_2541 = arith.constant 255 : i32
    %and3A_2542 = vector.broadcast %and3A_2541 : i32 to vector<16xi32>
    %and3A_2543 = arith.andi %shift_right_arithmetic3A_2540, %and3A_2542 : vector<16xi32>
    %gather3A_2544 = tpu.vector_load_idx %arg11[%and3A_2543] : memref<64xf32, #tpu.memory_space<vmem>>[vector<16xi32>], vector<16xf32>,
    %add3A_2545 = arith.addf %add3A_2537, %gather3A_2544 : vector<16xf32>
    %shift_right_arithmetic3A_2546 = arith.constant 16 : i32
    %shift_right_arithmetic3A_2547 = vector.broadcast %shift_right_arithmetic3A_2546 : i32 to vector<16xi32>
    %shift_right_arithmetic3A_2548 = arith.shrsi %gather3A_2532, %shift_right_arithmetic3A_2547 : vector<16xi32>
    %gather3A_2549 = tpu.vector_load_idx %arg12[%shift_right_arithmetic3A_2548] : memref<64xf32, #tpu.memory_space<vmem>>[vector<16xi32>], vector<16xf32>,
    %add3A_2550 = arith.addf %add3A_2545, %gather3A_2549 : vector<16xf32>
    %add3A_2551 = arith.constant 1285 : i32
    %add3A_2552 = vector.broadcast %add3A_2551 : i32 to vector<16xi32>
    %add3A_2553 = arith.addi %mul3A_53, %add3A_2552 : vector<16xi32>
    %gather3A_2554 = tpu.vector_load_idx %arg4[%add3A_2553] : memref<2560xi32, #tpu.memory_space<vmem>>[vector<16xi32>], vector<16xi32>,
    %and3A_2555 = arith.constant 255 : i32
    %and3A_2556 = vector.broadcast %and3A_2555 : i32 to vector<16xi32>
    %and3A_2557 = arith.andi %gather3A_2554, %and3A_2556 : vector<16xi32>
    %gather3A_2558 = tpu.vector_load_idx %arg10[%and3A_2557] : memref<64xf32, #tpu.memory_space<vmem>>[vector<16xi32>], vector<16xf32>,
    %add3A_2559 = arith.addf %add3A_2550, %gather3A_2558 : vector<16xf32>
    %shift_right_arithmetic3A_2560 = arith.constant 8 : i32
    %shift_right_arithmetic3A_2561 = vector.broadcast %shift_right_arithmetic3A_2560 : i32 to vector<16xi32>
    %shift_right_arithmetic3A_2562 = arith.shrsi %gather3A_2554, %shift_right_arithmetic3A_2561 : vector<16xi32>
    %and3A_2563 = arith.constant 255 : i32
    %and3A_2564 = vector.broadcast %and3A_2563 : i32 to vector<16xi32>
    %and3A_2565 = arith.andi %shift_right_arithmetic3A_2562, %and3A_2564 : vector<16xi32>
    %gather3A_2566 = tpu.vector_load_idx %arg11[%and3A_2565] : memref<64xf32, #tpu.memory_space<vmem>>[vector<16xi32>], vector<16xf32>,
    %add3A_2567 = arith.addf %add3A_2559, %gather3A_2566 : vector<16xf32>
    %shift_right_arithmetic3A_2568 = arith.constant 16 : i32
    %shift_right_arithmetic3A_2569 = vector.broadcast %shift_right_arithmetic3A_2568 : i32 to vector<16xi32>
    %shift_right_arithmetic3A_2570 = arith.shrsi %gather3A_2554, %shift_right_arithmetic3A_2569 : vector<16xi32>
    %gather3A_2571 = tpu.vector_load_idx %arg12[%shift_right_arithmetic3A_2570] : memref<64xf32, #tpu.memory_space<vmem>>[vector<16xi32>], vector<16xf32>,
    %add3A_2572 = arith.addf %add3A_2567, %gather3A_2571 : vector<16xf32>
    %add3A_2573 = arith.constant 1286 : i32
    %add3A_2574 = vector.broadcast %add3A_2573 : i32 to vector<16xi32>
    %add3A_2575 = arith.addi %mul3A_53, %add3A_2574 : vector<16xi32>
    %gather3A_2576 = tpu.vector_load_idx %arg4[%add3A_2575] : memref<2560xi32, #tpu.memory_space<vmem>>[vector<16xi32>], vector<16xi32>,
    %and3A_2577 = arith.constant 255 : i32
    %and3A_2578 = vector.broadcast %and3A_2577 : i32 to vector<16xi32>
    %and3A_2579 = arith.andi %gather3A_2576, %and3A_2578 : vector<16xi32>
    %gather3A_2580 = tpu.vector_load_idx %arg10[%and3A_2579] : memref<64xf32, #tpu.memory_space<vmem>>[vector<16xi32>], vector<16xf32>,
    %add3A_2581 = arith.addf %add3A_2572, %gather3A_2580 : vector<16xf32>
    %shift_right_arithmetic3A_2582 = arith.constant 8 : i32
    %shift_right_arithmetic3A_2583 = vector.broadcast %shift_right_arithmetic3A_2582 : i32 to vector<16xi32>
    %shift_right_arithmetic3A_2584 = arith.shrsi %gather3A_2576, %shift_right_arithmetic3A_2583 : vector<16xi32>
    %and3A_2585 = arith.constant 255 : i32
    %and3A_2586 = vector.broadcast %and3A_2585 : i32 to vector<16xi32>
    %and3A_2587 = arith.andi %shift_right_arithmetic3A_2584, %and3A_2586 : vector<16xi32>
    %gather3A_2588 = tpu.vector_load_idx %arg11[%and3A_2587] : memref<64xf32, #tpu.memory_space<vmem>>[vector<16xi32>], vector<16xf32>,
    %add3A_2589 = arith.addf %add3A_2581, %gather3A_2588 : vector<16xf32>
    %shift_right_arithmetic3A_2590 = arith.constant 16 : i32
    %shift_right_arithmetic3A_2591 = vector.broadcast %shift_right_arithmetic3A_2590 : i32 to vector<16xi32>
    %shift_right_arithmetic3A_2592 = arith.shrsi %gather3A_2576, %shift_right_arithmetic3A_2591 : vector<16xi32>
    %gather3A_2593 = tpu.vector_load_idx %arg12[%shift_right_arithmetic3A_2592] : memref<64xf32, #tpu.memory_space<vmem>>[vector<16xi32>], vector<16xf32>,
    %add3A_2594 = arith.addf %add3A_2589, %gather3A_2593 : vector<16xf32>
    %add3A_2595 = arith.constant 1287 : i32
    %add3A_2596 = vector.broadcast %add3A_2595 : i32 to vector<16xi32>
    %add3A_2597 = arith.addi %mul3A_53, %add3A_2596 : vector<16xi32>
    %gather3A_2598 = tpu.vector_load_idx %arg4[%add3A_2597] : memref<2560xi32, #tpu.memory_space<vmem>>[vector<16xi32>], vector<16xi32>,
    %and3A_2599 = arith.constant 255 : i32
    %and3A_2600 = vector.broadcast %and3A_2599 : i32 to vector<16xi32>
    %and3A_2601 = arith.andi %gather3A_2598, %and3A_2600 : vector<16xi32>
    %gather3A_2602 = tpu.vector_load_idx %arg10[%and3A_2601] : memref<64xf32, #tpu.memory_space<vmem>>[vector<16xi32>], vector<16xf32>,
    %add3A_2603 = arith.addf %add3A_2594, %gather3A_2602 : vector<16xf32>
    %shift_right_arithmetic3A_2604 = arith.constant 8 : i32
    %shift_right_arithmetic3A_2605 = vector.broadcast %shift_right_arithmetic3A_2604 : i32 to vector<16xi32>
    %shift_right_arithmetic3A_2606 = arith.shrsi %gather3A_2598, %shift_right_arithmetic3A_2605 : vector<16xi32>
    %and3A_2607 = arith.constant 255 : i32
    %and3A_2608 = vector.broadcast %and3A_2607 : i32 to vector<16xi32>
    %and3A_2609 = arith.andi %shift_right_arithmetic3A_2606, %and3A_2608 : vector<16xi32>
    %gather3A_2610 = tpu.vector_load_idx %arg11[%and3A_2609] : memref<64xf32, #tpu.memory_space<vmem>>[vector<16xi32>], vector<16xf32>,
    %add3A_2611 = arith.addf %add3A_2603, %gather3A_2610 : vector<16xf32>
    %shift_right_arithmetic3A_2612 = arith.constant 16 : i32
    %shift_right_arithmetic3A_2613 = vector.broadcast %shift_right_arithmetic3A_2612 : i32 to vector<16xi32>
    %shift_right_arithmetic3A_2614 = arith.shrsi %gather3A_2598, %shift_right_arithmetic3A_2613 : vector<16xi32>
    %gather3A_2615 = tpu.vector_load_idx %arg12[%shift_right_arithmetic3A_2614] : memref<64xf32, #tpu.memory_space<vmem>>[vector<16xi32>], vector<16xf32>,
    %add3A_2616 = arith.addf %add3A_2611, %gather3A_2615 : vector<16xf32>
    %add3A_2617 = arith.constant 1288 : i32
    %add3A_2618 = vector.broadcast %add3A_2617 : i32 to vector<16xi32>
    %add3A_2619 = arith.addi %mul3A_53, %add3A_2618 : vector<16xi32>
    %gather3A_2620 = tpu.vector_load_idx %arg4[%add3A_2619] : memref<2560xi32, #tpu.memory_space<vmem>>[vector<16xi32>], vector<16xi32>,
    %and3A_2621 = arith.constant 255 : i32
    %and3A_2622 = vector.broadcast %and3A_2621 : i32 to vector<16xi32>
    %and3A_2623 = arith.andi %gather3A_2620, %and3A_2622 : vector<16xi32>
    %gather3A_2624 = tpu.vector_load_idx %arg10[%and3A_2623] : memref<64xf32, #tpu.memory_space<vmem>>[vector<16xi32>], vector<16xf32>,
    %add3A_2625 = arith.addf %add3A_2616, %gather3A_2624 : vector<16xf32>
    %shift_right_arithmetic3A_2626 = arith.constant 8 : i32
    %shift_right_arithmetic3A_2627 = vector.broadcast %shift_right_arithmetic3A_2626 : i32 to vector<16xi32>
    %shift_right_arithmetic3A_2628 = arith.shrsi %gather3A_2620, %shift_right_arithmetic3A_2627 : vector<16xi32>
    %and3A_2629 = arith.constant 255 : i32
    %and3A_2630 = vector.broadcast %and3A_2629 : i32 to vector<16xi32>
    %and3A_2631 = arith.andi %shift_right_arithmetic3A_2628, %and3A_2630 : vector<16xi32>
    %gather3A_2632 = tpu.vector_load_idx %arg11[%and3A_2631] : memref<64xf32, #tpu.memory_space<vmem>>[vector<16xi32>], vector<16xf32>,
    %add3A_2633 = arith.addf %add3A_2625, %gather3A_2632 : vector<16xf32>
    %shift_right_arithmetic3A_2634 = arith.constant 16 : i32
    %shift_right_arithmetic3A_2635 = vector.broadcast %shift_right_arithmetic3A_2634 : i32 to vector<16xi32>
    %shift_right_arithmetic3A_2636 = arith.shrsi %gather3A_2620, %shift_right_arithmetic3A_2635 : vector<16xi32>
    %gather3A_2637 = tpu.vector_load_idx %arg12[%shift_right_arithmetic3A_2636] : memref<64xf32, #tpu.memory_space<vmem>>[vector<16xi32>], vector<16xf32>,
    %add3A_2638 = arith.addf %add3A_2633, %gather3A_2637 : vector<16xf32>
    %add3A_2639 = arith.constant 1289 : i32
    %add3A_2640 = vector.broadcast %add3A_2639 : i32 to vector<16xi32>
    %add3A_2641 = arith.addi %mul3A_53, %add3A_2640 : vector<16xi32>
    %gather3A_2642 = tpu.vector_load_idx %arg4[%add3A_2641] : memref<2560xi32, #tpu.memory_space<vmem>>[vector<16xi32>], vector<16xi32>,
    %and3A_2643 = arith.constant 255 : i32
    %and3A_2644 = vector.broadcast %and3A_2643 : i32 to vector<16xi32>
    %and3A_2645 = arith.andi %gather3A_2642, %and3A_2644 : vector<16xi32>
    %gather3A_2646 = tpu.vector_load_idx %arg10[%and3A_2645] : memref<64xf32, #tpu.memory_space<vmem>>[vector<16xi32>], vector<16xf32>,
    %add3A_2647 = arith.addf %add3A_2638, %gather3A_2646 : vector<16xf32>
    %shift_right_arithmetic3A_2648 = arith.constant 8 : i32
    %shift_right_arithmetic3A_2649 = vector.broadcast %shift_right_arithmetic3A_2648 : i32 to vector<16xi32>
    %shift_right_arithmetic3A_2650 = arith.shrsi %gather3A_2642, %shift_right_arithmetic3A_2649 : vector<16xi32>
    %and3A_2651 = arith.constant 255 : i32
    %and3A_2652 = vector.broadcast %and3A_2651 : i32 to vector<16xi32>
    %and3A_2653 = arith.andi %shift_right_arithmetic3A_2650, %and3A_2652 : vector<16xi32>
    %gather3A_2654 = tpu.vector_load_idx %arg11[%and3A_2653] : memref<64xf32, #tpu.memory_space<vmem>>[vector<16xi32>], vector<16xf32>,
    %add3A_2655 = arith.addf %add3A_2647, %gather3A_2654 : vector<16xf32>
    %shift_right_arithmetic3A_2656 = arith.constant 16 : i32
    %shift_right_arithmetic3A_2657 = vector.broadcast %shift_right_arithmetic3A_2656 : i32 to vector<16xi32>
    %shift_right_arithmetic3A_2658 = arith.shrsi %gather3A_2642, %shift_right_arithmetic3A_2657 : vector<16xi32>
    %gather3A_2659 = tpu.vector_load_idx %arg12[%shift_right_arithmetic3A_2658] : memref<64xf32, #tpu.memory_space<vmem>>[vector<16xi32>], vector<16xf32>,
    %add3A_2660 = arith.addf %add3A_2655, %gather3A_2659 : vector<16xf32>
    %add3A_2661 = arith.constant 1290 : i32
    %add3A_2662 = vector.broadcast %add3A_2661 : i32 to vector<16xi32>
    %add3A_2663 = arith.addi %mul3A_53, %add3A_2662 : vector<16xi32>
    %gather3A_2664 = tpu.vector_load_idx %arg4[%add3A_2663] : memref<2560xi32, #tpu.memory_space<vmem>>[vector<16xi32>], vector<16xi32>,
    %and3A_2665 = arith.constant 255 : i32
    %and3A_2666 = vector.broadcast %and3A_2665 : i32 to vector<16xi32>
    %and3A_2667 = arith.andi %gather3A_2664, %and3A_2666 : vector<16xi32>
    %gather3A_2668 = tpu.vector_load_idx %arg10[%and3A_2667] : memref<64xf32, #tpu.memory_space<vmem>>[vector<16xi32>], vector<16xf32>,
    %add3A_2669 = arith.addf %add3A_2660, %gather3A_2668 : vector<16xf32>
    %shift_right_arithmetic3A_2670 = arith.constant 8 : i32
    %shift_right_arithmetic3A_2671 = vector.broadcast %shift_right_arithmetic3A_2670 : i32 to vector<16xi32>
    %shift_right_arithmetic3A_2672 = arith.shrsi %gather3A_2664, %shift_right_arithmetic3A_2671 : vector<16xi32>
    %and3A_2673 = arith.constant 255 : i32
    %and3A_2674 = vector.broadcast %and3A_2673 : i32 to vector<16xi32>
    %and3A_2675 = arith.andi %shift_right_arithmetic3A_2672, %and3A_2674 : vector<16xi32>
    %gather3A_2676 = tpu.vector_load_idx %arg11[%and3A_2675] : memref<64xf32, #tpu.memory_space<vmem>>[vector<16xi32>], vector<16xf32>,
    %add3A_2677 = arith.addf %add3A_2669, %gather3A_2676 : vector<16xf32>
    %shift_right_arithmetic3A_2678 = arith.constant 16 : i32
    %shift_right_arithmetic3A_2679 = vector.broadcast %shift_right_arithmetic3A_2678 : i32 to vector<16xi32>
    %shift_right_arithmetic3A_2680 = arith.shrsi %gather3A_2664, %shift_right_arithmetic3A_2679 : vector<16xi32>
    %gather3A_2681 = tpu.vector_load_idx %arg12[%shift_right_arithmetic3A_2680] : memref<64xf32, #tpu.memory_space<vmem>>[vector<16xi32>], vector<16xf32>,
    %add3A_2682 = arith.addf %add3A_2677, %gather3A_2681 : vector<16xf32>
    %add3A_2683 = arith.constant 1291 : i32
    %add3A_2684 = vector.broadcast %add3A_2683 : i32 to vector<16xi32>
    %add3A_2685 = arith.addi %mul3A_53, %add3A_2684 : vector<16xi32>
    %gather3A_2686 = tpu.vector_load_idx %arg4[%add3A_2685] : memref<2560xi32, #tpu.memory_space<vmem>>[vector<16xi32>], vector<16xi32>,
    %and3A_2687 = arith.constant 255 : i32
    %and3A_2688 = vector.broadcast %and3A_2687 : i32 to vector<16xi32>
    %and3A_2689 = arith.andi %gather3A_2686, %and3A_2688 : vector<16xi32>
    %gather3A_2690 = tpu.vector_load_idx %arg10[%and3A_2689] : memref<64xf32, #tpu.memory_space<vmem>>[vector<16xi32>], vector<16xf32>,
    %add3A_2691 = arith.addf %add3A_2682, %gather3A_2690 : vector<16xf32>
    %shift_right_arithmetic3A_2692 = arith.constant 8 : i32
    %shift_right_arithmetic3A_2693 = vector.broadcast %shift_right_arithmetic3A_2692 : i32 to vector<16xi32>
    %shift_right_arithmetic3A_2694 = arith.shrsi %gather3A_2686, %shift_right_arithmetic3A_2693 : vector<16xi32>
    %and3A_2695 = arith.constant 255 : i32
    %and3A_2696 = vector.broadcast %and3A_2695 : i32 to vector<16xi32>
    %and3A_2697 = arith.andi %shift_right_arithmetic3A_2694, %and3A_2696 : vector<16xi32>
    %gather3A_2698 = tpu.vector_load_idx %arg11[%and3A_2697] : memref<64xf32, #tpu.memory_space<vmem>>[vector<16xi32>], vector<16xf32>,
    %add3A_2699 = arith.addf %add3A_2691, %gather3A_2698 : vector<16xf32>
    %shift_right_arithmetic3A_2700 = arith.constant 16 : i32
    %shift_right_arithmetic3A_2701 = vector.broadcast %shift_right_arithmetic3A_2700 : i32 to vector<16xi32>
    %shift_right_arithmetic3A_2702 = arith.shrsi %gather3A_2686, %shift_right_arithmetic3A_2701 : vector<16xi32>
    %gather3A_2703 = tpu.vector_load_idx %arg12[%shift_right_arithmetic3A_2702] : memref<64xf32, #tpu.memory_space<vmem>>[vector<16xi32>], vector<16xf32>,
    %add3A_2704 = arith.addf %add3A_2699, %gather3A_2703 : vector<16xf32>
    %add3A_2705 = arith.constant 1292 : i32
    %add3A_2706 = vector.broadcast %add3A_2705 : i32 to vector<16xi32>
    %add3A_2707 = arith.addi %mul3A_53, %add3A_2706 : vector<16xi32>
    %gather3A_2708 = tpu.vector_load_idx %arg4[%add3A_2707] : memref<2560xi32, #tpu.memory_space<vmem>>[vector<16xi32>], vector<16xi32>,
    %and3A_2709 = arith.constant 255 : i32
    %and3A_2710 = vector.broadcast %and3A_2709 : i32 to vector<16xi32>
    %and3A_2711 = arith.andi %gather3A_2708, %and3A_2710 : vector<16xi32>
    %gather3A_2712 = tpu.vector_load_idx %arg10[%and3A_2711] : memref<64xf32, #tpu.memory_space<vmem>>[vector<16xi32>], vector<16xf32>,
    %add3A_2713 = arith.addf %add3A_2704, %gather3A_2712 : vector<16xf32>
    %shift_right_arithmetic3A_2714 = arith.constant 8 : i32
    %shift_right_arithmetic3A_2715 = vector.broadcast %shift_right_arithmetic3A_2714 : i32 to vector<16xi32>
    %shift_right_arithmetic3A_2716 = arith.shrsi %gather3A_2708, %shift_right_arithmetic3A_2715 : vector<16xi32>
    %and3A_2717 = arith.constant 255 : i32
    %and3A_2718 = vector.broadcast %and3A_2717 : i32 to vector<16xi32>
    %and3A_2719 = arith.andi %shift_right_arithmetic3A_2716, %and3A_2718 : vector<16xi32>
    %gather3A_2720 = tpu.vector_load_idx %arg11[%and3A_2719] : memref<64xf32, #tpu.memory_space<vmem>>[vector<16xi32>], vector<16xf32>,
    %add3A_2721 = arith.addf %add3A_2713, %gather3A_2720 : vector<16xf32>
    %shift_right_arithmetic3A_2722 = arith.constant 16 : i32
    %shift_right_arithmetic3A_2723 = vector.broadcast %shift_right_arithmetic3A_2722 : i32 to vector<16xi32>
    %shift_right_arithmetic3A_2724 = arith.shrsi %gather3A_2708, %shift_right_arithmetic3A_2723 : vector<16xi32>
    %gather3A_2725 = tpu.vector_load_idx %arg12[%shift_right_arithmetic3A_2724] : memref<64xf32, #tpu.memory_space<vmem>>[vector<16xi32>], vector<16xf32>,
    %add3A_2726 = arith.addf %add3A_2721, %gather3A_2725 : vector<16xf32>
    %add3A_2727 = arith.constant 1293 : i32
    %add3A_2728 = vector.broadcast %add3A_2727 : i32 to vector<16xi32>
    %add3A_2729 = arith.addi %mul3A_53, %add3A_2728 : vector<16xi32>
    %gather3A_2730 = tpu.vector_load_idx %arg4[%add3A_2729] : memref<2560xi32, #tpu.memory_space<vmem>>[vector<16xi32>], vector<16xi32>,
    %and3A_2731 = arith.constant 255 : i32
    %and3A_2732 = vector.broadcast %and3A_2731 : i32 to vector<16xi32>
    %and3A_2733 = arith.andi %gather3A_2730, %and3A_2732 : vector<16xi32>
    %gather3A_2734 = tpu.vector_load_idx %arg10[%and3A_2733] : memref<64xf32, #tpu.memory_space<vmem>>[vector<16xi32>], vector<16xf32>,
    %add3A_2735 = arith.addf %add3A_2726, %gather3A_2734 : vector<16xf32>
    %shift_right_arithmetic3A_2736 = arith.constant 8 : i32
    %shift_right_arithmetic3A_2737 = vector.broadcast %shift_right_arithmetic3A_2736 : i32 to vector<16xi32>
    %shift_right_arithmetic3A_2738 = arith.shrsi %gather3A_2730, %shift_right_arithmetic3A_2737 : vector<16xi32>
    %and3A_2739 = arith.constant 255 : i32
    %and3A_2740 = vector.broadcast %and3A_2739 : i32 to vector<16xi32>
    %and3A_2741 = arith.andi %shift_right_arithmetic3A_2738, %and3A_2740 : vector<16xi32>
    %gather3A_2742 = tpu.vector_load_idx %arg11[%and3A_2741] : memref<64xf32, #tpu.memory_space<vmem>>[vector<16xi32>], vector<16xf32>,
    %add3A_2743 = arith.addf %add3A_2735, %gather3A_2742 : vector<16xf32>
    %shift_right_arithmetic3A_2744 = arith.constant 16 : i32
    %shift_right_arithmetic3A_2745 = vector.broadcast %shift_right_arithmetic3A_2744 : i32 to vector<16xi32>
    %shift_right_arithmetic3A_2746 = arith.shrsi %gather3A_2730, %shift_right_arithmetic3A_2745 : vector<16xi32>
    %gather3A_2747 = tpu.vector_load_idx %arg12[%shift_right_arithmetic3A_2746] : memref<64xf32, #tpu.memory_space<vmem>>[vector<16xi32>], vector<16xf32>,
    %add3A_2748 = arith.addf %add3A_2743, %gather3A_2747 : vector<16xf32>
    %add3A_2749 = arith.constant 1294 : i32
    %add3A_2750 = vector.broadcast %add3A_2749 : i32 to vector<16xi32>
    %add3A_2751 = arith.addi %mul3A_53, %add3A_2750 : vector<16xi32>
    %gather3A_2752 = tpu.vector_load_idx %arg4[%add3A_2751] : memref<2560xi32, #tpu.memory_space<vmem>>[vector<16xi32>], vector<16xi32>,
    %and3A_2753 = arith.constant 255 : i32
    %and3A_2754 = vector.broadcast %and3A_2753 : i32 to vector<16xi32>
    %and3A_2755 = arith.andi %gather3A_2752, %and3A_2754 : vector<16xi32>
    %gather3A_2756 = tpu.vector_load_idx %arg10[%and3A_2755] : memref<64xf32, #tpu.memory_space<vmem>>[vector<16xi32>], vector<16xf32>,
    %add3A_2757 = arith.addf %add3A_2748, %gather3A_2756 : vector<16xf32>
    %shift_right_arithmetic3A_2758 = arith.constant 8 : i32
    %shift_right_arithmetic3A_2759 = vector.broadcast %shift_right_arithmetic3A_2758 : i32 to vector<16xi32>
    %shift_right_arithmetic3A_2760 = arith.shrsi %gather3A_2752, %shift_right_arithmetic3A_2759 : vector<16xi32>
    %and3A_2761 = arith.constant 255 : i32
    %and3A_2762 = vector.broadcast %and3A_2761 : i32 to vector<16xi32>
    %and3A_2763 = arith.andi %shift_right_arithmetic3A_2760, %and3A_2762 : vector<16xi32>
    %gather3A_2764 = tpu.vector_load_idx %arg11[%and3A_2763] : memref<64xf32, #tpu.memory_space<vmem>>[vector<16xi32>], vector<16xf32>,
    %add3A_2765 = arith.addf %add3A_2757, %gather3A_2764 : vector<16xf32>
    %shift_right_arithmetic3A_2766 = arith.constant 16 : i32
    %shift_right_arithmetic3A_2767 = vector.broadcast %shift_right_arithmetic3A_2766 : i32 to vector<16xi32>
    %shift_right_arithmetic3A_2768 = arith.shrsi %gather3A_2752, %shift_right_arithmetic3A_2767 : vector<16xi32>
    %gather3A_2769 = tpu.vector_load_idx %arg12[%shift_right_arithmetic3A_2768] : memref<64xf32, #tpu.memory_space<vmem>>[vector<16xi32>], vector<16xf32>,
    %add3A_2770 = arith.addf %add3A_2765, %gather3A_2769 : vector<16xf32>
    %add3A_2771 = arith.constant 1295 : i32
    %add3A_2772 = vector.broadcast %add3A_2771 : i32 to vector<16xi32>
    %add3A_2773 = arith.addi %mul3A_53, %add3A_2772 : vector<16xi32>
    %gather3A_2774 = tpu.vector_load_idx %arg4[%add3A_2773] : memref<2560xi32, #tpu.memory_space<vmem>>[vector<16xi32>], vector<16xi32>,
    %and3A_2775 = arith.constant 255 : i32
    %and3A_2776 = vector.broadcast %and3A_2775 : i32 to vector<16xi32>
    %and3A_2777 = arith.andi %gather3A_2774, %and3A_2776 : vector<16xi32>
    %gather3A_2778 = tpu.vector_load_idx %arg10[%and3A_2777] : memref<64xf32, #tpu.memory_space<vmem>>[vector<16xi32>], vector<16xf32>,
    %add3A_2779 = arith.addf %add3A_2770, %gather3A_2778 : vector<16xf32>
    %shift_right_arithmetic3A_2780 = arith.constant 8 : i32
    %shift_right_arithmetic3A_2781 = vector.broadcast %shift_right_arithmetic3A_2780 : i32 to vector<16xi32>
    %shift_right_arithmetic3A_2782 = arith.shrsi %gather3A_2774, %shift_right_arithmetic3A_2781 : vector<16xi32>
    %and3A_2783 = arith.constant 255 : i32
    %and3A_2784 = vector.broadcast %and3A_2783 : i32 to vector<16xi32>
    %and3A_2785 = arith.andi %shift_right_arithmetic3A_2782, %and3A_2784 : vector<16xi32>
    %gather3A_2786 = tpu.vector_load_idx %arg11[%and3A_2785] : memref<64xf32, #tpu.memory_space<vmem>>[vector<16xi32>], vector<16xf32>,
    %add3A_2787 = arith.addf %add3A_2779, %gather3A_2786 : vector<16xf32>
    %shift_right_arithmetic3A_2788 = arith.constant 16 : i32
    %shift_right_arithmetic3A_2789 = vector.broadcast %shift_right_arithmetic3A_2788 : i32 to vector<16xi32>
    %shift_right_arithmetic3A_2790 = arith.shrsi %gather3A_2774, %shift_right_arithmetic3A_2789 : vector<16xi32>
    %gather3A_2791 = tpu.vector_load_idx %arg12[%shift_right_arithmetic3A_2790] : memref<64xf32, #tpu.memory_space<vmem>>[vector<16xi32>], vector<16xf32>,
    %add3A_2792 = arith.addf %add3A_2787, %gather3A_2791 : vector<16xf32>
    %add3A_2793 = arith.constant 1296 : i32
    %add3A_2794 = vector.broadcast %add3A_2793 : i32 to vector<16xi32>
    %add3A_2795 = arith.addi %mul3A_53, %add3A_2794 : vector<16xi32>
    %gather3A_2796 = tpu.vector_load_idx %arg4[%add3A_2795] : memref<2560xi32, #tpu.memory_space<vmem>>[vector<16xi32>], vector<16xi32>,
    %and3A_2797 = arith.constant 255 : i32
    %and3A_2798 = vector.broadcast %and3A_2797 : i32 to vector<16xi32>
    %and3A_2799 = arith.andi %gather3A_2796, %and3A_2798 : vector<16xi32>
    %gather3A_2800 = tpu.vector_load_idx %arg10[%and3A_2799] : memref<64xf32, #tpu.memory_space<vmem>>[vector<16xi32>], vector<16xf32>,
    %add3A_2801 = arith.addf %add3A_2792, %gather3A_2800 : vector<16xf32>
    %shift_right_arithmetic3A_2802 = arith.constant 8 : i32
    %shift_right_arithmetic3A_2803 = vector.broadcast %shift_right_arithmetic3A_2802 : i32 to vector<16xi32>
    %shift_right_arithmetic3A_2804 = arith.shrsi %gather3A_2796, %shift_right_arithmetic3A_2803 : vector<16xi32>
    %and3A_2805 = arith.constant 255 : i32
    %and3A_2806 = vector.broadcast %and3A_2805 : i32 to vector<16xi32>
    %and3A_2807 = arith.andi %shift_right_arithmetic3A_2804, %and3A_2806 : vector<16xi32>
    %gather3A_2808 = tpu.vector_load_idx %arg11[%and3A_2807] : memref<64xf32, #tpu.memory_space<vmem>>[vector<16xi32>], vector<16xf32>,
    %add3A_2809 = arith.addf %add3A_2801, %gather3A_2808 : vector<16xf32>
    %shift_right_arithmetic3A_2810 = arith.constant 16 : i32
    %shift_right_arithmetic3A_2811 = vector.broadcast %shift_right_arithmetic3A_2810 : i32 to vector<16xi32>
    %shift_right_arithmetic3A_2812 = arith.shrsi %gather3A_2796, %shift_right_arithmetic3A_2811 : vector<16xi32>
    %gather3A_2813 = tpu.vector_load_idx %arg12[%shift_right_arithmetic3A_2812] : memref<64xf32, #tpu.memory_space<vmem>>[vector<16xi32>], vector<16xf32>,
    %add3A_2814 = arith.addf %add3A_2809, %gather3A_2813 : vector<16xf32>
    %add3A_2815 = arith.constant 1297 : i32
    %add3A_2816 = vector.broadcast %add3A_2815 : i32 to vector<16xi32>
    %add3A_2817 = arith.addi %mul3A_53, %add3A_2816 : vector<16xi32>
    %gather3A_2818 = tpu.vector_load_idx %arg4[%add3A_2817] : memref<2560xi32, #tpu.memory_space<vmem>>[vector<16xi32>], vector<16xi32>,
    %and3A_2819 = arith.constant 255 : i32
    %and3A_2820 = vector.broadcast %and3A_2819 : i32 to vector<16xi32>
    %and3A_2821 = arith.andi %gather3A_2818, %and3A_2820 : vector<16xi32>
    %gather3A_2822 = tpu.vector_load_idx %arg10[%and3A_2821] : memref<64xf32, #tpu.memory_space<vmem>>[vector<16xi32>], vector<16xf32>,
    %add3A_2823 = arith.addf %add3A_2814, %gather3A_2822 : vector<16xf32>
    %shift_right_arithmetic3A_2824 = arith.constant 8 : i32
    %shift_right_arithmetic3A_2825 = vector.broadcast %shift_right_arithmetic3A_2824 : i32 to vector<16xi32>
    %shift_right_arithmetic3A_2826 = arith.shrsi %gather3A_2818, %shift_right_arithmetic3A_2825 : vector<16xi32>
    %and3A_2827 = arith.constant 255 : i32
    %and3A_2828 = vector.broadcast %and3A_2827 : i32 to vector<16xi32>
    %and3A_2829 = arith.andi %shift_right_arithmetic3A_2826, %and3A_2828 : vector<16xi32>
    %gather3A_2830 = tpu.vector_load_idx %arg11[%and3A_2829] : memref<64xf32, #tpu.memory_space<vmem>>[vector<16xi32>], vector<16xf32>,
    %add3A_2831 = arith.addf %add3A_2823, %gather3A_2830 : vector<16xf32>
    %shift_right_arithmetic3A_2832 = arith.constant 16 : i32
    %shift_right_arithmetic3A_2833 = vector.broadcast %shift_right_arithmetic3A_2832 : i32 to vector<16xi32>
    %shift_right_arithmetic3A_2834 = arith.shrsi %gather3A_2818, %shift_right_arithmetic3A_2833 : vector<16xi32>
    %gather3A_2835 = tpu.vector_load_idx %arg12[%shift_right_arithmetic3A_2834] : memref<64xf32, #tpu.memory_space<vmem>>[vector<16xi32>], vector<16xf32>,
    %add3A_2836 = arith.addf %add3A_2831, %gather3A_2835 : vector<16xf32>
    %add3A_2837 = arith.constant 1298 : i32
    %add3A_2838 = vector.broadcast %add3A_2837 : i32 to vector<16xi32>
    %add3A_2839 = arith.addi %mul3A_53, %add3A_2838 : vector<16xi32>
    %gather3A_2840 = tpu.vector_load_idx %arg4[%add3A_2839] : memref<2560xi32, #tpu.memory_space<vmem>>[vector<16xi32>], vector<16xi32>,
    %and3A_2841 = arith.constant 255 : i32
    %and3A_2842 = vector.broadcast %and3A_2841 : i32 to vector<16xi32>
    %and3A_2843 = arith.andi %gather3A_2840, %and3A_2842 : vector<16xi32>
    %gather3A_2844 = tpu.vector_load_idx %arg10[%and3A_2843] : memref<64xf32, #tpu.memory_space<vmem>>[vector<16xi32>], vector<16xf32>,
    %add3A_2845 = arith.addf %add3A_2836, %gather3A_2844 : vector<16xf32>
    %shift_right_arithmetic3A_2846 = arith.constant 8 : i32
    %shift_right_arithmetic3A_2847 = vector.broadcast %shift_right_arithmetic3A_2846 : i32 to vector<16xi32>
    %shift_right_arithmetic3A_2848 = arith.shrsi %gather3A_2840, %shift_right_arithmetic3A_2847 : vector<16xi32>
    %and3A_2849 = arith.constant 255 : i32
    %and3A_2850 = vector.broadcast %and3A_2849 : i32 to vector<16xi32>
    %and3A_2851 = arith.andi %shift_right_arithmetic3A_2848, %and3A_2850 : vector<16xi32>
    %gather3A_2852 = tpu.vector_load_idx %arg11[%and3A_2851] : memref<64xf32, #tpu.memory_space<vmem>>[vector<16xi32>], vector<16xf32>,
    %add3A_2853 = arith.addf %add3A_2845, %gather3A_2852 : vector<16xf32>
    %shift_right_arithmetic3A_2854 = arith.constant 16 : i32
    %shift_right_arithmetic3A_2855 = vector.broadcast %shift_right_arithmetic3A_2854 : i32 to vector<16xi32>
    %shift_right_arithmetic3A_2856 = arith.shrsi %gather3A_2840, %shift_right_arithmetic3A_2855 : vector<16xi32>
    %gather3A_2857 = tpu.vector_load_idx %arg12[%shift_right_arithmetic3A_2856] : memref<64xf32, #tpu.memory_space<vmem>>[vector<16xi32>], vector<16xf32>,
    %add3A_2858 = arith.addf %add3A_2853, %gather3A_2857 : vector<16xf32>
    %add3A_2859 = arith.constant 1299 : i32
    %add3A_2860 = vector.broadcast %add3A_2859 : i32 to vector<16xi32>
    %add3A_2861 = arith.addi %mul3A_53, %add3A_2860 : vector<16xi32>
    %gather3A_2862 = tpu.vector_load_idx %arg4[%add3A_2861] : memref<2560xi32, #tpu.memory_space<vmem>>[vector<16xi32>], vector<16xi32>,
    %and3A_2863 = arith.constant 255 : i32
    %and3A_2864 = vector.broadcast %and3A_2863 : i32 to vector<16xi32>
    %and3A_2865 = arith.andi %gather3A_2862, %and3A_2864 : vector<16xi32>
    %gather3A_2866 = tpu.vector_load_idx %arg10[%and3A_2865] : memref<64xf32, #tpu.memory_space<vmem>>[vector<16xi32>], vector<16xf32>,
    %add3A_2867 = arith.addf %add3A_2858, %gather3A_2866 : vector<16xf32>
    %shift_right_arithmetic3A_2868 = arith.constant 8 : i32
    %shift_right_arithmetic3A_2869 = vector.broadcast %shift_right_arithmetic3A_2868 : i32 to vector<16xi32>
    %shift_right_arithmetic3A_2870 = arith.shrsi %gather3A_2862, %shift_right_arithmetic3A_2869 : vector<16xi32>
    %and3A_2871 = arith.constant 255 : i32
    %and3A_2872 = vector.broadcast %and3A_2871 : i32 to vector<16xi32>
    %and3A_2873 = arith.andi %shift_right_arithmetic3A_2870, %and3A_2872 : vector<16xi32>
    %gather3A_2874 = tpu.vector_load_idx %arg11[%and3A_2873] : memref<64xf32, #tpu.memory_space<vmem>>[vector<16xi32>], vector<16xf32>,
    %add3A_2875 = arith.addf %add3A_2867, %gather3A_2874 : vector<16xf32>
    %shift_right_arithmetic3A_2876 = arith.constant 16 : i32
    %shift_right_arithmetic3A_2877 = vector.broadcast %shift_right_arithmetic3A_2876 : i32 to vector<16xi32>
    %shift_right_arithmetic3A_2878 = arith.shrsi %gather3A_2862, %shift_right_arithmetic3A_2877 : vector<16xi32>
    %gather3A_2879 = tpu.vector_load_idx %arg12[%shift_right_arithmetic3A_2878] : memref<64xf32, #tpu.memory_space<vmem>>[vector<16xi32>], vector<16xf32>,
    %add3A_2880 = arith.addf %add3A_2875, %gather3A_2879 : vector<16xf32>
    %swap3A_2881 = arith.constant 64 : index
    %swap3A_2882 = tpu.vector_load %arg13[%swap3A_2881] {strides = array<i32>} : memref<128xf32, #tpu.memory_space<vmem>>, vector<16xf32>,
    tpu.vector_store %arg13[%swap3A_2881], %add3A_2880 {strides = array<i32>} : memref<128xf32, #tpu.memory_space<vmem>>, vector<16xf32>,
    %add3A_2883 = arith.constant 160 : i32
    %add3A_2884 = vector.broadcast %add3A_2883 : i32 to vector<16xi32>
    %add3A_2885 = arith.addi %mul3A_50, %add3A_2884 : vector<16xi32>
    %gather3A_2886 = tpu.vector_load_idx %arg5[%add3A_2885] : memref<256xi32, #tpu.memory_space<vmem>>[vector<16xi32>], vector<16xi32>,
    %bitcast3A_2887 = vector.bitcast %gather3A_2886 : vector<16xi32> to vector<16xf32>
    %add3A_2888 = arith.constant 160 : i32
    %add3A_2889 = vector.broadcast %add3A_2888 : i32 to vector<16xi32>
    %add3A_2890 = arith.addi %mul3A_50, %add3A_2889 : vector<16xi32>
    %add3A_2891 = arith.constant 1 : i32
    %add3A_2892 = vector.broadcast %add3A_2891 : i32 to vector<16xi32>
    %add3A_2893 = arith.addi %add3A_2890, %add3A_2892 : vector<16xi32>
    %gather3A_2894 = tpu.vector_load_idx %arg5[%add3A_2893] : memref<256xi32, #tpu.memory_space<vmem>>[vector<16xi32>], vector<16xi32>,
    %bitcast3A_2895 = vector.bitcast %gather3A_2894 : vector<16xi32> to vector<16xf32>
    %mul3A_2896 = arith.mulf %bitcast3A_2887, %bitcast3A_583 : vector<16xf32>
    %add3A_2897 = arith.addf %bitcast3A_589, %mul3A_2896 : vector<16xf32>
    %mul3A_2898 = arith.mulf %bitcast3A_2895, %bitcast3A_586 : vector<16xf32>
    %add3A_2899 = arith.addf %add3A_2897, %mul3A_2898 : vector<16xf32>
    %add3A_2900 = arith.constant 1600 : i32
    %add3A_2901 = vector.broadcast %add3A_2900 : i32 to vector<16xi32>
    %add3A_2902 = arith.addi %mul3A_53, %add3A_2901 : vector<16xi32>
    %gather3A_2903 = tpu.vector_load_idx %arg4[%add3A_2902] : memref<2560xi32, #tpu.memory_space<vmem>>[vector<16xi32>], vector<16xi32>,
    %and3A_2904 = arith.constant 255 : i32
    %and3A_2905 = vector.broadcast %and3A_2904 : i32 to vector<16xi32>
    %and3A_2906 = arith.andi %gather3A_2903, %and3A_2905 : vector<16xi32>
    %gather3A_2907 = tpu.vector_load_idx %arg10[%and3A_2906] : memref<64xf32, #tpu.memory_space<vmem>>[vector<16xi32>], vector<16xf32>,
    %add3A_2908 = arith.addf %add3A_2899, %gather3A_2907 : vector<16xf32>
    %shift_right_arithmetic3A_2909 = arith.constant 8 : i32
    %shift_right_arithmetic3A_2910 = vector.broadcast %shift_right_arithmetic3A_2909 : i32 to vector<16xi32>
    %shift_right_arithmetic3A_2911 = arith.shrsi %gather3A_2903, %shift_right_arithmetic3A_2910 : vector<16xi32>
    %and3A_2912 = arith.constant 255 : i32
    %and3A_2913 = vector.broadcast %and3A_2912 : i32 to vector<16xi32>
    %and3A_2914 = arith.andi %shift_right_arithmetic3A_2911, %and3A_2913 : vector<16xi32>
    %gather3A_2915 = tpu.vector_load_idx %arg11[%and3A_2914] : memref<64xf32, #tpu.memory_space<vmem>>[vector<16xi32>], vector<16xf32>,
    %add3A_2916 = arith.addf %add3A_2908, %gather3A_2915 : vector<16xf32>
    %shift_right_arithmetic3A_2917 = arith.constant 16 : i32
    %shift_right_arithmetic3A_2918 = vector.broadcast %shift_right_arithmetic3A_2917 : i32 to vector<16xi32>
    %shift_right_arithmetic3A_2919 = arith.shrsi %gather3A_2903, %shift_right_arithmetic3A_2918 : vector<16xi32>
    %gather3A_2920 = tpu.vector_load_idx %arg12[%shift_right_arithmetic3A_2919] : memref<64xf32, #tpu.memory_space<vmem>>[vector<16xi32>], vector<16xf32>,
    %add3A_2921 = arith.addf %add3A_2916, %gather3A_2920 : vector<16xf32>
    %add3A_2922 = arith.constant 1601 : i32
    %add3A_2923 = vector.broadcast %add3A_2922 : i32 to vector<16xi32>
    %add3A_2924 = arith.addi %mul3A_53, %add3A_2923 : vector<16xi32>
    %gather3A_2925 = tpu.vector_load_idx %arg4[%add3A_2924] : memref<2560xi32, #tpu.memory_space<vmem>>[vector<16xi32>], vector<16xi32>,
    %and3A_2926 = arith.constant 255 : i32
    %and3A_2927 = vector.broadcast %and3A_2926 : i32 to vector<16xi32>
    %and3A_2928 = arith.andi %gather3A_2925, %and3A_2927 : vector<16xi32>
    %gather3A_2929 = tpu.vector_load_idx %arg10[%and3A_2928] : memref<64xf32, #tpu.memory_space<vmem>>[vector<16xi32>], vector<16xf32>,
    %add3A_2930 = arith.addf %add3A_2921, %gather3A_2929 : vector<16xf32>
    %shift_right_arithmetic3A_2931 = arith.constant 8 : i32
    %shift_right_arithmetic3A_2932 = vector.broadcast %shift_right_arithmetic3A_2931 : i32 to vector<16xi32>
    %shift_right_arithmetic3A_2933 = arith.shrsi %gather3A_2925, %shift_right_arithmetic3A_2932 : vector<16xi32>
    %and3A_2934 = arith.constant 255 : i32
    %and3A_2935 = vector.broadcast %and3A_2934 : i32 to vector<16xi32>
    %and3A_2936 = arith.andi %shift_right_arithmetic3A_2933, %and3A_2935 : vector<16xi32>
    %gather3A_2937 = tpu.vector_load_idx %arg11[%and3A_2936] : memref<64xf32, #tpu.memory_space<vmem>>[vector<16xi32>], vector<16xf32>,
    %add3A_2938 = arith.addf %add3A_2930, %gather3A_2937 : vector<16xf32>
    %shift_right_arithmetic3A_2939 = arith.constant 16 : i32
    %shift_right_arithmetic3A_2940 = vector.broadcast %shift_right_arithmetic3A_2939 : i32 to vector<16xi32>
    %shift_right_arithmetic3A_2941 = arith.shrsi %gather3A_2925, %shift_right_arithmetic3A_2940 : vector<16xi32>
    %gather3A_2942 = tpu.vector_load_idx %arg12[%shift_right_arithmetic3A_2941] : memref<64xf32, #tpu.memory_space<vmem>>[vector<16xi32>], vector<16xf32>,
    %add3A_2943 = arith.addf %add3A_2938, %gather3A_2942 : vector<16xf32>
    %add3A_2944 = arith.constant 1602 : i32
    %add3A_2945 = vector.broadcast %add3A_2944 : i32 to vector<16xi32>
    %add3A_2946 = arith.addi %mul3A_53, %add3A_2945 : vector<16xi32>
    %gather3A_2947 = tpu.vector_load_idx %arg4[%add3A_2946] : memref<2560xi32, #tpu.memory_space<vmem>>[vector<16xi32>], vector<16xi32>,
    %and3A_2948 = arith.constant 255 : i32
    %and3A_2949 = vector.broadcast %and3A_2948 : i32 to vector<16xi32>
    %and3A_2950 = arith.andi %gather3A_2947, %and3A_2949 : vector<16xi32>
    %gather3A_2951 = tpu.vector_load_idx %arg10[%and3A_2950] : memref<64xf32, #tpu.memory_space<vmem>>[vector<16xi32>], vector<16xf32>,
    %add3A_2952 = arith.addf %add3A_2943, %gather3A_2951 : vector<16xf32>
    %shift_right_arithmetic3A_2953 = arith.constant 8 : i32
    %shift_right_arithmetic3A_2954 = vector.broadcast %shift_right_arithmetic3A_2953 : i32 to vector<16xi32>
    %shift_right_arithmetic3A_2955 = arith.shrsi %gather3A_2947, %shift_right_arithmetic3A_2954 : vector<16xi32>
    %and3A_2956 = arith.constant 255 : i32
    %and3A_2957 = vector.broadcast %and3A_2956 : i32 to vector<16xi32>
    %and3A_2958 = arith.andi %shift_right_arithmetic3A_2955, %and3A_2957 : vector<16xi32>
    %gather3A_2959 = tpu.vector_load_idx %arg11[%and3A_2958] : memref<64xf32, #tpu.memory_space<vmem>>[vector<16xi32>], vector<16xf32>,
    %add3A_2960 = arith.addf %add3A_2952, %gather3A_2959 : vector<16xf32>
    %shift_right_arithmetic3A_2961 = arith.constant 16 : i32
    %shift_right_arithmetic3A_2962 = vector.broadcast %shift_right_arithmetic3A_2961 : i32 to vector<16xi32>
    %shift_right_arithmetic3A_2963 = arith.shrsi %gather3A_2947, %shift_right_arithmetic3A_2962 : vector<16xi32>
    %gather3A_2964 = tpu.vector_load_idx %arg12[%shift_right_arithmetic3A_2963] : memref<64xf32, #tpu.memory_space<vmem>>[vector<16xi32>], vector<16xf32>,
    %add3A_2965 = arith.addf %add3A_2960, %gather3A_2964 : vector<16xf32>
    %add3A_2966 = arith.constant 1603 : i32
    %add3A_2967 = vector.broadcast %add3A_2966 : i32 to vector<16xi32>
    %add3A_2968 = arith.addi %mul3A_53, %add3A_2967 : vector<16xi32>
    %gather3A_2969 = tpu.vector_load_idx %arg4[%add3A_2968] : memref<2560xi32, #tpu.memory_space<vmem>>[vector<16xi32>], vector<16xi32>,
    %and3A_2970 = arith.constant 255 : i32
    %and3A_2971 = vector.broadcast %and3A_2970 : i32 to vector<16xi32>
    %and3A_2972 = arith.andi %gather3A_2969, %and3A_2971 : vector<16xi32>
    %gather3A_2973 = tpu.vector_load_idx %arg10[%and3A_2972] : memref<64xf32, #tpu.memory_space<vmem>>[vector<16xi32>], vector<16xf32>,
    %add3A_2974 = arith.addf %add3A_2965, %gather3A_2973 : vector<16xf32>
    %shift_right_arithmetic3A_2975 = arith.constant 8 : i32
    %shift_right_arithmetic3A_2976 = vector.broadcast %shift_right_arithmetic3A_2975 : i32 to vector<16xi32>
    %shift_right_arithmetic3A_2977 = arith.shrsi %gather3A_2969, %shift_right_arithmetic3A_2976 : vector<16xi32>
    %and3A_2978 = arith.constant 255 : i32
    %and3A_2979 = vector.broadcast %and3A_2978 : i32 to vector<16xi32>
    %and3A_2980 = arith.andi %shift_right_arithmetic3A_2977, %and3A_2979 : vector<16xi32>
    %gather3A_2981 = tpu.vector_load_idx %arg11[%and3A_2980] : memref<64xf32, #tpu.memory_space<vmem>>[vector<16xi32>], vector<16xf32>,
    %add3A_2982 = arith.addf %add3A_2974, %gather3A_2981 : vector<16xf32>
    %shift_right_arithmetic3A_2983 = arith.constant 16 : i32
    %shift_right_arithmetic3A_2984 = vector.broadcast %shift_right_arithmetic3A_2983 : i32 to vector<16xi32>
    %shift_right_arithmetic3A_2985 = arith.shrsi %gather3A_2969, %shift_right_arithmetic3A_2984 : vector<16xi32>
    %gather3A_2986 = tpu.vector_load_idx %arg12[%shift_right_arithmetic3A_2985] : memref<64xf32, #tpu.memory_space<vmem>>[vector<16xi32>], vector<16xf32>,
    %add3A_2987 = arith.addf %add3A_2982, %gather3A_2986 : vector<16xf32>
    %add3A_2988 = arith.constant 1604 : i32
    %add3A_2989 = vector.broadcast %add3A_2988 : i32 to vector<16xi32>
    %add3A_2990 = arith.addi %mul3A_53, %add3A_2989 : vector<16xi32>
    %gather3A_2991 = tpu.vector_load_idx %arg4[%add3A_2990] : memref<2560xi32, #tpu.memory_space<vmem>>[vector<16xi32>], vector<16xi32>,
    %and3A_2992 = arith.constant 255 : i32
    %and3A_2993 = vector.broadcast %and3A_2992 : i32 to vector<16xi32>
    %and3A_2994 = arith.andi %gather3A_2991, %and3A_2993 : vector<16xi32>
    %gather3A_2995 = tpu.vector_load_idx %arg10[%and3A_2994] : memref<64xf32, #tpu.memory_space<vmem>>[vector<16xi32>], vector<16xf32>,
    %add3A_2996 = arith.addf %add3A_2987, %gather3A_2995 : vector<16xf32>
    %shift_right_arithmetic3A_2997 = arith.constant 8 : i32
    %shift_right_arithmetic3A_2998 = vector.broadcast %shift_right_arithmetic3A_2997 : i32 to vector<16xi32>
    %shift_right_arithmetic3A_2999 = arith.shrsi %gather3A_2991, %shift_right_arithmetic3A_2998 : vector<16xi32>
    %and3A_3000 = arith.constant 255 : i32
    %and3A_3001 = vector.broadcast %and3A_3000 : i32 to vector<16xi32>
    %and3A_3002 = arith.andi %shift_right_arithmetic3A_2999, %and3A_3001 : vector<16xi32>
    %gather3A_3003 = tpu.vector_load_idx %arg11[%and3A_3002] : memref<64xf32, #tpu.memory_space<vmem>>[vector<16xi32>], vector<16xf32>,
    %add3A_3004 = arith.addf %add3A_2996, %gather3A_3003 : vector<16xf32>
    %shift_right_arithmetic3A_3005 = arith.constant 16 : i32
    %shift_right_arithmetic3A_3006 = vector.broadcast %shift_right_arithmetic3A_3005 : i32 to vector<16xi32>
    %shift_right_arithmetic3A_3007 = arith.shrsi %gather3A_2991, %shift_right_arithmetic3A_3006 : vector<16xi32>
    %gather3A_3008 = tpu.vector_load_idx %arg12[%shift_right_arithmetic3A_3007] : memref<64xf32, #tpu.memory_space<vmem>>[vector<16xi32>], vector<16xf32>,
    %add3A_3009 = arith.addf %add3A_3004, %gather3A_3008 : vector<16xf32>
    %add3A_3010 = arith.constant 1605 : i32
    %add3A_3011 = vector.broadcast %add3A_3010 : i32 to vector<16xi32>
    %add3A_3012 = arith.addi %mul3A_53, %add3A_3011 : vector<16xi32>
    %gather3A_3013 = tpu.vector_load_idx %arg4[%add3A_3012] : memref<2560xi32, #tpu.memory_space<vmem>>[vector<16xi32>], vector<16xi32>,
    %and3A_3014 = arith.constant 255 : i32
    %and3A_3015 = vector.broadcast %and3A_3014 : i32 to vector<16xi32>
    %and3A_3016 = arith.andi %gather3A_3013, %and3A_3015 : vector<16xi32>
    %gather3A_3017 = tpu.vector_load_idx %arg10[%and3A_3016] : memref<64xf32, #tpu.memory_space<vmem>>[vector<16xi32>], vector<16xf32>,
    %add3A_3018 = arith.addf %add3A_3009, %gather3A_3017 : vector<16xf32>
    %shift_right_arithmetic3A_3019 = arith.constant 8 : i32
    %shift_right_arithmetic3A_3020 = vector.broadcast %shift_right_arithmetic3A_3019 : i32 to vector<16xi32>
    %shift_right_arithmetic3A_3021 = arith.shrsi %gather3A_3013, %shift_right_arithmetic3A_3020 : vector<16xi32>
    %and3A_3022 = arith.constant 255 : i32
    %and3A_3023 = vector.broadcast %and3A_3022 : i32 to vector<16xi32>
    %and3A_3024 = arith.andi %shift_right_arithmetic3A_3021, %and3A_3023 : vector<16xi32>
    %gather3A_3025 = tpu.vector_load_idx %arg11[%and3A_3024] : memref<64xf32, #tpu.memory_space<vmem>>[vector<16xi32>], vector<16xf32>,
    %add3A_3026 = arith.addf %add3A_3018, %gather3A_3025 : vector<16xf32>
    %shift_right_arithmetic3A_3027 = arith.constant 16 : i32
    %shift_right_arithmetic3A_3028 = vector.broadcast %shift_right_arithmetic3A_3027 : i32 to vector<16xi32>
    %shift_right_arithmetic3A_3029 = arith.shrsi %gather3A_3013, %shift_right_arithmetic3A_3028 : vector<16xi32>
    %gather3A_3030 = tpu.vector_load_idx %arg12[%shift_right_arithmetic3A_3029] : memref<64xf32, #tpu.memory_space<vmem>>[vector<16xi32>], vector<16xf32>,
    %add3A_3031 = arith.addf %add3A_3026, %gather3A_3030 : vector<16xf32>
    %add3A_3032 = arith.constant 1606 : i32
    %add3A_3033 = vector.broadcast %add3A_3032 : i32 to vector<16xi32>
    %add3A_3034 = arith.addi %mul3A_53, %add3A_3033 : vector<16xi32>
    %gather3A_3035 = tpu.vector_load_idx %arg4[%add3A_3034] : memref<2560xi32, #tpu.memory_space<vmem>>[vector<16xi32>], vector<16xi32>,
    %and3A_3036 = arith.constant 255 : i32
    %and3A_3037 = vector.broadcast %and3A_3036 : i32 to vector<16xi32>
    %and3A_3038 = arith.andi %gather3A_3035, %and3A_3037 : vector<16xi32>
    %gather3A_3039 = tpu.vector_load_idx %arg10[%and3A_3038] : memref<64xf32, #tpu.memory_space<vmem>>[vector<16xi32>], vector<16xf32>,
    %add3A_3040 = arith.addf %add3A_3031, %gather3A_3039 : vector<16xf32>
    %shift_right_arithmetic3A_3041 = arith.constant 8 : i32
    %shift_right_arithmetic3A_3042 = vector.broadcast %shift_right_arithmetic3A_3041 : i32 to vector<16xi32>
    %shift_right_arithmetic3A_3043 = arith.shrsi %gather3A_3035, %shift_right_arithmetic3A_3042 : vector<16xi32>
    %and3A_3044 = arith.constant 255 : i32
    %and3A_3045 = vector.broadcast %and3A_3044 : i32 to vector<16xi32>
    %and3A_3046 = arith.andi %shift_right_arithmetic3A_3043, %and3A_3045 : vector<16xi32>
    %gather3A_3047 = tpu.vector_load_idx %arg11[%and3A_3046] : memref<64xf32, #tpu.memory_space<vmem>>[vector<16xi32>], vector<16xf32>,
    %add3A_3048 = arith.addf %add3A_3040, %gather3A_3047 : vector<16xf32>
    %shift_right_arithmetic3A_3049 = arith.constant 16 : i32
    %shift_right_arithmetic3A_3050 = vector.broadcast %shift_right_arithmetic3A_3049 : i32 to vector<16xi32>
    %shift_right_arithmetic3A_3051 = arith.shrsi %gather3A_3035, %shift_right_arithmetic3A_3050 : vector<16xi32>
    %gather3A_3052 = tpu.vector_load_idx %arg12[%shift_right_arithmetic3A_3051] : memref<64xf32, #tpu.memory_space<vmem>>[vector<16xi32>], vector<16xf32>,
    %add3A_3053 = arith.addf %add3A_3048, %gather3A_3052 : vector<16xf32>
    %add3A_3054 = arith.constant 1607 : i32
    %add3A_3055 = vector.broadcast %add3A_3054 : i32 to vector<16xi32>
    %add3A_3056 = arith.addi %mul3A_53, %add3A_3055 : vector<16xi32>
    %gather3A_3057 = tpu.vector_load_idx %arg4[%add3A_3056] : memref<2560xi32, #tpu.memory_space<vmem>>[vector<16xi32>], vector<16xi32>,
    %and3A_3058 = arith.constant 255 : i32
    %and3A_3059 = vector.broadcast %and3A_3058 : i32 to vector<16xi32>
    %and3A_3060 = arith.andi %gather3A_3057, %and3A_3059 : vector<16xi32>
    %gather3A_3061 = tpu.vector_load_idx %arg10[%and3A_3060] : memref<64xf32, #tpu.memory_space<vmem>>[vector<16xi32>], vector<16xf32>,
    %add3A_3062 = arith.addf %add3A_3053, %gather3A_3061 : vector<16xf32>
    %shift_right_arithmetic3A_3063 = arith.constant 8 : i32
    %shift_right_arithmetic3A_3064 = vector.broadcast %shift_right_arithmetic3A_3063 : i32 to vector<16xi32>
    %shift_right_arithmetic3A_3065 = arith.shrsi %gather3A_3057, %shift_right_arithmetic3A_3064 : vector<16xi32>
    %and3A_3066 = arith.constant 255 : i32
    %and3A_3067 = vector.broadcast %and3A_3066 : i32 to vector<16xi32>
    %and3A_3068 = arith.andi %shift_right_arithmetic3A_3065, %and3A_3067 : vector<16xi32>
    %gather3A_3069 = tpu.vector_load_idx %arg11[%and3A_3068] : memref<64xf32, #tpu.memory_space<vmem>>[vector<16xi32>], vector<16xf32>,
    %add3A_3070 = arith.addf %add3A_3062, %gather3A_3069 : vector<16xf32>
    %shift_right_arithmetic3A_3071 = arith.constant 16 : i32
    %shift_right_arithmetic3A_3072 = vector.broadcast %shift_right_arithmetic3A_3071 : i32 to vector<16xi32>
    %shift_right_arithmetic3A_3073 = arith.shrsi %gather3A_3057, %shift_right_arithmetic3A_3072 : vector<16xi32>
    %gather3A_3074 = tpu.vector_load_idx %arg12[%shift_right_arithmetic3A_3073] : memref<64xf32, #tpu.memory_space<vmem>>[vector<16xi32>], vector<16xf32>,
    %add3A_3075 = arith.addf %add3A_3070, %gather3A_3074 : vector<16xf32>
    %add3A_3076 = arith.constant 1608 : i32
    %add3A_3077 = vector.broadcast %add3A_3076 : i32 to vector<16xi32>
    %add3A_3078 = arith.addi %mul3A_53, %add3A_3077 : vector<16xi32>
    %gather3A_3079 = tpu.vector_load_idx %arg4[%add3A_3078] : memref<2560xi32, #tpu.memory_space<vmem>>[vector<16xi32>], vector<16xi32>,
    %and3A_3080 = arith.constant 255 : i32
    %and3A_3081 = vector.broadcast %and3A_3080 : i32 to vector<16xi32>
    %and3A_3082 = arith.andi %gather3A_3079, %and3A_3081 : vector<16xi32>
    %gather3A_3083 = tpu.vector_load_idx %arg10[%and3A_3082] : memref<64xf32, #tpu.memory_space<vmem>>[vector<16xi32>], vector<16xf32>,
    %add3A_3084 = arith.addf %add3A_3075, %gather3A_3083 : vector<16xf32>
    %shift_right_arithmetic3A_3085 = arith.constant 8 : i32
    %shift_right_arithmetic3A_3086 = vector.broadcast %shift_right_arithmetic3A_3085 : i32 to vector<16xi32>
    %shift_right_arithmetic3A_3087 = arith.shrsi %gather3A_3079, %shift_right_arithmetic3A_3086 : vector<16xi32>
    %and3A_3088 = arith.constant 255 : i32
    %and3A_3089 = vector.broadcast %and3A_3088 : i32 to vector<16xi32>
    %and3A_3090 = arith.andi %shift_right_arithmetic3A_3087, %and3A_3089 : vector<16xi32>
    %gather3A_3091 = tpu.vector_load_idx %arg11[%and3A_3090] : memref<64xf32, #tpu.memory_space<vmem>>[vector<16xi32>], vector<16xf32>,
    %add3A_3092 = arith.addf %add3A_3084, %gather3A_3091 : vector<16xf32>
    %shift_right_arithmetic3A_3093 = arith.constant 16 : i32
    %shift_right_arithmetic3A_3094 = vector.broadcast %shift_right_arithmetic3A_3093 : i32 to vector<16xi32>
    %shift_right_arithmetic3A_3095 = arith.shrsi %gather3A_3079, %shift_right_arithmetic3A_3094 : vector<16xi32>
    %gather3A_3096 = tpu.vector_load_idx %arg12[%shift_right_arithmetic3A_3095] : memref<64xf32, #tpu.memory_space<vmem>>[vector<16xi32>], vector<16xf32>,
    %add3A_3097 = arith.addf %add3A_3092, %gather3A_3096 : vector<16xf32>
    %add3A_3098 = arith.constant 1609 : i32
    %add3A_3099 = vector.broadcast %add3A_3098 : i32 to vector<16xi32>
    %add3A_3100 = arith.addi %mul3A_53, %add3A_3099 : vector<16xi32>
    %gather3A_3101 = tpu.vector_load_idx %arg4[%add3A_3100] : memref<2560xi32, #tpu.memory_space<vmem>>[vector<16xi32>], vector<16xi32>,
    %and3A_3102 = arith.constant 255 : i32
    %and3A_3103 = vector.broadcast %and3A_3102 : i32 to vector<16xi32>
    %and3A_3104 = arith.andi %gather3A_3101, %and3A_3103 : vector<16xi32>
    %gather3A_3105 = tpu.vector_load_idx %arg10[%and3A_3104] : memref<64xf32, #tpu.memory_space<vmem>>[vector<16xi32>], vector<16xf32>,
    %add3A_3106 = arith.addf %add3A_3097, %gather3A_3105 : vector<16xf32>
    %shift_right_arithmetic3A_3107 = arith.constant 8 : i32
    %shift_right_arithmetic3A_3108 = vector.broadcast %shift_right_arithmetic3A_3107 : i32 to vector<16xi32>
    %shift_right_arithmetic3A_3109 = arith.shrsi %gather3A_3101, %shift_right_arithmetic3A_3108 : vector<16xi32>
    %and3A_3110 = arith.constant 255 : i32
    %and3A_3111 = vector.broadcast %and3A_3110 : i32 to vector<16xi32>
    %and3A_3112 = arith.andi %shift_right_arithmetic3A_3109, %and3A_3111 : vector<16xi32>
    %gather3A_3113 = tpu.vector_load_idx %arg11[%and3A_3112] : memref<64xf32, #tpu.memory_space<vmem>>[vector<16xi32>], vector<16xf32>,
    %add3A_3114 = arith.addf %add3A_3106, %gather3A_3113 : vector<16xf32>
    %shift_right_arithmetic3A_3115 = arith.constant 16 : i32
    %shift_right_arithmetic3A_3116 = vector.broadcast %shift_right_arithmetic3A_3115 : i32 to vector<16xi32>
    %shift_right_arithmetic3A_3117 = arith.shrsi %gather3A_3101, %shift_right_arithmetic3A_3116 : vector<16xi32>
    %gather3A_3118 = tpu.vector_load_idx %arg12[%shift_right_arithmetic3A_3117] : memref<64xf32, #tpu.memory_space<vmem>>[vector<16xi32>], vector<16xf32>,
    %add3A_3119 = arith.addf %add3A_3114, %gather3A_3118 : vector<16xf32>
    %add3A_3120 = arith.constant 1610 : i32
    %add3A_3121 = vector.broadcast %add3A_3120 : i32 to vector<16xi32>
    %add3A_3122 = arith.addi %mul3A_53, %add3A_3121 : vector<16xi32>
    %gather3A_3123 = tpu.vector_load_idx %arg4[%add3A_3122] : memref<2560xi32, #tpu.memory_space<vmem>>[vector<16xi32>], vector<16xi32>,
    %and3A_3124 = arith.constant 255 : i32
    %and3A_3125 = vector.broadcast %and3A_3124 : i32 to vector<16xi32>
    %and3A_3126 = arith.andi %gather3A_3123, %and3A_3125 : vector<16xi32>
    %gather3A_3127 = tpu.vector_load_idx %arg10[%and3A_3126] : memref<64xf32, #tpu.memory_space<vmem>>[vector<16xi32>], vector<16xf32>,
    %add3A_3128 = arith.addf %add3A_3119, %gather3A_3127 : vector<16xf32>
    %shift_right_arithmetic3A_3129 = arith.constant 8 : i32
    %shift_right_arithmetic3A_3130 = vector.broadcast %shift_right_arithmetic3A_3129 : i32 to vector<16xi32>
    %shift_right_arithmetic3A_3131 = arith.shrsi %gather3A_3123, %shift_right_arithmetic3A_3130 : vector<16xi32>
    %and3A_3132 = arith.constant 255 : i32
    %and3A_3133 = vector.broadcast %and3A_3132 : i32 to vector<16xi32>
    %and3A_3134 = arith.andi %shift_right_arithmetic3A_3131, %and3A_3133 : vector<16xi32>
    %gather3A_3135 = tpu.vector_load_idx %arg11[%and3A_3134] : memref<64xf32, #tpu.memory_space<vmem>>[vector<16xi32>], vector<16xf32>,
    %add3A_3136 = arith.addf %add3A_3128, %gather3A_3135 : vector<16xf32>
    %shift_right_arithmetic3A_3137 = arith.constant 16 : i32
    %shift_right_arithmetic3A_3138 = vector.broadcast %shift_right_arithmetic3A_3137 : i32 to vector<16xi32>
    %shift_right_arithmetic3A_3139 = arith.shrsi %gather3A_3123, %shift_right_arithmetic3A_3138 : vector<16xi32>
    %gather3A_3140 = tpu.vector_load_idx %arg12[%shift_right_arithmetic3A_3139] : memref<64xf32, #tpu.memory_space<vmem>>[vector<16xi32>], vector<16xf32>,
    %add3A_3141 = arith.addf %add3A_3136, %gather3A_3140 : vector<16xf32>
    %add3A_3142 = arith.constant 1611 : i32
    %add3A_3143 = vector.broadcast %add3A_3142 : i32 to vector<16xi32>
    %add3A_3144 = arith.addi %mul3A_53, %add3A_3143 : vector<16xi32>
    %gather3A_3145 = tpu.vector_load_idx %arg4[%add3A_3144] : memref<2560xi32, #tpu.memory_space<vmem>>[vector<16xi32>], vector<16xi32>,
    %and3A_3146 = arith.constant 255 : i32
    %and3A_3147 = vector.broadcast %and3A_3146 : i32 to vector<16xi32>
    %and3A_3148 = arith.andi %gather3A_3145, %and3A_3147 : vector<16xi32>
    %gather3A_3149 = tpu.vector_load_idx %arg10[%and3A_3148] : memref<64xf32, #tpu.memory_space<vmem>>[vector<16xi32>], vector<16xf32>,
    %add3A_3150 = arith.addf %add3A_3141, %gather3A_3149 : vector<16xf32>
    %shift_right_arithmetic3A_3151 = arith.constant 8 : i32
    %shift_right_arithmetic3A_3152 = vector.broadcast %shift_right_arithmetic3A_3151 : i32 to vector<16xi32>
    %shift_right_arithmetic3A_3153 = arith.shrsi %gather3A_3145, %shift_right_arithmetic3A_3152 : vector<16xi32>
    %and3A_3154 = arith.constant 255 : i32
    %and3A_3155 = vector.broadcast %and3A_3154 : i32 to vector<16xi32>
    %and3A_3156 = arith.andi %shift_right_arithmetic3A_3153, %and3A_3155 : vector<16xi32>
    %gather3A_3157 = tpu.vector_load_idx %arg11[%and3A_3156] : memref<64xf32, #tpu.memory_space<vmem>>[vector<16xi32>], vector<16xf32>,
    %add3A_3158 = arith.addf %add3A_3150, %gather3A_3157 : vector<16xf32>
    %shift_right_arithmetic3A_3159 = arith.constant 16 : i32
    %shift_right_arithmetic3A_3160 = vector.broadcast %shift_right_arithmetic3A_3159 : i32 to vector<16xi32>
    %shift_right_arithmetic3A_3161 = arith.shrsi %gather3A_3145, %shift_right_arithmetic3A_3160 : vector<16xi32>
    %gather3A_3162 = tpu.vector_load_idx %arg12[%shift_right_arithmetic3A_3161] : memref<64xf32, #tpu.memory_space<vmem>>[vector<16xi32>], vector<16xf32>,
    %add3A_3163 = arith.addf %add3A_3158, %gather3A_3162 : vector<16xf32>
    %add3A_3164 = arith.constant 1612 : i32
    %add3A_3165 = vector.broadcast %add3A_3164 : i32 to vector<16xi32>
    %add3A_3166 = arith.addi %mul3A_53, %add3A_3165 : vector<16xi32>
    %gather3A_3167 = tpu.vector_load_idx %arg4[%add3A_3166] : memref<2560xi32, #tpu.memory_space<vmem>>[vector<16xi32>], vector<16xi32>,
    %and3A_3168 = arith.constant 255 : i32
    %and3A_3169 = vector.broadcast %and3A_3168 : i32 to vector<16xi32>
    %and3A_3170 = arith.andi %gather3A_3167, %and3A_3169 : vector<16xi32>
    %gather3A_3171 = tpu.vector_load_idx %arg10[%and3A_3170] : memref<64xf32, #tpu.memory_space<vmem>>[vector<16xi32>], vector<16xf32>,
    %add3A_3172 = arith.addf %add3A_3163, %gather3A_3171 : vector<16xf32>
    %shift_right_arithmetic3A_3173 = arith.constant 8 : i32
    %shift_right_arithmetic3A_3174 = vector.broadcast %shift_right_arithmetic3A_3173 : i32 to vector<16xi32>
    %shift_right_arithmetic3A_3175 = arith.shrsi %gather3A_3167, %shift_right_arithmetic3A_3174 : vector<16xi32>
    %and3A_3176 = arith.constant 255 : i32
    %and3A_3177 = vector.broadcast %and3A_3176 : i32 to vector<16xi32>
    %and3A_3178 = arith.andi %shift_right_arithmetic3A_3175, %and3A_3177 : vector<16xi32>
    %gather3A_3179 = tpu.vector_load_idx %arg11[%and3A_3178] : memref<64xf32, #tpu.memory_space<vmem>>[vector<16xi32>], vector<16xf32>,
    %add3A_3180 = arith.addf %add3A_3172, %gather3A_3179 : vector<16xf32>
    %shift_right_arithmetic3A_3181 = arith.constant 16 : i32
    %shift_right_arithmetic3A_3182 = vector.broadcast %shift_right_arithmetic3A_3181 : i32 to vector<16xi32>
    %shift_right_arithmetic3A_3183 = arith.shrsi %gather3A_3167, %shift_right_arithmetic3A_3182 : vector<16xi32>
    %gather3A_3184 = tpu.vector_load_idx %arg12[%shift_right_arithmetic3A_3183] : memref<64xf32, #tpu.memory_space<vmem>>[vector<16xi32>], vector<16xf32>,
    %add3A_3185 = arith.addf %add3A_3180, %gather3A_3184 : vector<16xf32>
    %add3A_3186 = arith.constant 1613 : i32
    %add3A_3187 = vector.broadcast %add3A_3186 : i32 to vector<16xi32>
    %add3A_3188 = arith.addi %mul3A_53, %add3A_3187 : vector<16xi32>
    %gather3A_3189 = tpu.vector_load_idx %arg4[%add3A_3188] : memref<2560xi32, #tpu.memory_space<vmem>>[vector<16xi32>], vector<16xi32>,
    %and3A_3190 = arith.constant 255 : i32
    %and3A_3191 = vector.broadcast %and3A_3190 : i32 to vector<16xi32>
    %and3A_3192 = arith.andi %gather3A_3189, %and3A_3191 : vector<16xi32>
    %gather3A_3193 = tpu.vector_load_idx %arg10[%and3A_3192] : memref<64xf32, #tpu.memory_space<vmem>>[vector<16xi32>], vector<16xf32>,
    %add3A_3194 = arith.addf %add3A_3185, %gather3A_3193 : vector<16xf32>
    %shift_right_arithmetic3A_3195 = arith.constant 8 : i32
    %shift_right_arithmetic3A_3196 = vector.broadcast %shift_right_arithmetic3A_3195 : i32 to vector<16xi32>
    %shift_right_arithmetic3A_3197 = arith.shrsi %gather3A_3189, %shift_right_arithmetic3A_3196 : vector<16xi32>
    %and3A_3198 = arith.constant 255 : i32
    %and3A_3199 = vector.broadcast %and3A_3198 : i32 to vector<16xi32>
    %and3A_3200 = arith.andi %shift_right_arithmetic3A_3197, %and3A_3199 : vector<16xi32>
    %gather3A_3201 = tpu.vector_load_idx %arg11[%and3A_3200] : memref<64xf32, #tpu.memory_space<vmem>>[vector<16xi32>], vector<16xf32>,
    %add3A_3202 = arith.addf %add3A_3194, %gather3A_3201 : vector<16xf32>
    %shift_right_arithmetic3A_3203 = arith.constant 16 : i32
    %shift_right_arithmetic3A_3204 = vector.broadcast %shift_right_arithmetic3A_3203 : i32 to vector<16xi32>
    %shift_right_arithmetic3A_3205 = arith.shrsi %gather3A_3189, %shift_right_arithmetic3A_3204 : vector<16xi32>
    %gather3A_3206 = tpu.vector_load_idx %arg12[%shift_right_arithmetic3A_3205] : memref<64xf32, #tpu.memory_space<vmem>>[vector<16xi32>], vector<16xf32>,
    %add3A_3207 = arith.addf %add3A_3202, %gather3A_3206 : vector<16xf32>
    %add3A_3208 = arith.constant 1614 : i32
    %add3A_3209 = vector.broadcast %add3A_3208 : i32 to vector<16xi32>
    %add3A_3210 = arith.addi %mul3A_53, %add3A_3209 : vector<16xi32>
    %gather3A_3211 = tpu.vector_load_idx %arg4[%add3A_3210] : memref<2560xi32, #tpu.memory_space<vmem>>[vector<16xi32>], vector<16xi32>,
    %and3A_3212 = arith.constant 255 : i32
    %and3A_3213 = vector.broadcast %and3A_3212 : i32 to vector<16xi32>
    %and3A_3214 = arith.andi %gather3A_3211, %and3A_3213 : vector<16xi32>
    %gather3A_3215 = tpu.vector_load_idx %arg10[%and3A_3214] : memref<64xf32, #tpu.memory_space<vmem>>[vector<16xi32>], vector<16xf32>,
    %add3A_3216 = arith.addf %add3A_3207, %gather3A_3215 : vector<16xf32>
    %shift_right_arithmetic3A_3217 = arith.constant 8 : i32
    %shift_right_arithmetic3A_3218 = vector.broadcast %shift_right_arithmetic3A_3217 : i32 to vector<16xi32>
    %shift_right_arithmetic3A_3219 = arith.shrsi %gather3A_3211, %shift_right_arithmetic3A_3218 : vector<16xi32>
    %and3A_3220 = arith.constant 255 : i32
    %and3A_3221 = vector.broadcast %and3A_3220 : i32 to vector<16xi32>
    %and3A_3222 = arith.andi %shift_right_arithmetic3A_3219, %and3A_3221 : vector<16xi32>
    %gather3A_3223 = tpu.vector_load_idx %arg11[%and3A_3222] : memref<64xf32, #tpu.memory_space<vmem>>[vector<16xi32>], vector<16xf32>,
    %add3A_3224 = arith.addf %add3A_3216, %gather3A_3223 : vector<16xf32>
    %shift_right_arithmetic3A_3225 = arith.constant 16 : i32
    %shift_right_arithmetic3A_3226 = vector.broadcast %shift_right_arithmetic3A_3225 : i32 to vector<16xi32>
    %shift_right_arithmetic3A_3227 = arith.shrsi %gather3A_3211, %shift_right_arithmetic3A_3226 : vector<16xi32>
    %gather3A_3228 = tpu.vector_load_idx %arg12[%shift_right_arithmetic3A_3227] : memref<64xf32, #tpu.memory_space<vmem>>[vector<16xi32>], vector<16xf32>,
    %add3A_3229 = arith.addf %add3A_3224, %gather3A_3228 : vector<16xf32>
    %add3A_3230 = arith.constant 1615 : i32
    %add3A_3231 = vector.broadcast %add3A_3230 : i32 to vector<16xi32>
    %add3A_3232 = arith.addi %mul3A_53, %add3A_3231 : vector<16xi32>
    %gather3A_3233 = tpu.vector_load_idx %arg4[%add3A_3232] : memref<2560xi32, #tpu.memory_space<vmem>>[vector<16xi32>], vector<16xi32>,
    %and3A_3234 = arith.constant 255 : i32
    %and3A_3235 = vector.broadcast %and3A_3234 : i32 to vector<16xi32>
    %and3A_3236 = arith.andi %gather3A_3233, %and3A_3235 : vector<16xi32>
    %gather3A_3237 = tpu.vector_load_idx %arg10[%and3A_3236] : memref<64xf32, #tpu.memory_space<vmem>>[vector<16xi32>], vector<16xf32>,
    %add3A_3238 = arith.addf %add3A_3229, %gather3A_3237 : vector<16xf32>
    %shift_right_arithmetic3A_3239 = arith.constant 8 : i32
    %shift_right_arithmetic3A_3240 = vector.broadcast %shift_right_arithmetic3A_3239 : i32 to vector<16xi32>
    %shift_right_arithmetic3A_3241 = arith.shrsi %gather3A_3233, %shift_right_arithmetic3A_3240 : vector<16xi32>
    %and3A_3242 = arith.constant 255 : i32
    %and3A_3243 = vector.broadcast %and3A_3242 : i32 to vector<16xi32>
    %and3A_3244 = arith.andi %shift_right_arithmetic3A_3241, %and3A_3243 : vector<16xi32>
    %gather3A_3245 = tpu.vector_load_idx %arg11[%and3A_3244] : memref<64xf32, #tpu.memory_space<vmem>>[vector<16xi32>], vector<16xf32>,
    %add3A_3246 = arith.addf %add3A_3238, %gather3A_3245 : vector<16xf32>
    %shift_right_arithmetic3A_3247 = arith.constant 16 : i32
    %shift_right_arithmetic3A_3248 = vector.broadcast %shift_right_arithmetic3A_3247 : i32 to vector<16xi32>
    %shift_right_arithmetic3A_3249 = arith.shrsi %gather3A_3233, %shift_right_arithmetic3A_3248 : vector<16xi32>
    %gather3A_3250 = tpu.vector_load_idx %arg12[%shift_right_arithmetic3A_3249] : memref<64xf32, #tpu.memory_space<vmem>>[vector<16xi32>], vector<16xf32>,
    %add3A_3251 = arith.addf %add3A_3246, %gather3A_3250 : vector<16xf32>
    %add3A_3252 = arith.constant 1616 : i32
    %add3A_3253 = vector.broadcast %add3A_3252 : i32 to vector<16xi32>
    %add3A_3254 = arith.addi %mul3A_53, %add3A_3253 : vector<16xi32>
    %gather3A_3255 = tpu.vector_load_idx %arg4[%add3A_3254] : memref<2560xi32, #tpu.memory_space<vmem>>[vector<16xi32>], vector<16xi32>,
    %and3A_3256 = arith.constant 255 : i32
    %and3A_3257 = vector.broadcast %and3A_3256 : i32 to vector<16xi32>
    %and3A_3258 = arith.andi %gather3A_3255, %and3A_3257 : vector<16xi32>
    %gather3A_3259 = tpu.vector_load_idx %arg10[%and3A_3258] : memref<64xf32, #tpu.memory_space<vmem>>[vector<16xi32>], vector<16xf32>,
    %add3A_3260 = arith.addf %add3A_3251, %gather3A_3259 : vector<16xf32>
    %shift_right_arithmetic3A_3261 = arith.constant 8 : i32
    %shift_right_arithmetic3A_3262 = vector.broadcast %shift_right_arithmetic3A_3261 : i32 to vector<16xi32>
    %shift_right_arithmetic3A_3263 = arith.shrsi %gather3A_3255, %shift_right_arithmetic3A_3262 : vector<16xi32>
    %and3A_3264 = arith.constant 255 : i32
    %and3A_3265 = vector.broadcast %and3A_3264 : i32 to vector<16xi32>
    %and3A_3266 = arith.andi %shift_right_arithmetic3A_3263, %and3A_3265 : vector<16xi32>
    %gather3A_3267 = tpu.vector_load_idx %arg11[%and3A_3266] : memref<64xf32, #tpu.memory_space<vmem>>[vector<16xi32>], vector<16xf32>,
    %add3A_3268 = arith.addf %add3A_3260, %gather3A_3267 : vector<16xf32>
    %shift_right_arithmetic3A_3269 = arith.constant 16 : i32
    %shift_right_arithmetic3A_3270 = vector.broadcast %shift_right_arithmetic3A_3269 : i32 to vector<16xi32>
    %shift_right_arithmetic3A_3271 = arith.shrsi %gather3A_3255, %shift_right_arithmetic3A_3270 : vector<16xi32>
    %gather3A_3272 = tpu.vector_load_idx %arg12[%shift_right_arithmetic3A_3271] : memref<64xf32, #tpu.memory_space<vmem>>[vector<16xi32>], vector<16xf32>,
    %add3A_3273 = arith.addf %add3A_3268, %gather3A_3272 : vector<16xf32>
    %add3A_3274 = arith.constant 1617 : i32
    %add3A_3275 = vector.broadcast %add3A_3274 : i32 to vector<16xi32>
    %add3A_3276 = arith.addi %mul3A_53, %add3A_3275 : vector<16xi32>
    %gather3A_3277 = tpu.vector_load_idx %arg4[%add3A_3276] : memref<2560xi32, #tpu.memory_space<vmem>>[vector<16xi32>], vector<16xi32>,
    %and3A_3278 = arith.constant 255 : i32
    %and3A_3279 = vector.broadcast %and3A_3278 : i32 to vector<16xi32>
    %and3A_3280 = arith.andi %gather3A_3277, %and3A_3279 : vector<16xi32>
    %gather3A_3281 = tpu.vector_load_idx %arg10[%and3A_3280] : memref<64xf32, #tpu.memory_space<vmem>>[vector<16xi32>], vector<16xf32>,
    %add3A_3282 = arith.addf %add3A_3273, %gather3A_3281 : vector<16xf32>
    %shift_right_arithmetic3A_3283 = arith.constant 8 : i32
    %shift_right_arithmetic3A_3284 = vector.broadcast %shift_right_arithmetic3A_3283 : i32 to vector<16xi32>
    %shift_right_arithmetic3A_3285 = arith.shrsi %gather3A_3277, %shift_right_arithmetic3A_3284 : vector<16xi32>
    %and3A_3286 = arith.constant 255 : i32
    %and3A_3287 = vector.broadcast %and3A_3286 : i32 to vector<16xi32>
    %and3A_3288 = arith.andi %shift_right_arithmetic3A_3285, %and3A_3287 : vector<16xi32>
    %gather3A_3289 = tpu.vector_load_idx %arg11[%and3A_3288] : memref<64xf32, #tpu.memory_space<vmem>>[vector<16xi32>], vector<16xf32>,
    %add3A_3290 = arith.addf %add3A_3282, %gather3A_3289 : vector<16xf32>
    %shift_right_arithmetic3A_3291 = arith.constant 16 : i32
    %shift_right_arithmetic3A_3292 = vector.broadcast %shift_right_arithmetic3A_3291 : i32 to vector<16xi32>
    %shift_right_arithmetic3A_3293 = arith.shrsi %gather3A_3277, %shift_right_arithmetic3A_3292 : vector<16xi32>
    %gather3A_3294 = tpu.vector_load_idx %arg12[%shift_right_arithmetic3A_3293] : memref<64xf32, #tpu.memory_space<vmem>>[vector<16xi32>], vector<16xf32>,
    %add3A_3295 = arith.addf %add3A_3290, %gather3A_3294 : vector<16xf32>
    %add3A_3296 = arith.constant 1618 : i32
    %add3A_3297 = vector.broadcast %add3A_3296 : i32 to vector<16xi32>
    %add3A_3298 = arith.addi %mul3A_53, %add3A_3297 : vector<16xi32>
    %gather3A_3299 = tpu.vector_load_idx %arg4[%add3A_3298] : memref<2560xi32, #tpu.memory_space<vmem>>[vector<16xi32>], vector<16xi32>,
    %and3A_3300 = arith.constant 255 : i32
    %and3A_3301 = vector.broadcast %and3A_3300 : i32 to vector<16xi32>
    %and3A_3302 = arith.andi %gather3A_3299, %and3A_3301 : vector<16xi32>
    %gather3A_3303 = tpu.vector_load_idx %arg10[%and3A_3302] : memref<64xf32, #tpu.memory_space<vmem>>[vector<16xi32>], vector<16xf32>,
    %add3A_3304 = arith.addf %add3A_3295, %gather3A_3303 : vector<16xf32>
    %shift_right_arithmetic3A_3305 = arith.constant 8 : i32
    %shift_right_arithmetic3A_3306 = vector.broadcast %shift_right_arithmetic3A_3305 : i32 to vector<16xi32>
    %shift_right_arithmetic3A_3307 = arith.shrsi %gather3A_3299, %shift_right_arithmetic3A_3306 : vector<16xi32>
    %and3A_3308 = arith.constant 255 : i32
    %and3A_3309 = vector.broadcast %and3A_3308 : i32 to vector<16xi32>
    %and3A_3310 = arith.andi %shift_right_arithmetic3A_3307, %and3A_3309 : vector<16xi32>
    %gather3A_3311 = tpu.vector_load_idx %arg11[%and3A_3310] : memref<64xf32, #tpu.memory_space<vmem>>[vector<16xi32>], vector<16xf32>,
    %add3A_3312 = arith.addf %add3A_3304, %gather3A_3311 : vector<16xf32>
    %shift_right_arithmetic3A_3313 = arith.constant 16 : i32
    %shift_right_arithmetic3A_3314 = vector.broadcast %shift_right_arithmetic3A_3313 : i32 to vector<16xi32>
    %shift_right_arithmetic3A_3315 = arith.shrsi %gather3A_3299, %shift_right_arithmetic3A_3314 : vector<16xi32>
    %gather3A_3316 = tpu.vector_load_idx %arg12[%shift_right_arithmetic3A_3315] : memref<64xf32, #tpu.memory_space<vmem>>[vector<16xi32>], vector<16xf32>,
    %add3A_3317 = arith.addf %add3A_3312, %gather3A_3316 : vector<16xf32>
    %add3A_3318 = arith.constant 1619 : i32
    %add3A_3319 = vector.broadcast %add3A_3318 : i32 to vector<16xi32>
    %add3A_3320 = arith.addi %mul3A_53, %add3A_3319 : vector<16xi32>
    %gather3A_3321 = tpu.vector_load_idx %arg4[%add3A_3320] : memref<2560xi32, #tpu.memory_space<vmem>>[vector<16xi32>], vector<16xi32>,
    %and3A_3322 = arith.constant 255 : i32
    %and3A_3323 = vector.broadcast %and3A_3322 : i32 to vector<16xi32>
    %and3A_3324 = arith.andi %gather3A_3321, %and3A_3323 : vector<16xi32>
    %gather3A_3325 = tpu.vector_load_idx %arg10[%and3A_3324] : memref<64xf32, #tpu.memory_space<vmem>>[vector<16xi32>], vector<16xf32>,
    %add3A_3326 = arith.addf %add3A_3317, %gather3A_3325 : vector<16xf32>
    %shift_right_arithmetic3A_3327 = arith.constant 8 : i32
    %shift_right_arithmetic3A_3328 = vector.broadcast %shift_right_arithmetic3A_3327 : i32 to vector<16xi32>
    %shift_right_arithmetic3A_3329 = arith.shrsi %gather3A_3321, %shift_right_arithmetic3A_3328 : vector<16xi32>
    %and3A_3330 = arith.constant 255 : i32
    %and3A_3331 = vector.broadcast %and3A_3330 : i32 to vector<16xi32>
    %and3A_3332 = arith.andi %shift_right_arithmetic3A_3329, %and3A_3331 : vector<16xi32>
    %gather3A_3333 = tpu.vector_load_idx %arg11[%and3A_3332] : memref<64xf32, #tpu.memory_space<vmem>>[vector<16xi32>], vector<16xf32>,
    %add3A_3334 = arith.addf %add3A_3326, %gather3A_3333 : vector<16xf32>
    %shift_right_arithmetic3A_3335 = arith.constant 16 : i32
    %shift_right_arithmetic3A_3336 = vector.broadcast %shift_right_arithmetic3A_3335 : i32 to vector<16xi32>
    %shift_right_arithmetic3A_3337 = arith.shrsi %gather3A_3321, %shift_right_arithmetic3A_3336 : vector<16xi32>
    %gather3A_3338 = tpu.vector_load_idx %arg12[%shift_right_arithmetic3A_3337] : memref<64xf32, #tpu.memory_space<vmem>>[vector<16xi32>], vector<16xf32>,
    %add3A_3339 = arith.addf %add3A_3334, %gather3A_3338 : vector<16xf32>
    %swap3A_3340 = arith.constant 80 : index
    %swap3A_3341 = tpu.vector_load %arg13[%swap3A_3340] {strides = array<i32>} : memref<128xf32, #tpu.memory_space<vmem>>, vector<16xf32>,
    tpu.vector_store %arg13[%swap3A_3340], %add3A_3339 {strides = array<i32>} : memref<128xf32, #tpu.memory_space<vmem>>, vector<16xf32>,
    %add3A_3342 = arith.constant 192 : i32
    %add3A_3343 = vector.broadcast %add3A_3342 : i32 to vector<16xi32>
    %add3A_3344 = arith.addi %mul3A_50, %add3A_3343 : vector<16xi32>
    %gather3A_3345 = tpu.vector_load_idx %arg5[%add3A_3344] : memref<256xi32, #tpu.memory_space<vmem>>[vector<16xi32>], vector<16xi32>,
    %bitcast3A_3346 = vector.bitcast %gather3A_3345 : vector<16xi32> to vector<16xf32>
    %add3A_3347 = arith.constant 192 : i32
    %add3A_3348 = vector.broadcast %add3A_3347 : i32 to vector<16xi32>
    %add3A_3349 = arith.addi %mul3A_50, %add3A_3348 : vector<16xi32>
    %add3A_3350 = arith.constant 1 : i32
    %add3A_3351 = vector.broadcast %add3A_3350 : i32 to vector<16xi32>
    %add3A_3352 = arith.addi %add3A_3349, %add3A_3351 : vector<16xi32>
    %gather3A_3353 = tpu.vector_load_idx %arg5[%add3A_3352] : memref<256xi32, #tpu.memory_space<vmem>>[vector<16xi32>], vector<16xi32>,
    %bitcast3A_3354 = vector.bitcast %gather3A_3353 : vector<16xi32> to vector<16xf32>
    %mul3A_3355 = arith.mulf %bitcast3A_3346, %bitcast3A_583 : vector<16xf32>
    %add3A_3356 = arith.addf %bitcast3A_589, %mul3A_3355 : vector<16xf32>
    %mul3A_3357 = arith.mulf %bitcast3A_3354, %bitcast3A_586 : vector<16xf32>
    %add3A_3358 = arith.addf %add3A_3356, %mul3A_3357 : vector<16xf32>
    %add3A_3359 = arith.constant 1920 : i32
    %add3A_3360 = vector.broadcast %add3A_3359 : i32 to vector<16xi32>
    %add3A_3361 = arith.addi %mul3A_53, %add3A_3360 : vector<16xi32>
    %gather3A_3362 = tpu.vector_load_idx %arg4[%add3A_3361] : memref<2560xi32, #tpu.memory_space<vmem>>[vector<16xi32>], vector<16xi32>,
    %and3A_3363 = arith.constant 255 : i32
    %and3A_3364 = vector.broadcast %and3A_3363 : i32 to vector<16xi32>
    %and3A_3365 = arith.andi %gather3A_3362, %and3A_3364 : vector<16xi32>
    %gather3A_3366 = tpu.vector_load_idx %arg10[%and3A_3365] : memref<64xf32, #tpu.memory_space<vmem>>[vector<16xi32>], vector<16xf32>,
    %add3A_3367 = arith.addf %add3A_3358, %gather3A_3366 : vector<16xf32>
    %shift_right_arithmetic3A_3368 = arith.constant 8 : i32
    %shift_right_arithmetic3A_3369 = vector.broadcast %shift_right_arithmetic3A_3368 : i32 to vector<16xi32>
    %shift_right_arithmetic3A_3370 = arith.shrsi %gather3A_3362, %shift_right_arithmetic3A_3369 : vector<16xi32>
    %and3A_3371 = arith.constant 255 : i32
    %and3A_3372 = vector.broadcast %and3A_3371 : i32 to vector<16xi32>
    %and3A_3373 = arith.andi %shift_right_arithmetic3A_3370, %and3A_3372 : vector<16xi32>
    %gather3A_3374 = tpu.vector_load_idx %arg11[%and3A_3373] : memref<64xf32, #tpu.memory_space<vmem>>[vector<16xi32>], vector<16xf32>,
    %add3A_3375 = arith.addf %add3A_3367, %gather3A_3374 : vector<16xf32>
    %shift_right_arithmetic3A_3376 = arith.constant 16 : i32
    %shift_right_arithmetic3A_3377 = vector.broadcast %shift_right_arithmetic3A_3376 : i32 to vector<16xi32>
    %shift_right_arithmetic3A_3378 = arith.shrsi %gather3A_3362, %shift_right_arithmetic3A_3377 : vector<16xi32>
    %gather3A_3379 = tpu.vector_load_idx %arg12[%shift_right_arithmetic3A_3378] : memref<64xf32, #tpu.memory_space<vmem>>[vector<16xi32>], vector<16xf32>,
    %add3A_3380 = arith.addf %add3A_3375, %gather3A_3379 : vector<16xf32>
    %add3A_3381 = arith.constant 1921 : i32
    %add3A_3382 = vector.broadcast %add3A_3381 : i32 to vector<16xi32>
    %add3A_3383 = arith.addi %mul3A_53, %add3A_3382 : vector<16xi32>
    %gather3A_3384 = tpu.vector_load_idx %arg4[%add3A_3383] : memref<2560xi32, #tpu.memory_space<vmem>>[vector<16xi32>], vector<16xi32>,
    %and3A_3385 = arith.constant 255 : i32
    %and3A_3386 = vector.broadcast %and3A_3385 : i32 to vector<16xi32>
    %and3A_3387 = arith.andi %gather3A_3384, %and3A_3386 : vector<16xi32>
    %gather3A_3388 = tpu.vector_load_idx %arg10[%and3A_3387] : memref<64xf32, #tpu.memory_space<vmem>>[vector<16xi32>], vector<16xf32>,
    %add3A_3389 = arith.addf %add3A_3380, %gather3A_3388 : vector<16xf32>
    %shift_right_arithmetic3A_3390 = arith.constant 8 : i32
    %shift_right_arithmetic3A_3391 = vector.broadcast %shift_right_arithmetic3A_3390 : i32 to vector<16xi32>
    %shift_right_arithmetic3A_3392 = arith.shrsi %gather3A_3384, %shift_right_arithmetic3A_3391 : vector<16xi32>
    %and3A_3393 = arith.constant 255 : i32
    %and3A_3394 = vector.broadcast %and3A_3393 : i32 to vector<16xi32>
    %and3A_3395 = arith.andi %shift_right_arithmetic3A_3392, %and3A_3394 : vector<16xi32>
    %gather3A_3396 = tpu.vector_load_idx %arg11[%and3A_3395] : memref<64xf32, #tpu.memory_space<vmem>>[vector<16xi32>], vector<16xf32>,
    %add3A_3397 = arith.addf %add3A_3389, %gather3A_3396 : vector<16xf32>
    %shift_right_arithmetic3A_3398 = arith.constant 16 : i32
    %shift_right_arithmetic3A_3399 = vector.broadcast %shift_right_arithmetic3A_3398 : i32 to vector<16xi32>
    %shift_right_arithmetic3A_3400 = arith.shrsi %gather3A_3384, %shift_right_arithmetic3A_3399 : vector<16xi32>
    %gather3A_3401 = tpu.vector_load_idx %arg12[%shift_right_arithmetic3A_3400] : memref<64xf32, #tpu.memory_space<vmem>>[vector<16xi32>], vector<16xf32>,
    %add3A_3402 = arith.addf %add3A_3397, %gather3A_3401 : vector<16xf32>
    %add3A_3403 = arith.constant 1922 : i32
    %add3A_3404 = vector.broadcast %add3A_3403 : i32 to vector<16xi32>
    %add3A_3405 = arith.addi %mul3A_53, %add3A_3404 : vector<16xi32>
    %gather3A_3406 = tpu.vector_load_idx %arg4[%add3A_3405] : memref<2560xi32, #tpu.memory_space<vmem>>[vector<16xi32>], vector<16xi32>,
    %and3A_3407 = arith.constant 255 : i32
    %and3A_3408 = vector.broadcast %and3A_3407 : i32 to vector<16xi32>
    %and3A_3409 = arith.andi %gather3A_3406, %and3A_3408 : vector<16xi32>
    %gather3A_3410 = tpu.vector_load_idx %arg10[%and3A_3409] : memref<64xf32, #tpu.memory_space<vmem>>[vector<16xi32>], vector<16xf32>,
    %add3A_3411 = arith.addf %add3A_3402, %gather3A_3410 : vector<16xf32>
    %shift_right_arithmetic3A_3412 = arith.constant 8 : i32
    %shift_right_arithmetic3A_3413 = vector.broadcast %shift_right_arithmetic3A_3412 : i32 to vector<16xi32>
    %shift_right_arithmetic3A_3414 = arith.shrsi %gather3A_3406, %shift_right_arithmetic3A_3413 : vector<16xi32>
    %and3A_3415 = arith.constant 255 : i32
    %and3A_3416 = vector.broadcast %and3A_3415 : i32 to vector<16xi32>
    %and3A_3417 = arith.andi %shift_right_arithmetic3A_3414, %and3A_3416 : vector<16xi32>
    %gather3A_3418 = tpu.vector_load_idx %arg11[%and3A_3417] : memref<64xf32, #tpu.memory_space<vmem>>[vector<16xi32>], vector<16xf32>,
    %add3A_3419 = arith.addf %add3A_3411, %gather3A_3418 : vector<16xf32>
    %shift_right_arithmetic3A_3420 = arith.constant 16 : i32
    %shift_right_arithmetic3A_3421 = vector.broadcast %shift_right_arithmetic3A_3420 : i32 to vector<16xi32>
    %shift_right_arithmetic3A_3422 = arith.shrsi %gather3A_3406, %shift_right_arithmetic3A_3421 : vector<16xi32>
    %gather3A_3423 = tpu.vector_load_idx %arg12[%shift_right_arithmetic3A_3422] : memref<64xf32, #tpu.memory_space<vmem>>[vector<16xi32>], vector<16xf32>,
    %add3A_3424 = arith.addf %add3A_3419, %gather3A_3423 : vector<16xf32>
    %add3A_3425 = arith.constant 1923 : i32
    %add3A_3426 = vector.broadcast %add3A_3425 : i32 to vector<16xi32>
    %add3A_3427 = arith.addi %mul3A_53, %add3A_3426 : vector<16xi32>
    %gather3A_3428 = tpu.vector_load_idx %arg4[%add3A_3427] : memref<2560xi32, #tpu.memory_space<vmem>>[vector<16xi32>], vector<16xi32>,
    %and3A_3429 = arith.constant 255 : i32
    %and3A_3430 = vector.broadcast %and3A_3429 : i32 to vector<16xi32>
    %and3A_3431 = arith.andi %gather3A_3428, %and3A_3430 : vector<16xi32>
    %gather3A_3432 = tpu.vector_load_idx %arg10[%and3A_3431] : memref<64xf32, #tpu.memory_space<vmem>>[vector<16xi32>], vector<16xf32>,
    %add3A_3433 = arith.addf %add3A_3424, %gather3A_3432 : vector<16xf32>
    %shift_right_arithmetic3A_3434 = arith.constant 8 : i32
    %shift_right_arithmetic3A_3435 = vector.broadcast %shift_right_arithmetic3A_3434 : i32 to vector<16xi32>
    %shift_right_arithmetic3A_3436 = arith.shrsi %gather3A_3428, %shift_right_arithmetic3A_3435 : vector<16xi32>
    %and3A_3437 = arith.constant 255 : i32
    %and3A_3438 = vector.broadcast %and3A_3437 : i32 to vector<16xi32>
    %and3A_3439 = arith.andi %shift_right_arithmetic3A_3436, %and3A_3438 : vector<16xi32>
    %gather3A_3440 = tpu.vector_load_idx %arg11[%and3A_3439] : memref<64xf32, #tpu.memory_space<vmem>>[vector<16xi32>], vector<16xf32>,
    %add3A_3441 = arith.addf %add3A_3433, %gather3A_3440 : vector<16xf32>
    %shift_right_arithmetic3A_3442 = arith.constant 16 : i32
    %shift_right_arithmetic3A_3443 = vector.broadcast %shift_right_arithmetic3A_3442 : i32 to vector<16xi32>
    %shift_right_arithmetic3A_3444 = arith.shrsi %gather3A_3428, %shift_right_arithmetic3A_3443 : vector<16xi32>
    %gather3A_3445 = tpu.vector_load_idx %arg12[%shift_right_arithmetic3A_3444] : memref<64xf32, #tpu.memory_space<vmem>>[vector<16xi32>], vector<16xf32>,
    %add3A_3446 = arith.addf %add3A_3441, %gather3A_3445 : vector<16xf32>
    %add3A_3447 = arith.constant 1924 : i32
    %add3A_3448 = vector.broadcast %add3A_3447 : i32 to vector<16xi32>
    %add3A_3449 = arith.addi %mul3A_53, %add3A_3448 : vector<16xi32>
    %gather3A_3450 = tpu.vector_load_idx %arg4[%add3A_3449] : memref<2560xi32, #tpu.memory_space<vmem>>[vector<16xi32>], vector<16xi32>,
    %and3A_3451 = arith.constant 255 : i32
    %and3A_3452 = vector.broadcast %and3A_3451 : i32 to vector<16xi32>
    %and3A_3453 = arith.andi %gather3A_3450, %and3A_3452 : vector<16xi32>
    %gather3A_3454 = tpu.vector_load_idx %arg10[%and3A_3453] : memref<64xf32, #tpu.memory_space<vmem>>[vector<16xi32>], vector<16xf32>,
    %add3A_3455 = arith.addf %add3A_3446, %gather3A_3454 : vector<16xf32>
    %shift_right_arithmetic3A_3456 = arith.constant 8 : i32
    %shift_right_arithmetic3A_3457 = vector.broadcast %shift_right_arithmetic3A_3456 : i32 to vector<16xi32>
    %shift_right_arithmetic3A_3458 = arith.shrsi %gather3A_3450, %shift_right_arithmetic3A_3457 : vector<16xi32>
    %and3A_3459 = arith.constant 255 : i32
    %and3A_3460 = vector.broadcast %and3A_3459 : i32 to vector<16xi32>
    %and3A_3461 = arith.andi %shift_right_arithmetic3A_3458, %and3A_3460 : vector<16xi32>
    %gather3A_3462 = tpu.vector_load_idx %arg11[%and3A_3461] : memref<64xf32, #tpu.memory_space<vmem>>[vector<16xi32>], vector<16xf32>,
    %add3A_3463 = arith.addf %add3A_3455, %gather3A_3462 : vector<16xf32>
    %shift_right_arithmetic3A_3464 = arith.constant 16 : i32
    %shift_right_arithmetic3A_3465 = vector.broadcast %shift_right_arithmetic3A_3464 : i32 to vector<16xi32>
    %shift_right_arithmetic3A_3466 = arith.shrsi %gather3A_3450, %shift_right_arithmetic3A_3465 : vector<16xi32>
    %gather3A_3467 = tpu.vector_load_idx %arg12[%shift_right_arithmetic3A_3466] : memref<64xf32, #tpu.memory_space<vmem>>[vector<16xi32>], vector<16xf32>,
    %add3A_3468 = arith.addf %add3A_3463, %gather3A_3467 : vector<16xf32>
    %add3A_3469 = arith.constant 1925 : i32
    %add3A_3470 = vector.broadcast %add3A_3469 : i32 to vector<16xi32>
    %add3A_3471 = arith.addi %mul3A_53, %add3A_3470 : vector<16xi32>
    %gather3A_3472 = tpu.vector_load_idx %arg4[%add3A_3471] : memref<2560xi32, #tpu.memory_space<vmem>>[vector<16xi32>], vector<16xi32>,
    %and3A_3473 = arith.constant 255 : i32
    %and3A_3474 = vector.broadcast %and3A_3473 : i32 to vector<16xi32>
    %and3A_3475 = arith.andi %gather3A_3472, %and3A_3474 : vector<16xi32>
    %gather3A_3476 = tpu.vector_load_idx %arg10[%and3A_3475] : memref<64xf32, #tpu.memory_space<vmem>>[vector<16xi32>], vector<16xf32>,
    %add3A_3477 = arith.addf %add3A_3468, %gather3A_3476 : vector<16xf32>
    %shift_right_arithmetic3A_3478 = arith.constant 8 : i32
    %shift_right_arithmetic3A_3479 = vector.broadcast %shift_right_arithmetic3A_3478 : i32 to vector<16xi32>
    %shift_right_arithmetic3A_3480 = arith.shrsi %gather3A_3472, %shift_right_arithmetic3A_3479 : vector<16xi32>
    %and3A_3481 = arith.constant 255 : i32
    %and3A_3482 = vector.broadcast %and3A_3481 : i32 to vector<16xi32>
    %and3A_3483 = arith.andi %shift_right_arithmetic3A_3480, %and3A_3482 : vector<16xi32>
    %gather3A_3484 = tpu.vector_load_idx %arg11[%and3A_3483] : memref<64xf32, #tpu.memory_space<vmem>>[vector<16xi32>], vector<16xf32>,
    %add3A_3485 = arith.addf %add3A_3477, %gather3A_3484 : vector<16xf32>
    %shift_right_arithmetic3A_3486 = arith.constant 16 : i32
    %shift_right_arithmetic3A_3487 = vector.broadcast %shift_right_arithmetic3A_3486 : i32 to vector<16xi32>
    %shift_right_arithmetic3A_3488 = arith.shrsi %gather3A_3472, %shift_right_arithmetic3A_3487 : vector<16xi32>
    %gather3A_3489 = tpu.vector_load_idx %arg12[%shift_right_arithmetic3A_3488] : memref<64xf32, #tpu.memory_space<vmem>>[vector<16xi32>], vector<16xf32>,
    %add3A_3490 = arith.addf %add3A_3485, %gather3A_3489 : vector<16xf32>
    %add3A_3491 = arith.constant 1926 : i32
    %add3A_3492 = vector.broadcast %add3A_3491 : i32 to vector<16xi32>
    %add3A_3493 = arith.addi %mul3A_53, %add3A_3492 : vector<16xi32>
    %gather3A_3494 = tpu.vector_load_idx %arg4[%add3A_3493] : memref<2560xi32, #tpu.memory_space<vmem>>[vector<16xi32>], vector<16xi32>,
    %and3A_3495 = arith.constant 255 : i32
    %and3A_3496 = vector.broadcast %and3A_3495 : i32 to vector<16xi32>
    %and3A_3497 = arith.andi %gather3A_3494, %and3A_3496 : vector<16xi32>
    %gather3A_3498 = tpu.vector_load_idx %arg10[%and3A_3497] : memref<64xf32, #tpu.memory_space<vmem>>[vector<16xi32>], vector<16xf32>,
    %add3A_3499 = arith.addf %add3A_3490, %gather3A_3498 : vector<16xf32>
    %shift_right_arithmetic3A_3500 = arith.constant 8 : i32
    %shift_right_arithmetic3A_3501 = vector.broadcast %shift_right_arithmetic3A_3500 : i32 to vector<16xi32>
    %shift_right_arithmetic3A_3502 = arith.shrsi %gather3A_3494, %shift_right_arithmetic3A_3501 : vector<16xi32>
    %and3A_3503 = arith.constant 255 : i32
    %and3A_3504 = vector.broadcast %and3A_3503 : i32 to vector<16xi32>
    %and3A_3505 = arith.andi %shift_right_arithmetic3A_3502, %and3A_3504 : vector<16xi32>
    %gather3A_3506 = tpu.vector_load_idx %arg11[%and3A_3505] : memref<64xf32, #tpu.memory_space<vmem>>[vector<16xi32>], vector<16xf32>,
    %add3A_3507 = arith.addf %add3A_3499, %gather3A_3506 : vector<16xf32>
    %shift_right_arithmetic3A_3508 = arith.constant 16 : i32
    %shift_right_arithmetic3A_3509 = vector.broadcast %shift_right_arithmetic3A_3508 : i32 to vector<16xi32>
    %shift_right_arithmetic3A_3510 = arith.shrsi %gather3A_3494, %shift_right_arithmetic3A_3509 : vector<16xi32>
    %gather3A_3511 = tpu.vector_load_idx %arg12[%shift_right_arithmetic3A_3510] : memref<64xf32, #tpu.memory_space<vmem>>[vector<16xi32>], vector<16xf32>,
    %add3A_3512 = arith.addf %add3A_3507, %gather3A_3511 : vector<16xf32>
    %add3A_3513 = arith.constant 1927 : i32
    %add3A_3514 = vector.broadcast %add3A_3513 : i32 to vector<16xi32>
    %add3A_3515 = arith.addi %mul3A_53, %add3A_3514 : vector<16xi32>
    %gather3A_3516 = tpu.vector_load_idx %arg4[%add3A_3515] : memref<2560xi32, #tpu.memory_space<vmem>>[vector<16xi32>], vector<16xi32>,
    %and3A_3517 = arith.constant 255 : i32
    %and3A_3518 = vector.broadcast %and3A_3517 : i32 to vector<16xi32>
    %and3A_3519 = arith.andi %gather3A_3516, %and3A_3518 : vector<16xi32>
    %gather3A_3520 = tpu.vector_load_idx %arg10[%and3A_3519] : memref<64xf32, #tpu.memory_space<vmem>>[vector<16xi32>], vector<16xf32>,
    %add3A_3521 = arith.addf %add3A_3512, %gather3A_3520 : vector<16xf32>
    %shift_right_arithmetic3A_3522 = arith.constant 8 : i32
    %shift_right_arithmetic3A_3523 = vector.broadcast %shift_right_arithmetic3A_3522 : i32 to vector<16xi32>
    %shift_right_arithmetic3A_3524 = arith.shrsi %gather3A_3516, %shift_right_arithmetic3A_3523 : vector<16xi32>
    %and3A_3525 = arith.constant 255 : i32
    %and3A_3526 = vector.broadcast %and3A_3525 : i32 to vector<16xi32>
    %and3A_3527 = arith.andi %shift_right_arithmetic3A_3524, %and3A_3526 : vector<16xi32>
    %gather3A_3528 = tpu.vector_load_idx %arg11[%and3A_3527] : memref<64xf32, #tpu.memory_space<vmem>>[vector<16xi32>], vector<16xf32>,
    %add3A_3529 = arith.addf %add3A_3521, %gather3A_3528 : vector<16xf32>
    %shift_right_arithmetic3A_3530 = arith.constant 16 : i32
    %shift_right_arithmetic3A_3531 = vector.broadcast %shift_right_arithmetic3A_3530 : i32 to vector<16xi32>
    %shift_right_arithmetic3A_3532 = arith.shrsi %gather3A_3516, %shift_right_arithmetic3A_3531 : vector<16xi32>
    %gather3A_3533 = tpu.vector_load_idx %arg12[%shift_right_arithmetic3A_3532] : memref<64xf32, #tpu.memory_space<vmem>>[vector<16xi32>], vector<16xf32>,
    %add3A_3534 = arith.addf %add3A_3529, %gather3A_3533 : vector<16xf32>
    %add3A_3535 = arith.constant 1928 : i32
    %add3A_3536 = vector.broadcast %add3A_3535 : i32 to vector<16xi32>
    %add3A_3537 = arith.addi %mul3A_53, %add3A_3536 : vector<16xi32>
    %gather3A_3538 = tpu.vector_load_idx %arg4[%add3A_3537] : memref<2560xi32, #tpu.memory_space<vmem>>[vector<16xi32>], vector<16xi32>,
    %and3A_3539 = arith.constant 255 : i32
    %and3A_3540 = vector.broadcast %and3A_3539 : i32 to vector<16xi32>
    %and3A_3541 = arith.andi %gather3A_3538, %and3A_3540 : vector<16xi32>
    %gather3A_3542 = tpu.vector_load_idx %arg10[%and3A_3541] : memref<64xf32, #tpu.memory_space<vmem>>[vector<16xi32>], vector<16xf32>,
    %add3A_3543 = arith.addf %add3A_3534, %gather3A_3542 : vector<16xf32>
    %shift_right_arithmetic3A_3544 = arith.constant 8 : i32
    %shift_right_arithmetic3A_3545 = vector.broadcast %shift_right_arithmetic3A_3544 : i32 to vector<16xi32>
    %shift_right_arithmetic3A_3546 = arith.shrsi %gather3A_3538, %shift_right_arithmetic3A_3545 : vector<16xi32>
    %and3A_3547 = arith.constant 255 : i32
    %and3A_3548 = vector.broadcast %and3A_3547 : i32 to vector<16xi32>
    %and3A_3549 = arith.andi %shift_right_arithmetic3A_3546, %and3A_3548 : vector<16xi32>
    %gather3A_3550 = tpu.vector_load_idx %arg11[%and3A_3549] : memref<64xf32, #tpu.memory_space<vmem>>[vector<16xi32>], vector<16xf32>,
    %add3A_3551 = arith.addf %add3A_3543, %gather3A_3550 : vector<16xf32>
    %shift_right_arithmetic3A_3552 = arith.constant 16 : i32
    %shift_right_arithmetic3A_3553 = vector.broadcast %shift_right_arithmetic3A_3552 : i32 to vector<16xi32>
    %shift_right_arithmetic3A_3554 = arith.shrsi %gather3A_3538, %shift_right_arithmetic3A_3553 : vector<16xi32>
    %gather3A_3555 = tpu.vector_load_idx %arg12[%shift_right_arithmetic3A_3554] : memref<64xf32, #tpu.memory_space<vmem>>[vector<16xi32>], vector<16xf32>,
    %add3A_3556 = arith.addf %add3A_3551, %gather3A_3555 : vector<16xf32>
    %add3A_3557 = arith.constant 1929 : i32
    %add3A_3558 = vector.broadcast %add3A_3557 : i32 to vector<16xi32>
    %add3A_3559 = arith.addi %mul3A_53, %add3A_3558 : vector<16xi32>
    %gather3A_3560 = tpu.vector_load_idx %arg4[%add3A_3559] : memref<2560xi32, #tpu.memory_space<vmem>>[vector<16xi32>], vector<16xi32>,
    %and3A_3561 = arith.constant 255 : i32
    %and3A_3562 = vector.broadcast %and3A_3561 : i32 to vector<16xi32>
    %and3A_3563 = arith.andi %gather3A_3560, %and3A_3562 : vector<16xi32>
    %gather3A_3564 = tpu.vector_load_idx %arg10[%and3A_3563] : memref<64xf32, #tpu.memory_space<vmem>>[vector<16xi32>], vector<16xf32>,
    %add3A_3565 = arith.addf %add3A_3556, %gather3A_3564 : vector<16xf32>
    %shift_right_arithmetic3A_3566 = arith.constant 8 : i32
    %shift_right_arithmetic3A_3567 = vector.broadcast %shift_right_arithmetic3A_3566 : i32 to vector<16xi32>
    %shift_right_arithmetic3A_3568 = arith.shrsi %gather3A_3560, %shift_right_arithmetic3A_3567 : vector<16xi32>
    %and3A_3569 = arith.constant 255 : i32
    %and3A_3570 = vector.broadcast %and3A_3569 : i32 to vector<16xi32>
    %and3A_3571 = arith.andi %shift_right_arithmetic3A_3568, %and3A_3570 : vector<16xi32>
    %gather3A_3572 = tpu.vector_load_idx %arg11[%and3A_3571] : memref<64xf32, #tpu.memory_space<vmem>>[vector<16xi32>], vector<16xf32>,
    %add3A_3573 = arith.addf %add3A_3565, %gather3A_3572 : vector<16xf32>
    %shift_right_arithmetic3A_3574 = arith.constant 16 : i32
    %shift_right_arithmetic3A_3575 = vector.broadcast %shift_right_arithmetic3A_3574 : i32 to vector<16xi32>
    %shift_right_arithmetic3A_3576 = arith.shrsi %gather3A_3560, %shift_right_arithmetic3A_3575 : vector<16xi32>
    %gather3A_3577 = tpu.vector_load_idx %arg12[%shift_right_arithmetic3A_3576] : memref<64xf32, #tpu.memory_space<vmem>>[vector<16xi32>], vector<16xf32>,
    %add3A_3578 = arith.addf %add3A_3573, %gather3A_3577 : vector<16xf32>
    %add3A_3579 = arith.constant 1930 : i32
    %add3A_3580 = vector.broadcast %add3A_3579 : i32 to vector<16xi32>
    %add3A_3581 = arith.addi %mul3A_53, %add3A_3580 : vector<16xi32>
    %gather3A_3582 = tpu.vector_load_idx %arg4[%add3A_3581] : memref<2560xi32, #tpu.memory_space<vmem>>[vector<16xi32>], vector<16xi32>,
    %and3A_3583 = arith.constant 255 : i32
    %and3A_3584 = vector.broadcast %and3A_3583 : i32 to vector<16xi32>
    %and3A_3585 = arith.andi %gather3A_3582, %and3A_3584 : vector<16xi32>
    %gather3A_3586 = tpu.vector_load_idx %arg10[%and3A_3585] : memref<64xf32, #tpu.memory_space<vmem>>[vector<16xi32>], vector<16xf32>,
    %add3A_3587 = arith.addf %add3A_3578, %gather3A_3586 : vector<16xf32>
    %shift_right_arithmetic3A_3588 = arith.constant 8 : i32
    %shift_right_arithmetic3A_3589 = vector.broadcast %shift_right_arithmetic3A_3588 : i32 to vector<16xi32>
    %shift_right_arithmetic3A_3590 = arith.shrsi %gather3A_3582, %shift_right_arithmetic3A_3589 : vector<16xi32>
    %and3A_3591 = arith.constant 255 : i32
    %and3A_3592 = vector.broadcast %and3A_3591 : i32 to vector<16xi32>
    %and3A_3593 = arith.andi %shift_right_arithmetic3A_3590, %and3A_3592 : vector<16xi32>
    %gather3A_3594 = tpu.vector_load_idx %arg11[%and3A_3593] : memref<64xf32, #tpu.memory_space<vmem>>[vector<16xi32>], vector<16xf32>,
    %add3A_3595 = arith.addf %add3A_3587, %gather3A_3594 : vector<16xf32>
    %shift_right_arithmetic3A_3596 = arith.constant 16 : i32
    %shift_right_arithmetic3A_3597 = vector.broadcast %shift_right_arithmetic3A_3596 : i32 to vector<16xi32>
    %shift_right_arithmetic3A_3598 = arith.shrsi %gather3A_3582, %shift_right_arithmetic3A_3597 : vector<16xi32>
    %gather3A_3599 = tpu.vector_load_idx %arg12[%shift_right_arithmetic3A_3598] : memref<64xf32, #tpu.memory_space<vmem>>[vector<16xi32>], vector<16xf32>,
    %add3A_3600 = arith.addf %add3A_3595, %gather3A_3599 : vector<16xf32>
    %add3A_3601 = arith.constant 1931 : i32
    %add3A_3602 = vector.broadcast %add3A_3601 : i32 to vector<16xi32>
    %add3A_3603 = arith.addi %mul3A_53, %add3A_3602 : vector<16xi32>
    %gather3A_3604 = tpu.vector_load_idx %arg4[%add3A_3603] : memref<2560xi32, #tpu.memory_space<vmem>>[vector<16xi32>], vector<16xi32>,
    %and3A_3605 = arith.constant 255 : i32
    %and3A_3606 = vector.broadcast %and3A_3605 : i32 to vector<16xi32>
    %and3A_3607 = arith.andi %gather3A_3604, %and3A_3606 : vector<16xi32>
    %gather3A_3608 = tpu.vector_load_idx %arg10[%and3A_3607] : memref<64xf32, #tpu.memory_space<vmem>>[vector<16xi32>], vector<16xf32>,
    %add3A_3609 = arith.addf %add3A_3600, %gather3A_3608 : vector<16xf32>
    %shift_right_arithmetic3A_3610 = arith.constant 8 : i32
    %shift_right_arithmetic3A_3611 = vector.broadcast %shift_right_arithmetic3A_3610 : i32 to vector<16xi32>
    %shift_right_arithmetic3A_3612 = arith.shrsi %gather3A_3604, %shift_right_arithmetic3A_3611 : vector<16xi32>
    %and3A_3613 = arith.constant 255 : i32
    %and3A_3614 = vector.broadcast %and3A_3613 : i32 to vector<16xi32>
    %and3A_3615 = arith.andi %shift_right_arithmetic3A_3612, %and3A_3614 : vector<16xi32>
    %gather3A_3616 = tpu.vector_load_idx %arg11[%and3A_3615] : memref<64xf32, #tpu.memory_space<vmem>>[vector<16xi32>], vector<16xf32>,
    %add3A_3617 = arith.addf %add3A_3609, %gather3A_3616 : vector<16xf32>
    %shift_right_arithmetic3A_3618 = arith.constant 16 : i32
    %shift_right_arithmetic3A_3619 = vector.broadcast %shift_right_arithmetic3A_3618 : i32 to vector<16xi32>
    %shift_right_arithmetic3A_3620 = arith.shrsi %gather3A_3604, %shift_right_arithmetic3A_3619 : vector<16xi32>
    %gather3A_3621 = tpu.vector_load_idx %arg12[%shift_right_arithmetic3A_3620] : memref<64xf32, #tpu.memory_space<vmem>>[vector<16xi32>], vector<16xf32>,
    %add3A_3622 = arith.addf %add3A_3617, %gather3A_3621 : vector<16xf32>
    %add3A_3623 = arith.constant 1932 : i32
    %add3A_3624 = vector.broadcast %add3A_3623 : i32 to vector<16xi32>
    %add3A_3625 = arith.addi %mul3A_53, %add3A_3624 : vector<16xi32>
    %gather3A_3626 = tpu.vector_load_idx %arg4[%add3A_3625] : memref<2560xi32, #tpu.memory_space<vmem>>[vector<16xi32>], vector<16xi32>,
    %and3A_3627 = arith.constant 255 : i32
    %and3A_3628 = vector.broadcast %and3A_3627 : i32 to vector<16xi32>
    %and3A_3629 = arith.andi %gather3A_3626, %and3A_3628 : vector<16xi32>
    %gather3A_3630 = tpu.vector_load_idx %arg10[%and3A_3629] : memref<64xf32, #tpu.memory_space<vmem>>[vector<16xi32>], vector<16xf32>,
    %add3A_3631 = arith.addf %add3A_3622, %gather3A_3630 : vector<16xf32>
    %shift_right_arithmetic3A_3632 = arith.constant 8 : i32
    %shift_right_arithmetic3A_3633 = vector.broadcast %shift_right_arithmetic3A_3632 : i32 to vector<16xi32>
    %shift_right_arithmetic3A_3634 = arith.shrsi %gather3A_3626, %shift_right_arithmetic3A_3633 : vector<16xi32>
    %and3A_3635 = arith.constant 255 : i32
    %and3A_3636 = vector.broadcast %and3A_3635 : i32 to vector<16xi32>
    %and3A_3637 = arith.andi %shift_right_arithmetic3A_3634, %and3A_3636 : vector<16xi32>
    %gather3A_3638 = tpu.vector_load_idx %arg11[%and3A_3637] : memref<64xf32, #tpu.memory_space<vmem>>[vector<16xi32>], vector<16xf32>,
    %add3A_3639 = arith.addf %add3A_3631, %gather3A_3638 : vector<16xf32>
    %shift_right_arithmetic3A_3640 = arith.constant 16 : i32
    %shift_right_arithmetic3A_3641 = vector.broadcast %shift_right_arithmetic3A_3640 : i32 to vector<16xi32>
    %shift_right_arithmetic3A_3642 = arith.shrsi %gather3A_3626, %shift_right_arithmetic3A_3641 : vector<16xi32>
    %gather3A_3643 = tpu.vector_load_idx %arg12[%shift_right_arithmetic3A_3642] : memref<64xf32, #tpu.memory_space<vmem>>[vector<16xi32>], vector<16xf32>,
    %add3A_3644 = arith.addf %add3A_3639, %gather3A_3643 : vector<16xf32>
    %add3A_3645 = arith.constant 1933 : i32
    %add3A_3646 = vector.broadcast %add3A_3645 : i32 to vector<16xi32>
    %add3A_3647 = arith.addi %mul3A_53, %add3A_3646 : vector<16xi32>
    %gather3A_3648 = tpu.vector_load_idx %arg4[%add3A_3647] : memref<2560xi32, #tpu.memory_space<vmem>>[vector<16xi32>], vector<16xi32>,
    %and3A_3649 = arith.constant 255 : i32
    %and3A_3650 = vector.broadcast %and3A_3649 : i32 to vector<16xi32>
    %and3A_3651 = arith.andi %gather3A_3648, %and3A_3650 : vector<16xi32>
    %gather3A_3652 = tpu.vector_load_idx %arg10[%and3A_3651] : memref<64xf32, #tpu.memory_space<vmem>>[vector<16xi32>], vector<16xf32>,
    %add3A_3653 = arith.addf %add3A_3644, %gather3A_3652 : vector<16xf32>
    %shift_right_arithmetic3A_3654 = arith.constant 8 : i32
    %shift_right_arithmetic3A_3655 = vector.broadcast %shift_right_arithmetic3A_3654 : i32 to vector<16xi32>
    %shift_right_arithmetic3A_3656 = arith.shrsi %gather3A_3648, %shift_right_arithmetic3A_3655 : vector<16xi32>
    %and3A_3657 = arith.constant 255 : i32
    %and3A_3658 = vector.broadcast %and3A_3657 : i32 to vector<16xi32>
    %and3A_3659 = arith.andi %shift_right_arithmetic3A_3656, %and3A_3658 : vector<16xi32>
    %gather3A_3660 = tpu.vector_load_idx %arg11[%and3A_3659] : memref<64xf32, #tpu.memory_space<vmem>>[vector<16xi32>], vector<16xf32>,
    %add3A_3661 = arith.addf %add3A_3653, %gather3A_3660 : vector<16xf32>
    %shift_right_arithmetic3A_3662 = arith.constant 16 : i32
    %shift_right_arithmetic3A_3663 = vector.broadcast %shift_right_arithmetic3A_3662 : i32 to vector<16xi32>
    %shift_right_arithmetic3A_3664 = arith.shrsi %gather3A_3648, %shift_right_arithmetic3A_3663 : vector<16xi32>
    %gather3A_3665 = tpu.vector_load_idx %arg12[%shift_right_arithmetic3A_3664] : memref<64xf32, #tpu.memory_space<vmem>>[vector<16xi32>], vector<16xf32>,
    %add3A_3666 = arith.addf %add3A_3661, %gather3A_3665 : vector<16xf32>
    %add3A_3667 = arith.constant 1934 : i32
    %add3A_3668 = vector.broadcast %add3A_3667 : i32 to vector<16xi32>
    %add3A_3669 = arith.addi %mul3A_53, %add3A_3668 : vector<16xi32>
    %gather3A_3670 = tpu.vector_load_idx %arg4[%add3A_3669] : memref<2560xi32, #tpu.memory_space<vmem>>[vector<16xi32>], vector<16xi32>,
    %and3A_3671 = arith.constant 255 : i32
    %and3A_3672 = vector.broadcast %and3A_3671 : i32 to vector<16xi32>
    %and3A_3673 = arith.andi %gather3A_3670, %and3A_3672 : vector<16xi32>
    %gather3A_3674 = tpu.vector_load_idx %arg10[%and3A_3673] : memref<64xf32, #tpu.memory_space<vmem>>[vector<16xi32>], vector<16xf32>,
    %add3A_3675 = arith.addf %add3A_3666, %gather3A_3674 : vector<16xf32>
    %shift_right_arithmetic3A_3676 = arith.constant 8 : i32
    %shift_right_arithmetic3A_3677 = vector.broadcast %shift_right_arithmetic3A_3676 : i32 to vector<16xi32>
    %shift_right_arithmetic3A_3678 = arith.shrsi %gather3A_3670, %shift_right_arithmetic3A_3677 : vector<16xi32>
    %and3A_3679 = arith.constant 255 : i32
    %and3A_3680 = vector.broadcast %and3A_3679 : i32 to vector<16xi32>
    %and3A_3681 = arith.andi %shift_right_arithmetic3A_3678, %and3A_3680 : vector<16xi32>
    %gather3A_3682 = tpu.vector_load_idx %arg11[%and3A_3681] : memref<64xf32, #tpu.memory_space<vmem>>[vector<16xi32>], vector<16xf32>,
    %add3A_3683 = arith.addf %add3A_3675, %gather3A_3682 : vector<16xf32>
    %shift_right_arithmetic3A_3684 = arith.constant 16 : i32
    %shift_right_arithmetic3A_3685 = vector.broadcast %shift_right_arithmetic3A_3684 : i32 to vector<16xi32>
    %shift_right_arithmetic3A_3686 = arith.shrsi %gather3A_3670, %shift_right_arithmetic3A_3685 : vector<16xi32>
    %gather3A_3687 = tpu.vector_load_idx %arg12[%shift_right_arithmetic3A_3686] : memref<64xf32, #tpu.memory_space<vmem>>[vector<16xi32>], vector<16xf32>,
    %add3A_3688 = arith.addf %add3A_3683, %gather3A_3687 : vector<16xf32>
    %add3A_3689 = arith.constant 1935 : i32
    %add3A_3690 = vector.broadcast %add3A_3689 : i32 to vector<16xi32>
    %add3A_3691 = arith.addi %mul3A_53, %add3A_3690 : vector<16xi32>
    %gather3A_3692 = tpu.vector_load_idx %arg4[%add3A_3691] : memref<2560xi32, #tpu.memory_space<vmem>>[vector<16xi32>], vector<16xi32>,
    %and3A_3693 = arith.constant 255 : i32
    %and3A_3694 = vector.broadcast %and3A_3693 : i32 to vector<16xi32>
    %and3A_3695 = arith.andi %gather3A_3692, %and3A_3694 : vector<16xi32>
    %gather3A_3696 = tpu.vector_load_idx %arg10[%and3A_3695] : memref<64xf32, #tpu.memory_space<vmem>>[vector<16xi32>], vector<16xf32>,
    %add3A_3697 = arith.addf %add3A_3688, %gather3A_3696 : vector<16xf32>
    %shift_right_arithmetic3A_3698 = arith.constant 8 : i32
    %shift_right_arithmetic3A_3699 = vector.broadcast %shift_right_arithmetic3A_3698 : i32 to vector<16xi32>
    %shift_right_arithmetic3A_3700 = arith.shrsi %gather3A_3692, %shift_right_arithmetic3A_3699 : vector<16xi32>
    %and3A_3701 = arith.constant 255 : i32
    %and3A_3702 = vector.broadcast %and3A_3701 : i32 to vector<16xi32>
    %and3A_3703 = arith.andi %shift_right_arithmetic3A_3700, %and3A_3702 : vector<16xi32>
    %gather3A_3704 = tpu.vector_load_idx %arg11[%and3A_3703] : memref<64xf32, #tpu.memory_space<vmem>>[vector<16xi32>], vector<16xf32>,
    %add3A_3705 = arith.addf %add3A_3697, %gather3A_3704 : vector<16xf32>
    %shift_right_arithmetic3A_3706 = arith.constant 16 : i32
    %shift_right_arithmetic3A_3707 = vector.broadcast %shift_right_arithmetic3A_3706 : i32 to vector<16xi32>
    %shift_right_arithmetic3A_3708 = arith.shrsi %gather3A_3692, %shift_right_arithmetic3A_3707 : vector<16xi32>
    %gather3A_3709 = tpu.vector_load_idx %arg12[%shift_right_arithmetic3A_3708] : memref<64xf32, #tpu.memory_space<vmem>>[vector<16xi32>], vector<16xf32>,
    %add3A_3710 = arith.addf %add3A_3705, %gather3A_3709 : vector<16xf32>
    %add3A_3711 = arith.constant 1936 : i32
    %add3A_3712 = vector.broadcast %add3A_3711 : i32 to vector<16xi32>
    %add3A_3713 = arith.addi %mul3A_53, %add3A_3712 : vector<16xi32>
    %gather3A_3714 = tpu.vector_load_idx %arg4[%add3A_3713] : memref<2560xi32, #tpu.memory_space<vmem>>[vector<16xi32>], vector<16xi32>,
    %and3A_3715 = arith.constant 255 : i32
    %and3A_3716 = vector.broadcast %and3A_3715 : i32 to vector<16xi32>
    %and3A_3717 = arith.andi %gather3A_3714, %and3A_3716 : vector<16xi32>
    %gather3A_3718 = tpu.vector_load_idx %arg10[%and3A_3717] : memref<64xf32, #tpu.memory_space<vmem>>[vector<16xi32>], vector<16xf32>,
    %add3A_3719 = arith.addf %add3A_3710, %gather3A_3718 : vector<16xf32>
    %shift_right_arithmetic3A_3720 = arith.constant 8 : i32
    %shift_right_arithmetic3A_3721 = vector.broadcast %shift_right_arithmetic3A_3720 : i32 to vector<16xi32>
    %shift_right_arithmetic3A_3722 = arith.shrsi %gather3A_3714, %shift_right_arithmetic3A_3721 : vector<16xi32>
    %and3A_3723 = arith.constant 255 : i32
    %and3A_3724 = vector.broadcast %and3A_3723 : i32 to vector<16xi32>
    %and3A_3725 = arith.andi %shift_right_arithmetic3A_3722, %and3A_3724 : vector<16xi32>
    %gather3A_3726 = tpu.vector_load_idx %arg11[%and3A_3725] : memref<64xf32, #tpu.memory_space<vmem>>[vector<16xi32>], vector<16xf32>,
    %add3A_3727 = arith.addf %add3A_3719, %gather3A_3726 : vector<16xf32>
    %shift_right_arithmetic3A_3728 = arith.constant 16 : i32
    %shift_right_arithmetic3A_3729 = vector.broadcast %shift_right_arithmetic3A_3728 : i32 to vector<16xi32>
    %shift_right_arithmetic3A_3730 = arith.shrsi %gather3A_3714, %shift_right_arithmetic3A_3729 : vector<16xi32>
    %gather3A_3731 = tpu.vector_load_idx %arg12[%shift_right_arithmetic3A_3730] : memref<64xf32, #tpu.memory_space<vmem>>[vector<16xi32>], vector<16xf32>,
    %add3A_3732 = arith.addf %add3A_3727, %gather3A_3731 : vector<16xf32>
    %add3A_3733 = arith.constant 1937 : i32
    %add3A_3734 = vector.broadcast %add3A_3733 : i32 to vector<16xi32>
    %add3A_3735 = arith.addi %mul3A_53, %add3A_3734 : vector<16xi32>
    %gather3A_3736 = tpu.vector_load_idx %arg4[%add3A_3735] : memref<2560xi32, #tpu.memory_space<vmem>>[vector<16xi32>], vector<16xi32>,
    %and3A_3737 = arith.constant 255 : i32
    %and3A_3738 = vector.broadcast %and3A_3737 : i32 to vector<16xi32>
    %and3A_3739 = arith.andi %gather3A_3736, %and3A_3738 : vector<16xi32>
    %gather3A_3740 = tpu.vector_load_idx %arg10[%and3A_3739] : memref<64xf32, #tpu.memory_space<vmem>>[vector<16xi32>], vector<16xf32>,
    %add3A_3741 = arith.addf %add3A_3732, %gather3A_3740 : vector<16xf32>
    %shift_right_arithmetic3A_3742 = arith.constant 8 : i32
    %shift_right_arithmetic3A_3743 = vector.broadcast %shift_right_arithmetic3A_3742 : i32 to vector<16xi32>
    %shift_right_arithmetic3A_3744 = arith.shrsi %gather3A_3736, %shift_right_arithmetic3A_3743 : vector<16xi32>
    %and3A_3745 = arith.constant 255 : i32
    %and3A_3746 = vector.broadcast %and3A_3745 : i32 to vector<16xi32>
    %and3A_3747 = arith.andi %shift_right_arithmetic3A_3744, %and3A_3746 : vector<16xi32>
    %gather3A_3748 = tpu.vector_load_idx %arg11[%and3A_3747] : memref<64xf32, #tpu.memory_space<vmem>>[vector<16xi32>], vector<16xf32>,
    %add3A_3749 = arith.addf %add3A_3741, %gather3A_3748 : vector<16xf32>
    %shift_right_arithmetic3A_3750 = arith.constant 16 : i32
    %shift_right_arithmetic3A_3751 = vector.broadcast %shift_right_arithmetic3A_3750 : i32 to vector<16xi32>
    %shift_right_arithmetic3A_3752 = arith.shrsi %gather3A_3736, %shift_right_arithmetic3A_3751 : vector<16xi32>
    %gather3A_3753 = tpu.vector_load_idx %arg12[%shift_right_arithmetic3A_3752] : memref<64xf32, #tpu.memory_space<vmem>>[vector<16xi32>], vector<16xf32>,
    %add3A_3754 = arith.addf %add3A_3749, %gather3A_3753 : vector<16xf32>
    %add3A_3755 = arith.constant 1938 : i32
    %add3A_3756 = vector.broadcast %add3A_3755 : i32 to vector<16xi32>
    %add3A_3757 = arith.addi %mul3A_53, %add3A_3756 : vector<16xi32>
    %gather3A_3758 = tpu.vector_load_idx %arg4[%add3A_3757] : memref<2560xi32, #tpu.memory_space<vmem>>[vector<16xi32>], vector<16xi32>,
    %and3A_3759 = arith.constant 255 : i32
    %and3A_3760 = vector.broadcast %and3A_3759 : i32 to vector<16xi32>
    %and3A_3761 = arith.andi %gather3A_3758, %and3A_3760 : vector<16xi32>
    %gather3A_3762 = tpu.vector_load_idx %arg10[%and3A_3761] : memref<64xf32, #tpu.memory_space<vmem>>[vector<16xi32>], vector<16xf32>,
    %add3A_3763 = arith.addf %add3A_3754, %gather3A_3762 : vector<16xf32>
    %shift_right_arithmetic3A_3764 = arith.constant 8 : i32
    %shift_right_arithmetic3A_3765 = vector.broadcast %shift_right_arithmetic3A_3764 : i32 to vector<16xi32>
    %shift_right_arithmetic3A_3766 = arith.shrsi %gather3A_3758, %shift_right_arithmetic3A_3765 : vector<16xi32>
    %and3A_3767 = arith.constant 255 : i32
    %and3A_3768 = vector.broadcast %and3A_3767 : i32 to vector<16xi32>
    %and3A_3769 = arith.andi %shift_right_arithmetic3A_3766, %and3A_3768 : vector<16xi32>
    %gather3A_3770 = tpu.vector_load_idx %arg11[%and3A_3769] : memref<64xf32, #tpu.memory_space<vmem>>[vector<16xi32>], vector<16xf32>,
    %add3A_3771 = arith.addf %add3A_3763, %gather3A_3770 : vector<16xf32>
    %shift_right_arithmetic3A_3772 = arith.constant 16 : i32
    %shift_right_arithmetic3A_3773 = vector.broadcast %shift_right_arithmetic3A_3772 : i32 to vector<16xi32>
    %shift_right_arithmetic3A_3774 = arith.shrsi %gather3A_3758, %shift_right_arithmetic3A_3773 : vector<16xi32>
    %gather3A_3775 = tpu.vector_load_idx %arg12[%shift_right_arithmetic3A_3774] : memref<64xf32, #tpu.memory_space<vmem>>[vector<16xi32>], vector<16xf32>,
    %add3A_3776 = arith.addf %add3A_3771, %gather3A_3775 : vector<16xf32>
    %add3A_3777 = arith.constant 1939 : i32
    %add3A_3778 = vector.broadcast %add3A_3777 : i32 to vector<16xi32>
    %add3A_3779 = arith.addi %mul3A_53, %add3A_3778 : vector<16xi32>
    %gather3A_3780 = tpu.vector_load_idx %arg4[%add3A_3779] : memref<2560xi32, #tpu.memory_space<vmem>>[vector<16xi32>], vector<16xi32>,
    %and3A_3781 = arith.constant 255 : i32
    %and3A_3782 = vector.broadcast %and3A_3781 : i32 to vector<16xi32>
    %and3A_3783 = arith.andi %gather3A_3780, %and3A_3782 : vector<16xi32>
    %gather3A_3784 = tpu.vector_load_idx %arg10[%and3A_3783] : memref<64xf32, #tpu.memory_space<vmem>>[vector<16xi32>], vector<16xf32>,
    %add3A_3785 = arith.addf %add3A_3776, %gather3A_3784 : vector<16xf32>
    %shift_right_arithmetic3A_3786 = arith.constant 8 : i32
    %shift_right_arithmetic3A_3787 = vector.broadcast %shift_right_arithmetic3A_3786 : i32 to vector<16xi32>
    %shift_right_arithmetic3A_3788 = arith.shrsi %gather3A_3780, %shift_right_arithmetic3A_3787 : vector<16xi32>
    %and3A_3789 = arith.constant 255 : i32
    %and3A_3790 = vector.broadcast %and3A_3789 : i32 to vector<16xi32>
    %and3A_3791 = arith.andi %shift_right_arithmetic3A_3788, %and3A_3790 : vector<16xi32>
    %gather3A_3792 = tpu.vector_load_idx %arg11[%and3A_3791] : memref<64xf32, #tpu.memory_space<vmem>>[vector<16xi32>], vector<16xf32>,
    %add3A_3793 = arith.addf %add3A_3785, %gather3A_3792 : vector<16xf32>
    %shift_right_arithmetic3A_3794 = arith.constant 16 : i32
    %shift_right_arithmetic3A_3795 = vector.broadcast %shift_right_arithmetic3A_3794 : i32 to vector<16xi32>
    %shift_right_arithmetic3A_3796 = arith.shrsi %gather3A_3780, %shift_right_arithmetic3A_3795 : vector<16xi32>
    %gather3A_3797 = tpu.vector_load_idx %arg12[%shift_right_arithmetic3A_3796] : memref<64xf32, #tpu.memory_space<vmem>>[vector<16xi32>], vector<16xf32>,
    %add3A_3798 = arith.addf %add3A_3793, %gather3A_3797 : vector<16xf32>
    %swap3A_3799 = arith.constant 96 : index
    %swap3A_3800 = tpu.vector_load %arg13[%swap3A_3799] {strides = array<i32>} : memref<128xf32, #tpu.memory_space<vmem>>, vector<16xf32>,
    tpu.vector_store %arg13[%swap3A_3799], %add3A_3798 {strides = array<i32>} : memref<128xf32, #tpu.memory_space<vmem>>, vector<16xf32>,
    %add3A_3801 = arith.constant 224 : i32
    %add3A_3802 = vector.broadcast %add3A_3801 : i32 to vector<16xi32>
    %add3A_3803 = arith.addi %mul3A_50, %add3A_3802 : vector<16xi32>
    %gather3A_3804 = tpu.vector_load_idx %arg5[%add3A_3803] : memref<256xi32, #tpu.memory_space<vmem>>[vector<16xi32>], vector<16xi32>,
    %bitcast3A_3805 = vector.bitcast %gather3A_3804 : vector<16xi32> to vector<16xf32>
    %add3A_3806 = arith.constant 224 : i32
    %add3A_3807 = vector.broadcast %add3A_3806 : i32 to vector<16xi32>
    %add3A_3808 = arith.addi %mul3A_50, %add3A_3807 : vector<16xi32>
    %add3A_3809 = arith.constant 1 : i32
    %add3A_3810 = vector.broadcast %add3A_3809 : i32 to vector<16xi32>
    %add3A_3811 = arith.addi %add3A_3808, %add3A_3810 : vector<16xi32>
    %gather3A_3812 = tpu.vector_load_idx %arg5[%add3A_3811] : memref<256xi32, #tpu.memory_space<vmem>>[vector<16xi32>], vector<16xi32>,
    %bitcast3A_3813 = vector.bitcast %gather3A_3812 : vector<16xi32> to vector<16xf32>
    %mul3A_3814 = arith.mulf %bitcast3A_3805, %bitcast3A_583 : vector<16xf32>
    %add3A_3815 = arith.addf %bitcast3A_589, %mul3A_3814 : vector<16xf32>
    %mul3A_3816 = arith.mulf %bitcast3A_3813, %bitcast3A_586 : vector<16xf32>
    %add3A_3817 = arith.addf %add3A_3815, %mul3A_3816 : vector<16xf32>
    %add3A_3818 = arith.constant 2240 : i32
    %add3A_3819 = vector.broadcast %add3A_3818 : i32 to vector<16xi32>
    %add3A_3820 = arith.addi %mul3A_53, %add3A_3819 : vector<16xi32>
    %gather3A_3821 = tpu.vector_load_idx %arg4[%add3A_3820] : memref<2560xi32, #tpu.memory_space<vmem>>[vector<16xi32>], vector<16xi32>,
    %and3A_3822 = arith.constant 255 : i32
    %and3A_3823 = vector.broadcast %and3A_3822 : i32 to vector<16xi32>
    %and3A_3824 = arith.andi %gather3A_3821, %and3A_3823 : vector<16xi32>
    %gather3A_3825 = tpu.vector_load_idx %arg10[%and3A_3824] : memref<64xf32, #tpu.memory_space<vmem>>[vector<16xi32>], vector<16xf32>,
    %add3A_3826 = arith.addf %add3A_3817, %gather3A_3825 : vector<16xf32>
    %shift_right_arithmetic3A_3827 = arith.constant 8 : i32
    %shift_right_arithmetic3A_3828 = vector.broadcast %shift_right_arithmetic3A_3827 : i32 to vector<16xi32>
    %shift_right_arithmetic3A_3829 = arith.shrsi %gather3A_3821, %shift_right_arithmetic3A_3828 : vector<16xi32>
    %and3A_3830 = arith.constant 255 : i32
    %and3A_3831 = vector.broadcast %and3A_3830 : i32 to vector<16xi32>
    %and3A_3832 = arith.andi %shift_right_arithmetic3A_3829, %and3A_3831 : vector<16xi32>
    %gather3A_3833 = tpu.vector_load_idx %arg11[%and3A_3832] : memref<64xf32, #tpu.memory_space<vmem>>[vector<16xi32>], vector<16xf32>,
    %add3A_3834 = arith.addf %add3A_3826, %gather3A_3833 : vector<16xf32>
    %shift_right_arithmetic3A_3835 = arith.constant 16 : i32
    %shift_right_arithmetic3A_3836 = vector.broadcast %shift_right_arithmetic3A_3835 : i32 to vector<16xi32>
    %shift_right_arithmetic3A_3837 = arith.shrsi %gather3A_3821, %shift_right_arithmetic3A_3836 : vector<16xi32>
    %gather3A_3838 = tpu.vector_load_idx %arg12[%shift_right_arithmetic3A_3837] : memref<64xf32, #tpu.memory_space<vmem>>[vector<16xi32>], vector<16xf32>,
    %add3A_3839 = arith.addf %add3A_3834, %gather3A_3838 : vector<16xf32>
    %add3A_3840 = arith.constant 2241 : i32
    %add3A_3841 = vector.broadcast %add3A_3840 : i32 to vector<16xi32>
    %add3A_3842 = arith.addi %mul3A_53, %add3A_3841 : vector<16xi32>
    %gather3A_3843 = tpu.vector_load_idx %arg4[%add3A_3842] : memref<2560xi32, #tpu.memory_space<vmem>>[vector<16xi32>], vector<16xi32>,
    %and3A_3844 = arith.constant 255 : i32
    %and3A_3845 = vector.broadcast %and3A_3844 : i32 to vector<16xi32>
    %and3A_3846 = arith.andi %gather3A_3843, %and3A_3845 : vector<16xi32>
    %gather3A_3847 = tpu.vector_load_idx %arg10[%and3A_3846] : memref<64xf32, #tpu.memory_space<vmem>>[vector<16xi32>], vector<16xf32>,
    %add3A_3848 = arith.addf %add3A_3839, %gather3A_3847 : vector<16xf32>
    %shift_right_arithmetic3A_3849 = arith.constant 8 : i32
    %shift_right_arithmetic3A_3850 = vector.broadcast %shift_right_arithmetic3A_3849 : i32 to vector<16xi32>
    %shift_right_arithmetic3A_3851 = arith.shrsi %gather3A_3843, %shift_right_arithmetic3A_3850 : vector<16xi32>
    %and3A_3852 = arith.constant 255 : i32
    %and3A_3853 = vector.broadcast %and3A_3852 : i32 to vector<16xi32>
    %and3A_3854 = arith.andi %shift_right_arithmetic3A_3851, %and3A_3853 : vector<16xi32>
    %gather3A_3855 = tpu.vector_load_idx %arg11[%and3A_3854] : memref<64xf32, #tpu.memory_space<vmem>>[vector<16xi32>], vector<16xf32>,
    %add3A_3856 = arith.addf %add3A_3848, %gather3A_3855 : vector<16xf32>
    %shift_right_arithmetic3A_3857 = arith.constant 16 : i32
    %shift_right_arithmetic3A_3858 = vector.broadcast %shift_right_arithmetic3A_3857 : i32 to vector<16xi32>
    %shift_right_arithmetic3A_3859 = arith.shrsi %gather3A_3843, %shift_right_arithmetic3A_3858 : vector<16xi32>
    %gather3A_3860 = tpu.vector_load_idx %arg12[%shift_right_arithmetic3A_3859] : memref<64xf32, #tpu.memory_space<vmem>>[vector<16xi32>], vector<16xf32>,
    %add3A_3861 = arith.addf %add3A_3856, %gather3A_3860 : vector<16xf32>
    %add3A_3862 = arith.constant 2242 : i32
    %add3A_3863 = vector.broadcast %add3A_3862 : i32 to vector<16xi32>
    %add3A_3864 = arith.addi %mul3A_53, %add3A_3863 : vector<16xi32>
    %gather3A_3865 = tpu.vector_load_idx %arg4[%add3A_3864] : memref<2560xi32, #tpu.memory_space<vmem>>[vector<16xi32>], vector<16xi32>,
    %and3A_3866 = arith.constant 255 : i32
    %and3A_3867 = vector.broadcast %and3A_3866 : i32 to vector<16xi32>
    %and3A_3868 = arith.andi %gather3A_3865, %and3A_3867 : vector<16xi32>
    %gather3A_3869 = tpu.vector_load_idx %arg10[%and3A_3868] : memref<64xf32, #tpu.memory_space<vmem>>[vector<16xi32>], vector<16xf32>,
    %add3A_3870 = arith.addf %add3A_3861, %gather3A_3869 : vector<16xf32>
    %shift_right_arithmetic3A_3871 = arith.constant 8 : i32
    %shift_right_arithmetic3A_3872 = vector.broadcast %shift_right_arithmetic3A_3871 : i32 to vector<16xi32>
    %shift_right_arithmetic3A_3873 = arith.shrsi %gather3A_3865, %shift_right_arithmetic3A_3872 : vector<16xi32>
    %and3A_3874 = arith.constant 255 : i32
    %and3A_3875 = vector.broadcast %and3A_3874 : i32 to vector<16xi32>
    %and3A_3876 = arith.andi %shift_right_arithmetic3A_3873, %and3A_3875 : vector<16xi32>
    %gather3A_3877 = tpu.vector_load_idx %arg11[%and3A_3876] : memref<64xf32, #tpu.memory_space<vmem>>[vector<16xi32>], vector<16xf32>,
    %add3A_3878 = arith.addf %add3A_3870, %gather3A_3877 : vector<16xf32>
    %shift_right_arithmetic3A_3879 = arith.constant 16 : i32
    %shift_right_arithmetic3A_3880 = vector.broadcast %shift_right_arithmetic3A_3879 : i32 to vector<16xi32>
    %shift_right_arithmetic3A_3881 = arith.shrsi %gather3A_3865, %shift_right_arithmetic3A_3880 : vector<16xi32>
    %gather3A_3882 = tpu.vector_load_idx %arg12[%shift_right_arithmetic3A_3881] : memref<64xf32, #tpu.memory_space<vmem>>[vector<16xi32>], vector<16xf32>,
    %add3A_3883 = arith.addf %add3A_3878, %gather3A_3882 : vector<16xf32>
    %add3A_3884 = arith.constant 2243 : i32
    %add3A_3885 = vector.broadcast %add3A_3884 : i32 to vector<16xi32>
    %add3A_3886 = arith.addi %mul3A_53, %add3A_3885 : vector<16xi32>
    %gather3A_3887 = tpu.vector_load_idx %arg4[%add3A_3886] : memref<2560xi32, #tpu.memory_space<vmem>>[vector<16xi32>], vector<16xi32>,
    %and3A_3888 = arith.constant 255 : i32
    %and3A_3889 = vector.broadcast %and3A_3888 : i32 to vector<16xi32>
    %and3A_3890 = arith.andi %gather3A_3887, %and3A_3889 : vector<16xi32>
    %gather3A_3891 = tpu.vector_load_idx %arg10[%and3A_3890] : memref<64xf32, #tpu.memory_space<vmem>>[vector<16xi32>], vector<16xf32>,
    %add3A_3892 = arith.addf %add3A_3883, %gather3A_3891 : vector<16xf32>
    %shift_right_arithmetic3A_3893 = arith.constant 8 : i32
    %shift_right_arithmetic3A_3894 = vector.broadcast %shift_right_arithmetic3A_3893 : i32 to vector<16xi32>
    %shift_right_arithmetic3A_3895 = arith.shrsi %gather3A_3887, %shift_right_arithmetic3A_3894 : vector<16xi32>
    %and3A_3896 = arith.constant 255 : i32
    %and3A_3897 = vector.broadcast %and3A_3896 : i32 to vector<16xi32>
    %and3A_3898 = arith.andi %shift_right_arithmetic3A_3895, %and3A_3897 : vector<16xi32>
    %gather3A_3899 = tpu.vector_load_idx %arg11[%and3A_3898] : memref<64xf32, #tpu.memory_space<vmem>>[vector<16xi32>], vector<16xf32>,
    %add3A_3900 = arith.addf %add3A_3892, %gather3A_3899 : vector<16xf32>
    %shift_right_arithmetic3A_3901 = arith.constant 16 : i32
    %shift_right_arithmetic3A_3902 = vector.broadcast %shift_right_arithmetic3A_3901 : i32 to vector<16xi32>
    %shift_right_arithmetic3A_3903 = arith.shrsi %gather3A_3887, %shift_right_arithmetic3A_3902 : vector<16xi32>
    %gather3A_3904 = tpu.vector_load_idx %arg12[%shift_right_arithmetic3A_3903] : memref<64xf32, #tpu.memory_space<vmem>>[vector<16xi32>], vector<16xf32>,
    %add3A_3905 = arith.addf %add3A_3900, %gather3A_3904 : vector<16xf32>
    %add3A_3906 = arith.constant 2244 : i32
    %add3A_3907 = vector.broadcast %add3A_3906 : i32 to vector<16xi32>
    %add3A_3908 = arith.addi %mul3A_53, %add3A_3907 : vector<16xi32>
    %gather3A_3909 = tpu.vector_load_idx %arg4[%add3A_3908] : memref<2560xi32, #tpu.memory_space<vmem>>[vector<16xi32>], vector<16xi32>,
    %and3A_3910 = arith.constant 255 : i32
    %and3A_3911 = vector.broadcast %and3A_3910 : i32 to vector<16xi32>
    %and3A_3912 = arith.andi %gather3A_3909, %and3A_3911 : vector<16xi32>
    %gather3A_3913 = tpu.vector_load_idx %arg10[%and3A_3912] : memref<64xf32, #tpu.memory_space<vmem>>[vector<16xi32>], vector<16xf32>,
    %add3A_3914 = arith.addf %add3A_3905, %gather3A_3913 : vector<16xf32>
    %shift_right_arithmetic3A_3915 = arith.constant 8 : i32
    %shift_right_arithmetic3A_3916 = vector.broadcast %shift_right_arithmetic3A_3915 : i32 to vector<16xi32>
    %shift_right_arithmetic3A_3917 = arith.shrsi %gather3A_3909, %shift_right_arithmetic3A_3916 : vector<16xi32>
    %and3A_3918 = arith.constant 255 : i32
    %and3A_3919 = vector.broadcast %and3A_3918 : i32 to vector<16xi32>
    %and3A_3920 = arith.andi %shift_right_arithmetic3A_3917, %and3A_3919 : vector<16xi32>
    %gather3A_3921 = tpu.vector_load_idx %arg11[%and3A_3920] : memref<64xf32, #tpu.memory_space<vmem>>[vector<16xi32>], vector<16xf32>,
    %add3A_3922 = arith.addf %add3A_3914, %gather3A_3921 : vector<16xf32>
    %shift_right_arithmetic3A_3923 = arith.constant 16 : i32
    %shift_right_arithmetic3A_3924 = vector.broadcast %shift_right_arithmetic3A_3923 : i32 to vector<16xi32>
    %shift_right_arithmetic3A_3925 = arith.shrsi %gather3A_3909, %shift_right_arithmetic3A_3924 : vector<16xi32>
    %gather3A_3926 = tpu.vector_load_idx %arg12[%shift_right_arithmetic3A_3925] : memref<64xf32, #tpu.memory_space<vmem>>[vector<16xi32>], vector<16xf32>,
    %add3A_3927 = arith.addf %add3A_3922, %gather3A_3926 : vector<16xf32>
    %add3A_3928 = arith.constant 2245 : i32
    %add3A_3929 = vector.broadcast %add3A_3928 : i32 to vector<16xi32>
    %add3A_3930 = arith.addi %mul3A_53, %add3A_3929 : vector<16xi32>
    %gather3A_3931 = tpu.vector_load_idx %arg4[%add3A_3930] : memref<2560xi32, #tpu.memory_space<vmem>>[vector<16xi32>], vector<16xi32>,
    %and3A_3932 = arith.constant 255 : i32
    %and3A_3933 = vector.broadcast %and3A_3932 : i32 to vector<16xi32>
    %and3A_3934 = arith.andi %gather3A_3931, %and3A_3933 : vector<16xi32>
    %gather3A_3935 = tpu.vector_load_idx %arg10[%and3A_3934] : memref<64xf32, #tpu.memory_space<vmem>>[vector<16xi32>], vector<16xf32>,
    %add3A_3936 = arith.addf %add3A_3927, %gather3A_3935 : vector<16xf32>
    %shift_right_arithmetic3A_3937 = arith.constant 8 : i32
    %shift_right_arithmetic3A_3938 = vector.broadcast %shift_right_arithmetic3A_3937 : i32 to vector<16xi32>
    %shift_right_arithmetic3A_3939 = arith.shrsi %gather3A_3931, %shift_right_arithmetic3A_3938 : vector<16xi32>
    %and3A_3940 = arith.constant 255 : i32
    %and3A_3941 = vector.broadcast %and3A_3940 : i32 to vector<16xi32>
    %and3A_3942 = arith.andi %shift_right_arithmetic3A_3939, %and3A_3941 : vector<16xi32>
    %gather3A_3943 = tpu.vector_load_idx %arg11[%and3A_3942] : memref<64xf32, #tpu.memory_space<vmem>>[vector<16xi32>], vector<16xf32>,
    %add3A_3944 = arith.addf %add3A_3936, %gather3A_3943 : vector<16xf32>
    %shift_right_arithmetic3A_3945 = arith.constant 16 : i32
    %shift_right_arithmetic3A_3946 = vector.broadcast %shift_right_arithmetic3A_3945 : i32 to vector<16xi32>
    %shift_right_arithmetic3A_3947 = arith.shrsi %gather3A_3931, %shift_right_arithmetic3A_3946 : vector<16xi32>
    %gather3A_3948 = tpu.vector_load_idx %arg12[%shift_right_arithmetic3A_3947] : memref<64xf32, #tpu.memory_space<vmem>>[vector<16xi32>], vector<16xf32>,
    %add3A_3949 = arith.addf %add3A_3944, %gather3A_3948 : vector<16xf32>
    %add3A_3950 = arith.constant 2246 : i32
    %add3A_3951 = vector.broadcast %add3A_3950 : i32 to vector<16xi32>
    %add3A_3952 = arith.addi %mul3A_53, %add3A_3951 : vector<16xi32>
    %gather3A_3953 = tpu.vector_load_idx %arg4[%add3A_3952] : memref<2560xi32, #tpu.memory_space<vmem>>[vector<16xi32>], vector<16xi32>,
    %and3A_3954 = arith.constant 255 : i32
    %and3A_3955 = vector.broadcast %and3A_3954 : i32 to vector<16xi32>
    %and3A_3956 = arith.andi %gather3A_3953, %and3A_3955 : vector<16xi32>
    %gather3A_3957 = tpu.vector_load_idx %arg10[%and3A_3956] : memref<64xf32, #tpu.memory_space<vmem>>[vector<16xi32>], vector<16xf32>,
    %add3A_3958 = arith.addf %add3A_3949, %gather3A_3957 : vector<16xf32>
    %shift_right_arithmetic3A_3959 = arith.constant 8 : i32
    %shift_right_arithmetic3A_3960 = vector.broadcast %shift_right_arithmetic3A_3959 : i32 to vector<16xi32>
    %shift_right_arithmetic3A_3961 = arith.shrsi %gather3A_3953, %shift_right_arithmetic3A_3960 : vector<16xi32>
    %and3A_3962 = arith.constant 255 : i32
    %and3A_3963 = vector.broadcast %and3A_3962 : i32 to vector<16xi32>
    %and3A_3964 = arith.andi %shift_right_arithmetic3A_3961, %and3A_3963 : vector<16xi32>
    %gather3A_3965 = tpu.vector_load_idx %arg11[%and3A_3964] : memref<64xf32, #tpu.memory_space<vmem>>[vector<16xi32>], vector<16xf32>,
    %add3A_3966 = arith.addf %add3A_3958, %gather3A_3965 : vector<16xf32>
    %shift_right_arithmetic3A_3967 = arith.constant 16 : i32
    %shift_right_arithmetic3A_3968 = vector.broadcast %shift_right_arithmetic3A_3967 : i32 to vector<16xi32>
    %shift_right_arithmetic3A_3969 = arith.shrsi %gather3A_3953, %shift_right_arithmetic3A_3968 : vector<16xi32>
    %gather3A_3970 = tpu.vector_load_idx %arg12[%shift_right_arithmetic3A_3969] : memref<64xf32, #tpu.memory_space<vmem>>[vector<16xi32>], vector<16xf32>,
    %add3A_3971 = arith.addf %add3A_3966, %gather3A_3970 : vector<16xf32>
    %add3A_3972 = arith.constant 2247 : i32
    %add3A_3973 = vector.broadcast %add3A_3972 : i32 to vector<16xi32>
    %add3A_3974 = arith.addi %mul3A_53, %add3A_3973 : vector<16xi32>
    %gather3A_3975 = tpu.vector_load_idx %arg4[%add3A_3974] : memref<2560xi32, #tpu.memory_space<vmem>>[vector<16xi32>], vector<16xi32>,
    %and3A_3976 = arith.constant 255 : i32
    %and3A_3977 = vector.broadcast %and3A_3976 : i32 to vector<16xi32>
    %and3A_3978 = arith.andi %gather3A_3975, %and3A_3977 : vector<16xi32>
    %gather3A_3979 = tpu.vector_load_idx %arg10[%and3A_3978] : memref<64xf32, #tpu.memory_space<vmem>>[vector<16xi32>], vector<16xf32>,
    %add3A_3980 = arith.addf %add3A_3971, %gather3A_3979 : vector<16xf32>
    %shift_right_arithmetic3A_3981 = arith.constant 8 : i32
    %shift_right_arithmetic3A_3982 = vector.broadcast %shift_right_arithmetic3A_3981 : i32 to vector<16xi32>
    %shift_right_arithmetic3A_3983 = arith.shrsi %gather3A_3975, %shift_right_arithmetic3A_3982 : vector<16xi32>
    %and3A_3984 = arith.constant 255 : i32
    %and3A_3985 = vector.broadcast %and3A_3984 : i32 to vector<16xi32>
    %and3A_3986 = arith.andi %shift_right_arithmetic3A_3983, %and3A_3985 : vector<16xi32>
    %gather3A_3987 = tpu.vector_load_idx %arg11[%and3A_3986] : memref<64xf32, #tpu.memory_space<vmem>>[vector<16xi32>], vector<16xf32>,
    %add3A_3988 = arith.addf %add3A_3980, %gather3A_3987 : vector<16xf32>
    %shift_right_arithmetic3A_3989 = arith.constant 16 : i32
    %shift_right_arithmetic3A_3990 = vector.broadcast %shift_right_arithmetic3A_3989 : i32 to vector<16xi32>
    %shift_right_arithmetic3A_3991 = arith.shrsi %gather3A_3975, %shift_right_arithmetic3A_3990 : vector<16xi32>
    %gather3A_3992 = tpu.vector_load_idx %arg12[%shift_right_arithmetic3A_3991] : memref<64xf32, #tpu.memory_space<vmem>>[vector<16xi32>], vector<16xf32>,
    %add3A_3993 = arith.addf %add3A_3988, %gather3A_3992 : vector<16xf32>
    %add3A_3994 = arith.constant 2248 : i32
    %add3A_3995 = vector.broadcast %add3A_3994 : i32 to vector<16xi32>
    %add3A_3996 = arith.addi %mul3A_53, %add3A_3995 : vector<16xi32>
    %gather3A_3997 = tpu.vector_load_idx %arg4[%add3A_3996] : memref<2560xi32, #tpu.memory_space<vmem>>[vector<16xi32>], vector<16xi32>,
    %and3A_3998 = arith.constant 255 : i32
    %and3A_3999 = vector.broadcast %and3A_3998 : i32 to vector<16xi32>
    %and3A_4000 = arith.andi %gather3A_3997, %and3A_3999 : vector<16xi32>
    %gather3A_4001 = tpu.vector_load_idx %arg10[%and3A_4000] : memref<64xf32, #tpu.memory_space<vmem>>[vector<16xi32>], vector<16xf32>,
    %add3A_4002 = arith.addf %add3A_3993, %gather3A_4001 : vector<16xf32>
    %shift_right_arithmetic3A_4003 = arith.constant 8 : i32
    %shift_right_arithmetic3A_4004 = vector.broadcast %shift_right_arithmetic3A_4003 : i32 to vector<16xi32>
    %shift_right_arithmetic3A_4005 = arith.shrsi %gather3A_3997, %shift_right_arithmetic3A_4004 : vector<16xi32>
    %and3A_4006 = arith.constant 255 : i32
    %and3A_4007 = vector.broadcast %and3A_4006 : i32 to vector<16xi32>
    %and3A_4008 = arith.andi %shift_right_arithmetic3A_4005, %and3A_4007 : vector<16xi32>
    %gather3A_4009 = tpu.vector_load_idx %arg11[%and3A_4008] : memref<64xf32, #tpu.memory_space<vmem>>[vector<16xi32>], vector<16xf32>,
    %add3A_4010 = arith.addf %add3A_4002, %gather3A_4009 : vector<16xf32>
    %shift_right_arithmetic3A_4011 = arith.constant 16 : i32
    %shift_right_arithmetic3A_4012 = vector.broadcast %shift_right_arithmetic3A_4011 : i32 to vector<16xi32>
    %shift_right_arithmetic3A_4013 = arith.shrsi %gather3A_3997, %shift_right_arithmetic3A_4012 : vector<16xi32>
    %gather3A_4014 = tpu.vector_load_idx %arg12[%shift_right_arithmetic3A_4013] : memref<64xf32, #tpu.memory_space<vmem>>[vector<16xi32>], vector<16xf32>,
    %add3A_4015 = arith.addf %add3A_4010, %gather3A_4014 : vector<16xf32>
    %add3A_4016 = arith.constant 2249 : i32
    %add3A_4017 = vector.broadcast %add3A_4016 : i32 to vector<16xi32>
    %add3A_4018 = arith.addi %mul3A_53, %add3A_4017 : vector<16xi32>
    %gather3A_4019 = tpu.vector_load_idx %arg4[%add3A_4018] : memref<2560xi32, #tpu.memory_space<vmem>>[vector<16xi32>], vector<16xi32>,
    %and3A_4020 = arith.constant 255 : i32
    %and3A_4021 = vector.broadcast %and3A_4020 : i32 to vector<16xi32>
    %and3A_4022 = arith.andi %gather3A_4019, %and3A_4021 : vector<16xi32>
    %gather3A_4023 = tpu.vector_load_idx %arg10[%and3A_4022] : memref<64xf32, #tpu.memory_space<vmem>>[vector<16xi32>], vector<16xf32>,
    %add3A_4024 = arith.addf %add3A_4015, %gather3A_4023 : vector<16xf32>
    %shift_right_arithmetic3A_4025 = arith.constant 8 : i32
    %shift_right_arithmetic3A_4026 = vector.broadcast %shift_right_arithmetic3A_4025 : i32 to vector<16xi32>
    %shift_right_arithmetic3A_4027 = arith.shrsi %gather3A_4019, %shift_right_arithmetic3A_4026 : vector<16xi32>
    %and3A_4028 = arith.constant 255 : i32
    %and3A_4029 = vector.broadcast %and3A_4028 : i32 to vector<16xi32>
    %and3A_4030 = arith.andi %shift_right_arithmetic3A_4027, %and3A_4029 : vector<16xi32>
    %gather3A_4031 = tpu.vector_load_idx %arg11[%and3A_4030] : memref<64xf32, #tpu.memory_space<vmem>>[vector<16xi32>], vector<16xf32>,
    %add3A_4032 = arith.addf %add3A_4024, %gather3A_4031 : vector<16xf32>
    %shift_right_arithmetic3A_4033 = arith.constant 16 : i32
    %shift_right_arithmetic3A_4034 = vector.broadcast %shift_right_arithmetic3A_4033 : i32 to vector<16xi32>
    %shift_right_arithmetic3A_4035 = arith.shrsi %gather3A_4019, %shift_right_arithmetic3A_4034 : vector<16xi32>
    %gather3A_4036 = tpu.vector_load_idx %arg12[%shift_right_arithmetic3A_4035] : memref<64xf32, #tpu.memory_space<vmem>>[vector<16xi32>], vector<16xf32>,
    %add3A_4037 = arith.addf %add3A_4032, %gather3A_4036 : vector<16xf32>
    %add3A_4038 = arith.constant 2250 : i32
    %add3A_4039 = vector.broadcast %add3A_4038 : i32 to vector<16xi32>
    %add3A_4040 = arith.addi %mul3A_53, %add3A_4039 : vector<16xi32>
    %gather3A_4041 = tpu.vector_load_idx %arg4[%add3A_4040] : memref<2560xi32, #tpu.memory_space<vmem>>[vector<16xi32>], vector<16xi32>,
    %and3A_4042 = arith.constant 255 : i32
    %and3A_4043 = vector.broadcast %and3A_4042 : i32 to vector<16xi32>
    %and3A_4044 = arith.andi %gather3A_4041, %and3A_4043 : vector<16xi32>
    %gather3A_4045 = tpu.vector_load_idx %arg10[%and3A_4044] : memref<64xf32, #tpu.memory_space<vmem>>[vector<16xi32>], vector<16xf32>,
    %add3A_4046 = arith.addf %add3A_4037, %gather3A_4045 : vector<16xf32>
    %shift_right_arithmetic3A_4047 = arith.constant 8 : i32
    %shift_right_arithmetic3A_4048 = vector.broadcast %shift_right_arithmetic3A_4047 : i32 to vector<16xi32>
    %shift_right_arithmetic3A_4049 = arith.shrsi %gather3A_4041, %shift_right_arithmetic3A_4048 : vector<16xi32>
    %and3A_4050 = arith.constant 255 : i32
    %and3A_4051 = vector.broadcast %and3A_4050 : i32 to vector<16xi32>
    %and3A_4052 = arith.andi %shift_right_arithmetic3A_4049, %and3A_4051 : vector<16xi32>
    %gather3A_4053 = tpu.vector_load_idx %arg11[%and3A_4052] : memref<64xf32, #tpu.memory_space<vmem>>[vector<16xi32>], vector<16xf32>,
    %add3A_4054 = arith.addf %add3A_4046, %gather3A_4053 : vector<16xf32>
    %shift_right_arithmetic3A_4055 = arith.constant 16 : i32
    %shift_right_arithmetic3A_4056 = vector.broadcast %shift_right_arithmetic3A_4055 : i32 to vector<16xi32>
    %shift_right_arithmetic3A_4057 = arith.shrsi %gather3A_4041, %shift_right_arithmetic3A_4056 : vector<16xi32>
    %gather3A_4058 = tpu.vector_load_idx %arg12[%shift_right_arithmetic3A_4057] : memref<64xf32, #tpu.memory_space<vmem>>[vector<16xi32>], vector<16xf32>,
    %add3A_4059 = arith.addf %add3A_4054, %gather3A_4058 : vector<16xf32>
    %add3A_4060 = arith.constant 2251 : i32
    %add3A_4061 = vector.broadcast %add3A_4060 : i32 to vector<16xi32>
    %add3A_4062 = arith.addi %mul3A_53, %add3A_4061 : vector<16xi32>
    %gather3A_4063 = tpu.vector_load_idx %arg4[%add3A_4062] : memref<2560xi32, #tpu.memory_space<vmem>>[vector<16xi32>], vector<16xi32>,
    %and3A_4064 = arith.constant 255 : i32
    %and3A_4065 = vector.broadcast %and3A_4064 : i32 to vector<16xi32>
    %and3A_4066 = arith.andi %gather3A_4063, %and3A_4065 : vector<16xi32>
    %gather3A_4067 = tpu.vector_load_idx %arg10[%and3A_4066] : memref<64xf32, #tpu.memory_space<vmem>>[vector<16xi32>], vector<16xf32>,
    %add3A_4068 = arith.addf %add3A_4059, %gather3A_4067 : vector<16xf32>
    %shift_right_arithmetic3A_4069 = arith.constant 8 : i32
    %shift_right_arithmetic3A_4070 = vector.broadcast %shift_right_arithmetic3A_4069 : i32 to vector<16xi32>
    %shift_right_arithmetic3A_4071 = arith.shrsi %gather3A_4063, %shift_right_arithmetic3A_4070 : vector<16xi32>
    %and3A_4072 = arith.constant 255 : i32
    %and3A_4073 = vector.broadcast %and3A_4072 : i32 to vector<16xi32>
    %and3A_4074 = arith.andi %shift_right_arithmetic3A_4071, %and3A_4073 : vector<16xi32>
    %gather3A_4075 = tpu.vector_load_idx %arg11[%and3A_4074] : memref<64xf32, #tpu.memory_space<vmem>>[vector<16xi32>], vector<16xf32>,
    %add3A_4076 = arith.addf %add3A_4068, %gather3A_4075 : vector<16xf32>
    %shift_right_arithmetic3A_4077 = arith.constant 16 : i32
    %shift_right_arithmetic3A_4078 = vector.broadcast %shift_right_arithmetic3A_4077 : i32 to vector<16xi32>
    %shift_right_arithmetic3A_4079 = arith.shrsi %gather3A_4063, %shift_right_arithmetic3A_4078 : vector<16xi32>
    %gather3A_4080 = tpu.vector_load_idx %arg12[%shift_right_arithmetic3A_4079] : memref<64xf32, #tpu.memory_space<vmem>>[vector<16xi32>], vector<16xf32>,
    %add3A_4081 = arith.addf %add3A_4076, %gather3A_4080 : vector<16xf32>
    %add3A_4082 = arith.constant 2252 : i32
    %add3A_4083 = vector.broadcast %add3A_4082 : i32 to vector<16xi32>
    %add3A_4084 = arith.addi %mul3A_53, %add3A_4083 : vector<16xi32>
    %gather3A_4085 = tpu.vector_load_idx %arg4[%add3A_4084] : memref<2560xi32, #tpu.memory_space<vmem>>[vector<16xi32>], vector<16xi32>,
    %and3A_4086 = arith.constant 255 : i32
    %and3A_4087 = vector.broadcast %and3A_4086 : i32 to vector<16xi32>
    %and3A_4088 = arith.andi %gather3A_4085, %and3A_4087 : vector<16xi32>
    %gather3A_4089 = tpu.vector_load_idx %arg10[%and3A_4088] : memref<64xf32, #tpu.memory_space<vmem>>[vector<16xi32>], vector<16xf32>,
    %add3A_4090 = arith.addf %add3A_4081, %gather3A_4089 : vector<16xf32>
    %shift_right_arithmetic3A_4091 = arith.constant 8 : i32
    %shift_right_arithmetic3A_4092 = vector.broadcast %shift_right_arithmetic3A_4091 : i32 to vector<16xi32>
    %shift_right_arithmetic3A_4093 = arith.shrsi %gather3A_4085, %shift_right_arithmetic3A_4092 : vector<16xi32>
    %and3A_4094 = arith.constant 255 : i32
    %and3A_4095 = vector.broadcast %and3A_4094 : i32 to vector<16xi32>
    %and3A_4096 = arith.andi %shift_right_arithmetic3A_4093, %and3A_4095 : vector<16xi32>
    %gather3A_4097 = tpu.vector_load_idx %arg11[%and3A_4096] : memref<64xf32, #tpu.memory_space<vmem>>[vector<16xi32>], vector<16xf32>,
    %add3A_4098 = arith.addf %add3A_4090, %gather3A_4097 : vector<16xf32>
    %shift_right_arithmetic3A_4099 = arith.constant 16 : i32
    %shift_right_arithmetic3A_4100 = vector.broadcast %shift_right_arithmetic3A_4099 : i32 to vector<16xi32>
    %shift_right_arithmetic3A_4101 = arith.shrsi %gather3A_4085, %shift_right_arithmetic3A_4100 : vector<16xi32>
    %gather3A_4102 = tpu.vector_load_idx %arg12[%shift_right_arithmetic3A_4101] : memref<64xf32, #tpu.memory_space<vmem>>[vector<16xi32>], vector<16xf32>,
    %add3A_4103 = arith.addf %add3A_4098, %gather3A_4102 : vector<16xf32>
    %add3A_4104 = arith.constant 2253 : i32
    %add3A_4105 = vector.broadcast %add3A_4104 : i32 to vector<16xi32>
    %add3A_4106 = arith.addi %mul3A_53, %add3A_4105 : vector<16xi32>
    %gather3A_4107 = tpu.vector_load_idx %arg4[%add3A_4106] : memref<2560xi32, #tpu.memory_space<vmem>>[vector<16xi32>], vector<16xi32>,
    %and3A_4108 = arith.constant 255 : i32
    %and3A_4109 = vector.broadcast %and3A_4108 : i32 to vector<16xi32>
    %and3A_4110 = arith.andi %gather3A_4107, %and3A_4109 : vector<16xi32>
    %gather3A_4111 = tpu.vector_load_idx %arg10[%and3A_4110] : memref<64xf32, #tpu.memory_space<vmem>>[vector<16xi32>], vector<16xf32>,
    %add3A_4112 = arith.addf %add3A_4103, %gather3A_4111 : vector<16xf32>
    %shift_right_arithmetic3A_4113 = arith.constant 8 : i32
    %shift_right_arithmetic3A_4114 = vector.broadcast %shift_right_arithmetic3A_4113 : i32 to vector<16xi32>
    %shift_right_arithmetic3A_4115 = arith.shrsi %gather3A_4107, %shift_right_arithmetic3A_4114 : vector<16xi32>
    %and3A_4116 = arith.constant 255 : i32
    %and3A_4117 = vector.broadcast %and3A_4116 : i32 to vector<16xi32>
    %and3A_4118 = arith.andi %shift_right_arithmetic3A_4115, %and3A_4117 : vector<16xi32>
    %gather3A_4119 = tpu.vector_load_idx %arg11[%and3A_4118] : memref<64xf32, #tpu.memory_space<vmem>>[vector<16xi32>], vector<16xf32>,
    %add3A_4120 = arith.addf %add3A_4112, %gather3A_4119 : vector<16xf32>
    %shift_right_arithmetic3A_4121 = arith.constant 16 : i32
    %shift_right_arithmetic3A_4122 = vector.broadcast %shift_right_arithmetic3A_4121 : i32 to vector<16xi32>
    %shift_right_arithmetic3A_4123 = arith.shrsi %gather3A_4107, %shift_right_arithmetic3A_4122 : vector<16xi32>
    %gather3A_4124 = tpu.vector_load_idx %arg12[%shift_right_arithmetic3A_4123] : memref<64xf32, #tpu.memory_space<vmem>>[vector<16xi32>], vector<16xf32>,
    %add3A_4125 = arith.addf %add3A_4120, %gather3A_4124 : vector<16xf32>
    %add3A_4126 = arith.constant 2254 : i32
    %add3A_4127 = vector.broadcast %add3A_4126 : i32 to vector<16xi32>
    %add3A_4128 = arith.addi %mul3A_53, %add3A_4127 : vector<16xi32>
    %gather3A_4129 = tpu.vector_load_idx %arg4[%add3A_4128] : memref<2560xi32, #tpu.memory_space<vmem>>[vector<16xi32>], vector<16xi32>,
    %and3A_4130 = arith.constant 255 : i32
    %and3A_4131 = vector.broadcast %and3A_4130 : i32 to vector<16xi32>
    %and3A_4132 = arith.andi %gather3A_4129, %and3A_4131 : vector<16xi32>
    %gather3A_4133 = tpu.vector_load_idx %arg10[%and3A_4132] : memref<64xf32, #tpu.memory_space<vmem>>[vector<16xi32>], vector<16xf32>,
    %add3A_4134 = arith.addf %add3A_4125, %gather3A_4133 : vector<16xf32>
    %shift_right_arithmetic3A_4135 = arith.constant 8 : i32
    %shift_right_arithmetic3A_4136 = vector.broadcast %shift_right_arithmetic3A_4135 : i32 to vector<16xi32>
    %shift_right_arithmetic3A_4137 = arith.shrsi %gather3A_4129, %shift_right_arithmetic3A_4136 : vector<16xi32>
    %and3A_4138 = arith.constant 255 : i32
    %and3A_4139 = vector.broadcast %and3A_4138 : i32 to vector<16xi32>
    %and3A_4140 = arith.andi %shift_right_arithmetic3A_4137, %and3A_4139 : vector<16xi32>
    %gather3A_4141 = tpu.vector_load_idx %arg11[%and3A_4140] : memref<64xf32, #tpu.memory_space<vmem>>[vector<16xi32>], vector<16xf32>,
    %add3A_4142 = arith.addf %add3A_4134, %gather3A_4141 : vector<16xf32>
    %shift_right_arithmetic3A_4143 = arith.constant 16 : i32
    %shift_right_arithmetic3A_4144 = vector.broadcast %shift_right_arithmetic3A_4143 : i32 to vector<16xi32>
    %shift_right_arithmetic3A_4145 = arith.shrsi %gather3A_4129, %shift_right_arithmetic3A_4144 : vector<16xi32>
    %gather3A_4146 = tpu.vector_load_idx %arg12[%shift_right_arithmetic3A_4145] : memref<64xf32, #tpu.memory_space<vmem>>[vector<16xi32>], vector<16xf32>,
    %add3A_4147 = arith.addf %add3A_4142, %gather3A_4146 : vector<16xf32>
    %add3A_4148 = arith.constant 2255 : i32
    %add3A_4149 = vector.broadcast %add3A_4148 : i32 to vector<16xi32>
    %add3A_4150 = arith.addi %mul3A_53, %add3A_4149 : vector<16xi32>
    %gather3A_4151 = tpu.vector_load_idx %arg4[%add3A_4150] : memref<2560xi32, #tpu.memory_space<vmem>>[vector<16xi32>], vector<16xi32>,
    %and3A_4152 = arith.constant 255 : i32
    %and3A_4153 = vector.broadcast %and3A_4152 : i32 to vector<16xi32>
    %and3A_4154 = arith.andi %gather3A_4151, %and3A_4153 : vector<16xi32>
    %gather3A_4155 = tpu.vector_load_idx %arg10[%and3A_4154] : memref<64xf32, #tpu.memory_space<vmem>>[vector<16xi32>], vector<16xf32>,
    %add3A_4156 = arith.addf %add3A_4147, %gather3A_4155 : vector<16xf32>
    %shift_right_arithmetic3A_4157 = arith.constant 8 : i32
    %shift_right_arithmetic3A_4158 = vector.broadcast %shift_right_arithmetic3A_4157 : i32 to vector<16xi32>
    %shift_right_arithmetic3A_4159 = arith.shrsi %gather3A_4151, %shift_right_arithmetic3A_4158 : vector<16xi32>
    %and3A_4160 = arith.constant 255 : i32
    %and3A_4161 = vector.broadcast %and3A_4160 : i32 to vector<16xi32>
    %and3A_4162 = arith.andi %shift_right_arithmetic3A_4159, %and3A_4161 : vector<16xi32>
    %gather3A_4163 = tpu.vector_load_idx %arg11[%and3A_4162] : memref<64xf32, #tpu.memory_space<vmem>>[vector<16xi32>], vector<16xf32>,
    %add3A_4164 = arith.addf %add3A_4156, %gather3A_4163 : vector<16xf32>
    %shift_right_arithmetic3A_4165 = arith.constant 16 : i32
    %shift_right_arithmetic3A_4166 = vector.broadcast %shift_right_arithmetic3A_4165 : i32 to vector<16xi32>
    %shift_right_arithmetic3A_4167 = arith.shrsi %gather3A_4151, %shift_right_arithmetic3A_4166 : vector<16xi32>
    %gather3A_4168 = tpu.vector_load_idx %arg12[%shift_right_arithmetic3A_4167] : memref<64xf32, #tpu.memory_space<vmem>>[vector<16xi32>], vector<16xf32>,
    %add3A_4169 = arith.addf %add3A_4164, %gather3A_4168 : vector<16xf32>
    %add3A_4170 = arith.constant 2256 : i32
    %add3A_4171 = vector.broadcast %add3A_4170 : i32 to vector<16xi32>
    %add3A_4172 = arith.addi %mul3A_53, %add3A_4171 : vector<16xi32>
    %gather3A_4173 = tpu.vector_load_idx %arg4[%add3A_4172] : memref<2560xi32, #tpu.memory_space<vmem>>[vector<16xi32>], vector<16xi32>,
    %and3A_4174 = arith.constant 255 : i32
    %and3A_4175 = vector.broadcast %and3A_4174 : i32 to vector<16xi32>
    %and3A_4176 = arith.andi %gather3A_4173, %and3A_4175 : vector<16xi32>
    %gather3A_4177 = tpu.vector_load_idx %arg10[%and3A_4176] : memref<64xf32, #tpu.memory_space<vmem>>[vector<16xi32>], vector<16xf32>,
    %add3A_4178 = arith.addf %add3A_4169, %gather3A_4177 : vector<16xf32>
    %shift_right_arithmetic3A_4179 = arith.constant 8 : i32
    %shift_right_arithmetic3A_4180 = vector.broadcast %shift_right_arithmetic3A_4179 : i32 to vector<16xi32>
    %shift_right_arithmetic3A_4181 = arith.shrsi %gather3A_4173, %shift_right_arithmetic3A_4180 : vector<16xi32>
    %and3A_4182 = arith.constant 255 : i32
    %and3A_4183 = vector.broadcast %and3A_4182 : i32 to vector<16xi32>
    %and3A_4184 = arith.andi %shift_right_arithmetic3A_4181, %and3A_4183 : vector<16xi32>
    %gather3A_4185 = tpu.vector_load_idx %arg11[%and3A_4184] : memref<64xf32, #tpu.memory_space<vmem>>[vector<16xi32>], vector<16xf32>,
    %add3A_4186 = arith.addf %add3A_4178, %gather3A_4185 : vector<16xf32>
    %shift_right_arithmetic3A_4187 = arith.constant 16 : i32
    %shift_right_arithmetic3A_4188 = vector.broadcast %shift_right_arithmetic3A_4187 : i32 to vector<16xi32>
    %shift_right_arithmetic3A_4189 = arith.shrsi %gather3A_4173, %shift_right_arithmetic3A_4188 : vector<16xi32>
    %gather3A_4190 = tpu.vector_load_idx %arg12[%shift_right_arithmetic3A_4189] : memref<64xf32, #tpu.memory_space<vmem>>[vector<16xi32>], vector<16xf32>,
    %add3A_4191 = arith.addf %add3A_4186, %gather3A_4190 : vector<16xf32>
    %add3A_4192 = arith.constant 2257 : i32
    %add3A_4193 = vector.broadcast %add3A_4192 : i32 to vector<16xi32>
    %add3A_4194 = arith.addi %mul3A_53, %add3A_4193 : vector<16xi32>
    %gather3A_4195 = tpu.vector_load_idx %arg4[%add3A_4194] : memref<2560xi32, #tpu.memory_space<vmem>>[vector<16xi32>], vector<16xi32>,
    %and3A_4196 = arith.constant 255 : i32
    %and3A_4197 = vector.broadcast %and3A_4196 : i32 to vector<16xi32>
    %and3A_4198 = arith.andi %gather3A_4195, %and3A_4197 : vector<16xi32>
    %gather3A_4199 = tpu.vector_load_idx %arg10[%and3A_4198] : memref<64xf32, #tpu.memory_space<vmem>>[vector<16xi32>], vector<16xf32>,
    %add3A_4200 = arith.addf %add3A_4191, %gather3A_4199 : vector<16xf32>
    %shift_right_arithmetic3A_4201 = arith.constant 8 : i32
    %shift_right_arithmetic3A_4202 = vector.broadcast %shift_right_arithmetic3A_4201 : i32 to vector<16xi32>
    %shift_right_arithmetic3A_4203 = arith.shrsi %gather3A_4195, %shift_right_arithmetic3A_4202 : vector<16xi32>
    %and3A_4204 = arith.constant 255 : i32
    %and3A_4205 = vector.broadcast %and3A_4204 : i32 to vector<16xi32>
    %and3A_4206 = arith.andi %shift_right_arithmetic3A_4203, %and3A_4205 : vector<16xi32>
    %gather3A_4207 = tpu.vector_load_idx %arg11[%and3A_4206] : memref<64xf32, #tpu.memory_space<vmem>>[vector<16xi32>], vector<16xf32>,
    %add3A_4208 = arith.addf %add3A_4200, %gather3A_4207 : vector<16xf32>
    %shift_right_arithmetic3A_4209 = arith.constant 16 : i32
    %shift_right_arithmetic3A_4210 = vector.broadcast %shift_right_arithmetic3A_4209 : i32 to vector<16xi32>
    %shift_right_arithmetic3A_4211 = arith.shrsi %gather3A_4195, %shift_right_arithmetic3A_4210 : vector<16xi32>
    %gather3A_4212 = tpu.vector_load_idx %arg12[%shift_right_arithmetic3A_4211] : memref<64xf32, #tpu.memory_space<vmem>>[vector<16xi32>], vector<16xf32>,
    %add3A_4213 = arith.addf %add3A_4208, %gather3A_4212 : vector<16xf32>
    %add3A_4214 = arith.constant 2258 : i32
    %add3A_4215 = vector.broadcast %add3A_4214 : i32 to vector<16xi32>
    %add3A_4216 = arith.addi %mul3A_53, %add3A_4215 : vector<16xi32>
    %gather3A_4217 = tpu.vector_load_idx %arg4[%add3A_4216] : memref<2560xi32, #tpu.memory_space<vmem>>[vector<16xi32>], vector<16xi32>,
    %and3A_4218 = arith.constant 255 : i32
    %and3A_4219 = vector.broadcast %and3A_4218 : i32 to vector<16xi32>
    %and3A_4220 = arith.andi %gather3A_4217, %and3A_4219 : vector<16xi32>
    %gather3A_4221 = tpu.vector_load_idx %arg10[%and3A_4220] : memref<64xf32, #tpu.memory_space<vmem>>[vector<16xi32>], vector<16xf32>,
    %add3A_4222 = arith.addf %add3A_4213, %gather3A_4221 : vector<16xf32>
    %shift_right_arithmetic3A_4223 = arith.constant 8 : i32
    %shift_right_arithmetic3A_4224 = vector.broadcast %shift_right_arithmetic3A_4223 : i32 to vector<16xi32>
    %shift_right_arithmetic3A_4225 = arith.shrsi %gather3A_4217, %shift_right_arithmetic3A_4224 : vector<16xi32>
    %and3A_4226 = arith.constant 255 : i32
    %and3A_4227 = vector.broadcast %and3A_4226 : i32 to vector<16xi32>
    %and3A_4228 = arith.andi %shift_right_arithmetic3A_4225, %and3A_4227 : vector<16xi32>
    %gather3A_4229 = tpu.vector_load_idx %arg11[%and3A_4228] : memref<64xf32, #tpu.memory_space<vmem>>[vector<16xi32>], vector<16xf32>,
    %add3A_4230 = arith.addf %add3A_4222, %gather3A_4229 : vector<16xf32>
    %shift_right_arithmetic3A_4231 = arith.constant 16 : i32
    %shift_right_arithmetic3A_4232 = vector.broadcast %shift_right_arithmetic3A_4231 : i32 to vector<16xi32>
    %shift_right_arithmetic3A_4233 = arith.shrsi %gather3A_4217, %shift_right_arithmetic3A_4232 : vector<16xi32>
    %gather3A_4234 = tpu.vector_load_idx %arg12[%shift_right_arithmetic3A_4233] : memref<64xf32, #tpu.memory_space<vmem>>[vector<16xi32>], vector<16xf32>,
    %add3A_4235 = arith.addf %add3A_4230, %gather3A_4234 : vector<16xf32>
    %add3A_4236 = arith.constant 2259 : i32
    %add3A_4237 = vector.broadcast %add3A_4236 : i32 to vector<16xi32>
    %add3A_4238 = arith.addi %mul3A_53, %add3A_4237 : vector<16xi32>
    %gather3A_4239 = tpu.vector_load_idx %arg4[%add3A_4238] : memref<2560xi32, #tpu.memory_space<vmem>>[vector<16xi32>], vector<16xi32>,
    %and3A_4240 = arith.constant 255 : i32
    %and3A_4241 = vector.broadcast %and3A_4240 : i32 to vector<16xi32>
    %and3A_4242 = arith.andi %gather3A_4239, %and3A_4241 : vector<16xi32>
    %gather3A_4243 = tpu.vector_load_idx %arg10[%and3A_4242] : memref<64xf32, #tpu.memory_space<vmem>>[vector<16xi32>], vector<16xf32>,
    %add3A_4244 = arith.addf %add3A_4235, %gather3A_4243 : vector<16xf32>
    %shift_right_arithmetic3A_4245 = arith.constant 8 : i32
    %shift_right_arithmetic3A_4246 = vector.broadcast %shift_right_arithmetic3A_4245 : i32 to vector<16xi32>
    %shift_right_arithmetic3A_4247 = arith.shrsi %gather3A_4239, %shift_right_arithmetic3A_4246 : vector<16xi32>
    %and3A_4248 = arith.constant 255 : i32
    %and3A_4249 = vector.broadcast %and3A_4248 : i32 to vector<16xi32>
    %and3A_4250 = arith.andi %shift_right_arithmetic3A_4247, %and3A_4249 : vector<16xi32>
    %gather3A_4251 = tpu.vector_load_idx %arg11[%and3A_4250] : memref<64xf32, #tpu.memory_space<vmem>>[vector<16xi32>], vector<16xf32>,
    %add3A_4252 = arith.addf %add3A_4244, %gather3A_4251 : vector<16xf32>
    %shift_right_arithmetic3A_4253 = arith.constant 16 : i32
    %shift_right_arithmetic3A_4254 = vector.broadcast %shift_right_arithmetic3A_4253 : i32 to vector<16xi32>
    %shift_right_arithmetic3A_4255 = arith.shrsi %gather3A_4239, %shift_right_arithmetic3A_4254 : vector<16xi32>
    %gather3A_4256 = tpu.vector_load_idx %arg12[%shift_right_arithmetic3A_4255] : memref<64xf32, #tpu.memory_space<vmem>>[vector<16xi32>], vector<16xf32>,
    %add3A_4257 = arith.addf %add3A_4252, %gather3A_4256 : vector<16xf32>
    %swap3A_4258 = arith.constant 112 : index
    %swap3A_4259 = tpu.vector_load %arg13[%swap3A_4258] {strides = array<i32>} : memref<128xf32, #tpu.memory_space<vmem>>, vector<16xf32>,
    tpu.vector_store %arg13[%swap3A_4258], %add3A_4257 {strides = array<i32>} : memref<128xf32, #tpu.memory_space<vmem>>, vector<16xf32>,
    "tpu.region"() ({
      %run_scoped3A = tpu.sem_alloc : memref<!tpu.dma_semaphore, #tpu.memory_space<semaphore_mem>>
      %dma_start3A_4260 = tpu.memref_slice %arg3[%mul3A_2] : memref<4096xf32, #tpu.memory_space<hbm>> -> memref<128xf32, #tpu.memory_space<hbm>>
      %dma_start3A_4261 = tpu.memref_slice %arg3[%mul3A_2] : memref<4096xf32, #tpu.memory_space<hbm>> -> memref<128xf32, #tpu.memory_space<hbm>>
      tpu.enqueue_dma source(%arg13 : memref<128xf32, #tpu.memory_space<vmem>>) target(%dma_start3A_4261 : memref<128xf32, #tpu.memory_space<hbm>>) target_semaphore(%run_scoped3A : memref<!tpu.dma_semaphore, #tpu.memory_space<semaphore_mem>>)
      %dma_wait3A_4262 = tpu.memref_slice %arg3[%mul3A_2] : memref<4096xf32, #tpu.memory_space<hbm>> -> memref<128xf32, #tpu.memory_space<hbm>>
      %dma_wait3A_4263 = tpu.memref_slice %arg3[%mul3A_2] : memref<4096xf32, #tpu.memory_space<hbm>> -> memref<128xf32, #tpu.memory_space<hbm>>
      tpu.wait_dma2 semaphore(%run_scoped3A : memref<!tpu.dma_semaphore, #tpu.memory_space<semaphore_mem>>) src(%arg13 : memref<128xf32, #tpu.memory_space<vmem>>) dst(%dma_wait3A_4263 : memref<128xf32, #tpu.memory_space<hbm>>)
      tpu.yield
    }) : () -> ()
    return
  }
}

</mosaic_0001>

<sc_bundles>
// kernel: kernel.3.cloned.1.call-start
scs
__scs_entry_jumppad:
0x0: {  	(pc) =	sbr.rel $0x88, $3  }
0x1: {  	(tag) =	ssettag $0x0;
	lr =	simm.s32 $0x1  }
0x2: {  	[smem:$0x3F98] =	sst lr;
	_ =	strace $0xD0000000  }
0x3: {  	_ = 	snop  }
0x4: {  	_ = 	snop  }
0x5: {  	_ = 	snop  }
0x6: {  	_ = 	snop  }
0x7: {  	_ = 	snop  }
__scs_overlays_trampoline_lowered:
0x8: {  	[smem:$0x3FA7] =	sst s0  }
0x9: {  	[smem:$0x3FA8] =	sst s1  }
0xa: {  	[smem:$0x3FA9] =	sst s2  }
0xb: {  	[smem:$0x3FAA] =	sst s3  }
0xc: {  	[smem:$0x3FAB] =	sst s4  }
0xd: {  	[smem:$0x3FAC] =	sst s5  }
0xe: {  	[smem:$0x3FAD] =	sst s6  }
0xf: {  	[smem:$0x3FAE] =	sst s7  }
0x10: {  	[smem:$0x3FAF] =	sst s8  }
0x11: {  	[smem:$0x3FB0] =	sst s9;
	s0 =	simm.s32 @!p0 $0x0  }
0x12: {  	s1 =	sld [smem:$0x3F96];
	s0 =	simm.s32 @p0 $0x1  }
0x13: {  	[smem:$0x3FB1] =	sst s0;
	s0 =	simm.s32 @!p1 $0x0  }
0x14: {  	s2 =	sld [smem:$0x3F95];
	s0 =	simm.s32 @p1 $0x1  }
0x15: {  	[smem:$0x3FB2] =	sst s0;
	s0 =	simm.s32 @!p2 $0x0  }
0x16: {  	s3 =	sld [smem:$0x3FDB];
	s0 =	simm.s32 @p2 $0x1  }
0x17: {  	s4 =	simm.s32 $0x1BF5;
	[smem:$0x3FB4] =	sst s0  }
0x18: {  	s0 =	sld [smem:$0x3F97];
	_ =	swait.ge [sflag:s4], $0x0  }
0x19: {  	s7 =	sld [smem:$0x3F98]  }
0x1a: {  	s8 =	sadd.s32 $0xFFFFE003, lr  }
0x1b: {  	s9 =	sadd.s32 $0xFFFFFEF7, lr;
	s5 =	simm.s32 $0xFFFFFFFF;
	p2 =	slt.u32 s8, $0xFFFFF086  }
0x1c: {  	p1 =	slt.u32 s9, $0xF7A;
	s5 =	simm.s32 @!p2 $0x0  }
0x1d: {  	s5 =	simm.s32 @p1 $0x1;
	p0 =	seq.s32 s7, s2  }
0x1e: {  	s7 =	smul.u32 @!p0 $0xF7A, s2;
	p2 =	seq.s32 @!p0 s5, $0x0  }
0x1f: {  	s9 =	smul.u32 $0xF7A, s1;
	s8 =	simm.s32 @!p0 $0x1BF5;
	p2 =	por !p2, p0  }
0x20: {  	[sflag:s8] =	ssyncset.s32 @!p0 $0xFFFFF086;
	s6 =	sadd.s32 @!p0 s3, s7;
	s7 =	simm.s32 @!p0 $0x108  }
0x21: {  	s3 =	sadd.s32 s3, s9;
	s6 =	sadd.s32 @!p0 $0x88, s6;
	s7 =	simm.s32 @p2 $0x1082  }
0x22: {  	[simem:s7], [sflag:s8] =	dma.local @!p0 [hbm:s6], $0xF7A  }
0x23: {  	s9 =	sor.u32 $0xD0000000, s2;
	s6 =	simm.s32 $0x108;
	_ =	swait.ge @!p0 [sflag:s8], $0x0  }
0x24: {  	s3 =	sadd.s32 $0x88, s3;
	s6 =	simm.s32 @!p1 $0x1082;
	[sflag:s4] =	ssyncset.s32 $0xFFFFF086  }
0x25: {  	[simem:s6], [sflag:s4] =	dma.local [hbm:s3], $0xF7A  }
0x26: {  	[smem:$0x3F98] =	sst s1;
	(tag) =	ssettag s2;
	_ =	strace s9  }
0x27: {  	s1 =	sld [smem:$0x3FA8]  }
0x28: {  	s2 =	sld [smem:$0x3FA9]  }
0x29: {  	s4 =	sld [smem:$0x3FAB]  }
0x2a: {  	p0 =	seq.s32 s5, $0x0;
	s5 =	sld [smem:$0x3FAC]  }
0x2b: {  	s6 =	sld [smem:$0x3FAD]  }
0x2c: {  	s7 =	sld [smem:$0x3FAE]  }
0x2d: {  	s3 =	simm.s32 $0x108;
	s8 =	sld [smem:$0x3FAF]  }
0x2e: {  	s3 =	simm.s32 @!p0 $0x1082;
	s9 =	sld [smem:$0x3FB0]  }
0x2f: {  	lr =	sadd.s32 s0, s3;
	s0 =	sld [smem:$0x3FA7]  }
0x30: {  	s3 =	sld [smem:$0x3FAA]  }
0x31: {  	[smem:$0x3FB3] =	sst s10  }
0x32: {  	s10 =	sld [smem:$0x3FB1];
	_ =	sdelay $0x3  }
0x33: {  	p0 =	seq.s32 s10, $0x1;
	s10 =	sld [smem:$0x3FB3];
	_ =	sdelay $0x3  }
0x34: {  	[smem:$0x3FB3] =	sst s10  }
0x35: {  	s10 =	sld [smem:$0x3FB2];
	_ =	sdelay $0x3  }
0x36: {  	p1 =	seq.s32 s10, $0x1;
	s10 =	sld [smem:$0x3FB3];
	_ =	sdelay $0x3  }
0x37: {  	[smem:$0x3FB3] =	sst s10  }
0x38: {  	s10 =	sld [smem:$0x3FB4]  }
0x39: {  	_ = 	snop;
	(pc) =	sbr.ind lr, $3  }
0x3a: {  	_ = 	snop  }
0x3b: {  	_ = 	snop  }
0x3c: {  	p2 =	seq.s32 s10, $0x1;
	s10 =	sld [smem:$0x3FB3]  }
0x3d: {  	_ =	shalt  }
0x3e: {  	_ =	shalt  }
0x3f: {  	_ =	shalt  }
0x40: {  	_ =	shalt  }
0x41: {  	_ =	shalt  }
0x42: {  	_ =	shalt  }
0x43: {  	_ =	shalt  }
0x44: {  	_ =	shalt  }
0x45: {  	_ =	shalt  }
0x46: {  	_ =	shalt  }
0x47: {  	_ =	shalt  }
0x48: {  	_ =	shalt  }
0x49: {  	_ =	shalt  }
0x4a: {  	_ =	shalt  }
0x4b: {  	_ =	shalt  }
0x4c: {  	_ =	shalt  }
0x4d: {  	_ =	shalt  }
0x4e: {  	_ =	shalt  }
0x4f: {  	_ =	shalt  }
0x50: {  	_ =	shalt  }
0x51: {  	_ =	shalt  }
0x52: {  	_ =	shalt  }
0x53: {  	_ =	shalt  }
0x54: {  	_ =	shalt  }
0x55: {  	_ =	shalt  }
0x56: {  	_ =	shalt  }
0x57: {  	_ =	shalt  }
0x58: {  	_ =	shalt  }
0x59: {  	_ =	shalt  }
0x5a: {  	_ =	shalt  }
0x5b: {  	_ =	shalt  }
0x5c: {  	_ =	shalt  }
0x5d: {  	_ =	shalt  }
0x5e: {  	_ =	shalt  }
0x5f: {  	_ =	shalt  }
0x60: {  	_ =	shalt  }
0x61: {  	_ =	shalt  }
0x62: {  	_ =	shalt  }
0x63: {  	_ =	shalt  }
0x64: {  	_ =	shalt  }
0x65: {  	_ =	shalt  }
0x66: {  	_ =	shalt  }
0x67: {  	_ =	shalt  }
0x68: {  	_ =	shalt  }
0x69: {  	_ =	shalt  }
0x6a: {  	_ =	shalt  }
0x6b: {  	_ =	shalt  }
0x6c: {  	_ =	shalt  }
0x6d: {  	_ =	shalt  }
0x6e: {  	_ =	shalt  }
0x6f: {  	_ =	shalt  }
0x70: {  	_ =	shalt  }
0x71: {  	_ =	shalt  }
0x72: {  	_ =	shalt  }
0x73: {  	_ =	shalt  }
0x74: {  	_ =	shalt  }
0x75: {  	_ =	shalt  }
0x76: {  	_ =	shalt  }
0x77: {  	_ =	shalt  }
0x78: {  	_ =	shalt  }
0x79: {  	_ =	shalt  }
0x7a: {  	_ =	shalt  }
0x7b: {  	_ =	shalt  }
0x7c: {  	_ =	shalt  }
0x7d: {  	_ =	shalt  }
0x7e: {  	_ =	shalt  }
0x7f: {  	_ =	shalt  }
0x80: {  	_ =	shalt  }
0x81: {  	_ =	shalt  }
0x82: {  	_ =	shalt  }
0x83: {  	_ =	shalt  }
0x84: {  	_ =	shalt  }
0x85: {  	_ =	shalt  }
0x86: {  	_ =	shalt  }
0x87: {  	_ =	shalt  }
.Lfunc_end0:
.L_simem_size_0:
called_computation_lowered:
.L_overlay_start_0:
0x88: {  	s2 =	sld [smem:$0x3FD9]  }
0x89: {  	s3 =	sld [smem:$0x3FFE];
	_ =	sdelay $0x1  }
0x8a: {  	s1 =	srdreg.scid  }
0x8b: {  	s0 =	sand.u32 $0x1, s1  }
0x8c: {  	s17 =	sshll.u32 s0, $0xA;
	s2 =	sadd.s32 s3, s2  }
0x8d: {  	s2 =	sadd.s32 s2, s17  }
0x8e: {  	[smem:$0x3FBF] =	sst s2  }
0x8f: {  	_ = 	snop  }
0x90: {  	s2 =	sld [smem:$0x3FD0];
	(tm) =	ssettm $0x1  }
0x91: {  	s18 =	sld [smem:$0x3FFB];
	_ =	sdelay $0x3  }
0x92: {  	_ =	strace s18  }
0x93: {  	s3 =	sld [smem:$0x3FFC];
	_ =	sdelay $0x3  }
0x94: {  	_ =	strace s3  }
0x95: {  	s3 =	sld [smem:$0x3FFD];
	_ =	sdelay $0x3  }
0x96: {  	_ =	strace s3  }
0x97: {  	_ =	strace $0x8FFFFFFF  }
0x98: {  	s19 =	sld [smem:$0x3FDB];
	_ =	sdelay $0x1  }
0x99: {  	s4 =	simm.s32 $_scs_section_size  }
0x9a: {  	s5 =	simm.s32 $_size__tile_overlayer_lowered;
	s6 =	simm.s32 $_tile_overlayer_lowered  }
0x9b: {  	s22 =	simm.s32 $0x1BFF;
	s21 =	sshll.u32 s6, $0x1;
	s3 =	sadd.s32 s4, s19  }
0x9c: {  	s7 =	simm.s32 $0x0;
	s20 =	sshll.u32 s5, $0x1;
	s5 =	sadd.s32 s21, s3  }
0x9d: {  	[timem:s7], [sflag:s22] =	dma.local [hbm:s5], s20  }
0x9e: {  	_ =	swait.ge [sflag:s22], s20  }
0x9f: {  	s4 =	ssub.s32 $0x0, s20;
	[sflag:s22] =	ssyncset.done $0x0  }
0xa0: {  	[sflag:s22] =	ssyncadd.s32 s4;
	_ =	sdelay $0x1  }
0xa1: {  	s23 =	simm.s32 $0x1B8B  }
0xa2: {  	_ =	swait.ge [sflag:s23], $0x1  }
0xa3: {  	[sflag:s23] =	ssyncset.done $0x0  }
0xa4: {  	s25 =	simm.s32 $0x1B8E;
	s24 =	sld [smem:$0x3FFE];
	[sflag:s23] =	ssyncadd.s32 $0xFFFFFFFF  }
0xa5: {  	s26 =	simm.s32 $execute0_lowered;
	[smem:$0x3FD2] =	sst s25  }
0xa6: {  	s5 =	sshll.u32 s26, $0x1;
	_ =	strace $0x80000046;
	[dreg:$0x1] =	wrdreg $0xFFFFFFFF  }
0xa7: {  	s28 =	simm.s32 $_size_execute0_lowered;
	s3 =	sadd.s32 s3, s5;
	[dreg:$0x0] =	wrdreg $0x0  }
0xa8: {  	s5 =	sshll.u32 s28, $0x1;
	[dreg:$0x2] =	wrdreg s3  }
0xa9: {  	[dreg:$0x3] =	wrdreg s5  }
0xaa: {  	[dreg:$0x4] =	wrdreg $0xC0  }
0xab: {  	_ =	task [dreg:s7], $0x5FFFF  }
0xac: {  	[dreg:$0x1] =	wrdreg $0xFFFFFFFF  }
0xad: {  	[dreg:$0x0] =	wrdreg $0x60  }
0xae: {  	[dreg:$0x2] =	wrdreg s24  }
0xaf: {  	[dreg:$0x3] =	wrdreg s2  }
0xb0: {  	[dreg:$0x4] =	wrdreg $0x9  }
0xb1: {  	_ =	task.clear_ibuf [dreg:s7], $0x5FFFF;
	_ =	strace $0x90000046  }
0xb2: {  	s29 =	simm.s32 $0x9;
	_ =	strace $0x80000048  }
0xb3: {  	_ =	swait.ge [sflag:s29], $0x1  }
0xb4: {  	[sflag:s29] =	ssyncadd.s32 $0xFFFFFFFF  }
0xb5: {  	_ =	strace $0x90000048  }
0xb6: {  	_ =	sfence  }
0xb7: {  	s30 =	sld [smem:$0x0];
	_ =	sdelay $0x2  }
0xb8: {  	s31 =	sshll.u32 s1, $0xD;
	s1 =	sshrl.u32 s1, $0x2  }
0xb9: {  	s3 =	sand.u32 $0x4000, s31;
	s1 =	sadd.s32 s1, s30  }
0xba: {  	s0 =	sor.u32 s3, s0;
	s1 =	sshll.u32 s1, $0x11  }
0xbb: {  	s0 =	sor.u32 s1, s0  }
0xbc: {  	s0 =	sadd.s32 $0x8F2B, s0  }
0xbd: {  	[sflag:s0] =	ssyncadd.remote.s32 $0x1  }
0xbe: {  	_ =	sfence.sel $0xFFFF  }
0xbf: {  	[dreg:$0x0] =	wrdreg $0xFFFFFFFF;
	(pc) =	sbr.abs _section_cstart, $3  }
0xc0: {  	[dreg:$0x1] =	wrdreg $0xFFFFFFFF  }
0xc1: {  	_ =	task.clear_ibuf [dreg:s7], $0x2FFFF;
	_ =	strace $0x9FFFFFFF  }
0xc2: {  	(tm) =	ssettm $0x7FFFFFFF  }
0xc3: {  	_ =	shalt  }
tec
execute0_lowered:
.L_overlay_start_1:
0x0: {  	(tag) =	ssettag $0x1  }
0x1: {  	v14 =	vlaneseq.u32  }
0x2: {  	v0 =	vmul.u32 $0x4, v14  }
0x3: {  	v13 =	vmul.u32 $0x2, v14;
	v14 =	vmul.u32 $0x14, v14  }
0x4: {  	v1 =	vor.u32 $0x1, v0;
	v2 =	vor.u32 $0x2, v0;
	v4 =	vor.u32 $0x40, v0  }
0x5: {  	v5 =	vor.u32 $0x41, v0;
	v6 =	vor.u32 $0x42, v0;
	v7 =	vor.u32 $0x43, v0  }
0x6: {  	v8 =	vor.u32 $0x80, v0;
	v9 =	vor.u32 $0x81, v0;
	v10 =	vor.u32 $0x82, v0  }
0x7: {  	v11 =	vor.u32 $0x83, v0;
	v12 =	vor.u32 $0xC0, v0;
	v15 =	vor.u32 $0xC1, v0  }
0x8: {  	v16 =	vor.u32 $0xC2, v0;
	v17 =	vor.u32 $0xC3, v0;
	v18 =	vor.u32 $0x1, v13  }
0x9: {  	s8 =	rddreg [dreg:$0x0];
	v29 =	vadd.s32 $0xB, v14;
	v30 =	vadd.s32 $0xC, v14;
	v31 =	vadd.s32 $0xD, v14  }
0xa: {  	s9 =	rddreg [dreg:$0x1];
	v32 =	vadd.s32 $0xE, v14;
	v33 =	vadd.s32 $0xF, v14;
	v34 =	vadd.s32 $0x10, v14  }
0xb: {  	s0 =	rddreg [dreg:$0x2];
	v35 =	vadd.s32 $0x11, v14;
	v36 =	vadd.s32 $0x12, v14;
	v37 =	vadd.s32 $0x13, v14  }
0xc: {  	s2 =	simm.s32 $0x0;
	s3 =	srdreg.scid;
	s1 =	stileid.u32;
	v38 =	vor.u32 $0x20, v13;
	v39 =	vor.u32 $0x21, v13;
	[tilespmem:$0x1FF50] =	vst v18;
	v18 =	vor.u32 $0x1, v14  }
0xd: {  	s12 =	simm.s32 $0xB00;
	s13 =	simm.s32 $0xC00;
	s14 =	simm.s32 $0xD00;
	v40 =	vadd.s32 $0x140, v14;
	v41 =	vadd.s32 $0x141, v14;
	[tilespmem:$0x1FF60] =	vst v18;
	v18 =	vor.u32 $0x2, v14  }
0xe: {  	s15 =	simm.s32 $0xE00;
	s16 =	simm.s32 $0x2;
	s17 =	simm.s32 $0x1;
	v42 =	vadd.s32 $0x142, v14;
	v43 =	vadd.s32 $0x143, v14;
	[tilespmem:$0x1FF70] =	vst v18;
	v18 =	vor.u32 $0x3, v14  }
0xf: {  	s18 =	simm.s32 $0xF00;
	s19 =	simm.s32 $0xF80;
	s20 =	simm.s32 $0x1000;
	v44 =	vadd.s32 $0x144, v14;
	v45 =	vadd.s32 $0x145, v14;
	[tilespmem:$0x1FF80] =	vst v18;
	v18 =	vadd.s32 $0x4, v14  }
0x10: {  	s21 =	simm.s32 $0x1080;
	s22 =	simm.s32 $0x3;
	s3 =	sand.u32 $0x1, s3;
	v46 =	vadd.s32 $0x146, v14;
	v47 =	vadd.s32 $0x147, v14;
	[tilespmem:$0x1FF90] =	vst v18;
	v18 =	vadd.s32 $0x5, v14  }
0x11: {  	[smem:$0x7FF] =	sst s2;
	s4 =	sshll.u32 s1, $0x1;
	s6 =	ssub.s32 $0x2, s3;
	v48 =	vadd.s32 $0x148, v14;
	v49 =	vadd.s32 $0x149, v14;
	[tilespmem:$0x1FFA0] =	vst v18;
	v18 =	vadd.s32 $0x6, v14  }
0x12: {  	s5 =	sadd.s32 $0x1000, s8;
	s10 =	sor.u32 s3, s4;
	s30 =	sshrl.u32 s6, $0x1;
	v50 =	vadd.s32 $0x14A, v14;
	v51 =	vadd.s32 $0x14B, v14;
	[tilespmem:$0x1FFB0] =	vst v18;
	v18 =	vadd.s32 $0x7, v14  }
0x13: {  	s4 =	smul.u32 $0x140, s10;
	s7 =	sshll.u32 s10, $0x5;
	s10 =	sshll.u32 s10, $0x4;
	v52 =	vadd.s32 $0x14C, v14;
	v53 =	vadd.s32 $0x14D, v14;
	[tilespmem:$0x1FFC0] =	vst v18;
	v18 =	vadd.s32 $0x8, v14  }
0x14: {  	v54 =	vadd.s32 $0x14E, v14;
	v55 =	vadd.s32 $0x14F, v14;
	s11 =	ssub.s32 s6, s30;
	s31 =	sadd.s32 s7, s5;
	s6 =	sadd.s32 $0x3C20, s8;
	[tilespmem:$0x1FFD0] =	vst v18;
	v18 =	vadd.s32 $0x9, v14  }
0x15: {  	v56 =	vadd.s32 $0x150, v14;
	v57 =	vadd.s32 $0x151, v14;
	s7 =	sadd.s32 $0x3C40, s8;
	s9 =	sadd.s32 s9, s10;
	s3 =	sadd.s32 s5, s4;
	[tilespmem:$0x1FFE0] =	vst v18;
	v18 =	vadd.s32 $0xA, v14  }
0x16: {  	v3 =	vor.u32 $0x3, v0;
	v58 =	vadd.s32 $0x152, v14;
	v59 =	vadd.s32 $0x153, v14;
	s4 =	sadd.s32 $0x2800, s31;
	s5 =	sadd.s32 $0x3C00, s8;
	s8 =	sadd.s32 $0x3C60, s8;
	[tilespmem:$0x1FFF0] =	vst v18  }
0x17: {  	v60 =	vor.u32 $0x40, v13;
	v61 =	vor.u32 $0x41, v13;
	v62 =	vadd.s32 $0x280, v14;
	s10 =	smax.u32 s11, $0x1;
	s11 =	simm.s32 $0xA00;
	_ =	strace $0x80000047  }
.LBB2_1:
0x18: {  	[tilespmem:s2], [sflag:$0x1] =	stream.linear.gather [hbm4b:s3+s2], $0xA00, $0x38;
	[tilespmem:$0x1100] =	vst v63  }
0x19: {  	_ = 	snop  }
0x1a: {  	[tilespmem:s11], [sflag:$0x1] =	stream.linear.gather [hbm4b:s4+s2], $0x100, $0x38;
	[tilespmem:$0x1100] =	vst v63  }
0x1b: {  	_ = 	snop  }
0x1c: {  	[tilespmem:s12], [sflag:$0x2] =	stream.linear.gather [hbm4b:s5+s2], $0x100, $0x38;
	[tilespmem:$0x1100] =	vst v63  }
0x1d: {  	_ = 	snop  }
0x1e: {  	[tilespmem:s13], [sflag:$0x2] =	stream.linear.gather [hbm4b:s6+s2], $0x100, $0x38;
	[tilespmem:$0x1100] =	vst v63  }
0x1f: {  	_ = 	snop  }
0x20: {  	[tilespmem:s14], [sflag:$0x2] =	stream.linear.gather [hbm4b:s7+s2], $0x100, $0x38;
	[tilespmem:$0x1100] =	vst v63  }
0x21: {  	_ = 	snop  }
0x22: {  	[tilespmem:s15], [sflag:$0x2] =	stream.linear.gather [hbm4b:s8+s2], $0x100, $0x38;
	[tilespmem:$0x1100] =	vst v63  }
0x23: {  	_ =	swait.ge [sflag:s16], $0x100  }
0x24: {  	[sflag:s16] =	ssyncset.done $0x0  }
0x25: {  	[sflag:s16] =	ssyncadd.s32 $0xFFFFFF00  }
0x26: {  	_ =	swait.ge [sflag:s16], $0x100  }
0x27: {  	[sflag:s16] =	ssyncset.done $0x0  }
0x28: {  	[sflag:s16] =	ssyncadd.s32 $0xFFFFFF00  }
0x29: {  	_ =	swait.ge [sflag:s16], $0x100  }
0x2a: {  	[sflag:s16] =	ssyncset.done $0x0  }
0x2b: {  	[sflag:s16] =	ssyncadd.s32 $0xFFFFFF00  }
0x2c: {  	_ =	swait.ge [sflag:s16], $0x100  }
0x2d: {  	[sflag:s16] =	ssyncset.done $0x0  }
0x2e: {  	[sflag:s16] =	ssyncadd.s32 $0xFFFFFF00  }
0x2f: {  	v18 =	vld.idx.msk [tilespmem:v0+s12+$0x0], $0xffff  }
0x30: {  	v19 =	vld [tilespmem:$0xE00]  }
0x31: {  	v63 =	vld.idx.msk [tilespmem:v1+s12+$0x0], $0xffff  }
0x32: {  	v20 =	vld [tilespmem:$0xE10]  }
0x33: {  	v21 =	vld.idx.msk [tilespmem:v2+s12+$0x0], $0xffff  }
0x34: {  	v22 =	vld [tilespmem:$0xE20]  }
0x35: {  	v23 =	vld [tilespmem:$0xE30];
	v18 =	vmul.f32 v18, v19  }
0x36: {  	v19 =	vld.idx.msk [tilespmem:v3+s12+$0x0], $0xffff  }
0x37: {  	v20 =	vmul.f32 v63, v20;
	v18 =	vadd.f32 $0.0e+00, v18;
	_ =	sdelay $0x1  }
0x38: {  	v25 =	vmul.f32 v21, v22;
	v18 =	vadd.f32 v20, v18;
	_ =	sdelay $0x1  }
0x39: {  	v19 =	vmul.f32 v19, v23;
	v18 =	vadd.f32 v25, v18;
	_ =	sdelay $0x1  }
0x3a: {  	v18 =	vadd.f32 v19, v18;
	_ =	sdelay $0x1  }
0x3b: {  	v19 =	vld [tilespmem:$0xE00];
	[tilespmem:$0xF00] =	vst v18  }
0x3c: {  	v18 =	vld.idx.msk [tilespmem:v4+s12+$0x0], $0xffff  }
0x3d: {  	v21 =	vld [tilespmem:$0xE10]  }
0x3e: {  	v20 =	vld.idx.msk [tilespmem:v5+s12+$0x0], $0xffff  }
0x3f: {  	v24 =	vld [tilespmem:$0xE20]  }
0x40: {  	v26 =	vld.idx.msk [tilespmem:v6+s12+$0x0], $0xffff  }
0x41: {  	v25 =	vld [tilespmem:$0xE30];
	v18 =	vmul.f32 v18, v19  }
0x42: {  	v19 =	vld.idx.msk [tilespmem:v7+s12+$0x0], $0xffff  }
0x43: {  	v20 =	vmul.f32 v20, v21;
	v18 =	vadd.f32 $0.0e+00, v18;
	_ =	sdelay $0x1  }
0x44: {  	v26 =	vmul.f32 v26, v24;
	v18 =	vadd.f32 v20, v18;
	_ =	sdelay $0x1  }
0x45: {  	v19 =	vmul.f32 v19, v25;
	v18 =	vadd.f32 v26, v18;
	_ =	sdelay $0x1  }
0x46: {  	v18 =	vadd.f32 v19, v18;
	_ =	sdelay $0x1  }
0x47: {  	v19 =	vld [tilespmem:$0xE00];
	[tilespmem:$0xF10] =	vst v18  }
0x48: {  	v18 =	vld.idx.msk [tilespmem:v8+s12+$0x0], $0xffff  }
0x49: {  	v21 =	vld [tilespmem:$0xE10]  }
0x4a: {  	v20 =	vld.idx.msk [tilespmem:v9+s12+$0x0], $0xffff  }
0x4b: {  	v25 =	vld [tilespmem:$0xE20]  }
0x4c: {  	v24 =	vld.idx.msk [tilespmem:v10+s12+$0x0], $0xffff  }
0x4d: {  	v26 =	vld [tilespmem:$0xE30];
	v18 =	vmul.f32 v18, v19  }
0x4e: {  	v19 =	vld.idx.msk [tilespmem:v11+s12+$0x0], $0xffff  }
0x4f: {  	v20 =	vmul.f32 v20, v21;
	v18 =	vadd.f32 $0.0e+00, v18;
	_ =	sdelay $0x1  }
0x50: {  	v24 =	vmul.f32 v24, v25;
	v18 =	vadd.f32 v20, v18;
	_ =	sdelay $0x1  }
0x51: {  	v19 =	vmul.f32 v19, v26;
	v18 =	vadd.f32 v24, v18;
	_ =	sdelay $0x1  }
0x52: {  	v18 =	vadd.f32 v19, v18;
	_ =	sdelay $0x1  }
0x53: {  	v19 =	vld [tilespmem:$0xE00];
	[tilespmem:$0xF20] =	vst v18  }
0x54: {  	v18 =	vld.idx.msk [tilespmem:v12+s12+$0x0], $0xffff  }
0x55: {  	v21 =	vld [tilespmem:$0xE10]  }
0x56: {  	v20 =	vld.idx.msk [tilespmem:v15+s12+$0x0], $0xffff  }
0x57: {  	v26 =	vld [tilespmem:$0xE20]  }
0x58: {  	v25 =	vld.idx.msk [tilespmem:v16+s12+$0x0], $0xffff  }
0x59: {  	v24 =	vld [tilespmem:$0xE30];
	v18 =	vmul.f32 v18, v19  }
0x5a: {  	v19 =	vld.idx.msk [tilespmem:v17+s12+$0x0], $0xffff  }
0x5b: {  	v20 =	vmul.f32 v20, v21;
	v18 =	vadd.f32 $0.0e+00, v18;
	_ =	sdelay $0x1  }
0x5c: {  	v25 =	vmul.f32 v25, v26;
	v18 =	vadd.f32 v20, v18;
	_ =	sdelay $0x1  }
0x5d: {  	v19 =	vmul.f32 v19, v24;
	v18 =	vadd.f32 v25, v18;
	_ =	sdelay $0x1  }
0x5e: {  	v18 =	vadd.f32 v19, v18;
	_ =	sdelay $0x1  }
0x5f: {  	v19 =	vld [tilespmem:$0xE40];
	[tilespmem:$0xF30] =	vst v18  }
0x60: {  	v18 =	vld.idx.msk [tilespmem:v0+s13+$0x0], $0xffff  }
0x61: {  	v21 =	vld [tilespmem:$0xE50]  }
0x62: {  	v20 =	vld.idx.msk [tilespmem:v1+s13+$0x0], $0xffff  }
0x63: {  	v24 =	vld [tilespmem:$0xE60]  }
0x64: {  	v26 =	vld.idx.msk [tilespmem:v2+s13+$0x0], $0xffff  }
0x65: {  	v25 =	vld [tilespmem:$0xE70];
	v18 =	vmul.f32 v18, v19  }
0x66: {  	v19 =	vld.idx.msk [tilespmem:v3+s13+$0x0], $0xffff  }
0x67: {  	v20 =	vmul.f32 v20, v21;
	v18 =	vadd.f32 $0.0e+00, v18;
	_ =	sdelay $0x1  }
0x68: {  	v26 =	vmul.f32 v26, v24;
	v18 =	vadd.f32 v20, v18;
	_ =	sdelay $0x1  }
0x69: {  	v19 =	vmul.f32 v19, v25;
	v18 =	vadd.f32 v26, v18;
	_ =	sdelay $0x1  }
0x6a: {  	v18 =	vadd.f32 v19, v18;
	_ =	sdelay $0x1  }
0x6b: {  	v19 =	vld [tilespmem:$0xE40];
	[tilespmem:$0xF80] =	vst v18  }
0x6c: {  	v18 =	vld.idx.msk [tilespmem:v4+s13+$0x0], $0xffff  }
0x6d: {  	v21 =	vld [tilespmem:$0xE50]  }
0x6e: {  	v20 =	vld.idx.msk [tilespmem:v5+s13+$0x0], $0xffff  }
0x6f: {  	v25 =	vld [tilespmem:$0xE60]  }
0x70: {  	v24 =	vld.idx.msk [tilespmem:v6+s13+$0x0], $0xffff  }
0x71: {  	v26 =	vld [tilespmem:$0xE70];
	v18 =	vmul.f32 v18, v19  }
0x72: {  	v19 =	vld.idx.msk [tilespmem:v7+s13+$0x0], $0xffff  }
0x73: {  	v20 =	vmul.f32 v20, v21;
	v18 =	vadd.f32 $0.0e+00, v18;
	_ =	sdelay $0x1  }
0x74: {  	v24 =	vmul.f32 v24, v25;
	v18 =	vadd.f32 v20, v18;
	_ =	sdelay $0x1  }
0x75: {  	v19 =	vmul.f32 v19, v26;
	v18 =	vadd.f32 v24, v18;
	_ =	sdelay $0x1  }
0x76: {  	v18 =	vadd.f32 v19, v18;
	_ =	sdelay $0x1  }
0x77: {  	v19 =	vld [tilespmem:$0xE40];
	[tilespmem:$0xF90] =	vst v18  }
0x78: {  	v18 =	vld.idx.msk [tilespmem:v8+s13+$0x0], $0xffff  }
0x79: {  	v21 =	vld [tilespmem:$0xE50]  }
0x7a: {  	v20 =	vld.idx.msk [tilespmem:v9+s13+$0x0], $0xffff  }
0x7b: {  	v26 =	vld [tilespmem:$0xE60]  }
0x7c: {  	v25 =	vld.idx.msk [tilespmem:v10+s13+$0x0], $0xffff  }
0x7d: {  	v24 =	vld [tilespmem:$0xE70];
	v18 =	vmul.f32 v18, v19  }
0x7e: {  	v19 =	vld.idx.msk [tilespmem:v11+s13+$0x0], $0xffff  }
0x7f: {  	v20 =	vmul.f32 v20, v21;
	v18 =	vadd.f32 $0.0e+00, v18;
	_ =	sdelay $0x1  }
0x80: {  	v25 =	vmul.f32 v25, v26;
	v18 =	vadd.f32 v20, v18;
	_ =	sdelay $0x1  }
0x81: {  	v19 =	vmul.f32 v19, v24;
	v18 =	vadd.f32 v25, v18;
	_ =	sdelay $0x1  }
0x82: {  	v18 =	vadd.f32 v19, v18;
	_ =	sdelay $0x1  }
0x83: {  	v19 =	vld [tilespmem:$0xE40];
	[tilespmem:$0xFA0] =	vst v18  }
0x84: {  	v18 =	vld.idx.msk [tilespmem:v12+s13+$0x0], $0xffff  }
0x85: {  	v21 =	vld [tilespmem:$0xE50]  }
0x86: {  	v20 =	vld.idx.msk [tilespmem:v15+s13+$0x0], $0xffff  }
0x87: {  	v24 =	vld [tilespmem:$0xE60]  }
0x88: {  	v26 =	vld.idx.msk [tilespmem:v16+s13+$0x0], $0xffff  }
0x89: {  	v25 =	vld [tilespmem:$0xE70];
	v18 =	vmul.f32 v18, v19  }
0x8a: {  	v19 =	vld.idx.msk [tilespmem:v17+s13+$0x0], $0xffff  }
0x8b: {  	v20 =	vmul.f32 v20, v21;
	v18 =	vadd.f32 $0.0e+00, v18;
	_ =	sdelay $0x1  }
0x8c: {  	v26 =	vmul.f32 v26, v24;
	v18 =	vadd.f32 v20, v18;
	_ =	sdelay $0x1  }
0x8d: {  	v19 =	vmul.f32 v19, v25;
	v18 =	vadd.f32 v26, v18;
	_ =	sdelay $0x1  }
0x8e: {  	v18 =	vadd.f32 v19, v18;
	_ =	sdelay $0x1  }
0x8f: {  	v19 =	vld [tilespmem:$0xE80];
	[tilespmem:$0xFB0] =	vst v18  }
0x90: {  	v18 =	vld.idx.msk [tilespmem:v0+s14+$0x0], $0xffff  }
0x91: {  	v21 =	vld [tilespmem:$0xE90]  }
0x92: {  	v20 =	vld.idx.msk [tilespmem:v1+s14+$0x0], $0xffff  }
0x93: {  	v25 =	vld [tilespmem:$0xEA0]  }
0x94: {  	v24 =	vld.idx.msk [tilespmem:v2+s14+$0x0], $0xffff  }
0x95: {  	v26 =	vld [tilespmem:$0xEB0];
	v18 =	vmul.f32 v18, v19  }
0x96: {  	v19 =	vld.idx.msk [tilespmem:v3+s14+$0x0], $0xffff  }
0x97: {  	v20 =	vmul.f32 v20, v21;
	v18 =	vadd.f32 $0.0e+00, v18;
	_ =	sdelay $0x1  }
0x98: {  	v24 =	vmul.f32 v24, v25;
	v18 =	vadd.f32 v20, v18;
	_ =	sdelay $0x1  }
0x99: {  	v19 =	vmul.f32 v19, v26;
	v18 =	vadd.f32 v24, v18;
	_ =	sdelay $0x1  }
0x9a: {  	v18 =	vadd.f32 v19, v18;
	_ =	sdelay $0x1  }
0x9b: {  	v19 =	vld [tilespmem:$0xE80];
	[tilespmem:$0x1000] =	vst v18  }
0x9c: {  	v18 =	vld.idx.msk [tilespmem:v4+s14+$0x0], $0xffff  }
0x9d: {  	v21 =	vld [tilespmem:$0xE90]  }
0x9e: {  	v20 =	vld.idx.msk [tilespmem:v5+s14+$0x0], $0xffff  }
0x9f: {  	v26 =	vld [tilespmem:$0xEA0]  }
0xa0: {  	v25 =	vld.idx.msk [tilespmem:v6+s14+$0x0], $0xffff  }
0xa1: {  	v24 =	vld [tilespmem:$0xEB0];
	v18 =	vmul.f32 v18, v19  }
0xa2: {  	v19 =	vld.idx.msk [tilespmem:v7+s14+$0x0], $0xffff  }
0xa3: {  	v20 =	vmul.f32 v20, v21;
	v18 =	vadd.f32 $0.0e+00, v18;
	_ =	sdelay $0x1  }
0xa4: {  	v25 =	vmul.f32 v25, v26;
	v18 =	vadd.f32 v20, v18;
	_ =	sdelay $0x1  }
0xa5: {  	v19 =	vmul.f32 v19, v24;
	v18 =	vadd.f32 v25, v18;
	_ =	sdelay $0x1  }
0xa6: {  	v18 =	vadd.f32 v19, v18;
	_ =	sdelay $0x1  }
0xa7: {  	v19 =	vld [tilespmem:$0xE80];
	[tilespmem:$0x1010] =	vst v18  }
0xa8: {  	v18 =	vld.idx.msk [tilespmem:v8+s14+$0x0], $0xffff  }
0xa9: {  	v21 =	vld [tilespmem:$0xE90]  }
0xaa: {  	v20 =	vld.idx.msk [tilespmem:v9+s14+$0x0], $0xffff  }
0xab: {  	v24 =	vld [tilespmem:$0xEA0]  }
0xac: {  	v26 =	vld.idx.msk [tilespmem:v10+s14+$0x0], $0xffff  }
0xad: {  	v25 =	vld [tilespmem:$0xEB0];
	v18 =	vmul.f32 v18, v19  }
0xae: {  	v19 =	vld.idx.msk [tilespmem:v11+s14+$0x0], $0xffff  }
0xaf: {  	v20 =	vmul.f32 v20, v21;
	v18 =	vadd.f32 $0.0e+00, v18;
	_ =	sdelay $0x1  }
0xb0: {  	v26 =	vmul.f32 v26, v24;
	v18 =	vadd.f32 v20, v18;
	_ =	sdelay $0x1  }
0xb1: {  	v19 =	vmul.f32 v19, v25;
	v18 =	vadd.f32 v26, v18;
	_ =	sdelay $0x1  }
0xb2: {  	v18 =	vadd.f32 v19, v18;
	_ =	sdelay $0x1  }
0xb3: {  	v19 =	vld [tilespmem:$0xE80];
	[tilespmem:$0x1020] =	vst v18  }
0xb4: {  	v18 =	vld.idx.msk [tilespmem:v12+s14+$0x0], $0xffff  }
0xb5: {  	v21 =	vld [tilespmem:$0xE90]  }
0xb6: {  	v20 =	vld.idx.msk [tilespmem:v15+s14+$0x0], $0xffff  }
0xb7: {  	v25 =	vld [tilespmem:$0xEA0]  }
0xb8: {  	v24 =	vld.idx.msk [tilespmem:v16+s14+$0x0], $0xffff  }
0xb9: {  	v26 =	vld [tilespmem:$0xEB0];
	v18 =	vmul.f32 v18, v19  }
0xba: {  	v19 =	vld.idx.msk [tilespmem:v17+s14+$0x0], $0xffff  }
0xbb: {  	v20 =	vmul.f32 v20, v21;
	v18 =	vadd.f32 $0.0e+00, v18;
	_ =	sdelay $0x1  }
0xbc: {  	v24 =	vmul.f32 v24, v25;
	v18 =	vadd.f32 v20, v18;
	_ =	sdelay $0x1  }
0xbd: {  	v19 =	vmul.f32 v19, v26;
	v18 =	vadd.f32 v24, v18;
	_ =	sdelay $0x1  }
0xbe: {  	v18 =	vadd.f32 v19, v18;
	_ =	sdelay $0x1  }
0xbf: {  	[tilespmem:$0x1030] =	vst v18  }
0xc0: {  	_ =	swait.ge [sflag:s17], $0xA00  }
0xc1: {  	[sflag:s17] =	ssyncset.done $0x0  }
0xc2: {  	[sflag:s17] =	ssyncadd.s32 $0xFFFFF600  }
0xc3: {  	_ =	swait.ge [sflag:s17], $0x100  }
0xc4: {  	v25 =	vld [tilespmem:$0x1FF50];
	_ =	sdelay $0x5  }
0xc5: {  	[sflag:s17] =	ssyncset.done $0x0  }
0xc6: {  	[sflag:s17] =	ssyncadd.s32 $0xFFFFFF00  }
0xc7: {  	v22 =	vld.idx.msk [tilespmem:v25+s11+$0x0], $0xffff  }
0xc8: {  	v25 =	vld [tilespmem:$0x1FF60];
	_ =	sdelay $0x1  }
0xc9: {  	v20 =	vld.idx.msk [tilespmem:v14+s2+$0x0], $0xffff;
	_ =	sdelay $0x1  }
0xca: {  	v18 =	vld [tilespmem:$0xEC0]  }
0xcb: {  	v63 =	vld [tilespmem:$0xED0]  }
0xcc: {  	v21 =	vld.idx.msk [tilespmem:v13+s11+$0x0], $0xffff  }
0xcd: {  	v19 =	vld [tilespmem:$0xEE0];
	v23 =	vand.u32 $0xFF, v20  }
0xce: {  	v24 =	vshrl.u32 v20, $0x8;
	v25 =	vld.idx.msk [tilespmem:v25+s2+$0x0], $0xffff  }
0xcf: {  	v24 =	vand.u32 $0xFF, v24  }
0xd0: {  	v28 =	vld [tilespmem:$0x1FF70]  }
0xd1: {  	v21 =	vmul.f32 v21, v18  }
0xd2: {  	v23 =	vld.idx.msk [tilespmem:v23+s18+$0x0], $0xffff  }
0xd3: {  	v21 =	vadd.f32 v21, v19;
	v22 =	vmul.f32 v22, v63;
	v27 =	vshrl.u32 v25, $0x8  }
0xd4: {  	v24 =	vld.idx.msk [tilespmem:v24+s19+$0x0], $0xffff;
	v27 =	vand.u32 $0xFF, v27  }
0xd5: {  	v21 =	vadd.f32 v22, v21  }
0xd6: {  	v20 =	vshra.s32 v20, $0x10  }
0xd7: {  	v21 =	vadd.f32 v21, v23  }
0xd8: {  	v28 =	vld.idx.msk [tilespmem:v28+s2+$0x0], $0xffff  }
0xd9: {  	v21 =	vadd.f32 v21, v24;
	v26 =	vand.u32 $0xFF, v25;
	v24 =	vld.idx.msk [tilespmem:v27+s19+$0x0], $0xffff  }
0xda: {  	v27 =	vld [tilespmem:$0x1FF80]  }
0xdb: {  	v20 =	vld.idx.msk [tilespmem:v20+s20+$0x0], $0xffff;
	v22 =	vshra.s32 v25, $0x10;
	_ =	sdelay $0x2  }
0xdc: {  	v23 =	vld.idx.msk [tilespmem:v26+s18+$0x0], $0xffff  }
0xdd: {  	v25 =	vand.u32 $0xFF, v28  }
0xde: {  	v20 =	vadd.f32 v21, v20;
	v26 =	vshrl.u32 v28, $0x8;
	v21 =	vld.idx.msk [tilespmem:v22+s20+$0x0], $0xffff  }
0xdf: {  	v22 =	vshra.s32 v28, $0x10;
	v28 =	vld [tilespmem:$0x1FF90];
	v26 =	vand.u32 $0xFF, v26  }
0xe0: {  	v27 =	vld.idx.msk [tilespmem:v27+s2+$0x0], $0xffff  }
0xe1: {  	v20 =	vadd.f32 v23, v20  }
0xe2: {  	v23 =	vld.idx.msk [tilespmem:v25+s18+$0x0], $0xffff  }
0xe3: {  	v20 =	vadd.f32 v24, v20  }
0xe4: {  	v24 =	vld.idx.msk [tilespmem:v26+s19+$0x0], $0xffff  }
0xe5: {  	v20 =	vadd.f32 v21, v20;
	v21 =	vld.idx.msk [tilespmem:v22+s20+$0x0], $0xffff;
	v25 =	vand.u32 $0xFF, v27  }
0xe6: {  	v26 =	vshrl.u32 v27, $0x8;
	v22 =	vshra.s32 v27, $0x10;
	v27 =	vld [tilespmem:$0x1FFA0]  }
0xe7: {  	v28 =	vld.idx.msk [tilespmem:v28+s2+$0x0], $0xffff;
	v20 =	vadd.f32 v23, v20;
	v26 =	vand.u32 $0xFF, v26;
	_ =	sdelay $0x1  }
0xe8: {  	v20 =	vadd.f32 v24, v20  }
0xe9: {  	v23 =	vld.idx.msk [tilespmem:v25+s18+$0x0], $0xffff  }
0xea: {  	v20 =	vadd.f32 v21, v20;
	v21 =	vld.idx.msk [tilespmem:v22+s20+$0x0], $0xffff  }
0xeb: {  	v25 =	vand.u32 $0xFF, v28;
	v24 =	vld.idx.msk [tilespmem:v26+s19+$0x0], $0xffff;
	v26 =	vshrl.u32 v28, $0x8  }
0xec: {  	v22 =	vshra.s32 v28, $0x10;
	v28 =	vld [tilespmem:$0x1FFB0];
	v26 =	vand.u32 $0xFF, v26  }
0xed: {  	v27 =	vld.idx.msk [tilespmem:v27+s2+$0x0], $0xffff  }
0xee: {  	v20 =	vadd.f32 v23, v20;
	_ =	sdelay $0x1  }
0xef: {  	v23 =	vld.idx.msk [tilespmem:v25+s18+$0x0], $0xffff;
	v20 =	vadd.f32 v24, v20  }
0xf0: {  	v24 =	vld.idx.msk [tilespmem:v26+s19+$0x0], $0xffff  }
0xf1: {  	v25 =	vand.u32 $0xFF, v27;
	v26 =	vshrl.u32 v27, $0x8;
	v20 =	vadd.f32 v21, v20;
	v21 =	vld.idx.msk [tilespmem:v22+s20+$0x0], $0xffff  }
0xf2: {  	v26 =	vand.u32 $0xFF, v26;
	v22 =	vshra.s32 v27, $0x10;
	v27 =	vld [tilespmem:$0x1FFC0]  }
0xf3: {  	v28 =	vld.idx.msk [tilespmem:v28+s2+$0x0], $0xffff  }
0xf4: {  	v20 =	vadd.f32 v23, v20;
	_ =	sdelay $0x1  }
0xf5: {  	v23 =	vld.idx.msk [tilespmem:v25+s18+$0x0], $0xffff;
	v20 =	vadd.f32 v24, v20  }
0xf6: {  	v24 =	vld.idx.msk [tilespmem:v26+s19+$0x0], $0xffff  }
0xf7: {  	v25 =	vand.u32 $0xFF, v28;
	v20 =	vadd.f32 v21, v20;
	v21 =	vld.idx.msk [tilespmem:v22+s20+$0x0], $0xffff  }
0xf8: {  	v26 =	vshrl.u32 v28, $0x8;
	v22 =	vshra.s32 v28, $0x10;
	v28 =	vld [tilespmem:$0x1FFD0]  }
0xf9: {  	v26 =	vand.u32 $0xFF, v26;
	v27 =	vld.idx.msk [tilespmem:v27+s2+$0x0], $0xffff;
	_ =	sdelay $0x1  }
0xfa: {  	v20 =	vadd.f32 v23, v20  }
0xfb: {  	v23 =	vld.idx.msk [tilespmem:v25+s18+$0x0], $0xffff  }
0xfc: {  	v20 =	vadd.f32 v24, v20  }
0xfd: {  	v24 =	vld.idx.msk [tilespmem:v26+s19+$0x0], $0xffff;
	v25 =	vand.u32 $0xFF, v27;
	v26 =	vshrl.u32 v27, $0x8  }
0xfe: {  	v20 =	vadd.f32 v21, v20;
	v21 =	vld.idx.msk [tilespmem:v22+s20+$0x0], $0xffff;
	v26 =	vand.u32 $0xFF, v26  }
0xff: {  	v22 =	vshra.s32 v27, $0x10;
	v27 =	vld [tilespmem:$0x1FFE0]  }
0x100: {  	v28 =	vld.idx.msk [tilespmem:v28+s2+$0x0], $0xffff;
	v20 =	vadd.f32 v23, v20;
	_ =	sdelay $0x1  }
0x101: {  	v20 =	vadd.f32 v24, v20;
	v23 =	vld.idx.msk [tilespmem:v25+s18+$0x0], $0xffff  }
0x102: {  	v24 =	vld.idx.msk [tilespmem:v26+s19+$0x0], $0xffff  }
0x103: {  	v20 =	vadd.f32 v21, v20;
	v21 =	vld.idx.msk [tilespmem:v22+s20+$0x0], $0xffff  }
0x104: {  	v25 =	vand.u32 $0xFF, v28;
	v26 =	vshrl.u32 v28, $0x8;
	v22 =	vshra.s32 v28, $0x10;
	v28 =	vld [tilespmem:$0x1FFF0];
	_ =	sdelay $0x1  }
0x105: {  	v26 =	vand.u32 $0xFF, v26;
	v27 =	vld.idx.msk [tilespmem:v27+s2+$0x0], $0xffff;
	_ =	sdelay $0x2  }
0x106: {  	v20 =	vadd.f32 v23, v20  }
0x107: {  	v23 =	vld.idx.msk [tilespmem:v25+s18+$0x0], $0xffff  }
0x108: {  	v20 =	vadd.f32 v24, v20;
	v24 =	vld.idx.msk [tilespmem:v26+s19+$0x0], $0xffff;
	v25 =	vand.u32 $0xFF, v27  }
0x109: {  	v26 =	vshrl.u32 v27, $0x8;
	v28 =	vld.idx.msk [tilespmem:v28+s2+$0x0], $0xffff  }
0x10a: {  	v26 =	vand.u32 $0xFF, v26;
	v20 =	vadd.f32 v21, v20  }
0x10b: {  	v21 =	vld.idx.msk [tilespmem:v22+s20+$0x0], $0xffff  }
0x10c: {  	v22 =	vshra.s32 v27, $0x10;
	v20 =	vadd.f32 v23, v20  }
0x10d: {  	v23 =	vld.idx.msk [tilespmem:v25+s18+$0x0], $0xffff  }
0x10e: {  	v27 =	vld.idx.msk [tilespmem:v29+s2+$0x0], $0xffff;
	v20 =	vadd.f32 v24, v20;
	v25 =	vand.u32 $0xFF, v28  }
0x10f: {  	v24 =	vld.idx.msk [tilespmem:v26+s19+$0x0], $0xffff;
	v26 =	vshrl.u32 v28, $0x8  }
0x110: {  	v26 =	vand.u32 $0xFF, v26;
	v20 =	vadd.f32 v21, v20  }
0x111: {  	v21 =	vld.idx.msk [tilespmem:v22+s20+$0x0], $0xffff  }
0x112: {  	v22 =	vshra.s32 v28, $0x10;
	v20 =	vadd.f32 v23, v20  }
0x113: {  	v23 =	vld.idx.msk [tilespmem:v25+s18+$0x0], $0xffff  }
0x114: {  	v28 =	vld.idx.msk [tilespmem:v30+s2+$0x0], $0xffff;
	v25 =	vand.u32 $0xFF, v27;
	v20 =	vadd.f32 v24, v20  }
0x115: {  	v24 =	vld.idx.msk [tilespmem:v26+s19+$0x0], $0xffff;
	v26 =	vshrl.u32 v27, $0x8  }
0x116: {  	v26 =	vand.u32 $0xFF, v26;
	v20 =	vadd.f32 v21, v20  }
0x117: {  	v21 =	vld.idx.msk [tilespmem:v22+s20+$0x0], $0xffff  }
0x118: {  	v22 =	vshra.s32 v27, $0x10;
	v20 =	vadd.f32 v23, v20  }
0x119: {  	v23 =	vld.idx.msk [tilespmem:v25+s18+$0x0], $0xffff  }
0x11a: {  	v27 =	vld.idx.msk [tilespmem:v31+s2+$0x0], $0xffff;
	v25 =	vand.u32 $0xFF, v28;
	v20 =	vadd.f32 v24, v20  }
0x11b: {  	v24 =	vld.idx.msk [tilespmem:v26+s19+$0x0], $0xffff;
	v26 =	vshrl.u32 v28, $0x8  }
0x11c: {  	v26 =	vand.u32 $0xFF, v26;
	v20 =	vadd.f32 v21, v20  }
0x11d: {  	v21 =	vld.idx.msk [tilespmem:v22+s20+$0x0], $0xffff  }
0x11e: {  	v22 =	vshra.s32 v28, $0x10;
	v20 =	vadd.f32 v23, v20  }
0x11f: {  	v23 =	vld.idx.msk [tilespmem:v25+s18+$0x0], $0xffff  }
0x120: {  	v28 =	vld.idx.msk [tilespmem:v32+s2+$0x0], $0xffff;
	v25 =	vand.u32 $0xFF, v27;
	v20 =	vadd.f32 v24, v20  }
0x121: {  	v24 =	vld.idx.msk [tilespmem:v26+s19+$0x0], $0xffff;
	v26 =	vshrl.u32 v27, $0x8  }
0x122: {  	v26 =	vand.u32 $0xFF, v26;
	v20 =	vadd.f32 v21, v20  }
0x123: {  	v21 =	vld.idx.msk [tilespmem:v22+s20+$0x0], $0xffff  }
0x124: {  	v22 =	vshra.s32 v27, $0x10;
	v20 =	vadd.f32 v23, v20  }
0x125: {  	v23 =	vld.idx.msk [tilespmem:v25+s18+$0x0], $0xffff  }
0x126: {  	v27 =	vld.idx.msk [tilespmem:v33+s2+$0x0], $0xffff;
	v25 =	vand.u32 $0xFF, v28;
	v20 =	vadd.f32 v24, v20  }
0x127: {  	v24 =	vld.idx.msk [tilespmem:v26+s19+$0x0], $0xffff;
	v26 =	vshrl.u32 v28, $0x8  }
0x128: {  	v26 =	vand.u32 $0xFF, v26;
	v20 =	vadd.f32 v21, v20  }
0x129: {  	v21 =	vld.idx.msk [tilespmem:v22+s20+$0x0], $0xffff  }
0x12a: {  	v22 =	vshra.s32 v28, $0x10;
	v20 =	vadd.f32 v23, v20  }
0x12b: {  	v23 =	vld.idx.msk [tilespmem:v25+s18+$0x0], $0xffff  }
0x12c: {  	v28 =	vld.idx.msk [tilespmem:v34+s2+$0x0], $0xffff;
	v25 =	vand.u32 $0xFF, v27;
	v20 =	vadd.f32 v24, v20  }
0x12d: {  	v24 =	vld.idx.msk [tilespmem:v26+s19+$0x0], $0xffff;
	v26 =	vshrl.u32 v27, $0x8  }
0x12e: {  	v26 =	vand.u32 $0xFF, v26;
	v20 =	vadd.f32 v21, v20  }
0x12f: {  	v21 =	vld.idx.msk [tilespmem:v22+s20+$0x0], $0xffff  }
0x130: {  	v22 =	vshra.s32 v27, $0x10;
	v20 =	vadd.f32 v23, v20  }
0x131: {  	v23 =	vld.idx.msk [tilespmem:v25+s18+$0x0], $0xffff  }
0x132: {  	v27 =	vld.idx.msk [tilespmem:v35+s2+$0x0], $0xffff;
	v25 =	vand.u32 $0xFF, v28;
	v20 =	vadd.f32 v24, v20  }
0x133: {  	v24 =	vld.idx.msk [tilespmem:v26+s19+$0x0], $0xffff;
	v26 =	vshrl.u32 v28, $0x8  }
0x134: {  	v26 =	vand.u32 $0xFF, v26;
	v20 =	vadd.f32 v21, v20  }
0x135: {  	v21 =	vld.idx.msk [tilespmem:v22+s20+$0x0], $0xffff  }
0x136: {  	v22 =	vshra.s32 v28, $0x10;
	v20 =	vadd.f32 v23, v20  }
0x137: {  	v23 =	vld.idx.msk [tilespmem:v25+s18+$0x0], $0xffff  }
0x138: {  	v28 =	vld.idx.msk [tilespmem:v36+s2+$0x0], $0xffff;
	v25 =	vand.u32 $0xFF, v27;
	v20 =	vadd.f32 v24, v20  }
0x139: {  	v24 =	vld.idx.msk [tilespmem:v26+s19+$0x0], $0xffff;
	v26 =	vshrl.u32 v27, $0x8  }
0x13a: {  	v26 =	vand.u32 $0xFF, v26;
	v20 =	vadd.f32 v21, v20  }
0x13b: {  	v21 =	vld.idx.msk [tilespmem:v22+s20+$0x0], $0xffff  }
0x13c: {  	v22 =	vshra.s32 v27, $0x10;
	v20 =	vadd.f32 v23, v20  }
0x13d: {  	v23 =	vld.idx.msk [tilespmem:v25+s18+$0x0], $0xffff  }
0x13e: {  	v27 =	vld.idx.msk [tilespmem:v37+s2+$0x0], $0xffff;
	v25 =	vand.u32 $0xFF, v28;
	v20 =	vadd.f32 v24, v20  }
0x13f: {  	v24 =	vld.idx.msk [tilespmem:v26+s19+$0x0], $0xffff;
	v26 =	vshrl.u32 v28, $0x8  }
0x140: {  	v20 =	vadd.f32 v21, v20;
	v21 =	vand.u32 $0xFF, v26  }
0x141: {  	v22 =	vld.idx.msk [tilespmem:v22+s20+$0x0], $0xffff  }
0x142: {  	v20 =	vadd.f32 v23, v20;
	v23 =	vshra.s32 v28, $0x10  }
0x143: {  	v25 =	vld.idx.msk [tilespmem:v25+s18+$0x0], $0xffff  }
0x144: {  	v20 =	vadd.f32 v24, v20;
	v24 =	vand.u32 $0xFF, v27  }
0x145: {  	v26 =	vshrl.u32 v27, $0x8;
	v21 =	vld.idx.msk [tilespmem:v21+s19+$0x0], $0xffff  }
0x146: {  	v20 =	vadd.f32 v22, v20;
	v22 =	vand.u32 $0xFF, v26  }
0x147: {  	v23 =	vld.idx.msk [tilespmem:v23+s20+$0x0], $0xffff  }
0x148: {  	v20 =	vadd.f32 v25, v20;
	v25 =	vshra.s32 v27, $0x10  }
0x149: {  	v24 =	vld.idx.msk [tilespmem:v24+s18+$0x0], $0xffff  }
0x14a: {  	v20 =	vadd.f32 v21, v20  }
0x14b: {  	v26 =	vld.idx.msk [tilespmem:v22+s19+$0x0], $0xffff  }
0x14c: {  	v20 =	vadd.f32 v23, v20  }
0x14d: {  	v25 =	vld.idx.msk [tilespmem:v25+s20+$0x0], $0xffff  }
0x14e: {  	v20 =	vadd.f32 v24, v20;
	_ =	sdelay $0x1  }
0x14f: {  	v20 =	vadd.f32 v26, v20;
	_ =	sdelay $0x1  }
0x150: {  	v20 =	vadd.f32 v25, v20;
	_ =	sdelay $0x1  }
0x151: {  	[tilespmem:$0x1080] =	vst v20  }
0x152: {  	v20 =	vld.idx.msk [tilespmem:v40+s2+$0x0], $0xffff;
	_ =	sdelay $0x3  }
0x153: {  	v21 =	vld.idx.msk [tilespmem:v38+s11+$0x0], $0xffff  }
0x154: {  	v22 =	vld.idx.msk [tilespmem:v39+s11+$0x0], $0xffff;
	v23 =	vand.u32 $0xFF, v20  }
0x155: {  	v25 =	vld.idx.msk [tilespmem:v41+s2+$0x0], $0xffff;
	v24 =	vshrl.u32 v20, $0x8  }
0x156: {  	v24 =	vand.u32 $0xFF, v24;
	_ =	sdelay $0x1  }
0x157: {  	v21 =	vmul.f32 v21, v18;
	v20 =	vshra.s32 v20, $0x10  }
0x158: {  	v22 =	vmul.f32 v22, v63;
	v23 =	vld.idx.msk [tilespmem:v23+s18+$0x0], $0xffff  }
0x159: {  	v28 =	vld.idx.msk [tilespmem:v42+s2+$0x0], $0xffff;
	v26 =	vand.u32 $0xFF, v25;
	v27 =	vshrl.u32 v25, $0x8;
	v21 =	vadd.f32 v21, v19  }
0x15a: {  	v27 =	vand.u32 $0xFF, v27;
	v24 =	vld.idx.msk [tilespmem:v24+s19+$0x0], $0xffff  }
0x15b: {  	v21 =	vadd.f32 v22, v21  }
0x15c: {  	v20 =	vld.idx.msk [tilespmem:v20+s20+$0x0], $0xffff  }
0x15d: {  	v22 =	vshra.s32 v25, $0x10;
	v21 =	vadd.f32 v21, v23  }
0x15e: {  	v23 =	vld.idx.msk [tilespmem:v26+s18+$0x0], $0xffff  }
0x15f: {  	v25 =	vand.u32 $0xFF, v28;
	v21 =	vadd.f32 v21, v24;
	v24 =	vld.idx.msk [tilespmem:v27+s19+$0x0], $0xffff  }
0x160: {  	v26 =	vshrl.u32 v28, $0x8;
	v27 =	vld.idx.msk [tilespmem:v43+s2+$0x0], $0xffff  }
0x161: {  	v26 =	vand.u32 $0xFF, v26;
	v20 =	vadd.f32 v21, v20  }
0x162: {  	v21 =	vld.idx.msk [tilespmem:v22+s20+$0x0], $0xffff  }
0x163: {  	v22 =	vshra.s32 v28, $0x10;
	v20 =	vadd.f32 v23, v20  }
0x164: {  	v23 =	vld.idx.msk [tilespmem:v25+s18+$0x0], $0xffff  }
0x165: {  	v28 =	vld.idx.msk [tilespmem:v44+s2+$0x0], $0xffff;
	v25 =	vand.u32 $0xFF, v27;
	v20 =	vadd.f32 v24, v20  }
0x166: {  	v24 =	vld.idx.msk [tilespmem:v26+s19+$0x0], $0xffff;
	v26 =	vshrl.u32 v27, $0x8  }
0x167: {  	v26 =	vand.u32 $0xFF, v26;
	v20 =	vadd.f32 v21, v20  }
0x168: {  	v21 =	vld.idx.msk [tilespmem:v22+s20+$0x0], $0xffff  }
0x169: {  	v22 =	vshra.s32 v27, $0x10;
	v20 =	vadd.f32 v23, v20  }
0x16a: {  	v23 =	vld.idx.msk [tilespmem:v25+s18+$0x0], $0xffff  }
0x16b: {  	v27 =	vld.idx.msk [tilespmem:v45+s2+$0x0], $0xffff;
	v25 =	vand.u32 $0xFF, v28;
	v20 =	vadd.f32 v24, v20  }
0x16c: {  	v24 =	vld.idx.msk [tilespmem:v26+s19+$0x0], $0xffff;
	v26 =	vshrl.u32 v28, $0x8  }
0x16d: {  	v26 =	vand.u32 $0xFF, v26;
	v20 =	vadd.f32 v21, v20  }
0x16e: {  	v21 =	vld.idx.msk [tilespmem:v22+s20+$0x0], $0xffff  }
0x16f: {  	v22 =	vshra.s32 v28, $0x10;
	v20 =	vadd.f32 v23, v20  }
0x170: {  	v23 =	vld.idx.msk [tilespmem:v25+s18+$0x0], $0xffff  }
0x171: {  	v28 =	vld.idx.msk [tilespmem:v46+s2+$0x0], $0xffff;
	v25 =	vand.u32 $0xFF, v27;
	v20 =	vadd.f32 v24, v20  }
0x172: {  	v24 =	vld.idx.msk [tilespmem:v26+s19+$0x0], $0xffff;
	v26 =	vshrl.u32 v27, $0x8  }
0x173: {  	v26 =	vand.u32 $0xFF, v26;
	v20 =	vadd.f32 v21, v20  }
0x174: {  	v21 =	vld.idx.msk [tilespmem:v22+s20+$0x0], $0xffff  }
0x175: {  	v22 =	vshra.s32 v27, $0x10;
	v20 =	vadd.f32 v23, v20  }
0x176: {  	v23 =	vld.idx.msk [tilespmem:v25+s18+$0x0], $0xffff  }
0x177: {  	v27 =	vld.idx.msk [tilespmem:v47+s2+$0x0], $0xffff;
	v25 =	vand.u32 $0xFF, v28;
	v20 =	vadd.f32 v24, v20  }
0x178: {  	v24 =	vld.idx.msk [tilespmem:v26+s19+$0x0], $0xffff;
	v26 =	vshrl.u32 v28, $0x8  }
0x179: {  	v26 =	vand.u32 $0xFF, v26;
	v20 =	vadd.f32 v21, v20  }
0x17a: {  	v21 =	vld.idx.msk [tilespmem:v22+s20+$0x0], $0xffff  }
0x17b: {  	v22 =	vshra.s32 v28, $0x10;
	v20 =	vadd.f32 v23, v20  }
0x17c: {  	v23 =	vld.idx.msk [tilespmem:v25+s18+$0x0], $0xffff  }
0x17d: {  	v28 =	vld.idx.msk [tilespmem:v48+s2+$0x0], $0xffff;
	v25 =	vand.u32 $0xFF, v27;
	v20 =	vadd.f32 v24, v20  }
0x17e: {  	v24 =	vld.idx.msk [tilespmem:v26+s19+$0x0], $0xffff;
	v26 =	vshrl.u32 v27, $0x8  }
0x17f: {  	v26 =	vand.u32 $0xFF, v26;
	v20 =	vadd.f32 v21, v20  }
0x180: {  	v21 =	vld.idx.msk [tilespmem:v22+s20+$0x0], $0xffff  }
0x181: {  	v22 =	vshra.s32 v27, $0x10;
	v20 =	vadd.f32 v23, v20  }
0x182: {  	v23 =	vld.idx.msk [tilespmem:v25+s18+$0x0], $0xffff  }
0x183: {  	v27 =	vld.idx.msk [tilespmem:v49+s2+$0x0], $0xffff;
	v25 =	vand.u32 $0xFF, v28;
	v20 =	vadd.f32 v24, v20  }
0x184: {  	v24 =	vld.idx.msk [tilespmem:v26+s19+$0x0], $0xffff;
	v26 =	vshrl.u32 v28, $0x8  }
0x185: {  	v26 =	vand.u32 $0xFF, v26;
	v20 =	vadd.f32 v21, v20  }
0x186: {  	v21 =	vld.idx.msk [tilespmem:v22+s20+$0x0], $0xffff  }
0x187: {  	v22 =	vshra.s32 v28, $0x10;
	v20 =	vadd.f32 v23, v20  }
0x188: {  	v23 =	vld.idx.msk [tilespmem:v25+s18+$0x0], $0xffff  }
0x189: {  	v28 =	vld.idx.msk [tilespmem:v50+s2+$0x0], $0xffff;
	v25 =	vand.u32 $0xFF, v27;
	v20 =	vadd.f32 v24, v20  }
0x18a: {  	v24 =	vld.idx.msk [tilespmem:v26+s19+$0x0], $0xffff;
	v26 =	vshrl.u32 v27, $0x8  }
0x18b: {  	v26 =	vand.u32 $0xFF, v26;
	v20 =	vadd.f32 v21, v20  }
0x18c: {  	v21 =	vld.idx.msk [tilespmem:v22+s20+$0x0], $0xffff  }
0x18d: {  	v22 =	vshra.s32 v27, $0x10;
	v20 =	vadd.f32 v23, v20  }
0x18e: {  	v23 =	vld.idx.msk [tilespmem:v25+s18+$0x0], $0xffff  }
0x18f: {  	v27 =	vld.idx.msk [tilespmem:v51+s2+$0x0], $0xffff;
	v25 =	vand.u32 $0xFF, v28;
	v20 =	vadd.f32 v24, v20  }
0x190: {  	v24 =	vld.idx.msk [tilespmem:v26+s19+$0x0], $0xffff;
	v26 =	vshrl.u32 v28, $0x8  }
0x191: {  	v26 =	vand.u32 $0xFF, v26;
	v20 =	vadd.f32 v21, v20  }
0x192: {  	v21 =	vld.idx.msk [tilespmem:v22+s20+$0x0], $0xffff  }
0x193: {  	v22 =	vshra.s32 v28, $0x10;
	v20 =	vadd.f32 v23, v20  }
0x194: {  	v23 =	vld.idx.msk [tilespmem:v25+s18+$0x0], $0xffff  }
0x195: {  	v28 =	vld.idx.msk [tilespmem:v52+s2+$0x0], $0xffff;
	v25 =	vand.u32 $0xFF, v27;
	v20 =	vadd.f32 v24, v20  }
0x196: {  	v24 =	vld.idx.msk [tilespmem:v26+s19+$0x0], $0xffff;
	v26 =	vshrl.u32 v27, $0x8  }
0x197: {  	v26 =	vand.u32 $0xFF, v26;
	v20 =	vadd.f32 v21, v20  }
0x198: {  	v21 =	vld.idx.msk [tilespmem:v22+s20+$0x0], $0xffff  }
0x199: {  	v22 =	vshra.s32 v27, $0x10;
	v20 =	vadd.f32 v23, v20  }
0x19a: {  	v23 =	vld.idx.msk [tilespmem:v25+s18+$0x0], $0xffff  }
0x19b: {  	v27 =	vld.idx.msk [tilespmem:v53+s2+$0x0], $0xffff;
	v25 =	vand.u32 $0xFF, v28;
	v20 =	vadd.f32 v24, v20  }
0x19c: {  	v24 =	vld.idx.msk [tilespmem:v26+s19+$0x0], $0xffff;
	v26 =	vshrl.u32 v28, $0x8  }
0x19d: {  	v26 =	vand.u32 $0xFF, v26;
	v20 =	vadd.f32 v21, v20  }
0x19e: {  	v21 =	vld.idx.msk [tilespmem:v22+s20+$0x0], $0xffff  }
0x19f: {  	v22 =	vshra.s32 v28, $0x10;
	v20 =	vadd.f32 v23, v20  }
0x1a0: {  	v23 =	vld.idx.msk [tilespmem:v25+s18+$0x0], $0xffff  }
0x1a1: {  	v28 =	vld.idx.msk [tilespmem:v54+s2+$0x0], $0xffff;
	v25 =	vand.u32 $0xFF, v27;
	v20 =	vadd.f32 v24, v20  }
0x1a2: {  	v24 =	vld.idx.msk [tilespmem:v26+s19+$0x0], $0xffff;
	v26 =	vshrl.u32 v27, $0x8  }
0x1a3: {  	v26 =	vand.u32 $0xFF, v26;
	v20 =	vadd.f32 v21, v20  }
0x1a4: {  	v21 =	vld.idx.msk [tilespmem:v22+s20+$0x0], $0xffff  }
0x1a5: {  	v22 =	vshra.s32 v27, $0x10;
	v20 =	vadd.f32 v23, v20  }
0x1a6: {  	v23 =	vld.idx.msk [tilespmem:v25+s18+$0x0], $0xffff  }
0x1a7: {  	v27 =	vld.idx.msk [tilespmem:v55+s2+$0x0], $0xffff;
	v25 =	vand.u32 $0xFF, v28;
	v20 =	vadd.f32 v24, v20  }
0x1a8: {  	v24 =	vld.idx.msk [tilespmem:v26+s19+$0x0], $0xffff;
	v26 =	vshrl.u32 v28, $0x8  }
0x1a9: {  	v26 =	vand.u32 $0xFF, v26;
	v20 =	vadd.f32 v21, v20  }
0x1aa: {  	v21 =	vld.idx.msk [tilespmem:v22+s20+$0x0], $0xffff  }
0x1ab: {  	v22 =	vshra.s32 v28, $0x10;
	v20 =	vadd.f32 v23, v20  }
0x1ac: {  	v23 =	vld.idx.msk [tilespmem:v25+s18+$0x0], $0xffff  }
0x1ad: {  	v28 =	vld.idx.msk [tilespmem:v56+s2+$0x0], $0xffff;
	v25 =	vand.u32 $0xFF, v27;
	v20 =	vadd.f32 v24, v20  }
0x1ae: {  	v24 =	vld.idx.msk [tilespmem:v26+s19+$0x0], $0xffff;
	v26 =	vshrl.u32 v27, $0x8  }
0x1af: {  	v26 =	vand.u32 $0xFF, v26;
	v20 =	vadd.f32 v21, v20  }
0x1b0: {  	v21 =	vld.idx.msk [tilespmem:v22+s20+$0x0], $0xffff  }
0x1b1: {  	v22 =	vshra.s32 v27, $0x10;
	v20 =	vadd.f32 v23, v20  }
0x1b2: {  	v23 =	vld.idx.msk [tilespmem:v25+s18+$0x0], $0xffff  }
0x1b3: {  	v27 =	vld.idx.msk [tilespmem:v57+s2+$0x0], $0xffff;
	v25 =	vand.u32 $0xFF, v28;
	v20 =	vadd.f32 v24, v20  }
0x1b4: {  	v24 =	vld.idx.msk [tilespmem:v26+s19+$0x0], $0xffff;
	v26 =	vshrl.u32 v28, $0x8  }
0x1b5: {  	v26 =	vand.u32 $0xFF, v26;
	v20 =	vadd.f32 v21, v20  }
0x1b6: {  	v21 =	vld.idx.msk [tilespmem:v22+s20+$0x0], $0xffff  }
0x1b7: {  	v22 =	vshra.s32 v28, $0x10;
	v20 =	vadd.f32 v23, v20  }
0x1b8: {  	v23 =	vld.idx.msk [tilespmem:v25+s18+$0x0], $0xffff  }
0x1b9: {  	v28 =	vld.idx.msk [tilespmem:v58+s2+$0x0], $0xffff;
	v25 =	vand.u32 $0xFF, v27;
	v20 =	vadd.f32 v24, v20  }
0x1ba: {  	v24 =	vld.idx.msk [tilespmem:v26+s19+$0x0], $0xffff;
	v26 =	vshrl.u32 v27, $0x8  }
0x1bb: {  	v26 =	vand.u32 $0xFF, v26;
	v20 =	vadd.f32 v21, v20  }
0x1bc: {  	v21 =	vld.idx.msk [tilespmem:v22+s20+$0x0], $0xffff  }
0x1bd: {  	v22 =	vshra.s32 v27, $0x10;
	v20 =	vadd.f32 v23, v20  }
0x1be: {  	v23 =	vld.idx.msk [tilespmem:v25+s18+$0x0], $0xffff  }
0x1bf: {  	v27 =	vld.idx.msk [tilespmem:v59+s2+$0x0], $0xffff;
	v25 =	vand.u32 $0xFF, v28;
	v20 =	vadd.f32 v24, v20  }
0x1c0: {  	v24 =	vld.idx.msk [tilespmem:v26+s19+$0x0], $0xffff;
	v26 =	vshrl.u32 v28, $0x8  }
0x1c1: {  	v20 =	vadd.f32 v21, v20;
	v21 =	vand.u32 $0xFF, v26  }
0x1c2: {  	v22 =	vld.idx.msk [tilespmem:v22+s20+$0x0], $0xffff  }
0x1c3: {  	v20 =	vadd.f32 v23, v20;
	v23 =	vshra.s32 v28, $0x10  }
0x1c4: {  	v25 =	vld.idx.msk [tilespmem:v25+s18+$0x0], $0xffff  }
0x1c5: {  	v20 =	vadd.f32 v24, v20;
	v24 =	vand.u32 $0xFF, v27  }
0x1c6: {  	v26 =	vshrl.u32 v27, $0x8;
	v21 =	vld.idx.msk [tilespmem:v21+s19+$0x0], $0xffff  }
0x1c7: {  	v20 =	vadd.f32 v22, v20;
	v22 =	vand.u32 $0xFF, v26  }
0x1c8: {  	v23 =	vld.idx.msk [tilespmem:v23+s20+$0x0], $0xffff  }
0x1c9: {  	v20 =	vadd.f32 v25, v20;
	v25 =	vshra.s32 v27, $0x10  }
0x1ca: {  	v24 =	vld.idx.msk [tilespmem:v24+s18+$0x0], $0xffff  }
0x1cb: {  	v20 =	vadd.f32 v21, v20  }
0x1cc: {  	v26 =	vld.idx.msk [tilespmem:v22+s19+$0x0], $0xffff  }
0x1cd: {  	v20 =	vadd.f32 v23, v20  }
0x1ce: {  	v25 =	vld.idx.msk [tilespmem:v25+s20+$0x0], $0xffff  }
0x1cf: {  	v20 =	vadd.f32 v24, v20;
	_ =	sdelay $0x1  }
0x1d0: {  	v20 =	vadd.f32 v26, v20;
	_ =	sdelay $0x1  }
0x1d1: {  	v20 =	vadd.f32 v25, v20;
	_ =	sdelay $0x1  }
0x1d2: {  	[tilespmem:$0x1090] =	vst v20  }
0x1d3: {  	v20 =	vld.idx.msk [tilespmem:v60+s11+$0x0], $0xffff  }
0x1d4: {  	v21 =	vld.idx.msk [tilespmem:v61+s11+$0x0], $0xffff  }
0x1d5: {  	v22 =	vld.idx.msk [tilespmem:v62+s2+$0x0], $0xffff  }
0x1d6: {  	v23 =	vadd.s32 $0x281, v14;
	_ =	sdelay $0x3  }
0x1d7: {  	v24 =	vand.u32 $0xFF, v22  }
0x1d8: {  	v26 =	vadd.s32 $0x282, v14;
	v23 =	vld.idx.msk [tilespmem:v23+s2+$0x0], $0xffff;
	v25 =	vshrl.u32 v22, $0x8  }
0x1d9: {  	v25 =	vand.u32 $0xFF, v25;
	_ =	sdelay $0x1  }
0x1da: {  	v20 =	vmul.f32 v20, v18;
	v22 =	vshra.s32 v22, $0x10  }
0x1db: {  	v21 =	vmul.f32 v21, v63;
	v24 =	vld.idx.msk [tilespmem:v24+s18+$0x0], $0xffff  }
0x1dc: {  	v26 =	vld.idx.msk [tilespmem:v26+s2+$0x0], $0xffff;
	v27 =	vand.u32 $0xFF, v23;
	v28 =	vshrl.u32 v23, $0x8;
	v20 =	vadd.f32 v20, v19  }
0x1dd: {  	v28 =	vand.u32 $0xFF, v28;
	v25 =	vld.idx.msk [tilespmem:v25+s19+$0x0], $0xffff  }
0x1de: {  	v20 =	vadd.f32 v21, v20;
	v21 =	vadd.s32 $0x283, v14  }
0x1df: {  	v22 =	vld.idx.msk [tilespmem:v22+s20+$0x0], $0xffff  }
0x1e0: {  	v23 =	vshra.s32 v23, $0x10;
	v20 =	vadd.f32 v20, v24  }
0x1e1: {  	v24 =	vld.idx.msk [tilespmem:v27+s18+$0x0], $0xffff  }
0x1e2: {  	v27 =	vand.u32 $0xFF, v26;
	v20 =	vadd.f32 v20, v25;
	v25 =	vld.idx.msk [tilespmem:v28+s19+$0x0], $0xffff;
	v28 =	vshrl.u32 v26, $0x8  }
0x1e3: {  	v21 =	vld.idx.msk [tilespmem:v21+s2+$0x0], $0xffff;
	v28 =	vand.u32 $0xFF, v28  }
0x1e4: {  	v20 =	vadd.f32 v20, v22;
	v22 =	vadd.s32 $0x284, v14  }
0x1e5: {  	v23 =	vld.idx.msk [tilespmem:v23+s20+$0x0], $0xffff  }
0x1e6: {  	v20 =	vadd.f32 v24, v20;
	v24 =	vshra.s32 v26, $0x10  }
0x1e7: {  	v26 =	vld.idx.msk [tilespmem:v27+s18+$0x0], $0xffff  }
0x1e8: {  	v27 =	vand.u32 $0xFF, v21;
	v20 =	vadd.f32 v25, v20;
	v25 =	vld.idx.msk [tilespmem:v28+s19+$0x0], $0xffff;
	v28 =	vshrl.u32 v21, $0x8  }
0x1e9: {  	v28 =	vand.u32 $0xFF, v28;
	v22 =	vld.idx.msk [tilespmem:v22+s2+$0x0], $0xffff  }
0x1ea: {  	v20 =	vadd.f32 v23, v20;
	v23 =	vadd.s32 $0x285, v14  }
0x1eb: {  	v24 =	vld.idx.msk [tilespmem:v24+s20+$0x0], $0xffff  }
0x1ec: {  	v21 =	vshra.s32 v21, $0x10;
	v20 =	vadd.f32 v26, v20  }
0x1ed: {  	v26 =	vld.idx.msk [tilespmem:v27+s18+$0x0], $0xffff  }
0x1ee: {  	v20 =	vadd.f32 v25, v20;
	v25 =	vld.idx.msk [tilespmem:v28+s19+$0x0], $0xffff;
	v27 =	vand.u32 $0xFF, v22;
	v28 =	vshrl.u32 v22, $0x8  }
0x1ef: {  	v28 =	vand.u32 $0xFF, v28;
	v23 =	vld.idx.msk [tilespmem:v23+s2+$0x0], $0xffff  }
0x1f0: {  	v20 =	vadd.f32 v24, v20;
	v24 =	vadd.s32 $0x286, v14  }
0x1f1: {  	v21 =	vld.idx.msk [tilespmem:v21+s20+$0x0], $0xffff  }
0x1f2: {  	v22 =	vshra.s32 v22, $0x10;
	v20 =	vadd.f32 v26, v20  }
0x1f3: {  	v26 =	vld.idx.msk [tilespmem:v27+s18+$0x0], $0xffff  }
0x1f4: {  	v20 =	vadd.f32 v25, v20;
	v25 =	vld.idx.msk [tilespmem:v28+s19+$0x0], $0xffff;
	v27 =	vand.u32 $0xFF, v23;
	v28 =	vshrl.u32 v23, $0x8  }
0x1f5: {  	v28 =	vand.u32 $0xFF, v28;
	v24 =	vld.idx.msk [tilespmem:v24+s2+$0x0], $0xffff  }
0x1f6: {  	v20 =	vadd.f32 v21, v20;
	v21 =	vadd.s32 $0x287, v14  }
0x1f7: {  	v22 =	vld.idx.msk [tilespmem:v22+s20+$0x0], $0xffff  }
0x1f8: {  	v23 =	vshra.s32 v23, $0x10;
	v20 =	vadd.f32 v26, v20  }
0x1f9: {  	v26 =	vld.idx.msk [tilespmem:v27+s18+$0x0], $0xffff  }
0x1fa: {  	v20 =	vadd.f32 v25, v20;
	v25 =	vld.idx.msk [tilespmem:v28+s19+$0x0], $0xffff;
	v27 =	vand.u32 $0xFF, v24;
	v28 =	vshrl.u32 v24, $0x8  }
0x1fb: {  	v28 =	vand.u32 $0xFF, v28;
	v21 =	vld.idx.msk [tilespmem:v21+s2+$0x0], $0xffff  }
0x1fc: {  	v20 =	vadd.f32 v22, v20;
	v22 =	vadd.s32 $0x288, v14  }
0x1fd: {  	v23 =	vld.idx.msk [tilespmem:v23+s20+$0x0], $0xffff  }
0x1fe: {  	v24 =	vshra.s32 v24, $0x10;
	v20 =	vadd.f32 v26, v20  }
0x1ff: {  	v26 =	vld.idx.msk [tilespmem:v27+s18+$0x0], $0xffff  }
0x200: {  	v20 =	vadd.f32 v25, v20;
	v25 =	vld.idx.msk [tilespmem:v28+s19+$0x0], $0xffff;
	v27 =	vand.u32 $0xFF, v21;
	v28 =	vshrl.u32 v21, $0x8  }
0x201: {  	v28 =	vand.u32 $0xFF, v28;
	v22 =	vld.idx.msk [tilespmem:v22+s2+$0x0], $0xffff  }
0x202: {  	v20 =	vadd.f32 v23, v20;
	v23 =	vadd.s32 $0x289, v14  }
0x203: {  	v24 =	vld.idx.msk [tilespmem:v24+s20+$0x0], $0xffff  }
0x204: {  	v21 =	vshra.s32 v21, $0x10;
	v20 =	vadd.f32 v26, v20  }
0x205: {  	v26 =	vld.idx.msk [tilespmem:v27+s18+$0x0], $0xffff  }
0x206: {  	v20 =	vadd.f32 v25, v20;
	v25 =	vld.idx.msk [tilespmem:v28+s19+$0x0], $0xffff;
	v27 =	vand.u32 $0xFF, v22;
	v28 =	vshrl.u32 v22, $0x8  }
0x207: {  	v28 =	vand.u32 $0xFF, v28;
	v23 =	vld.idx.msk [tilespmem:v23+s2+$0x0], $0xffff  }
0x208: {  	v20 =	vadd.f32 v24, v20;
	v24 =	vadd.s32 $0x28A, v14  }
0x209: {  	v21 =	vld.idx.msk [tilespmem:v21+s20+$0x0], $0xffff  }
0x20a: {  	v22 =	vshra.s32 v22, $0x10;
	v20 =	vadd.f32 v26, v20  }
0x20b: {  	v26 =	vld.idx.msk [tilespmem:v27+s18+$0x0], $0xffff  }
0x20c: {  	v20 =	vadd.f32 v25, v20;
	v25 =	vld.idx.msk [tilespmem:v28+s19+$0x0], $0xffff;
	v27 =	vand.u32 $0xFF, v23;
	v28 =	vshrl.u32 v23, $0x8  }
0x20d: {  	v28 =	vand.u32 $0xFF, v28;
	v24 =	vld.idx.msk [tilespmem:v24+s2+$0x0], $0xffff  }
0x20e: {  	v20 =	vadd.f32 v21, v20;
	v21 =	vadd.s32 $0x28B, v14  }
0x20f: {  	v22 =	vld.idx.msk [tilespmem:v22+s20+$0x0], $0xffff  }
0x210: {  	v23 =	vshra.s32 v23, $0x10;
	v20 =	vadd.f32 v26, v20  }
0x211: {  	v26 =	vld.idx.msk [tilespmem:v27+s18+$0x0], $0xffff  }
0x212: {  	v20 =	vadd.f32 v25, v20;
	v25 =	vld.idx.msk [tilespmem:v28+s19+$0x0], $0xffff;
	v27 =	vand.u32 $0xFF, v24;
	v28 =	vshrl.u32 v24, $0x8  }
0x213: {  	v28 =	vand.u32 $0xFF, v28;
	v21 =	vld.idx.msk [tilespmem:v21+s2+$0x0], $0xffff  }
0x214: {  	v20 =	vadd.f32 v22, v20;
	v22 =	vadd.s32 $0x28C, v14  }
0x215: {  	v23 =	vld.idx.msk [tilespmem:v23+s20+$0x0], $0xffff  }
0x216: {  	v24 =	vshra.s32 v24, $0x10;
	v20 =	vadd.f32 v26, v20  }
0x217: {  	v26 =	vld.idx.msk [tilespmem:v27+s18+$0x0], $0xffff  }
0x218: {  	v20 =	vadd.f32 v25, v20;
	v25 =	vld.idx.msk [tilespmem:v28+s19+$0x0], $0xffff;
	v27 =	vand.u32 $0xFF, v21;
	v28 =	vshrl.u32 v21, $0x8  }
0x219: {  	v28 =	vand.u32 $0xFF, v28;
	v22 =	vld.idx.msk [tilespmem:v22+s2+$0x0], $0xffff  }
0x21a: {  	v20 =	vadd.f32 v23, v20;
	v23 =	vadd.s32 $0x28D, v14  }
0x21b: {  	v24 =	vld.idx.msk [tilespmem:v24+s20+$0x0], $0xffff  }
0x21c: {  	v21 =	vshra.s32 v21, $0x10;
	v20 =	vadd.f32 v26, v20  }
0x21d: {  	v26 =	vld.idx.msk [tilespmem:v27+s18+$0x0], $0xffff  }
0x21e: {  	v20 =	vadd.f32 v25, v20;
	v25 =	vld.idx.msk [tilespmem:v28+s19+$0x0], $0xffff;
	v27 =	vand.u32 $0xFF, v22;
	v28 =	vshrl.u32 v22, $0x8  }
0x21f: {  	v28 =	vand.u32 $0xFF, v28;
	v23 =	vld.idx.msk [tilespmem:v23+s2+$0x0], $0xffff  }
0x220: {  	v20 =	vadd.f32 v24, v20;
	v24 =	vadd.s32 $0x28E, v14  }
0x221: {  	v21 =	vld.idx.msk [tilespmem:v21+s20+$0x0], $0xffff  }
0x222: {  	v22 =	vshra.s32 v22, $0x10;
	v20 =	vadd.f32 v26, v20  }
0x223: {  	v26 =	vld.idx.msk [tilespmem:v27+s18+$0x0], $0xffff  }
0x224: {  	v20 =	vadd.f32 v25, v20;
	v25 =	vld.idx.msk [tilespmem:v28+s19+$0x0], $0xffff;
	v27 =	vand.u32 $0xFF, v23;
	v28 =	vshrl.u32 v23, $0x8  }
0x225: {  	v28 =	vand.u32 $0xFF, v28;
	v24 =	vld.idx.msk [tilespmem:v24+s2+$0x0], $0xffff  }
0x226: {  	v20 =	vadd.f32 v21, v20;
	v21 =	vadd.s32 $0x28F, v14  }
0x227: {  	v22 =	vld.idx.msk [tilespmem:v22+s20+$0x0], $0xffff  }
0x228: {  	v23 =	vshra.s32 v23, $0x10;
	v20 =	vadd.f32 v26, v20  }
0x229: {  	v26 =	vld.idx.msk [tilespmem:v27+s18+$0x0], $0xffff  }
0x22a: {  	v20 =	vadd.f32 v25, v20;
	v25 =	vld.idx.msk [tilespmem:v28+s19+$0x0], $0xffff;
	v27 =	vand.u32 $0xFF, v24;
	v28 =	vshrl.u32 v24, $0x8  }
0x22b: {  	v28 =	vand.u32 $0xFF, v28;
	v21 =	vld.idx.msk [tilespmem:v21+s2+$0x0], $0xffff  }
0x22c: {  	v20 =	vadd.f32 v22, v20;
	v22 =	vadd.s32 $0x290, v14  }
0x22d: {  	v23 =	vld.idx.msk [tilespmem:v23+s20+$0x0], $0xffff  }
0x22e: {  	v24 =	vshra.s32 v24, $0x10;
	v20 =	vadd.f32 v26, v20  }
0x22f: {  	v26 =	vld.idx.msk [tilespmem:v27+s18+$0x0], $0xffff  }
0x230: {  	v20 =	vadd.f32 v25, v20;
	v25 =	vld.idx.msk [tilespmem:v28+s19+$0x0], $0xffff;
	v27 =	vand.u32 $0xFF, v21;
	v28 =	vshrl.u32 v21, $0x8  }
0x231: {  	v28 =	vand.u32 $0xFF, v28;
	v22 =	vld.idx.msk [tilespmem:v22+s2+$0x0], $0xffff  }
0x232: {  	v20 =	vadd.f32 v23, v20;
	v23 =	vadd.s32 $0x291, v14  }
0x233: {  	v24 =	vld.idx.msk [tilespmem:v24+s20+$0x0], $0xffff  }
0x234: {  	v21 =	vshra.s32 v21, $0x10;
	v20 =	vadd.f32 v26, v20  }
0x235: {  	v26 =	vld.idx.msk [tilespmem:v27+s18+$0x0], $0xffff  }
0x236: {  	v20 =	vadd.f32 v25, v20;
	v25 =	vld.idx.msk [tilespmem:v28+s19+$0x0], $0xffff;
	v27 =	vand.u32 $0xFF, v22;
	v28 =	vshrl.u32 v22, $0x8  }
0x237: {  	v28 =	vand.u32 $0xFF, v28;
	v23 =	vld.idx.msk [tilespmem:v23+s2+$0x0], $0xffff  }
0x238: {  	v20 =	vadd.f32 v24, v20;
	v24 =	vadd.s32 $0x292, v14  }
0x239: {  	v21 =	vld.idx.msk [tilespmem:v21+s20+$0x0], $0xffff  }
0x23a: {  	v22 =	vshra.s32 v22, $0x10;
	v20 =	vadd.f32 v26, v20  }
0x23b: {  	v26 =	vld.idx.msk [tilespmem:v27+s18+$0x0], $0xffff  }
0x23c: {  	v20 =	vadd.f32 v25, v20;
	v25 =	vld.idx.msk [tilespmem:v28+s19+$0x0], $0xffff;
	v27 =	vand.u32 $0xFF, v23;
	v28 =	vshrl.u32 v23, $0x8  }
0x23d: {  	v28 =	vand.u32 $0xFF, v28;
	v24 =	vld.idx.msk [tilespmem:v24+s2+$0x0], $0xffff  }
0x23e: {  	v20 =	vadd.f32 v21, v20;
	v21 =	vadd.s32 $0x293, v14  }
0x23f: {  	v22 =	vld.idx.msk [tilespmem:v22+s20+$0x0], $0xffff  }
0x240: {  	v23 =	vshra.s32 v23, $0x10;
	v20 =	vadd.f32 v26, v20  }
0x241: {  	v26 =	vld.idx.msk [tilespmem:v27+s18+$0x0], $0xffff  }
0x242: {  	v20 =	vadd.f32 v25, v20;
	v25 =	vld.idx.msk [tilespmem:v28+s19+$0x0], $0xffff;
	v27 =	vand.u32 $0xFF, v24  }
0x243: {  	v28 =	vshrl.u32 v24, $0x8;
	v21 =	vld.idx.msk [tilespmem:v21+s2+$0x0], $0xffff  }
0x244: {  	v20 =	vadd.f32 v22, v20;
	v22 =	vand.u32 $0xFF, v28  }
0x245: {  	v23 =	vld.idx.msk [tilespmem:v23+s20+$0x0], $0xffff  }
0x246: {  	v24 =	vshra.s32 v24, $0x10;
	v20 =	vadd.f32 v26, v20  }
0x247: {  	v26 =	vld.idx.msk [tilespmem:v27+s18+$0x0], $0xffff  }
0x248: {  	v20 =	vadd.f32 v25, v20;
	v25 =	vand.u32 $0xFF, v21  }
0x249: {  	v27 =	vshrl.u32 v21, $0x8;
	v22 =	vld.idx.msk [tilespmem:v22+s19+$0x0], $0xffff  }
0x24a: {  	v20 =	vadd.f32 v23, v20;
	v23 =	vand.u32 $0xFF, v27  }
0x24b: {  	v24 =	vld.idx.msk [tilespmem:v24+s20+$0x0], $0xffff  }
0x24c: {  	v21 =	vshra.s32 v21, $0x10;
	v20 =	vadd.f32 v26, v20  }
0x24d: {  	v25 =	vld.idx.msk [tilespmem:v25+s18+$0x0], $0xffff  }
0x24e: {  	v20 =	vadd.f32 v22, v20  }
0x24f: {  	v26 =	vld.idx.msk [tilespmem:v23+s19+$0x0], $0xffff  }
0x250: {  	v20 =	vadd.f32 v24, v20  }
0x251: {  	v21 =	vld.idx.msk [tilespmem:v21+s20+$0x0], $0xffff  }
0x252: {  	v20 =	vadd.f32 v25, v20;
	_ =	sdelay $0x1  }
0x253: {  	v20 =	vadd.f32 v26, v20;
	v26 =	vadd.s32 $0x3C0, v14;
	_ =	sdelay $0x1  }
0x254: {  	v20 =	vadd.f32 v21, v20;
	_ =	sdelay $0x1  }
0x255: {  	v24 =	vor.u32 $0x60, v13;
	[tilespmem:$0x10A0] =	vst v20  }
0x256: {  	v25 =	vor.u32 $0x61, v13;
	v22 =	vld.idx.msk [tilespmem:v26+s2+$0x0], $0xffff  }
0x257: {  	v23 =	vadd.s32 $0x3C1, v14;
	_ =	sdelay $0x2  }
0x258: {  	v21 =	vld.idx.msk [tilespmem:v24+s11+$0x0], $0xffff  }
0x259: {  	v20 =	vld.idx.msk [tilespmem:v25+s11+$0x0], $0xffff;
	v24 =	vand.u32 $0xFF, v22  }
0x25a: {  	v23 =	vld.idx.msk [tilespmem:v23+s2+$0x0], $0xffff;
	v26 =	vadd.s32 $0x3C2, v14;
	v25 =	vshrl.u32 v22, $0x8  }
0x25b: {  	v25 =	vand.u32 $0xFF, v25;
	_ =	sdelay $0x1  }
0x25c: {  	v21 =	vmul.f32 v21, v18;
	v22 =	vshra.s32 v22, $0x10  }
0x25d: {  	v20 =	vmul.f32 v20, v63;
	v24 =	vld.idx.msk [tilespmem:v24+s18+$0x0], $0xffff  }
0x25e: {  	v27 =	vand.u32 $0xFF, v23;
	v28 =	vshrl.u32 v23, $0x8;
	v26 =	vld.idx.msk [tilespmem:v26+s2+$0x0], $0xffff;
	v21 =	vadd.f32 v21, v19  }
0x25f: {  	v28 =	vand.u32 $0xFF, v28;
	v25 =	vld.idx.msk [tilespmem:v25+s19+$0x0], $0xffff  }
0x260: {  	v20 =	vadd.f32 v20, v21;
	v21 =	vadd.s32 $0x3C3, v14  }
0x261: {  	v22 =	vld.idx.msk [tilespmem:v22+s20+$0x0], $0xffff  }
0x262: {  	v23 =	vshra.s32 v23, $0x10;
	v20 =	vadd.f32 v20, v24  }
0x263: {  	v24 =	vld.idx.msk [tilespmem:v27+s18+$0x0], $0xffff  }
0x264: {  	v27 =	vand.u32 $0xFF, v26;
	v20 =	vadd.f32 v20, v25;
	v25 =	vld.idx.msk [tilespmem:v28+s19+$0x0], $0xffff;
	v28 =	vshrl.u32 v26, $0x8  }
0x265: {  	v21 =	vld.idx.msk [tilespmem:v21+s2+$0x0], $0xffff;
	v28 =	vand.u32 $0xFF, v28  }
0x266: {  	v20 =	vadd.f32 v20, v22;
	v22 =	vadd.s32 $0x3C4, v14  }
0x267: {  	v23 =	vld.idx.msk [tilespmem:v23+s20+$0x0], $0xffff  }
0x268: {  	v20 =	vadd.f32 v24, v20;
	v24 =	vshra.s32 v26, $0x10  }
0x269: {  	v26 =	vld.idx.msk [tilespmem:v27+s18+$0x0], $0xffff  }
0x26a: {  	v27 =	vand.u32 $0xFF, v21;
	v20 =	vadd.f32 v25, v20;
	v25 =	vld.idx.msk [tilespmem:v28+s19+$0x0], $0xffff;
	v28 =	vshrl.u32 v21, $0x8  }
0x26b: {  	v28 =	vand.u32 $0xFF, v28;
	v22 =	vld.idx.msk [tilespmem:v22+s2+$0x0], $0xffff  }
0x26c: {  	v20 =	vadd.f32 v23, v20;
	v23 =	vadd.s32 $0x3C5, v14  }
0x26d: {  	v24 =	vld.idx.msk [tilespmem:v24+s20+$0x0], $0xffff  }
0x26e: {  	v21 =	vshra.s32 v21, $0x10;
	v20 =	vadd.f32 v26, v20  }
0x26f: {  	v26 =	vld.idx.msk [tilespmem:v27+s18+$0x0], $0xffff  }
0x270: {  	v20 =	vadd.f32 v25, v20;
	v25 =	vld.idx.msk [tilespmem:v28+s19+$0x0], $0xffff;
	v27 =	vand.u32 $0xFF, v22;
	v28 =	vshrl.u32 v22, $0x8  }
0x271: {  	v28 =	vand.u32 $0xFF, v28;
	v23 =	vld.idx.msk [tilespmem:v23+s2+$0x0], $0xffff  }
0x272: {  	v20 =	vadd.f32 v24, v20;
	v24 =	vadd.s32 $0x3C6, v14  }
0x273: {  	v21 =	vld.idx.msk [tilespmem:v21+s20+$0x0], $0xffff  }
0x274: {  	v22 =	vshra.s32 v22, $0x10;
	v20 =	vadd.f32 v26, v20  }
0x275: {  	v26 =	vld.idx.msk [tilespmem:v27+s18+$0x0], $0xffff  }
0x276: {  	v20 =	vadd.f32 v25, v20;
	v25 =	vld.idx.msk [tilespmem:v28+s19+$0x0], $0xffff;
	v27 =	vand.u32 $0xFF, v23;
	v28 =	vshrl.u32 v23, $0x8  }
0x277: {  	v28 =	vand.u32 $0xFF, v28;
	v24 =	vld.idx.msk [tilespmem:v24+s2+$0x0], $0xffff  }
0x278: {  	v20 =	vadd.f32 v21, v20;
	v21 =	vadd.s32 $0x3C7, v14  }
0x279: {  	v22 =	vld.idx.msk [tilespmem:v22+s20+$0x0], $0xffff  }
0x27a: {  	v23 =	vshra.s32 v23, $0x10;
	v20 =	vadd.f32 v26, v20  }
0x27b: {  	v26 =	vld.idx.msk [tilespmem:v27+s18+$0x0], $0xffff  }
0x27c: {  	v20 =	vadd.f32 v25, v20;
	v25 =	vld.idx.msk [tilespmem:v28+s19+$0x0], $0xffff;
	v27 =	vand.u32 $0xFF, v24;
	v28 =	vshrl.u32 v24, $0x8  }
0x27d: {  	v28 =	vand.u32 $0xFF, v28;
	v21 =	vld.idx.msk [tilespmem:v21+s2+$0x0], $0xffff  }
0x27e: {  	v20 =	vadd.f32 v22, v20;
	v22 =	vadd.s32 $0x3C8, v14  }
0x27f: {  	v23 =	vld.idx.msk [tilespmem:v23+s20+$0x0], $0xffff  }
0x280: {  	v24 =	vshra.s32 v24, $0x10;
	v20 =	vadd.f32 v26, v20  }
0x281: {  	v26 =	vld.idx.msk [tilespmem:v27+s18+$0x0], $0xffff  }
0x282: {  	v20 =	vadd.f32 v25, v20;
	v25 =	vld.idx.msk [tilespmem:v28+s19+$0x0], $0xffff;
	v27 =	vand.u32 $0xFF, v21;
	v28 =	vshrl.u32 v21, $0x8  }
0x283: {  	v28 =	vand.u32 $0xFF, v28;
	v22 =	vld.idx.msk [tilespmem:v22+s2+$0x0], $0xffff  }
0x284: {  	v20 =	vadd.f32 v23, v20;
	v23 =	vadd.s32 $0x3C9, v14  }
0x285: {  	v24 =	vld.idx.msk [tilespmem:v24+s20+$0x0], $0xffff  }
0x286: {  	v21 =	vshra.s32 v21, $0x10;
	v20 =	vadd.f32 v26, v20  }
0x287: {  	v26 =	vld.idx.msk [tilespmem:v27+s18+$0x0], $0xffff  }
0x288: {  	v20 =	vadd.f32 v25, v20;
	v25 =	vld.idx.msk [tilespmem:v28+s19+$0x0], $0xffff;
	v27 =	vand.u32 $0xFF, v22;
	v28 =	vshrl.u32 v22, $0x8  }
0x289: {  	v28 =	vand.u32 $0xFF, v28;
	v23 =	vld.idx.msk [tilespmem:v23+s2+$0x0], $0xffff  }
0x28a: {  	v20 =	vadd.f32 v24, v20;
	v24 =	vadd.s32 $0x3CA, v14  }
0x28b: {  	v21 =	vld.idx.msk [tilespmem:v21+s20+$0x0], $0xffff  }
0x28c: {  	v22 =	vshra.s32 v22, $0x10;
	v20 =	vadd.f32 v26, v20  }
0x28d: {  	v26 =	vld.idx.msk [tilespmem:v27+s18+$0x0], $0xffff  }
0x28e: {  	v20 =	vadd.f32 v25, v20;
	v25 =	vld.idx.msk [tilespmem:v28+s19+$0x0], $0xffff;
	v27 =	vand.u32 $0xFF, v23;
	v28 =	vshrl.u32 v23, $0x8  }
0x28f: {  	v28 =	vand.u32 $0xFF, v28;
	v24 =	vld.idx.msk [tilespmem:v24+s2+$0x0], $0xffff  }
0x290: {  	v20 =	vadd.f32 v21, v20;
	v21 =	vadd.s32 $0x3CB, v14  }
0x291: {  	v22 =	vld.idx.msk [tilespmem:v22+s20+$0x0], $0xffff  }
0x292: {  	v23 =	vshra.s32 v23, $0x10;
	v20 =	vadd.f32 v26, v20  }
0x293: {  	v26 =	vld.idx.msk [tilespmem:v27+s18+$0x0], $0xffff  }
0x294: {  	v20 =	vadd.f32 v25, v20;
	v25 =	vld.idx.msk [tilespmem:v28+s19+$0x0], $0xffff;
	v27 =	vand.u32 $0xFF, v24;
	v28 =	vshrl.u32 v24, $0x8  }
0x295: {  	v28 =	vand.u32 $0xFF, v28;
	v21 =	vld.idx.msk [tilespmem:v21+s2+$0x0], $0xffff  }
0x296: {  	v20 =	vadd.f32 v22, v20;
	v22 =	vadd.s32 $0x3CC, v14  }
0x297: {  	v23 =	vld.idx.msk [tilespmem:v23+s20+$0x0], $0xffff  }
0x298: {  	v24 =	vshra.s32 v24, $0x10;
	v20 =	vadd.f32 v26, v20  }
0x299: {  	v26 =	vld.idx.msk [tilespmem:v27+s18+$0x0], $0xffff  }
0x29a: {  	v20 =	vadd.f32 v25, v20;
	v25 =	vld.idx.msk [tilespmem:v28+s19+$0x0], $0xffff;
	v27 =	vand.u32 $0xFF, v21;
	v28 =	vshrl.u32 v21, $0x8  }
0x29b: {  	v28 =	vand.u32 $0xFF, v28;
	v22 =	vld.idx.msk [tilespmem:v22+s2+$0x0], $0xffff  }
0x29c: {  	v20 =	vadd.f32 v23, v20;
	v23 =	vadd.s32 $0x3CD, v14  }
0x29d: {  	v24 =	vld.idx.msk [tilespmem:v24+s20+$0x0], $0xffff  }
0x29e: {  	v21 =	vshra.s32 v21, $0x10;
	v20 =	vadd.f32 v26, v20  }
0x29f: {  	v26 =	vld.idx.msk [tilespmem:v27+s18+$0x0], $0xffff  }
0x2a0: {  	v20 =	vadd.f32 v25, v20;
	v25 =	vld.idx.msk [tilespmem:v28+s19+$0x0], $0xffff;
	v27 =	vand.u32 $0xFF, v22;
	v28 =	vshrl.u32 v22, $0x8  }
0x2a1: {  	v28 =	vand.u32 $0xFF, v28;
	v23 =	vld.idx.msk [tilespmem:v23+s2+$0x0], $0xffff  }
0x2a2: {  	v20 =	vadd.f32 v24, v20;
	v24 =	vadd.s32 $0x3CE, v14  }
0x2a3: {  	v21 =	vld.idx.msk [tilespmem:v21+s20+$0x0], $0xffff  }
0x2a4: {  	v22 =	vshra.s32 v22, $0x10;
	v20 =	vadd.f32 v26, v20  }
0x2a5: {  	v26 =	vld.idx.msk [tilespmem:v27+s18+$0x0], $0xffff  }
0x2a6: {  	v20 =	vadd.f32 v25, v20;
	v25 =	vld.idx.msk [tilespmem:v28+s19+$0x0], $0xffff;
	v27 =	vand.u32 $0xFF, v23;
	v28 =	vshrl.u32 v23, $0x8  }
0x2a7: {  	v28 =	vand.u32 $0xFF, v28;
	v24 =	vld.idx.msk [tilespmem:v24+s2+$0x0], $0xffff  }
0x2a8: {  	v20 =	vadd.f32 v21, v20;
	v21 =	vadd.s32 $0x3CF, v14  }
0x2a9: {  	v22 =	vld.idx.msk [tilespmem:v22+s20+$0x0], $0xffff  }
0x2aa: {  	v23 =	vshra.s32 v23, $0x10;
	v20 =	vadd.f32 v26, v20  }
0x2ab: {  	v26 =	vld.idx.msk [tilespmem:v27+s18+$0x0], $0xffff  }
0x2ac: {  	v20 =	vadd.f32 v25, v20;
	v25 =	vld.idx.msk [tilespmem:v28+s19+$0x0], $0xffff;
	v27 =	vand.u32 $0xFF, v24;
	v28 =	vshrl.u32 v24, $0x8  }
0x2ad: {  	v28 =	vand.u32 $0xFF, v28;
	v21 =	vld.idx.msk [tilespmem:v21+s2+$0x0], $0xffff  }
0x2ae: {  	v20 =	vadd.f32 v22, v20;
	v22 =	vadd.s32 $0x3D0, v14  }
0x2af: {  	v23 =	vld.idx.msk [tilespmem:v23+s20+$0x0], $0xffff  }
0x2b0: {  	v24 =	vshra.s32 v24, $0x10;
	v20 =	vadd.f32 v26, v20  }
0x2b1: {  	v26 =	vld.idx.msk [tilespmem:v27+s18+$0x0], $0xffff  }
0x2b2: {  	v20 =	vadd.f32 v25, v20;
	v25 =	vld.idx.msk [tilespmem:v28+s19+$0x0], $0xffff;
	v27 =	vand.u32 $0xFF, v21;
	v28 =	vshrl.u32 v21, $0x8  }
0x2b3: {  	v28 =	vand.u32 $0xFF, v28;
	v22 =	vld.idx.msk [tilespmem:v22+s2+$0x0], $0xffff  }
0x2b4: {  	v20 =	vadd.f32 v23, v20;
	v23 =	vadd.s32 $0x3D1, v14  }
0x2b5: {  	v24 =	vld.idx.msk [tilespmem:v24+s20+$0x0], $0xffff  }
0x2b6: {  	v21 =	vshra.s32 v21, $0x10;
	v20 =	vadd.f32 v26, v20  }
0x2b7: {  	v26 =	vld.idx.msk [tilespmem:v27+s18+$0x0], $0xffff  }
0x2b8: {  	v20 =	vadd.f32 v25, v20;
	v25 =	vld.idx.msk [tilespmem:v28+s19+$0x0], $0xffff;
	v27 =	vand.u32 $0xFF, v22;
	v28 =	vshrl.u32 v22, $0x8  }
0x2b9: {  	v28 =	vand.u32 $0xFF, v28;
	v23 =	vld.idx.msk [tilespmem:v23+s2+$0x0], $0xffff  }
0x2ba: {  	v20 =	vadd.f32 v24, v20;
	v24 =	vadd.s32 $0x3D2, v14  }
0x2bb: {  	v21 =	vld.idx.msk [tilespmem:v21+s20+$0x0], $0xffff  }
0x2bc: {  	v22 =	vshra.s32 v22, $0x10;
	v20 =	vadd.f32 v26, v20  }
0x2bd: {  	v26 =	vld.idx.msk [tilespmem:v27+s18+$0x0], $0xffff  }
0x2be: {  	v20 =	vadd.f32 v25, v20;
	v25 =	vld.idx.msk [tilespmem:v28+s19+$0x0], $0xffff;
	v27 =	vand.u32 $0xFF, v23;
	v28 =	vshrl.u32 v23, $0x8  }
0x2bf: {  	v28 =	vand.u32 $0xFF, v28;
	v24 =	vld.idx.msk [tilespmem:v24+s2+$0x0], $0xffff  }
0x2c0: {  	v20 =	vadd.f32 v21, v20;
	v21 =	vadd.s32 $0x3D3, v14  }
0x2c1: {  	v22 =	vld.idx.msk [tilespmem:v22+s20+$0x0], $0xffff  }
0x2c2: {  	v23 =	vshra.s32 v23, $0x10;
	v20 =	vadd.f32 v26, v20  }
0x2c3: {  	v26 =	vld.idx.msk [tilespmem:v27+s18+$0x0], $0xffff  }
0x2c4: {  	v20 =	vadd.f32 v25, v20;
	v25 =	vld.idx.msk [tilespmem:v28+s19+$0x0], $0xffff;
	v27 =	vand.u32 $0xFF, v24  }
0x2c5: {  	v28 =	vshrl.u32 v24, $0x8;
	v21 =	vld.idx.msk [tilespmem:v21+s2+$0x0], $0xffff  }
0x2c6: {  	v20 =	vadd.f32 v22, v20;
	v22 =	vand.u32 $0xFF, v28  }
0x2c7: {  	v23 =	vld.idx.msk [tilespmem:v23+s20+$0x0], $0xffff  }
0x2c8: {  	v24 =	vshra.s32 v24, $0x10;
	v20 =	vadd.f32 v26, v20  }
0x2c9: {  	v26 =	vld.idx.msk [tilespmem:v27+s18+$0x0], $0xffff  }
0x2ca: {  	v20 =	vadd.f32 v25, v20;
	v25 =	vand.u32 $0xFF, v21  }
0x2cb: {  	v27 =	vshrl.u32 v21, $0x8;
	v22 =	vld.idx.msk [tilespmem:v22+s19+$0x0], $0xffff  }
0x2cc: {  	v20 =	vadd.f32 v23, v20;
	v23 =	vand.u32 $0xFF, v27  }
0x2cd: {  	v24 =	vld.idx.msk [tilespmem:v24+s20+$0x0], $0xffff  }
0x2ce: {  	v21 =	vshra.s32 v21, $0x10;
	v20 =	vadd.f32 v26, v20  }
0x2cf: {  	v25 =	vld.idx.msk [tilespmem:v25+s18+$0x0], $0xffff  }
0x2d0: {  	v20 =	vadd.f32 v22, v20  }
0x2d1: {  	v26 =	vld.idx.msk [tilespmem:v23+s19+$0x0], $0xffff  }
0x2d2: {  	v20 =	vadd.f32 v24, v20  }
0x2d3: {  	v21 =	vld.idx.msk [tilespmem:v21+s20+$0x0], $0xffff  }
0x2d4: {  	v20 =	vadd.f32 v25, v20;
	_ =	sdelay $0x1  }
0x2d5: {  	v20 =	vadd.f32 v26, v20;
	v26 =	vadd.s32 $0x500, v14;
	_ =	sdelay $0x1  }
0x2d6: {  	v20 =	vadd.f32 v21, v20;
	_ =	sdelay $0x1  }
0x2d7: {  	v24 =	vor.u32 $0x80, v13;
	[tilespmem:$0x10B0] =	vst v20  }
0x2d8: {  	v25 =	vor.u32 $0x81, v13;
	v22 =	vld.idx.msk [tilespmem:v26+s2+$0x0], $0xffff  }
0x2d9: {  	v23 =	vadd.s32 $0x501, v14;
	_ =	sdelay $0x2  }
0x2da: {  	v21 =	vld.idx.msk [tilespmem:v24+s11+$0x0], $0xffff  }
0x2db: {  	v20 =	vld.idx.msk [tilespmem:v25+s11+$0x0], $0xffff;
	v24 =	vand.u32 $0xFF, v22  }
0x2dc: {  	v23 =	vld.idx.msk [tilespmem:v23+s2+$0x0], $0xffff;
	v26 =	vadd.s32 $0x502, v14;
	v25 =	vshrl.u32 v22, $0x8  }
0x2dd: {  	v25 =	vand.u32 $0xFF, v25;
	_ =	sdelay $0x1  }
0x2de: {  	v21 =	vmul.f32 v21, v18;
	v22 =	vshra.s32 v22, $0x10  }
0x2df: {  	v20 =	vmul.f32 v20, v63;
	v24 =	vld.idx.msk [tilespmem:v24+s18+$0x0], $0xffff  }
0x2e0: {  	v27 =	vand.u32 $0xFF, v23;
	v28 =	vshrl.u32 v23, $0x8;
	v26 =	vld.idx.msk [tilespmem:v26+s2+$0x0], $0xffff;
	v21 =	vadd.f32 v21, v19  }
0x2e1: {  	v28 =	vand.u32 $0xFF, v28;
	v25 =	vld.idx.msk [tilespmem:v25+s19+$0x0], $0xffff  }
0x2e2: {  	v20 =	vadd.f32 v20, v21;
	v21 =	vadd.s32 $0x503, v14  }
0x2e3: {  	v22 =	vld.idx.msk [tilespmem:v22+s20+$0x0], $0xffff  }
0x2e4: {  	v23 =	vshra.s32 v23, $0x10;
	v20 =	vadd.f32 v20, v24  }
0x2e5: {  	v24 =	vld.idx.msk [tilespmem:v27+s18+$0x0], $0xffff  }
0x2e6: {  	v27 =	vand.u32 $0xFF, v26;
	v20 =	vadd.f32 v20, v25;
	v25 =	vld.idx.msk [tilespmem:v28+s19+$0x0], $0xffff;
	v28 =	vshrl.u32 v26, $0x8  }
0x2e7: {  	v21 =	vld.idx.msk [tilespmem:v21+s2+$0x0], $0xffff;
	v28 =	vand.u32 $0xFF, v28  }
0x2e8: {  	v20 =	vadd.f32 v20, v22;
	v22 =	vadd.s32 $0x504, v14  }
0x2e9: {  	v23 =	vld.idx.msk [tilespmem:v23+s20+$0x0], $0xffff  }
0x2ea: {  	v20 =	vadd.f32 v24, v20;
	v24 =	vshra.s32 v26, $0x10  }
0x2eb: {  	v26 =	vld.idx.msk [tilespmem:v27+s18+$0x0], $0xffff  }
0x2ec: {  	v27 =	vand.u32 $0xFF, v21;
	v20 =	vadd.f32 v25, v20;
	v25 =	vld.idx.msk [tilespmem:v28+s19+$0x0], $0xffff;
	v28 =	vshrl.u32 v21, $0x8  }
0x2ed: {  	v28 =	vand.u32 $0xFF, v28;
	v22 =	vld.idx.msk [tilespmem:v22+s2+$0x0], $0xffff  }
0x2ee: {  	v20 =	vadd.f32 v23, v20;
	v23 =	vadd.s32 $0x505, v14  }
0x2ef: {  	v24 =	vld.idx.msk [tilespmem:v24+s20+$0x0], $0xffff  }
0x2f0: {  	v21 =	vshra.s32 v21, $0x10;
	v20 =	vadd.f32 v26, v20  }
0x2f1: {  	v26 =	vld.idx.msk [tilespmem:v27+s18+$0x0], $0xffff  }
0x2f2: {  	v20 =	vadd.f32 v25, v20;
	v25 =	vld.idx.msk [tilespmem:v28+s19+$0x0], $0xffff;
	v27 =	vand.u32 $0xFF, v22;
	v28 =	vshrl.u32 v22, $0x8  }
0x2f3: {  	v28 =	vand.u32 $0xFF, v28;
	v23 =	vld.idx.msk [tilespmem:v23+s2+$0x0], $0xffff  }
0x2f4: {  	v20 =	vadd.f32 v24, v20;
	v24 =	vadd.s32 $0x506, v14  }
0x2f5: {  	v21 =	vld.idx.msk [tilespmem:v21+s20+$0x0], $0xffff  }
0x2f6: {  	v22 =	vshra.s32 v22, $0x10;
	v20 =	vadd.f32 v26, v20  }
0x2f7: {  	v26 =	vld.idx.msk [tilespmem:v27+s18+$0x0], $0xffff  }
0x2f8: {  	v20 =	vadd.f32 v25, v20;
	v25 =	vld.idx.msk [tilespmem:v28+s19+$0x0], $0xffff;
	v27 =	vand.u32 $0xFF, v23;
	v28 =	vshrl.u32 v23, $0x8  }
0x2f9: {  	v28 =	vand.u32 $0xFF, v28;
	v24 =	vld.idx.msk [tilespmem:v24+s2+$0x0], $0xffff  }
0x2fa: {  	v20 =	vadd.f32 v21, v20;
	v21 =	vadd.s32 $0x507, v14  }
0x2fb: {  	v22 =	vld.idx.msk [tilespmem:v22+s20+$0x0], $0xffff  }
0x2fc: {  	v23 =	vshra.s32 v23, $0x10;
	v20 =	vadd.f32 v26, v20  }
0x2fd: {  	v26 =	vld.idx.msk [tilespmem:v27+s18+$0x0], $0xffff  }
0x2fe: {  	v20 =	vadd.f32 v25, v20;
	v25 =	vld.idx.msk [tilespmem:v28+s19+$0x0], $0xffff;
	v27 =	vand.u32 $0xFF, v24;
	v28 =	vshrl.u32 v24, $0x8  }
0x2ff: {  	v28 =	vand.u32 $0xFF, v28;
	v21 =	vld.idx.msk [tilespmem:v21+s2+$0x0], $0xffff  }
0x300: {  	v20 =	vadd.f32 v22, v20;
	v22 =	vadd.s32 $0x508, v14  }
0x301: {  	v23 =	vld.idx.msk [tilespmem:v23+s20+$0x0], $0xffff  }
0x302: {  	v24 =	vshra.s32 v24, $0x10;
	v20 =	vadd.f32 v26, v20  }
0x303: {  	v26 =	vld.idx.msk [tilespmem:v27+s18+$0x0], $0xffff  }
0x304: {  	v20 =	vadd.f32 v25, v20;
	v25 =	vld.idx.msk [tilespmem:v28+s19+$0x0], $0xffff;
	v27 =	vand.u32 $0xFF, v21;
	v28 =	vshrl.u32 v21, $0x8  }
0x305: {  	v28 =	vand.u32 $0xFF, v28;
	v22 =	vld.idx.msk [tilespmem:v22+s2+$0x0], $0xffff  }
0x306: {  	v20 =	vadd.f32 v23, v20;
	v23 =	vadd.s32 $0x509, v14  }
0x307: {  	v24 =	vld.idx.msk [tilespmem:v24+s20+$0x0], $0xffff  }
0x308: {  	v21 =	vshra.s32 v21, $0x10;
	v20 =	vadd.f32 v26, v20  }
0x309: {  	v26 =	vld.idx.msk [tilespmem:v27+s18+$0x0], $0xffff  }
0x30a: {  	v20 =	vadd.f32 v25, v20;
	v25 =	vld.idx.msk [tilespmem:v28+s19+$0x0], $0xffff;
	v27 =	vand.u32 $0xFF, v22;
	v28 =	vshrl.u32 v22, $0x8  }
0x30b: {  	v28 =	vand.u32 $0xFF, v28;
	v23 =	vld.idx.msk [tilespmem:v23+s2+$0x0], $0xffff  }
0x30c: {  	v20 =	vadd.f32 v24, v20;
	v24 =	vadd.s32 $0x50A, v14  }
0x30d: {  	v21 =	vld.idx.msk [tilespmem:v21+s20+$0x0], $0xffff  }
0x30e: {  	v22 =	vshra.s32 v22, $0x10;
	v20 =	vadd.f32 v26, v20  }
0x30f: {  	v26 =	vld.idx.msk [tilespmem:v27+s18+$0x0], $0xffff  }
0x310: {  	v20 =	vadd.f32 v25, v20;
	v25 =	vld.idx.msk [tilespmem:v28+s19+$0x0], $0xffff;
	v27 =	vand.u32 $0xFF, v23;
	v28 =	vshrl.u32 v23, $0x8  }
0x311: {  	v28 =	vand.u32 $0xFF, v28;
	v24 =	vld.idx.msk [tilespmem:v24+s2+$0x0], $0xffff  }
0x312: {  	v20 =	vadd.f32 v21, v20;
	v21 =	vadd.s32 $0x50B, v14  }
0x313: {  	v22 =	vld.idx.msk [tilespmem:v22+s20+$0x0], $0xffff  }
0x314: {  	v23 =	vshra.s32 v23, $0x10;
	v20 =	vadd.f32 v26, v20  }
0x315: {  	v26 =	vld.idx.msk [tilespmem:v27+s18+$0x0], $0xffff  }
0x316: {  	v20 =	vadd.f32 v25, v20;
	v25 =	vld.idx.msk [tilespmem:v28+s19+$0x0], $0xffff;
	v27 =	vand.u32 $0xFF, v24;
	v28 =	vshrl.u32 v24, $0x8  }
0x317: {  	v28 =	vand.u32 $0xFF, v28;
	v21 =	vld.idx.msk [tilespmem:v21+s2+$0x0], $0xffff  }
0x318: {  	v20 =	vadd.f32 v22, v20;
	v22 =	vadd.s32 $0x50C, v14  }
0x319: {  	v23 =	vld.idx.msk [tilespmem:v23+s20+$0x0], $0xffff  }
0x31a: {  	v24 =	vshra.s32 v24, $0x10;
	v20 =	vadd.f32 v26, v20  }
0x31b: {  	v26 =	vld.idx.msk [tilespmem:v27+s18+$0x0], $0xffff  }
0x31c: {  	v20 =	vadd.f32 v25, v20;
	v25 =	vld.idx.msk [tilespmem:v28+s19+$0x0], $0xffff;
	v27 =	vand.u32 $0xFF, v21;
	v28 =	vshrl.u32 v21, $0x8  }
0x31d: {  	v28 =	vand.u32 $0xFF, v28;
	v22 =	vld.idx.msk [tilespmem:v22+s2+$0x0], $0xffff  }
0x31e: {  	v20 =	vadd.f32 v23, v20;
	v23 =	vadd.s32 $0x50D, v14  }
0x31f: {  	v24 =	vld.idx.msk [tilespmem:v24+s20+$0x0], $0xffff  }
0x320: {  	v21 =	vshra.s32 v21, $0x10;
	v20 =	vadd.f32 v26, v20  }
0x321: {  	v26 =	vld.idx.msk [tilespmem:v27+s18+$0x0], $0xffff  }
0x322: {  	v20 =	vadd.f32 v25, v20;
	v25 =	vld.idx.msk [tilespmem:v28+s19+$0x0], $0xffff;
	v27 =	vand.u32 $0xFF, v22;
	v28 =	vshrl.u32 v22, $0x8  }
0x323: {  	v28 =	vand.u32 $0xFF, v28;
	v23 =	vld.idx.msk [tilespmem:v23+s2+$0x0], $0xffff  }
0x324: {  	v20 =	vadd.f32 v24, v20;
	v24 =	vadd.s32 $0x50E, v14  }
0x325: {  	v21 =	vld.idx.msk [tilespmem:v21+s20+$0x0], $0xffff  }
0x326: {  	v22 =	vshra.s32 v22, $0x10;
	v20 =	vadd.f32 v26, v20  }
0x327: {  	v26 =	vld.idx.msk [tilespmem:v27+s18+$0x0], $0xffff  }
0x328: {  	v20 =	vadd.f32 v25, v20;
	v25 =	vld.idx.msk [tilespmem:v28+s19+$0x0], $0xffff;
	v27 =	vand.u32 $0xFF, v23;
	v28 =	vshrl.u32 v23, $0x8  }
0x329: {  	v28 =	vand.u32 $0xFF, v28;
	v24 =	vld.idx.msk [tilespmem:v24+s2+$0x0], $0xffff  }
0x32a: {  	v20 =	vadd.f32 v21, v20;
	v21 =	vadd.s32 $0x50F, v14  }
0x32b: {  	v22 =	vld.idx.msk [tilespmem:v22+s20+$0x0], $0xffff  }
0x32c: {  	v23 =	vshra.s32 v23, $0x10;
	v20 =	vadd.f32 v26, v20  }
0x32d: {  	v26 =	vld.idx.msk [tilespmem:v27+s18+$0x0], $0xffff  }
0x32e: {  	v20 =	vadd.f32 v25, v20;
	v25 =	vld.idx.msk [tilespmem:v28+s19+$0x0], $0xffff;
	v27 =	vand.u32 $0xFF, v24;
	v28 =	vshrl.u32 v24, $0x8  }
0x32f: {  	v28 =	vand.u32 $0xFF, v28;
	v21 =	vld.idx.msk [tilespmem:v21+s2+$0x0], $0xffff  }
0x330: {  	v20 =	vadd.f32 v22, v20;
	v22 =	vadd.s32 $0x510, v14  }
0x331: {  	v23 =	vld.idx.msk [tilespmem:v23+s20+$0x0], $0xffff  }
0x332: {  	v24 =	vshra.s32 v24, $0x10;
	v20 =	vadd.f32 v26, v20  }
0x333: {  	v26 =	vld.idx.msk [tilespmem:v27+s18+$0x0], $0xffff  }
0x334: {  	v20 =	vadd.f32 v25, v20;
	v25 =	vld.idx.msk [tilespmem:v28+s19+$0x0], $0xffff;
	v27 =	vand.u32 $0xFF, v21;
	v28 =	vshrl.u32 v21, $0x8  }
0x335: {  	v28 =	vand.u32 $0xFF, v28;
	v22 =	vld.idx.msk [tilespmem:v22+s2+$0x0], $0xffff  }
0x336: {  	v20 =	vadd.f32 v23, v20;
	v23 =	vadd.s32 $0x511, v14  }
0x337: {  	v24 =	vld.idx.msk [tilespmem:v24+s20+$0x0], $0xffff  }
0x338: {  	v21 =	vshra.s32 v21, $0x10;
	v20 =	vadd.f32 v26, v20  }
0x339: {  	v26 =	vld.idx.msk [tilespmem:v27+s18+$0x0], $0xffff  }
0x33a: {  	v20 =	vadd.f32 v25, v20;
	v25 =	vld.idx.msk [tilespmem:v28+s19+$0x0], $0xffff;
	v27 =	vand.u32 $0xFF, v22;
	v28 =	vshrl.u32 v22, $0x8  }
0x33b: {  	v28 =	vand.u32 $0xFF, v28;
	v23 =	vld.idx.msk [tilespmem:v23+s2+$0x0], $0xffff  }
0x33c: {  	v20 =	vadd.f32 v24, v20;
	v24 =	vadd.s32 $0x512, v14  }
0x33d: {  	v21 =	vld.idx.msk [tilespmem:v21+s20+$0x0], $0xffff  }
0x33e: {  	v22 =	vshra.s32 v22, $0x10;
	v20 =	vadd.f32 v26, v20  }
0x33f: {  	v26 =	vld.idx.msk [tilespmem:v27+s18+$0x0], $0xffff  }
0x340: {  	v20 =	vadd.f32 v25, v20;
	v25 =	vld.idx.msk [tilespmem:v28+s19+$0x0], $0xffff;
	v27 =	vand.u32 $0xFF, v23;
	v28 =	vshrl.u32 v23, $0x8  }
0x341: {  	v28 =	vand.u32 $0xFF, v28;
	v24 =	vld.idx.msk [tilespmem:v24+s2+$0x0], $0xffff  }
0x342: {  	v20 =	vadd.f32 v21, v20;
	v21 =	vadd.s32 $0x513, v14  }
0x343: {  	v22 =	vld.idx.msk [tilespmem:v22+s20+$0x0], $0xffff  }
0x344: {  	v23 =	vshra.s32 v23, $0x10;
	v20 =	vadd.f32 v26, v20  }
0x345: {  	v26 =	vld.idx.msk [tilespmem:v27+s18+$0x0], $0xffff  }
0x346: {  	v20 =	vadd.f32 v25, v20;
	v25 =	vld.idx.msk [tilespmem:v28+s19+$0x0], $0xffff;
	v27 =	vand.u32 $0xFF, v24  }
0x347: {  	v28 =	vshrl.u32 v24, $0x8;
	v21 =	vld.idx.msk [tilespmem:v21+s2+$0x0], $0xffff  }
0x348: {  	v20 =	vadd.f32 v22, v20;
	v22 =	vand.u32 $0xFF, v28  }
0x349: {  	v23 =	vld.idx.msk [tilespmem:v23+s20+$0x0], $0xffff  }
0x34a: {  	v24 =	vshra.s32 v24, $0x10;
	v20 =	vadd.f32 v26, v20  }
0x34b: {  	v26 =	vld.idx.msk [tilespmem:v27+s18+$0x0], $0xffff  }
0x34c: {  	v20 =	vadd.f32 v25, v20;
	v25 =	vand.u32 $0xFF, v21  }
0x34d: {  	v27 =	vshrl.u32 v21, $0x8;
	v22 =	vld.idx.msk [tilespmem:v22+s19+$0x0], $0xffff  }
0x34e: {  	v20 =	vadd.f32 v23, v20;
	v23 =	vand.u32 $0xFF, v27  }
0x34f: {  	v24 =	vld.idx.msk [tilespmem:v24+s20+$0x0], $0xffff  }
0x350: {  	v21 =	vshra.s32 v21, $0x10;
	v20 =	vadd.f32 v26, v20  }
0x351: {  	v25 =	vld.idx.msk [tilespmem:v25+s18+$0x0], $0xffff  }
0x352: {  	v20 =	vadd.f32 v22, v20  }
0x353: {  	v26 =	vld.idx.msk [tilespmem:v23+s19+$0x0], $0xffff  }
0x354: {  	v20 =	vadd.f32 v24, v20  }
0x355: {  	v21 =	vld.idx.msk [tilespmem:v21+s20+$0x0], $0xffff  }
0x356: {  	v20 =	vadd.f32 v25, v20;
	_ =	sdelay $0x1  }
0x357: {  	v20 =	vadd.f32 v26, v20;
	v26 =	vadd.s32 $0x640, v14;
	_ =	sdelay $0x1  }
0x358: {  	v20 =	vadd.f32 v21, v20;
	_ =	sdelay $0x1  }
0x359: {  	v24 =	vor.u32 $0xA0, v13;
	[tilespmem:$0x10C0] =	vst v20  }
0x35a: {  	v25 =	vor.u32 $0xA1, v13;
	v22 =	vld.idx.msk [tilespmem:v26+s2+$0x0], $0xffff  }
0x35b: {  	v23 =	vadd.s32 $0x641, v14;
	_ =	sdelay $0x2  }
0x35c: {  	v21 =	vld.idx.msk [tilespmem:v24+s11+$0x0], $0xffff  }
0x35d: {  	v20 =	vld.idx.msk [tilespmem:v25+s11+$0x0], $0xffff;
	v24 =	vand.u32 $0xFF, v22  }
0x35e: {  	v23 =	vld.idx.msk [tilespmem:v23+s2+$0x0], $0xffff;
	v26 =	vadd.s32 $0x642, v14;
	v25 =	vshrl.u32 v22, $0x8  }
0x35f: {  	v25 =	vand.u32 $0xFF, v25;
	_ =	sdelay $0x1  }
0x360: {  	v21 =	vmul.f32 v21, v18;
	v22 =	vshra.s32 v22, $0x10  }
0x361: {  	v20 =	vmul.f32 v20, v63;
	v24 =	vld.idx.msk [tilespmem:v24+s18+$0x0], $0xffff  }
0x362: {  	v27 =	vand.u32 $0xFF, v23;
	v28 =	vshrl.u32 v23, $0x8;
	v26 =	vld.idx.msk [tilespmem:v26+s2+$0x0], $0xffff;
	v21 =	vadd.f32 v21, v19  }
0x363: {  	v28 =	vand.u32 $0xFF, v28;
	v25 =	vld.idx.msk [tilespmem:v25+s19+$0x0], $0xffff  }
0x364: {  	v20 =	vadd.f32 v20, v21;
	v21 =	vadd.s32 $0x643, v14  }
0x365: {  	v22 =	vld.idx.msk [tilespmem:v22+s20+$0x0], $0xffff  }
0x366: {  	v23 =	vshra.s32 v23, $0x10;
	v20 =	vadd.f32 v20, v24  }
0x367: {  	v24 =	vld.idx.msk [tilespmem:v27+s18+$0x0], $0xffff  }
0x368: {  	v27 =	vand.u32 $0xFF, v26;
	v20 =	vadd.f32 v20, v25;
	v25 =	vld.idx.msk [tilespmem:v28+s19+$0x0], $0xffff;
	v28 =	vshrl.u32 v26, $0x8  }
0x369: {  	v21 =	vld.idx.msk [tilespmem:v21+s2+$0x0], $0xffff;
	v28 =	vand.u32 $0xFF, v28  }
0x36a: {  	v20 =	vadd.f32 v20, v22;
	v22 =	vadd.s32 $0x644, v14  }
0x36b: {  	v23 =	vld.idx.msk [tilespmem:v23+s20+$0x0], $0xffff  }
0x36c: {  	v20 =	vadd.f32 v24, v20;
	v24 =	vshra.s32 v26, $0x10  }
0x36d: {  	v26 =	vld.idx.msk [tilespmem:v27+s18+$0x0], $0xffff  }
0x36e: {  	v27 =	vand.u32 $0xFF, v21;
	v20 =	vadd.f32 v25, v20;
	v25 =	vld.idx.msk [tilespmem:v28+s19+$0x0], $0xffff;
	v28 =	vshrl.u32 v21, $0x8  }
0x36f: {  	v28 =	vand.u32 $0xFF, v28;
	v22 =	vld.idx.msk [tilespmem:v22+s2+$0x0], $0xffff  }
0x370: {  	v20 =	vadd.f32 v23, v20;
	v23 =	vadd.s32 $0x645, v14  }
0x371: {  	v24 =	vld.idx.msk [tilespmem:v24+s20+$0x0], $0xffff  }
0x372: {  	v21 =	vshra.s32 v21, $0x10;
	v20 =	vadd.f32 v26, v20  }
0x373: {  	v26 =	vld.idx.msk [tilespmem:v27+s18+$0x0], $0xffff  }
0x374: {  	v20 =	vadd.f32 v25, v20;
	v25 =	vld.idx.msk [tilespmem:v28+s19+$0x0], $0xffff;
	v27 =	vand.u32 $0xFF, v22;
	v28 =	vshrl.u32 v22, $0x8  }
0x375: {  	v28 =	vand.u32 $0xFF, v28;
	v23 =	vld.idx.msk [tilespmem:v23+s2+$0x0], $0xffff  }
0x376: {  	v20 =	vadd.f32 v24, v20;
	v24 =	vadd.s32 $0x646, v14  }
0x377: {  	v21 =	vld.idx.msk [tilespmem:v21+s20+$0x0], $0xffff  }
0x378: {  	v22 =	vshra.s32 v22, $0x10;
	v20 =	vadd.f32 v26, v20  }
0x379: {  	v26 =	vld.idx.msk [tilespmem:v27+s18+$0x0], $0xffff  }
0x37a: {  	v20 =	vadd.f32 v25, v20;
	v25 =	vld.idx.msk [tilespmem:v28+s19+$0x0], $0xffff;
	v27 =	vand.u32 $0xFF, v23;
	v28 =	vshrl.u32 v23, $0x8  }
0x37b: {  	v28 =	vand.u32 $0xFF, v28;
	v24 =	vld.idx.msk [tilespmem:v24+s2+$0x0], $0xffff  }
0x37c: {  	v20 =	vadd.f32 v21, v20;
	v21 =	vadd.s32 $0x647, v14  }
0x37d: {  	v22 =	vld.idx.msk [tilespmem:v22+s20+$0x0], $0xffff  }
0x37e: {  	v23 =	vshra.s32 v23, $0x10;
	v20 =	vadd.f32 v26, v20  }
0x37f: {  	v26 =	vld.idx.msk [tilespmem:v27+s18+$0x0], $0xffff  }
0x380: {  	v20 =	vadd.f32 v25, v20;
	v25 =	vld.idx.msk [tilespmem:v28+s19+$0x0], $0xffff;
	v27 =	vand.u32 $0xFF, v24;
	v28 =	vshrl.u32 v24, $0x8  }
0x381: {  	v28 =	vand.u32 $0xFF, v28;
	v21 =	vld.idx.msk [tilespmem:v21+s2+$0x0], $0xffff  }
0x382: {  	v20 =	vadd.f32 v22, v20;
	v22 =	vadd.s32 $0x648, v14  }
0x383: {  	v23 =	vld.idx.msk [tilespmem:v23+s20+$0x0], $0xffff  }
0x384: {  	v24 =	vshra.s32 v24, $0x10;
	v20 =	vadd.f32 v26, v20  }
0x385: {  	v26 =	vld.idx.msk [tilespmem:v27+s18+$0x0], $0xffff  }
0x386: {  	v20 =	vadd.f32 v25, v20;
	v25 =	vld.idx.msk [tilespmem:v28+s19+$0x0], $0xffff;
	v27 =	vand.u32 $0xFF, v21;
	v28 =	vshrl.u32 v21, $0x8  }
0x387: {  	v28 =	vand.u32 $0xFF, v28;
	v22 =	vld.idx.msk [tilespmem:v22+s2+$0x0], $0xffff  }
0x388: {  	v20 =	vadd.f32 v23, v20;
	v23 =	vadd.s32 $0x649, v14  }
0x389: {  	v24 =	vld.idx.msk [tilespmem:v24+s20+$0x0], $0xffff  }
0x38a: {  	v21 =	vshra.s32 v21, $0x10;
	v20 =	vadd.f32 v26, v20  }
0x38b: {  	v26 =	vld.idx.msk [tilespmem:v27+s18+$0x0], $0xffff  }
0x38c: {  	v20 =	vadd.f32 v25, v20;
	v25 =	vld.idx.msk [tilespmem:v28+s19+$0x0], $0xffff;
	v27 =	vand.u32 $0xFF, v22;
	v28 =	vshrl.u32 v22, $0x8  }
0x38d: {  	v28 =	vand.u32 $0xFF, v28;
	v23 =	vld.idx.msk [tilespmem:v23+s2+$0x0], $0xffff  }
0x38e: {  	v20 =	vadd.f32 v24, v20;
	v24 =	vadd.s32 $0x64A, v14  }
0x38f: {  	v21 =	vld.idx.msk [tilespmem:v21+s20+$0x0], $0xffff  }
0x390: {  	v22 =	vshra.s32 v22, $0x10;
	v20 =	vadd.f32 v26, v20  }
0x391: {  	v26 =	vld.idx.msk [tilespmem:v27+s18+$0x0], $0xffff  }
0x392: {  	v20 =	vadd.f32 v25, v20;
	v25 =	vld.idx.msk [tilespmem:v28+s19+$0x0], $0xffff;
	v27 =	vand.u32 $0xFF, v23;
	v28 =	vshrl.u32 v23, $0x8  }
0x393: {  	v28 =	vand.u32 $0xFF, v28;
	v24 =	vld.idx.msk [tilespmem:v24+s2+$0x0], $0xffff  }
0x394: {  	v20 =	vadd.f32 v21, v20;
	v21 =	vadd.s32 $0x64B, v14  }
0x395: {  	v22 =	vld.idx.msk [tilespmem:v22+s20+$0x0], $0xffff  }
0x396: {  	v23 =	vshra.s32 v23, $0x10;
	v20 =	vadd.f32 v26, v20  }
0x397: {  	v26 =	vld.idx.msk [tilespmem:v27+s18+$0x0], $0xffff  }
0x398: {  	v20 =	vadd.f32 v25, v20;
	v25 =	vld.idx.msk [tilespmem:v28+s19+$0x0], $0xffff;
	v27 =	vand.u32 $0xFF, v24;
	v28 =	vshrl.u32 v24, $0x8  }
0x399: {  	v28 =	vand.u32 $0xFF, v28;
	v21 =	vld.idx.msk [tilespmem:v21+s2+$0x0], $0xffff  }
0x39a: {  	v20 =	vadd.f32 v22, v20;
	v22 =	vadd.s32 $0x64C, v14  }
0x39b: {  	v23 =	vld.idx.msk [tilespmem:v23+s20+$0x0], $0xffff  }
0x39c: {  	v24 =	vshra.s32 v24, $0x10;
	v20 =	vadd.f32 v26, v20  }
0x39d: {  	v26 =	vld.idx.msk [tilespmem:v27+s18+$0x0], $0xffff  }
0x39e: {  	v20 =	vadd.f32 v25, v20;
	v25 =	vld.idx.msk [tilespmem:v28+s19+$0x0], $0xffff;
	v27 =	vand.u32 $0xFF, v21;
	v28 =	vshrl.u32 v21, $0x8  }
0x39f: {  	v28 =	vand.u32 $0xFF, v28;
	v22 =	vld.idx.msk [tilespmem:v22+s2+$0x0], $0xffff  }
0x3a0: {  	v20 =	vadd.f32 v23, v20;
	v23 =	vadd.s32 $0x64D, v14  }
0x3a1: {  	v24 =	vld.idx.msk [tilespmem:v24+s20+$0x0], $0xffff  }
0x3a2: {  	v21 =	vshra.s32 v21, $0x10;
	v20 =	vadd.f32 v26, v20  }
0x3a3: {  	v26 =	vld.idx.msk [tilespmem:v27+s18+$0x0], $0xffff  }
0x3a4: {  	v20 =	vadd.f32 v25, v20;
	v25 =	vld.idx.msk [tilespmem:v28+s19+$0x0], $0xffff;
	v27 =	vand.u32 $0xFF, v22;
	v28 =	vshrl.u32 v22, $0x8  }
0x3a5: {  	v28 =	vand.u32 $0xFF, v28;
	v23 =	vld.idx.msk [tilespmem:v23+s2+$0x0], $0xffff  }
0x3a6: {  	v20 =	vadd.f32 v24, v20;
	v24 =	vadd.s32 $0x64E, v14  }
0x3a7: {  	v21 =	vld.idx.msk [tilespmem:v21+s20+$0x0], $0xffff  }
0x3a8: {  	v22 =	vshra.s32 v22, $0x10;
	v20 =	vadd.f32 v26, v20  }
0x3a9: {  	v26 =	vld.idx.msk [tilespmem:v27+s18+$0x0], $0xffff  }
0x3aa: {  	v20 =	vadd.f32 v25, v20;
	v25 =	vld.idx.msk [tilespmem:v28+s19+$0x0], $0xffff;
	v27 =	vand.u32 $0xFF, v23;
	v28 =	vshrl.u32 v23, $0x8  }
0x3ab: {  	v28 =	vand.u32 $0xFF, v28;
	v24 =	vld.idx.msk [tilespmem:v24+s2+$0x0], $0xffff  }
0x3ac: {  	v20 =	vadd.f32 v21, v20;
	v21 =	vadd.s32 $0x64F, v14  }
0x3ad: {  	v22 =	vld.idx.msk [tilespmem:v22+s20+$0x0], $0xffff  }
0x3ae: {  	v23 =	vshra.s32 v23, $0x10;
	v20 =	vadd.f32 v26, v20  }
0x3af: {  	v26 =	vld.idx.msk [tilespmem:v27+s18+$0x0], $0xffff  }
0x3b0: {  	v20 =	vadd.f32 v25, v20;
	v25 =	vld.idx.msk [tilespmem:v28+s19+$0x0], $0xffff;
	v27 =	vand.u32 $0xFF, v24;
	v28 =	vshrl.u32 v24, $0x8  }
0x3b1: {  	v28 =	vand.u32 $0xFF, v28;
	v21 =	vld.idx.msk [tilespmem:v21+s2+$0x0], $0xffff  }
0x3b2: {  	v20 =	vadd.f32 v22, v20;
	v22 =	vadd.s32 $0x650, v14  }
0x3b3: {  	v23 =	vld.idx.msk [tilespmem:v23+s20+$0x0], $0xffff  }
0x3b4: {  	v24 =	vshra.s32 v24, $0x10;
	v20 =	vadd.f32 v26, v20  }
0x3b5: {  	v26 =	vld.idx.msk [tilespmem:v27+s18+$0x0], $0xffff  }
0x3b6: {  	v20 =	vadd.f32 v25, v20;
	v25 =	vld.idx.msk [tilespmem:v28+s19+$0x0], $0xffff;
	v27 =	vand.u32 $0xFF, v21;
	v28 =	vshrl.u32 v21, $0x8  }
0x3b7: {  	v28 =	vand.u32 $0xFF, v28;
	v22 =	vld.idx.msk [tilespmem:v22+s2+$0x0], $0xffff  }
0x3b8: {  	v20 =	vadd.f32 v23, v20;
	v23 =	vadd.s32 $0x651, v14  }
0x3b9: {  	v24 =	vld.idx.msk [tilespmem:v24+s20+$0x0], $0xffff  }
0x3ba: {  	v21 =	vshra.s32 v21, $0x10;
	v20 =	vadd.f32 v26, v20  }
0x3bb: {  	v26 =	vld.idx.msk [tilespmem:v27+s18+$0x0], $0xffff  }
0x3bc: {  	v20 =	vadd.f32 v25, v20;
	v25 =	vld.idx.msk [tilespmem:v28+s19+$0x0], $0xffff;
	v27 =	vand.u32 $0xFF, v22;
	v28 =	vshrl.u32 v22, $0x8  }
0x3bd: {  	v28 =	vand.u32 $0xFF, v28;
	v23 =	vld.idx.msk [tilespmem:v23+s2+$0x0], $0xffff  }
0x3be: {  	v20 =	vadd.f32 v24, v20;
	v24 =	vadd.s32 $0x652, v14  }
0x3bf: {  	v21 =	vld.idx.msk [tilespmem:v21+s20+$0x0], $0xffff  }
0x3c0: {  	v22 =	vshra.s32 v22, $0x10;
	v20 =	vadd.f32 v26, v20  }
0x3c1: {  	v26 =	vld.idx.msk [tilespmem:v27+s18+$0x0], $0xffff  }
0x3c2: {  	v20 =	vadd.f32 v25, v20;
	v25 =	vld.idx.msk [tilespmem:v28+s19+$0x0], $0xffff;
	v27 =	vand.u32 $0xFF, v23;
	v28 =	vshrl.u32 v23, $0x8  }
0x3c3: {  	v28 =	vand.u32 $0xFF, v28;
	v24 =	vld.idx.msk [tilespmem:v24+s2+$0x0], $0xffff  }
0x3c4: {  	v20 =	vadd.f32 v21, v20;
	v21 =	vadd.s32 $0x653, v14  }
0x3c5: {  	v22 =	vld.idx.msk [tilespmem:v22+s20+$0x0], $0xffff  }
0x3c6: {  	v23 =	vshra.s32 v23, $0x10;
	v20 =	vadd.f32 v26, v20  }
0x3c7: {  	v26 =	vld.idx.msk [tilespmem:v27+s18+$0x0], $0xffff  }
0x3c8: {  	v20 =	vadd.f32 v25, v20;
	v25 =	vld.idx.msk [tilespmem:v28+s19+$0x0], $0xffff;
	v27 =	vand.u32 $0xFF, v24  }
0x3c9: {  	v28 =	vshrl.u32 v24, $0x8;
	v21 =	vld.idx.msk [tilespmem:v21+s2+$0x0], $0xffff  }
0x3ca: {  	v20 =	vadd.f32 v22, v20;
	v22 =	vand.u32 $0xFF, v28  }
0x3cb: {  	v23 =	vld.idx.msk [tilespmem:v23+s20+$0x0], $0xffff  }
0x3cc: {  	v24 =	vshra.s32 v24, $0x10;
	v20 =	vadd.f32 v26, v20  }
0x3cd: {  	v26 =	vld.idx.msk [tilespmem:v27+s18+$0x0], $0xffff  }
0x3ce: {  	v20 =	vadd.f32 v25, v20;
	v25 =	vand.u32 $0xFF, v21  }
0x3cf: {  	v27 =	vshrl.u32 v21, $0x8;
	v22 =	vld.idx.msk [tilespmem:v22+s19+$0x0], $0xffff  }
0x3d0: {  	v20 =	vadd.f32 v23, v20;
	v23 =	vand.u32 $0xFF, v27  }
0x3d1: {  	v24 =	vld.idx.msk [tilespmem:v24+s20+$0x0], $0xffff  }
0x3d2: {  	v21 =	vshra.s32 v21, $0x10;
	v20 =	vadd.f32 v26, v20  }
0x3d3: {  	v25 =	vld.idx.msk [tilespmem:v25+s18+$0x0], $0xffff  }
0x3d4: {  	v20 =	vadd.f32 v22, v20  }
0x3d5: {  	v26 =	vld.idx.msk [tilespmem:v23+s19+$0x0], $0xffff  }
0x3d6: {  	v20 =	vadd.f32 v24, v20  }
0x3d7: {  	v21 =	vld.idx.msk [tilespmem:v21+s20+$0x0], $0xffff  }
0x3d8: {  	v20 =	vadd.f32 v25, v20;
	_ =	sdelay $0x1  }
0x3d9: {  	v20 =	vadd.f32 v26, v20;
	v26 =	vadd.s32 $0x780, v14;
	_ =	sdelay $0x1  }
0x3da: {  	v20 =	vadd.f32 v21, v20;
	_ =	sdelay $0x1  }
0x3db: {  	v24 =	vor.u32 $0xC0, v13;
	[tilespmem:$0x10D0] =	vst v20  }
0x3dc: {  	v25 =	vor.u32 $0xC1, v13;
	v22 =	vld.idx.msk [tilespmem:v26+s2+$0x0], $0xffff  }
0x3dd: {  	v23 =	vadd.s32 $0x781, v14;
	_ =	sdelay $0x2  }
0x3de: {  	v21 =	vld.idx.msk [tilespmem:v24+s11+$0x0], $0xffff  }
0x3df: {  	v20 =	vld.idx.msk [tilespmem:v25+s11+$0x0], $0xffff;
	v24 =	vand.u32 $0xFF, v22  }
0x3e0: {  	v23 =	vld.idx.msk [tilespmem:v23+s2+$0x0], $0xffff;
	v26 =	vadd.s32 $0x782, v14;
	v25 =	vshrl.u32 v22, $0x8  }
0x3e1: {  	v25 =	vand.u32 $0xFF, v25;
	_ =	sdelay $0x1  }
0x3e2: {  	v21 =	vmul.f32 v21, v18;
	v22 =	vshra.s32 v22, $0x10  }
0x3e3: {  	v20 =	vmul.f32 v20, v63;
	v24 =	vld.idx.msk [tilespmem:v24+s18+$0x0], $0xffff  }
0x3e4: {  	v27 =	vand.u32 $0xFF, v23;
	v28 =	vshrl.u32 v23, $0x8;
	v26 =	vld.idx.msk [tilespmem:v26+s2+$0x0], $0xffff;
	v21 =	vadd.f32 v21, v19  }
0x3e5: {  	v28 =	vand.u32 $0xFF, v28;
	v25 =	vld.idx.msk [tilespmem:v25+s19+$0x0], $0xffff  }
0x3e6: {  	v20 =	vadd.f32 v20, v21;
	v21 =	vadd.s32 $0x783, v14  }
0x3e7: {  	v22 =	vld.idx.msk [tilespmem:v22+s20+$0x0], $0xffff  }
0x3e8: {  	v23 =	vshra.s32 v23, $0x10;
	v20 =	vadd.f32 v20, v24  }
0x3e9: {  	v24 =	vld.idx.msk [tilespmem:v27+s18+$0x0], $0xffff  }
0x3ea: {  	v27 =	vand.u32 $0xFF, v26;
	v20 =	vadd.f32 v20, v25;
	v25 =	vld.idx.msk [tilespmem:v28+s19+$0x0], $0xffff;
	v28 =	vshrl.u32 v26, $0x8  }
0x3eb: {  	v21 =	vld.idx.msk [tilespmem:v21+s2+$0x0], $0xffff;
	v28 =	vand.u32 $0xFF, v28  }
0x3ec: {  	v20 =	vadd.f32 v20, v22;
	v22 =	vadd.s32 $0x784, v14  }
0x3ed: {  	v23 =	vld.idx.msk [tilespmem:v23+s20+$0x0], $0xffff  }
0x3ee: {  	v20 =	vadd.f32 v24, v20;
	v24 =	vshra.s32 v26, $0x10  }
0x3ef: {  	v26 =	vld.idx.msk [tilespmem:v27+s18+$0x0], $0xffff  }
0x3f0: {  	v27 =	vand.u32 $0xFF, v21;
	v20 =	vadd.f32 v25, v20;
	v25 =	vld.idx.msk [tilespmem:v28+s19+$0x0], $0xffff;
	v28 =	vshrl.u32 v21, $0x8  }
0x3f1: {  	v28 =	vand.u32 $0xFF, v28;
	v22 =	vld.idx.msk [tilespmem:v22+s2+$0x0], $0xffff  }
0x3f2: {  	v20 =	vadd.f32 v23, v20;
	v23 =	vadd.s32 $0x785, v14  }
0x3f3: {  	v24 =	vld.idx.msk [tilespmem:v24+s20+$0x0], $0xffff  }
0x3f4: {  	v21 =	vshra.s32 v21, $0x10;
	v20 =	vadd.f32 v26, v20  }
0x3f5: {  	v26 =	vld.idx.msk [tilespmem:v27+s18+$0x0], $0xffff  }
0x3f6: {  	v20 =	vadd.f32 v25, v20;
	v25 =	vld.idx.msk [tilespmem:v28+s19+$0x0], $0xffff;
	v27 =	vand.u32 $0xFF, v22;
	v28 =	vshrl.u32 v22, $0x8  }
0x3f7: {  	v28 =	vand.u32 $0xFF, v28;
	v23 =	vld.idx.msk [tilespmem:v23+s2+$0x0], $0xffff  }
0x3f8: {  	v20 =	vadd.f32 v24, v20;
	v24 =	vadd.s32 $0x786, v14  }
0x3f9: {  	v21 =	vld.idx.msk [tilespmem:v21+s20+$0x0], $0xffff  }
0x3fa: {  	v22 =	vshra.s32 v22, $0x10;
	v20 =	vadd.f32 v26, v20  }
0x3fb: {  	v26 =	vld.idx.msk [tilespmem:v27+s18+$0x0], $0xffff  }
0x3fc: {  	v20 =	vadd.f32 v25, v20;
	v25 =	vld.idx.msk [tilespmem:v28+s19+$0x0], $0xffff;
	v27 =	vand.u32 $0xFF, v23;
	v28 =	vshrl.u32 v23, $0x8  }
0x3fd: {  	v28 =	vand.u32 $0xFF, v28;
	v24 =	vld.idx.msk [tilespmem:v24+s2+$0x0], $0xffff  }
0x3fe: {  	v20 =	vadd.f32 v21, v20;
	v21 =	vadd.s32 $0x787, v14  }
0x3ff: {  	v22 =	vld.idx.msk [tilespmem:v22+s20+$0x0], $0xffff  }
0x400: {  	v23 =	vshra.s32 v23, $0x10;
	v20 =	vadd.f32 v26, v20  }
0x401: {  	v26 =	vld.idx.msk [tilespmem:v27+s18+$0x0], $0xffff  }
0x402: {  	v20 =	vadd.f32 v25, v20;
	v25 =	vld.idx.msk [tilespmem:v28+s19+$0x0], $0xffff;
	v27 =	vand.u32 $0xFF, v24;
	v28 =	vshrl.u32 v24, $0x8  }
0x403: {  	v28 =	vand.u32 $0xFF, v28;
	v21 =	vld.idx.msk [tilespmem:v21+s2+$0x0], $0xffff  }
0x404: {  	v20 =	vadd.f32 v22, v20;
	v22 =	vadd.s32 $0x788, v14  }
0x405: {  	v23 =	vld.idx.msk [tilespmem:v23+s20+$0x0], $0xffff  }
0x406: {  	v24 =	vshra.s32 v24, $0x10;
	v20 =	vadd.f32 v26, v20  }
0x407: {  	v26 =	vld.idx.msk [tilespmem:v27+s18+$0x0], $0xffff  }
0x408: {  	v20 =	vadd.f32 v25, v20;
	v25 =	vld.idx.msk [tilespmem:v28+s19+$0x0], $0xffff;
	v27 =	vand.u32 $0xFF, v21;
	v28 =	vshrl.u32 v21, $0x8  }
0x409: {  	v28 =	vand.u32 $0xFF, v28;
	v22 =	vld.idx.msk [tilespmem:v22+s2+$0x0], $0xffff  }
0x40a: {  	v20 =	vadd.f32 v23, v20;
	v23 =	vadd.s32 $0x789, v14  }
0x40b: {  	v24 =	vld.idx.msk [tilespmem:v24+s20+$0x0], $0xffff  }
0x40c: {  	v21 =	vshra.s32 v21, $0x10;
	v20 =	vadd.f32 v26, v20  }
0x40d: {  	v26 =	vld.idx.msk [tilespmem:v27+s18+$0x0], $0xffff  }
0x40e: {  	v20 =	vadd.f32 v25, v20;
	v25 =	vld.idx.msk [tilespmem:v28+s19+$0x0], $0xffff;
	v27 =	vand.u32 $0xFF, v22;
	v28 =	vshrl.u32 v22, $0x8  }
0x40f: {  	v28 =	vand.u32 $0xFF, v28;
	v23 =	vld.idx.msk [tilespmem:v23+s2+$0x0], $0xffff  }
0x410: {  	v20 =	vadd.f32 v24, v20;
	v24 =	vadd.s32 $0x78A, v14  }
0x411: {  	v21 =	vld.idx.msk [tilespmem:v21+s20+$0x0], $0xffff  }
0x412: {  	v22 =	vshra.s32 v22, $0x10;
	v20 =	vadd.f32 v26, v20  }
0x413: {  	v26 =	vld.idx.msk [tilespmem:v27+s18+$0x0], $0xffff  }
0x414: {  	v20 =	vadd.f32 v25, v20;
	v25 =	vld.idx.msk [tilespmem:v28+s19+$0x0], $0xffff;
	v27 =	vand.u32 $0xFF, v23;
	v28 =	vshrl.u32 v23, $0x8  }
0x415: {  	v28 =	vand.u32 $0xFF, v28;
	v24 =	vld.idx.msk [tilespmem:v24+s2+$0x0], $0xffff  }
0x416: {  	v20 =	vadd.f32 v21, v20;
	v21 =	vadd.s32 $0x78B, v14  }
0x417: {  	v22 =	vld.idx.msk [tilespmem:v22+s20+$0x0], $0xffff  }
0x418: {  	v23 =	vshra.s32 v23, $0x10;
	v20 =	vadd.f32 v26, v20  }
0x419: {  	v26 =	vld.idx.msk [tilespmem:v27+s18+$0x0], $0xffff  }
0x41a: {  	v20 =	vadd.f32 v25, v20;
	v25 =	vld.idx.msk [tilespmem:v28+s19+$0x0], $0xffff;
	v27 =	vand.u32 $0xFF, v24;
	v28 =	vshrl.u32 v24, $0x8  }
0x41b: {  	v28 =	vand.u32 $0xFF, v28;
	v21 =	vld.idx.msk [tilespmem:v21+s2+$0x0], $0xffff  }
0x41c: {  	v20 =	vadd.f32 v22, v20;
	v22 =	vadd.s32 $0x78C, v14  }
0x41d: {  	v23 =	vld.idx.msk [tilespmem:v23+s20+$0x0], $0xffff  }
0x41e: {  	v24 =	vshra.s32 v24, $0x10;
	v20 =	vadd.f32 v26, v20  }
0x41f: {  	v26 =	vld.idx.msk [tilespmem:v27+s18+$0x0], $0xffff  }
0x420: {  	v20 =	vadd.f32 v25, v20;
	v25 =	vld.idx.msk [tilespmem:v28+s19+$0x0], $0xffff;
	v27 =	vand.u32 $0xFF, v21;
	v28 =	vshrl.u32 v21, $0x8  }
0x421: {  	v28 =	vand.u32 $0xFF, v28;
	v22 =	vld.idx.msk [tilespmem:v22+s2+$0x0], $0xffff  }
0x422: {  	v20 =	vadd.f32 v23, v20;
	v23 =	vadd.s32 $0x78D, v14  }
0x423: {  	v24 =	vld.idx.msk [tilespmem:v24+s20+$0x0], $0xffff  }
0x424: {  	v21 =	vshra.s32 v21, $0x10;
	v20 =	vadd.f32 v26, v20  }
0x425: {  	v26 =	vld.idx.msk [tilespmem:v27+s18+$0x0], $0xffff  }
0x426: {  	v20 =	vadd.f32 v25, v20;
	v25 =	vld.idx.msk [tilespmem:v28+s19+$0x0], $0xffff;
	v27 =	vand.u32 $0xFF, v22;
	v28 =	vshrl.u32 v22, $0x8  }
0x427: {  	v28 =	vand.u32 $0xFF, v28;
	v23 =	vld.idx.msk [tilespmem:v23+s2+$0x0], $0xffff  }
0x428: {  	v20 =	vadd.f32 v24, v20;
	v24 =	vadd.s32 $0x78E, v14  }
0x429: {  	v21 =	vld.idx.msk [tilespmem:v21+s20+$0x0], $0xffff  }
0x42a: {  	v22 =	vshra.s32 v22, $0x10;
	v20 =	vadd.f32 v26, v20  }
0x42b: {  	v26 =	vld.idx.msk [tilespmem:v27+s18+$0x0], $0xffff  }
0x42c: {  	v20 =	vadd.f32 v25, v20;
	v25 =	vld.idx.msk [tilespmem:v28+s19+$0x0], $0xffff;
	v27 =	vand.u32 $0xFF, v23;
	v28 =	vshrl.u32 v23, $0x8  }
0x42d: {  	v28 =	vand.u32 $0xFF, v28;
	v24 =	vld.idx.msk [tilespmem:v24+s2+$0x0], $0xffff  }
0x42e: {  	v20 =	vadd.f32 v21, v20;
	v21 =	vadd.s32 $0x78F, v14  }
0x42f: {  	v22 =	vld.idx.msk [tilespmem:v22+s20+$0x0], $0xffff  }
0x430: {  	v23 =	vshra.s32 v23, $0x10;
	v20 =	vadd.f32 v26, v20  }
0x431: {  	v26 =	vld.idx.msk [tilespmem:v27+s18+$0x0], $0xffff  }
0x432: {  	v20 =	vadd.f32 v25, v20;
	v25 =	vld.idx.msk [tilespmem:v28+s19+$0x0], $0xffff;
	v27 =	vand.u32 $0xFF, v24;
	v28 =	vshrl.u32 v24, $0x8  }
0x433: {  	v28 =	vand.u32 $0xFF, v28;
	v21 =	vld.idx.msk [tilespmem:v21+s2+$0x0], $0xffff  }
0x434: {  	v20 =	vadd.f32 v22, v20;
	v22 =	vadd.s32 $0x790, v14  }
0x435: {  	v23 =	vld.idx.msk [tilespmem:v23+s20+$0x0], $0xffff  }
0x436: {  	v24 =	vshra.s32 v24, $0x10;
	v20 =	vadd.f32 v26, v20  }
0x437: {  	v26 =	vld.idx.msk [tilespmem:v27+s18+$0x0], $0xffff  }
0x438: {  	v20 =	vadd.f32 v25, v20;
	v25 =	vld.idx.msk [tilespmem:v28+s19+$0x0], $0xffff;
	v27 =	vand.u32 $0xFF, v21;
	v28 =	vshrl.u32 v21, $0x8  }
0x439: {  	v28 =	vand.u32 $0xFF, v28;
	v22 =	vld.idx.msk [tilespmem:v22+s2+$0x0], $0xffff  }
0x43a: {  	v20 =	vadd.f32 v23, v20;
	v23 =	vadd.s32 $0x791, v14  }
0x43b: {  	v24 =	vld.idx.msk [tilespmem:v24+s20+$0x0], $0xffff  }
0x43c: {  	v21 =	vshra.s32 v21, $0x10;
	v20 =	vadd.f32 v26, v20  }
0x43d: {  	v26 =	vld.idx.msk [tilespmem:v27+s18+$0x0], $0xffff  }
0x43e: {  	v20 =	vadd.f32 v25, v20;
	v25 =	vld.idx.msk [tilespmem:v28+s19+$0x0], $0xffff;
	v27 =	vand.u32 $0xFF, v22;
	v28 =	vshrl.u32 v22, $0x8  }
0x43f: {  	v28 =	vand.u32 $0xFF, v28;
	v23 =	vld.idx.msk [tilespmem:v23+s2+$0x0], $0xffff  }
0x440: {  	v20 =	vadd.f32 v24, v20;
	v24 =	vadd.s32 $0x792, v14  }
0x441: {  	v21 =	vld.idx.msk [tilespmem:v21+s20+$0x0], $0xffff  }
0x442: {  	v22 =	vshra.s32 v22, $0x10;
	v20 =	vadd.f32 v26, v20  }
0x443: {  	v26 =	vld.idx.msk [tilespmem:v27+s18+$0x0], $0xffff  }
0x444: {  	v20 =	vadd.f32 v25, v20;
	v25 =	vld.idx.msk [tilespmem:v28+s19+$0x0], $0xffff;
	v27 =	vand.u32 $0xFF, v23;
	v28 =	vshrl.u32 v23, $0x8  }
0x445: {  	v28 =	vand.u32 $0xFF, v28;
	v24 =	vld.idx.msk [tilespmem:v24+s2+$0x0], $0xffff  }
0x446: {  	v20 =	vadd.f32 v21, v20;
	v21 =	vadd.s32 $0x793, v14  }
0x447: {  	v22 =	vld.idx.msk [tilespmem:v22+s20+$0x0], $0xffff  }
0x448: {  	v23 =	vshra.s32 v23, $0x10;
	v20 =	vadd.f32 v26, v20  }
0x449: {  	v26 =	vld.idx.msk [tilespmem:v27+s18+$0x0], $0xffff  }
0x44a: {  	v20 =	vadd.f32 v25, v20;
	v25 =	vld.idx.msk [tilespmem:v28+s19+$0x0], $0xffff;
	v27 =	vand.u32 $0xFF, v24  }
0x44b: {  	v28 =	vshrl.u32 v24, $0x8;
	v21 =	vld.idx.msk [tilespmem:v21+s2+$0x0], $0xffff  }
0x44c: {  	v20 =	vadd.f32 v22, v20;
	v22 =	vand.u32 $0xFF, v28  }
0x44d: {  	v23 =	vld.idx.msk [tilespmem:v23+s20+$0x0], $0xffff  }
0x44e: {  	v24 =	vshra.s32 v24, $0x10;
	v20 =	vadd.f32 v26, v20  }
0x44f: {  	v26 =	vld.idx.msk [tilespmem:v27+s18+$0x0], $0xffff  }
0x450: {  	v20 =	vadd.f32 v25, v20;
	v25 =	vand.u32 $0xFF, v21  }
0x451: {  	v27 =	vshrl.u32 v21, $0x8;
	v22 =	vld.idx.msk [tilespmem:v22+s19+$0x0], $0xffff  }
0x452: {  	v20 =	vadd.f32 v23, v20;
	v23 =	vand.u32 $0xFF, v27  }
0x453: {  	v24 =	vld.idx.msk [tilespmem:v24+s20+$0x0], $0xffff  }
0x454: {  	v21 =	vshra.s32 v21, $0x10;
	v20 =	vadd.f32 v26, v20  }
0x455: {  	v25 =	vld.idx.msk [tilespmem:v25+s18+$0x0], $0xffff  }
0x456: {  	v20 =	vadd.f32 v22, v20  }
0x457: {  	v26 =	vld.idx.msk [tilespmem:v23+s19+$0x0], $0xffff  }
0x458: {  	v20 =	vadd.f32 v24, v20  }
0x459: {  	v21 =	vld.idx.msk [tilespmem:v21+s20+$0x0], $0xffff  }
0x45a: {  	v20 =	vadd.f32 v25, v20;
	_ =	sdelay $0x1  }
0x45b: {  	v24 =	vadd.s32 $0x8C0, v14;
	v20 =	vadd.f32 v26, v20;
	_ =	sdelay $0x1  }
0x45c: {  	v20 =	vadd.f32 v21, v20  }
0x45d: {  	v25 =	vor.u32 $0xE0, v13  }
0x45e: {  	[tilespmem:$0x10E0] =	vst v20  }
0x45f: {  	v26 =	vor.u32 $0xE1, v13;
	v22 =	vld.idx.msk [tilespmem:v24+s2+$0x0], $0xffff  }
0x460: {  	v23 =	vadd.s32 $0x8C1, v14;
	_ =	sdelay $0x1  }
0x461: {  	v21 =	vld.idx.msk [tilespmem:v25+s11+$0x0], $0xffff;
	_ =	sdelay $0x1  }
0x462: {  	v20 =	vld.idx.msk [tilespmem:v26+s11+$0x0], $0xffff;
	v24 =	vand.u32 $0xFF, v22  }
0x463: {  	v23 =	vld.idx.msk [tilespmem:v23+s2+$0x0], $0xffff;
	v26 =	vadd.s32 $0x8C2, v14;
	v25 =	vshrl.u32 v22, $0x8  }
0x464: {  	v25 =	vand.u32 $0xFF, v25  }
0x465: {  	v18 =	vmul.f32 v21, v18  }
0x466: {  	v21 =	vshra.s32 v22, $0x10  }
0x467: {  	v20 =	vmul.f32 v20, v63;
	v18 =	vadd.f32 v18, v19;
	v19 =	vld.idx.msk [tilespmem:v24+s18+$0x0], $0xffff  }
0x468: {  	v26 =	vld.idx.msk [tilespmem:v26+s2+$0x0], $0xffff;
	v24 =	vand.u32 $0xFF, v23  }
0x469: {  	v63 =	vshrl.u32 v23, $0x8;
	v18 =	vadd.f32 v20, v18;
	v20 =	vadd.s32 $0x8C3, v14;
	v22 =	vld.idx.msk [tilespmem:v25+s19+$0x0], $0xffff  }
0x46a: {  	v25 =	vand.u32 $0xFF, v63  }
0x46b: {  	v21 =	vld.idx.msk [tilespmem:v21+s20+$0x0], $0xffff  }
0x46c: {  	v18 =	vadd.f32 v18, v19;
	v19 =	vshra.s32 v23, $0x10  }
0x46d: {  	v23 =	vld.idx.msk [tilespmem:v24+s18+$0x0], $0xffff  }
0x46e: {  	v63 =	vshrl.u32 v26, $0x8;
	v20 =	vld.idx.msk [tilespmem:v20+s2+$0x0], $0xffff;
	v24 =	vand.u32 $0xFF, v26;
	v18 =	vadd.f32 v18, v22  }
0x46f: {  	v22 =	vld.idx.msk [tilespmem:v25+s19+$0x0], $0xffff;
	v25 =	vand.u32 $0xFF, v63  }
0x470: {  	v18 =	vadd.f32 v18, v21;
	v21 =	vadd.s32 $0x8C4, v14  }
0x471: {  	v19 =	vld.idx.msk [tilespmem:v19+s20+$0x0], $0xffff  }
0x472: {  	v18 =	vadd.f32 v23, v18;
	v23 =	vshra.s32 v26, $0x10  }
0x473: {  	v24 =	vld.idx.msk [tilespmem:v24+s18+$0x0], $0xffff  }
0x474: {  	v63 =	vshrl.u32 v20, $0x8;
	v18 =	vadd.f32 v22, v18;
	v22 =	vld.idx.msk [tilespmem:v25+s19+$0x0], $0xffff;
	v25 =	vand.u32 $0xFF, v20  }
0x475: {  	v26 =	vand.u32 $0xFF, v63;
	v21 =	vld.idx.msk [tilespmem:v21+s2+$0x0], $0xffff  }
0x476: {  	v18 =	vadd.f32 v19, v18;
	v19 =	vadd.s32 $0x8C5, v14  }
0x477: {  	v23 =	vld.idx.msk [tilespmem:v23+s20+$0x0], $0xffff  }
0x478: {  	v20 =	vshra.s32 v20, $0x10;
	v18 =	vadd.f32 v24, v18  }
0x479: {  	v24 =	vld.idx.msk [tilespmem:v25+s18+$0x0], $0xffff  }
0x47a: {  	v18 =	vadd.f32 v22, v18;
	v22 =	vld.idx.msk [tilespmem:v26+s19+$0x0], $0xffff;
	v25 =	vand.u32 $0xFF, v21;
	v63 =	vshrl.u32 v21, $0x8  }
0x47b: {  	v26 =	vand.u32 $0xFF, v63;
	v19 =	vld.idx.msk [tilespmem:v19+s2+$0x0], $0xffff  }
0x47c: {  	v18 =	vadd.f32 v23, v18;
	v23 =	vadd.s32 $0x8C6, v14  }
0x47d: {  	v20 =	vld.idx.msk [tilespmem:v20+s20+$0x0], $0xffff  }
0x47e: {  	v21 =	vshra.s32 v21, $0x10;
	v18 =	vadd.f32 v24, v18  }
0x47f: {  	v24 =	vld.idx.msk [tilespmem:v25+s18+$0x0], $0xffff  }
0x480: {  	v18 =	vadd.f32 v22, v18;
	v22 =	vld.idx.msk [tilespmem:v26+s19+$0x0], $0xffff;
	v25 =	vand.u32 $0xFF, v19;
	v63 =	vshrl.u32 v19, $0x8  }
0x481: {  	v26 =	vand.u32 $0xFF, v63;
	v23 =	vld.idx.msk [tilespmem:v23+s2+$0x0], $0xffff  }
0x482: {  	v18 =	vadd.f32 v20, v18;
	v20 =	vadd.s32 $0x8C7, v14  }
0x483: {  	v21 =	vld.idx.msk [tilespmem:v21+s20+$0x0], $0xffff  }
0x484: {  	v19 =	vshra.s32 v19, $0x10;
	v18 =	vadd.f32 v24, v18  }
0x485: {  	v24 =	vld.idx.msk [tilespmem:v25+s18+$0x0], $0xffff  }
0x486: {  	v18 =	vadd.f32 v22, v18;
	v22 =	vld.idx.msk [tilespmem:v26+s19+$0x0], $0xffff;
	v25 =	vand.u32 $0xFF, v23;
	v63 =	vshrl.u32 v23, $0x8  }
0x487: {  	v26 =	vand.u32 $0xFF, v63;
	v20 =	vld.idx.msk [tilespmem:v20+s2+$0x0], $0xffff  }
0x488: {  	v18 =	vadd.f32 v21, v18;
	v21 =	vadd.s32 $0x8C8, v14  }
0x489: {  	v19 =	vld.idx.msk [tilespmem:v19+s20+$0x0], $0xffff  }
0x48a: {  	v23 =	vshra.s32 v23, $0x10;
	v18 =	vadd.f32 v24, v18  }
0x48b: {  	v24 =	vld.idx.msk [tilespmem:v25+s18+$0x0], $0xffff  }
0x48c: {  	v18 =	vadd.f32 v22, v18;
	v22 =	vld.idx.msk [tilespmem:v26+s19+$0x0], $0xffff;
	v25 =	vand.u32 $0xFF, v20;
	v63 =	vshrl.u32 v20, $0x8  }
0x48d: {  	v26 =	vand.u32 $0xFF, v63;
	v21 =	vld.idx.msk [tilespmem:v21+s2+$0x0], $0xffff  }
0x48e: {  	v18 =	vadd.f32 v19, v18;
	v19 =	vadd.s32 $0x8C9, v14  }
0x48f: {  	v23 =	vld.idx.msk [tilespmem:v23+s20+$0x0], $0xffff  }
0x490: {  	v20 =	vshra.s32 v20, $0x10;
	v18 =	vadd.f32 v24, v18  }
0x491: {  	v24 =	vld.idx.msk [tilespmem:v25+s18+$0x0], $0xffff  }
0x492: {  	v18 =	vadd.f32 v22, v18;
	v22 =	vld.idx.msk [tilespmem:v26+s19+$0x0], $0xffff;
	v25 =	vand.u32 $0xFF, v21;
	v63 =	vshrl.u32 v21, $0x8  }
0x493: {  	v26 =	vand.u32 $0xFF, v63;
	v19 =	vld.idx.msk [tilespmem:v19+s2+$0x0], $0xffff  }
0x494: {  	v18 =	vadd.f32 v23, v18;
	v23 =	vadd.s32 $0x8CA, v14  }
0x495: {  	v20 =	vld.idx.msk [tilespmem:v20+s20+$0x0], $0xffff  }
0x496: {  	v21 =	vshra.s32 v21, $0x10;
	v18 =	vadd.f32 v24, v18  }
0x497: {  	v24 =	vld.idx.msk [tilespmem:v25+s18+$0x0], $0xffff  }
0x498: {  	v18 =	vadd.f32 v22, v18;
	v22 =	vld.idx.msk [tilespmem:v26+s19+$0x0], $0xffff;
	v25 =	vand.u32 $0xFF, v19;
	v63 =	vshrl.u32 v19, $0x8  }
0x499: {  	v26 =	vand.u32 $0xFF, v63;
	v23 =	vld.idx.msk [tilespmem:v23+s2+$0x0], $0xffff  }
0x49a: {  	v18 =	vadd.f32 v20, v18;
	v20 =	vadd.s32 $0x8CB, v14  }
0x49b: {  	v21 =	vld.idx.msk [tilespmem:v21+s20+$0x0], $0xffff  }
0x49c: {  	v19 =	vshra.s32 v19, $0x10;
	v18 =	vadd.f32 v24, v18  }
0x49d: {  	v24 =	vld.idx.msk [tilespmem:v25+s18+$0x0], $0xffff  }
0x49e: {  	v18 =	vadd.f32 v22, v18;
	v22 =	vld.idx.msk [tilespmem:v26+s19+$0x0], $0xffff;
	v25 =	vand.u32 $0xFF, v23;
	v63 =	vshrl.u32 v23, $0x8  }
0x49f: {  	v26 =	vand.u32 $0xFF, v63;
	v20 =	vld.idx.msk [tilespmem:v20+s2+$0x0], $0xffff  }
0x4a0: {  	v18 =	vadd.f32 v21, v18;
	v21 =	vadd.s32 $0x8CC, v14  }
0x4a1: {  	v19 =	vld.idx.msk [tilespmem:v19+s20+$0x0], $0xffff  }
0x4a2: {  	v23 =	vshra.s32 v23, $0x10;
	v18 =	vadd.f32 v24, v18  }
0x4a3: {  	v24 =	vld.idx.msk [tilespmem:v25+s18+$0x0], $0xffff  }
0x4a4: {  	v18 =	vadd.f32 v22, v18;
	v22 =	vld.idx.msk [tilespmem:v26+s19+$0x0], $0xffff;
	v25 =	vand.u32 $0xFF, v20;
	v63 =	vshrl.u32 v20, $0x8  }
0x4a5: {  	v26 =	vand.u32 $0xFF, v63;
	v21 =	vld.idx.msk [tilespmem:v21+s2+$0x0], $0xffff  }
0x4a6: {  	v18 =	vadd.f32 v19, v18;
	v19 =	vadd.s32 $0x8CD, v14  }
0x4a7: {  	v23 =	vld.idx.msk [tilespmem:v23+s20+$0x0], $0xffff  }
0x4a8: {  	v20 =	vshra.s32 v20, $0x10;
	v18 =	vadd.f32 v24, v18  }
0x4a9: {  	v24 =	vld.idx.msk [tilespmem:v25+s18+$0x0], $0xffff  }
0x4aa: {  	v18 =	vadd.f32 v22, v18;
	v22 =	vld.idx.msk [tilespmem:v26+s19+$0x0], $0xffff;
	v25 =	vand.u32 $0xFF, v21;
	v63 =	vshrl.u32 v21, $0x8  }
0x4ab: {  	v26 =	vand.u32 $0xFF, v63;
	v19 =	vld.idx.msk [tilespmem:v19+s2+$0x0], $0xffff  }
0x4ac: {  	v18 =	vadd.f32 v23, v18;
	v23 =	vadd.s32 $0x8CE, v14  }
0x4ad: {  	v20 =	vld.idx.msk [tilespmem:v20+s20+$0x0], $0xffff  }
0x4ae: {  	v21 =	vshra.s32 v21, $0x10;
	v18 =	vadd.f32 v24, v18  }
0x4af: {  	v24 =	vld.idx.msk [tilespmem:v25+s18+$0x0], $0xffff  }
0x4b0: {  	v18 =	vadd.f32 v22, v18;
	v22 =	vld.idx.msk [tilespmem:v26+s19+$0x0], $0xffff;
	v25 =	vand.u32 $0xFF, v19;
	v63 =	vshrl.u32 v19, $0x8  }
0x4b1: {  	v26 =	vand.u32 $0xFF, v63;
	v23 =	vld.idx.msk [tilespmem:v23+s2+$0x0], $0xffff  }
0x4b2: {  	v18 =	vadd.f32 v20, v18;
	v20 =	vadd.s32 $0x8CF, v14  }
0x4b3: {  	v21 =	vld.idx.msk [tilespmem:v21+s20+$0x0], $0xffff  }
0x4b4: {  	v19 =	vshra.s32 v19, $0x10;
	v18 =	vadd.f32 v24, v18  }
0x4b5: {  	v24 =	vld.idx.msk [tilespmem:v25+s18+$0x0], $0xffff  }
0x4b6: {  	v18 =	vadd.f32 v22, v18;
	v22 =	vld.idx.msk [tilespmem:v26+s19+$0x0], $0xffff;
	v25 =	vand.u32 $0xFF, v23;
	v63 =	vshrl.u32 v23, $0x8  }
0x4b7: {  	v26 =	vand.u32 $0xFF, v63;
	v20 =	vld.idx.msk [tilespmem:v20+s2+$0x0], $0xffff  }
0x4b8: {  	v18 =	vadd.f32 v21, v18;
	v21 =	vadd.s32 $0x8D0, v14  }
0x4b9: {  	v19 =	vld.idx.msk [tilespmem:v19+s20+$0x0], $0xffff  }
0x4ba: {  	v23 =	vshra.s32 v23, $0x10;
	v18 =	vadd.f32 v24, v18  }
0x4bb: {  	v24 =	vld.idx.msk [tilespmem:v25+s18+$0x0], $0xffff  }
0x4bc: {  	v18 =	vadd.f32 v22, v18;
	v22 =	vld.idx.msk [tilespmem:v26+s19+$0x0], $0xffff;
	v25 =	vand.u32 $0xFF, v20;
	v63 =	vshrl.u32 v20, $0x8  }
0x4bd: {  	v26 =	vand.u32 $0xFF, v63;
	v21 =	vld.idx.msk [tilespmem:v21+s2+$0x0], $0xffff  }
0x4be: {  	v18 =	vadd.f32 v19, v18;
	v19 =	vadd.s32 $0x8D1, v14  }
0x4bf: {  	v23 =	vld.idx.msk [tilespmem:v23+s20+$0x0], $0xffff  }
0x4c0: {  	v20 =	vshra.s32 v20, $0x10;
	v18 =	vadd.f32 v24, v18  }
0x4c1: {  	v24 =	vld.idx.msk [tilespmem:v25+s18+$0x0], $0xffff  }
0x4c2: {  	v18 =	vadd.f32 v22, v18;
	v22 =	vld.idx.msk [tilespmem:v26+s19+$0x0], $0xffff;
	v25 =	vand.u32 $0xFF, v21;
	v63 =	vshrl.u32 v21, $0x8  }
0x4c3: {  	v26 =	vand.u32 $0xFF, v63;
	v19 =	vld.idx.msk [tilespmem:v19+s2+$0x0], $0xffff  }
0x4c4: {  	v18 =	vadd.f32 v23, v18;
	v23 =	vadd.s32 $0x8D2, v14  }
0x4c5: {  	v20 =	vld.idx.msk [tilespmem:v20+s20+$0x0], $0xffff  }
0x4c6: {  	v21 =	vshra.s32 v21, $0x10;
	v18 =	vadd.f32 v24, v18  }
0x4c7: {  	v24 =	vld.idx.msk [tilespmem:v25+s18+$0x0], $0xffff  }
0x4c8: {  	v18 =	vadd.f32 v22, v18;
	v22 =	vld.idx.msk [tilespmem:v26+s19+$0x0], $0xffff;
	v25 =	vand.u32 $0xFF, v19;
	v63 =	vshrl.u32 v19, $0x8  }
0x4c9: {  	v26 =	vand.u32 $0xFF, v63;
	v23 =	vld.idx.msk [tilespmem:v23+s2+$0x0], $0xffff  }
0x4ca: {  	v18 =	vadd.f32 v20, v18;
	v20 =	vadd.s32 $0x8D3, v14  }
0x4cb: {  	v21 =	vld.idx.msk [tilespmem:v21+s20+$0x0], $0xffff  }
0x4cc: {  	v19 =	vshra.s32 v19, $0x10;
	v18 =	vadd.f32 v24, v18  }
0x4cd: {  	v24 =	vld.idx.msk [tilespmem:v25+s18+$0x0], $0xffff  }
0x4ce: {  	v18 =	vadd.f32 v22, v18;
	v22 =	vld.idx.msk [tilespmem:v26+s19+$0x0], $0xffff;
	v25 =	vand.u32 $0xFF, v23  }
0x4cf: {  	v63 =	vshrl.u32 v23, $0x8;
	v20 =	vld.idx.msk [tilespmem:v20+s2+$0x0], $0xffff  }
0x4d0: {  	v63 =	vand.u32 $0xFF, v63;
	v18 =	vadd.f32 v21, v18  }
0x4d1: {  	v19 =	vld.idx.msk [tilespmem:v19+s20+$0x0], $0xffff  }
0x4d2: {  	v23 =	vshra.s32 v23, $0x10;
	v18 =	vadd.f32 v24, v18  }
0x4d3: {  	v24 =	vld.idx.msk [tilespmem:v25+s18+$0x0], $0xffff  }
0x4d4: {  	v18 =	vadd.f32 v22, v18;
	v22 =	vand.u32 $0xFF, v20  }
0x4d5: {  	v21 =	vld.idx.msk [tilespmem:v63+s19+$0x0], $0xffff;
	v63 =	vshrl.u32 v20, $0x8  }
0x4d6: {  	v18 =	vadd.f32 v19, v18;
	v19 =	vand.u32 $0xFF, v63  }
0x4d7: {  	v23 =	vld.idx.msk [tilespmem:v23+s20+$0x0], $0xffff  }
0x4d8: {  	v20 =	vshra.s32 v20, $0x10;
	v18 =	vadd.f32 v24, v18  }
0x4d9: {  	v22 =	vld.idx.msk [tilespmem:v22+s18+$0x0], $0xffff  }
0x4da: {  	v18 =	vadd.f32 v21, v18  }
0x4db: {  	v19 =	vld.idx.msk [tilespmem:v19+s19+$0x0], $0xffff  }
0x4dc: {  	v18 =	vadd.f32 v23, v18  }
0x4dd: {  	v20 =	vld.idx.msk [tilespmem:v20+s20+$0x0], $0xffff  }
0x4de: {  	v18 =	vadd.f32 v22, v18;
	_ =	sdelay $0x1  }
0x4df: {  	v18 =	vadd.f32 v19, v18;
	_ =	sdelay $0x1  }
0x4e0: {  	v18 =	vadd.f32 v20, v18  }
0x4e1: {  	p0 =	sne.s32 s10, $0x1  }
.Ltmp0:
0x4e2: {  	[tilespmem:$0x10F0] =	vst v18;
	(pc) =	sbr.rel @p0 .LBB2_1-.Ltmp0, $4  }
0x4e3: {  	[hbm4b:s9+s2] =	stream.linear.scatter [tilespmem:s21], [sflag:$0x3], $0x80, $0x38;
	[tilespmem:$0x1100] =	vst v63  }
0x4e4: {  	_ =	swait.ge [sflag:s22], $0x80  }
0x4e5: {  	[sflag:s22] =	ssyncset.done $0x0  }
0x4e6: {  	s10 =	sadd.s32 $0xFFFFFFFF, s10;
	[sflag:s22] =	ssyncadd.s32 $0xFFFFFF80  }
0x4e7: {  	_ =	sfence.sel $0x180000  }
0x4e8: {  	[bflag:$0x0] =	sbarrier.arrive $0xFFFF  }
0x4e9: {  	p0 =	sne.s32 s1, $0x0;
	_ =	strace $0x90000047  }
0x4ea: {  	s0 =	sadd.s32 @!p0 $0x100000, s0;
	[bflag:$0x2] =	sbarrier.arrive $0xFFFF  }
0x4eb: {  	[sflag:s0] =	ssyncadd.tile.s32 @!p0 $0x1;
	_ =	shalt  }
.Lfunc_end2:
_tile_overlayer_lowered:
.L_overlay_start_2:
0x4ec: {  	(tag) =	ssettag $0x2  }
0x4ed: {  	s0 =	rddreg [dreg:$0x0];
	s2 =	stileid.u32  }
0x4ee: {  	s1 =	rddreg [dreg:$0x1];
	p0 =	sne.s32 s2, $0x0  }
0x4ef: {  	s3 =	rddreg [dreg:$0x2];
	[bflag:$0x3] =	sbarrier.arrive $0xFFFF;
	s2 =	simm.s32 @!p0 $0x1C03  }
0x4f0: {  	[timem:s3], [sflag:s2] =	dma.local @!p0 [hbm:s0], s1  }
0x4f1: {  	s0 =	simm.s32 @!p0 $0x3  }
0x4f2: {  	_ =	swait.ge @!p0 [sflag:s0], s1  }
0x4f3: {  	s1 =	ssub.s32 @!p0 $0x0, s1;
	[sflag:s0] =	ssyncset.done @!p0 $0x0  }
0x4f4: {  	[sflag:s0] =	ssyncadd.s32 @!p0 s1  }
0x4f5: {  	[bflag:$0x3] =	sbarrier.arrive $0xFFFF  }
0x4f6: {  	_ =	shalt  }

</sc_bundles>
